<compile_context>
chip_gen: v7x
topology: tpu7x:2x2x1
jax: 0.10.2.dev20260603
libtpu: 0.0.44.dev20260713+nightly
codegen_flags: <defaults>
</compile_context>

<pallas_src>
import functools

import jax
import jax.numpy as jnp
from jax import lax
from jax.experimental import pallas as pl
from jax.experimental.pallas import tpu as pltpu, tpu_sc as plsc

N = 10000
E = 320000
NPR = 100000
D_IN = 128
H0 = 512
H1 = 256
H2 = 128
H4 = 256
OUT = 128
CAT = 4

NP_ = 10240
NSUB = 16
E_PAD = 327680
CH1 = 160
CH3 = 80
CHP = 27
PR_PAD = 110592

_mesh = plsc.VectorSubcoreMesh(core_axis_name="c", subcore_axis_name="s")




NACC = 10112


@functools.partial(
    pl.kernel,
    out_type=jax.ShapeDtypeStruct((2 * NACC, 128), jnp.float32),
    mesh=_mesh,
    scratch_types=[
        pltpu.VMEM_SHARED((NACC, 128), jnp.float32),
        pltpu.VMEM((CH1, 128), jnp.int32),
        pltpu.VMEM((128, 128), jnp.float32),
    ],
)
def _deg_kernel(cat_hbm, zeros_hbm, ones_hbm, out_hbm, acc, idx_v, ones_v):
    c = lax.axis_index("c")
    s = lax.axis_index("s")
    pltpu.sync_copy(ones_hbm, ones_v)
    pltpu.sync_copy(zeros_hbm, acc.at[pl.ds(s * 632, 632)])
    plsc.subcore_barrier()
    pltpu.sync_copy(cat_hbm.at[pl.ds(c * 2560 + s * CH1, CH1)], idx_v)

    def scat(j, _):
        pltpu.sync_copy(ones_v, acc.at[idx_v.at[j]], add=True)
        return 0
    lax.fori_loop(0, CH1, scat, 0)

    plsc.subcore_barrier()
    pltpu.sync_copy(acc.at[pl.ds(s * 632, 632)],
                    out_hbm.at[pl.ds(c * NACC + s * 632, 632)])


def _gsc_loop(v_hbm, sidx, didx, acc, buf0, buf1, sem, nchunks):
    pltpu.async_copy(v_hbm.at[sidx.at[0]], buf0, sem)

    def body2(i, _):
        j0 = 2 * i
        j1 = j0 + 1
        pltpu.async_copy(v_hbm.at[sidx.at[j1]], buf1, sem)
        pltpu.make_async_copy(v_hbm.at[sidx.at[j0]], buf0, sem).wait()
        pltpu.sync_copy(buf0, acc.at[didx.at[j0]], add=True)
        pltpu.async_copy(v_hbm.at[sidx.at[j1 + 1]], buf0, sem)
        pltpu.make_async_copy(v_hbm.at[sidx.at[j1]], buf1, sem).wait()
        pltpu.sync_copy(buf1, acc.at[didx.at[j1]], add=True)
        return 0
    lax.fori_loop(0, nchunks // 2, body2, 0)
    pltpu.make_async_copy(v_hbm.at[sidx.at[nchunks]], buf0, sem).wait()


CW = 128
CHW = 80


@functools.partial(
    pl.kernel,
    out_type=jax.ShapeDtypeStruct((2 * NACC, 128), jnp.float32),
    mesh=_mesh,
    scratch_types=[
        pltpu.VMEM_SHARED((NACC, 128), jnp.float32),
        pltpu.VMEM((CHW + 8, CW), jnp.int32),
        pltpu.VMEM((CHW // 2, CW), jnp.int32),
        pltpu.VMEM((CW, 128), jnp.float32),
        pltpu.VMEM((CW, 128), jnp.float32),
        pltpu.SemaphoreType.DMA,
    ],
)
def _agg1_kernel(src_hbm, dst_hbm, v_hbm, zeros_hbm, out_hbm,
                 acc, sidx, didx, buf0, buf1, sem):
    c = lax.axis_index("c")
    s = lax.axis_index("s")
    w = c * NSUB + s
    hh = CHW // 2
    pltpu.sync_copy(zeros_hbm, acc.at[pl.ds(s * 632, 632)])
    pltpu.sync_copy(src_hbm.at[pl.ds(w * (CHW + 8), CHW + 8)], sidx)
    plsc.subcore_barrier()

    pltpu.async_copy(v_hbm.at[sidx.at[0]], buf0, sem)
    for h in (0, 1):
        pltpu.sync_copy(dst_hbm.at[pl.ds(w * CHW + h * hh, hh)], didx)

        def body2(i, _, h=h):
            j0 = h * hh + 2 * i
            j1 = j0 + 1
            d0 = 2 * i
            d1 = d0 + 1
            pltpu.async_copy(v_hbm.at[sidx.at[j1]], buf1, sem)
            pltpu.make_async_copy(v_hbm.at[sidx.at[j0]], buf0, sem).wait()
            pltpu.sync_copy(buf0, acc.at[didx.at[d0]], add=True)
            pltpu.async_copy(v_hbm.at[sidx.at[j1 + 1]], buf0, sem)
            pltpu.make_async_copy(v_hbm.at[sidx.at[j1]], buf1, sem).wait()
            pltpu.sync_copy(buf1, acc.at[didx.at[d1]], add=True)
            return 0
        lax.fori_loop(0, hh // 2, body2, 0)
    pltpu.make_async_copy(v_hbm.at[sidx.at[CHW]], buf0, sem).wait()
    plsc.subcore_barrier()
    pltpu.sync_copy(acc.at[pl.ds(s * 632, 632)],
                    out_hbm.at[pl.ds(c * NACC + s * 632, 632)])


@functools.partial(
    pl.kernel,
    out_type=[jax.ShapeDtypeStruct((PR_PAD, 128), jnp.float32)
              for _ in range(8)],
    mesh=_mesh,
    scratch_types=[
        pltpu.VMEM((CHP + 5, 128), jnp.int32),
        pltpu.VMEM((CHP + 5, 128), jnp.int32),
        pltpu.VMEM((128, 128), jnp.float32),
        pltpu.VMEM((128, 128), jnp.float32),
        pltpu.VMEM((128, 128), jnp.float32),
        pltpu.VMEM((128, 128), jnp.float32),
        pltpu.SemaphoreType.DMA,
        pltpu.SemaphoreType.DMA,
    ],
)
def _pairs_kernel(m_hbm, ls_hbm, pa_hbm, pb_hbm, na_hbm, nb_hbm,
                  pma_hbm, pmb_hbm, plsa_hbm, plsb_hbm,
                  nma_hbm, nmb_hbm, nlsa_hbm, nlsb_hbm,
                  ia, ib, bufa0, bufb0, bufa1, bufb1, sem, semw):
    c = lax.axis_index("c")
    s = lax.axis_index("s")
    w = c * NSUB + s

    def phase(v_hbm, outa_hbm, outb_hbm):
        row = lambda j: pl.ds((w * CHP + j) * 128, 128)

        def fire_g(j, ba, bb):
            pltpu.async_copy(v_hbm.at[ia.at[j]], ba, sem)
            pltpu.async_copy(v_hbm.at[ib.at[j]], bb, sem)

        def retire(j, ba, bb):
            pltpu.make_async_copy(v_hbm.at[ia.at[j]], ba, sem).wait()
            pltpu.async_copy(ba, outa_hbm.at[row(j)], semw)
            pltpu.make_async_copy(v_hbm.at[ib.at[j]], bb, sem).wait()
            pltpu.async_copy(bb, outb_hbm.at[row(j)], semw)

        def drain_w(j, ba, bb):
            pltpu.make_async_copy(ba, outa_hbm.at[row(j)], semw).wait()
            pltpu.make_async_copy(bb, outb_hbm.at[row(j)], semw).wait()

        fire_g(0, bufa0, bufb0)
        fire_g(1, bufa1, bufb1)
        retire(0, bufa0, bufb0)
        retire(1, bufa1, bufb1)

        def body2(i, _):
            j0 = 2 + 2 * i
            j1 = j0 + 1
            drain_w(j0 - 2, bufa0, bufb0)
            fire_g(j0, bufa0, bufb0)
            drain_w(j1 - 2, bufa1, bufb1)
            fire_g(j1, bufa1, bufb1)
            retire(j0, bufa0, bufb0)
            retire(j1, bufa1, bufb1)
            return 0
        lax.fori_loop(0, (CHP - 3) // 2, body2, 0)
        drain_w(CHP - 3, bufa0, bufb0)
        fire_g(CHP - 1, bufa0, bufb0)
        retire(CHP - 1, bufa0, bufb0)
        drain_w(CHP - 2, bufa1, bufb1)
        drain_w(CHP - 1, bufa0, bufb0)

    pltpu.sync_copy(pa_hbm.at[pl.ds(w * (CHP + 5), CHP + 5)], ia)
    pltpu.sync_copy(pb_hbm.at[pl.ds(w * (CHP + 5), CHP + 5)], ib)
    phase(m_hbm, pma_hbm, pmb_hbm)
    phase(ls_hbm, plsa_hbm, plsb_hbm)
    pltpu.sync_copy(na_hbm.at[pl.ds(w * (CHP + 5), CHP + 5)], ia)
    pltpu.sync_copy(nb_hbm.at[pl.ds(w * (CHP + 5), CHP + 5)], ib)
    phase(m_hbm, nma_hbm, nmb_hbm)
    phase(ls_hbm, nlsa_hbm, nlsb_hbm)


ROWS_BLK = 1000


def _head_body(ma_ref, mb_ref, lsa_ref, lsb_ref, noise_ref,
               wd1_ref, bd1_ref, wdx_ref, bdx_ref,
               wc1_ref, bc1_ref, wca_ref, bca_ref,
               x_ref, a_ref, mean_ref, ls_ref):
    mean = ma_ref[...] + mb_ref[...]
    ls = lsa_ref[...] + lsb_ref[...]
    mean_ref[...] = mean
    ls_ref[...] = ls
    noise = noise_ref[...]
    z = noise * jnp.exp(ls) + mean
    h = jnp.maximum(jnp.dot(z, wd1_ref[...], preferred_element_type=jnp.float32)
                    + bd1_ref[...], 0.0)
    x_ref[...] = jnp.maximum(
        jnp.dot(h, wdx_ref[...], preferred_element_type=jnp.float32) + bdx_ref[...], 0.0)
    c = jnp.maximum(jnp.dot(z, wc1_ref[...], preferred_element_type=jnp.float32)
                    + bc1_ref[...], 0.0)
    logits = jnp.dot(c, wca_ref[...], preferred_element_type=jnp.float32) + bca_ref[...]
    col = jax.lax.broadcasted_iota(jnp.int32, logits.shape, 1)
    valid = col < CAT
    logits = jnp.where(valid, logits, -jnp.inf)
    m = jnp.max(logits, axis=-1, keepdims=True)
    e = jnp.where(valid, jnp.exp(logits - m), 0.0)
    a_ref[...] = e / jnp.sum(e, axis=-1, keepdims=True)


def _head(ma, mb, lsa, lsb, noise, Wd1, bd1, WdX, bdX, Wc1, bc1, WcA_p, bcA_p):
    grid = NPR // ROWS_BLK
    row_spec = pl.BlockSpec((ROWS_BLK, H2), lambda i: (i, 0))
    full = lambda a: pl.BlockSpec(a.shape, lambda i: tuple(0 for _ in a.shape))
    args = (ma, mb, lsa, lsb, noise, Wd1, bd1, WdX, bdX, Wc1, bc1, WcA_p, bcA_p)
    out_x, out_a, out_mean, out_ls = pl.pallas_call(
        _head_body,
        grid=(grid,),
        in_specs=[row_spec] * 5 + [full(a) for a in args[5:]],
        out_specs=[pl.BlockSpec((ROWS_BLK, OUT), lambda i: (i, 0)),
                   pl.BlockSpec((ROWS_BLK, 128), lambda i: (i, 0)),
                   row_spec, row_spec],
        out_shape=[jax.ShapeDtypeStruct((NPR, OUT), jnp.float32),
                   jax.ShapeDtypeStruct((NPR, 128), jnp.float32),
                   jax.ShapeDtypeStruct((NPR, H2), jnp.float32),
                   jax.ShapeDtypeStruct((NPR, H2), jnp.float32)],
    )(*args)
    return out_x, out_a, out_mean, out_ls


def kernel(x, edge_index, pos_edge_index, neg_edge_index, temp, W0, b0, W1, b1,
           Wm, bm, Wls, bls, Wd1, bd1, WdX, bdX, Wc1, bc1, WcA, bcA):
    f32 = jnp.float32
    epad = jnp.full((E_PAD - E,), NACC - 1, jnp.int32)
    src_flat = jnp.concatenate([edge_index[0], epad])
    dst_flat = jnp.concatenate([edge_index[1], epad])

    def _with_pad_rows(flat, width, nchunks, npad):
        a = flat.reshape(32, nchunks, width)
        pr = jnp.zeros((32, npad, width), jnp.int32)
        return jnp.concatenate([a, pr], axis=1).reshape(-1, width)

    srcP = _with_pad_rows(src_flat, CW, CHW, 8)
    dstP = dst_flat.reshape(-1, CW)
    deg_cat = jnp.concatenate([src_flat.reshape(-1, 128),
                               dst_flat.reshape(-1, 128)])
    ppad = jnp.zeros((CHP * 128 * 32 - NPR,), jnp.int32)
    pa = _with_pad_rows(jnp.concatenate([pos_edge_index[0], ppad]), 128, CHP, 5)
    pb = _with_pad_rows(jnp.concatenate([pos_edge_index[1], ppad]), 128, CHP, 5)
    na = _with_pad_rows(jnp.concatenate([neg_edge_index[0], ppad]), 128, CHP, 5)
    nb = _with_pad_rows(jnp.concatenate([neg_edge_index[1], ppad]), 128, CHP, 5)
    xp = jnp.zeros((NACC, D_IN), f32).at[:N].set(x)
    zeros128 = jnp.zeros((632, 128), f32)
    ones128 = jnp.ones((128, 128), f32)


    cnt = _deg_kernel(deg_cat, zeros128, ones128)
    ns = lax.rsqrt(jnp.clip(cnt[:NACC, 0], 1.0))
    nd = lax.rsqrt(jnp.clip(cnt[NACC:, 0], 1.0))

    v1 = xp * ns[:, None]
    aggp = _agg1_kernel(srcP, dstP, v1, zeros128)
    agg1 = aggp[:NACC] + aggp[NACC:]
    h1 = jax.nn.relu((agg1 * nd[:, None]) @ W0 + b0)

    t = (h1 * ns[:, None]) @ W1
    a2h0 = _agg1_kernel(srcP, dstP, t[:, :128], zeros128)
    a2h1 = _agg1_kernel(srcP, dstP, t[:, 128:], zeros128)
    agg2 = jnp.concatenate([a2h0[:NACC] + a2h0[NACC:],
                            a2h1[:NACC] + a2h1[NACC:]], axis=1)
    h2 = jax.nn.relu(agg2 * nd[:, None] + b1)

    M = h2 @ Wm + 0.5 * bm
    LS = h2 @ Wls + 0.5 * bls
    (pma, pmb, plsa, plsb,
     nma, nmb, nlsa, nlsb) = _pairs_kernel(M, LS, pa, pb, na, nb)

    kp, kn = jax.random.split(jax.random.key(42))
    noise_p = jax.random.normal(kp, (NPR, H2), f32)
    noise_n = jax.random.normal(kn, (NPR, H2), f32)

    WcA_p = jnp.zeros((H2 // 2, 128), f32).at[:, :CAT].set(WcA)
    bcA_p = jnp.zeros((1, 128), f32).at[0, :CAT].set(bcA)
    head = functools.partial(_head, Wd1=Wd1, bd1=bd1.reshape(1, -1), WdX=WdX,
                             bdX=bdX.reshape(1, -1), Wc1=Wc1,
                             bc1=bc1.reshape(1, -1), WcA_p=WcA_p, bcA_p=bcA_p)
    posX, posA, pos_mean, pos_ls = head(pma, pmb, plsa, plsb, noise_p)
    negX, negA, neg_mean, neg_ls = head(nma, nmb, nlsa, nlsb, noise_n)
    return (posA[:, :CAT], negA[:, :CAT], posX, negX,
            pos_mean, neg_mean, pos_ls, neg_ls)

# --- scband reference (transcript-rebuilt; emitter-appended) ---
"""Pipeline reference for scband-sgd-mrvgae2-77919296684202 (READ-ONLY COPY).

The authoritative reference and input builder live on the scoring server;
editing this copy changes nothing except your own understanding.
"""

import jax, jax.numpy as jnp
import numpy as np

N = 10000
E = 320000
EP = 100000
EN = 100000
D_IN = 128
H0 = 512
H1 = 256
H2 = 128
H4 = 256
OUT = 128
CAT = 4

def _gcn(x, W, b, src, dst, n):
    out_deg = jnp.zeros((n,), jnp.float32).at[src].add(1.0)
    in_deg = jnp.zeros((n,), jnp.float32).at[dst].add(1.0)
    norm_src = 1.0 / jnp.sqrt(jnp.clip(out_deg, 1.0))
    norm_dst = 1.0 / jnp.sqrt(jnp.clip(in_deg, 1.0))
    h = x * norm_src[:, None]
    h = h @ W
    agg = jnp.zeros((n, h.shape[1]), h.dtype).at[dst].add(h[src])
    agg = agg * norm_dst[:, None]
    return agg + b

def setup_inputs(seed: int = 0):
    key = jax.random.key(seed)
    ks = jax.random.split(key, 16)
    inp = {}
    inp['x'] = jax.random.normal(ks[0], (N, D_IN), jnp.float32)
    inp['edge_index'] = jax.random.randint(ks[1], (2, E), 0, N)
    inp['pos_edge_index'] = jax.random.randint(ks[2], (2, EP), 0, N)
    inp['neg_edge_index'] = jax.random.randint(ks[3], (2, EN), 0, N)
    inp['temp'] = 1
    def w(k, i, o):
        return jax.random.normal(k, (i, o), jnp.float32) * (1.0 / np.sqrt(i))
    inp['W0'] = w(ks[4], D_IN, H0); inp['b0'] = jnp.zeros((H0,), jnp.float32)
    inp['W1'] = w(ks[5], H0, H1); inp['b1'] = jnp.zeros((H1,), jnp.float32)
    inp['Wm'] = w(ks[6], H1, H2); inp['bm'] = jnp.zeros((H2,), jnp.float32)
    inp['Wls'] = w(ks[7], H1, H2); inp['bls'] = jnp.zeros((H2,), jnp.float32)
    inp['Wd1'] = w(ks[8], H2, H4); inp['bd1'] = jnp.zeros((H4,), jnp.float32)
    inp['WdX'] = w(ks[9], H4, OUT); inp['bdX'] = jnp.zeros((OUT,), jnp.float32)
    inp['Wc1'] = w(ks[10], H2, H2 // 2); inp['bc1'] = jnp.zeros((H2 // 2,), jnp.float32)
    inp['WcA'] = w(ks[11], H2 // 2, CAT); inp['bcA'] = jnp.zeros((CAT,), jnp.float32)
    return inp

def _forward(x, W0, b0, W1, b1, Wm, bm, Wls, bls, Wd1, bd1, WdX, bdX, Wc1, bc1, WcA, bcA, edge_index, pos_edge_index, neg_edge_index, temp):
    src, dst = edge_index[0], edge_index[1]
    h = jax.nn.relu(_gcn(x, W0, b0, src, dst, N))
    h = jax.nn.relu(_gcn(h, W1, b1, src, dst, N))
    pos_npemb = h[pos_edge_index[0]] + h[pos_edge_index[1]]
    neg_npemb = h[neg_edge_index[0]] + h[neg_edge_index[1]]
    pos_mean = pos_npemb @ Wm + bm
    pos_logstd = pos_npemb @ Wls + bls
    kp, kn = jax.random.split(jax.random.key(42))
    noise_p = jax.random.normal(kp, pos_mean.shape, jnp.float32)
    posN = noise_p * jnp.exp(pos_logstd) + pos_mean
    neg_mean = neg_npemb @ Wm + bm
    neg_logstd = neg_npemb @ Wls + bls
    noise_n = jax.random.normal(kn, neg_mean.shape, jnp.float32)
    negN = noise_n * jnp.exp(neg_logstd) + neg_mean
    posX = jax.nn.relu(jax.nn.relu(posN @ Wd1 + bd1) @ WdX + bdX)
    posA = jax.nn.softmax(jax.nn.relu(posN @ Wc1 + bc1) @ WcA + bcA, axis=-1)
    negX = jax.nn.relu(jax.nn.relu(negN @ Wd1 + bd1) @ WdX + bdX)
    negA = jax.nn.softmax(jax.nn.relu(negN @ Wc1 + bc1) @ WcA + bcA, axis=-1)
    return (posA, negA, posX, negX, pos_mean, neg_mean, pos_logstd, neg_logstd)

def reference(x, edge_index, pos_edge_index, neg_edge_index, temp, W0, b0, W1, b1, Wm, bm, Wls, bls, Wd1, bd1, WdX, bdX, Wc1, bc1, WcA, bcA):
    return _forward(x, W0, b0, W1, b1, Wm, bm, Wls, bls, Wd1, bd1, WdX, bdX, Wc1, bc1, WcA, bcA, edge_index, pos_edge_index, neg_edge_index, temp)

if __name__ == "__main__":
    import jax
    _d = setup_inputs()
    print(jax.jit(kernel)(*tuple(_d.values())))

</pallas_src>

<mosaic_0001>
#map = affine_map<(d0, d1) -> (0, 0)>
module attributes {stable_mosaic.version = 14 : i64} {
  func.func @_agg1_kernel(%arg0: i32, %arg1: i32, %arg2: memref<2816x128xi32, #tpu.memory_space<hbm>>, %arg3: memref<2560x128xi32, #tpu.memory_space<hbm>>, %arg4: memref<10112x128xf32, #tpu.memory_space<hbm>>, %arg5: memref<632x128xf32, #tpu.memory_space<hbm>>, %arg6: memref<20224x128xf32, #tpu.memory_space<hbm>>, %arg7: memref<10112x128xf32, #tpu.memory_space<vmem_shared>>, %arg8: memref<88x128xi32, #tpu.memory_space<vmem>>, %arg9: memref<40x128xi32, #tpu.memory_space<vmem>>, %arg10: memref<128x128xf32, #tpu.memory_space<vmem>>, %arg11: memref<128x128xf32, #tpu.memory_space<vmem>>, %arg12: memref<!tpu.dma_semaphore, #tpu.memory_space<semaphore_mem>>) attributes {dimension_semantics = [#tpu.dimension_semantics<core_parallel>, #tpu.dimension_semantics<subcore_parallel>], iteration_bounds = array<i64: 2, 16>, scalar_prefetch = 0 : i64, scratch_operands = 6 : i64, tpu.core_type = #tpu.core_type<sc_vector_subcore>, window_params = [{transform_indices = #map}, {transform_indices = #map}, {transform_indices = #map}, {transform_indices = #map}, {transform_indices = #map}]} {
    %mul3A = arith.constant 16 : i32
    %mul3A_0 = arith.muli %arg0, %mul3A : i32
    %add3A = arith.addi %mul3A_0, %arg1 : i32
    %mul3A_1 = arith.constant 632 : i32
    %mul3A_2 = arith.muli %arg1, %mul3A_1 : i32
    "tpu.region"() ({
      %run_scoped3A = tpu.sem_alloc : memref<!tpu.dma_semaphore, #tpu.memory_space<semaphore_mem>>
      %dma_start3A_46 = arith.constant 0 : i32
      %dma_start3A_47 = tpu.memref_slice %arg7[%mul3A_2, %dma_start3A_46] : memref<10112x128xf32, #tpu.memory_space<vmem_shared>> -> memref<632x128xf32, #tpu.memory_space<vmem_shared>>
      tpu.enqueue_dma source(%arg5 : memref<632x128xf32, #tpu.memory_space<hbm>>) target(%dma_start3A_47 : memref<632x128xf32, #tpu.memory_space<vmem_shared>>) target_semaphore(%run_scoped3A : memref<!tpu.dma_semaphore, #tpu.memory_space<semaphore_mem>>)
      %dma_wait3A_48 = arith.constant 0 : i32
      %dma_wait3A_49 = tpu.memref_slice %arg7[%mul3A_2, %dma_wait3A_48] : memref<10112x128xf32, #tpu.memory_space<vmem_shared>> -> memref<632x128xf32, #tpu.memory_space<vmem_shared>>
      tpu.wait_dma2 semaphore(%run_scoped3A : memref<!tpu.dma_semaphore, #tpu.memory_space<semaphore_mem>>) src(%arg5 : memref<632x128xf32, #tpu.memory_space<hbm>>) dst(%dma_wait3A_49 : memref<632x128xf32, #tpu.memory_space<vmem_shared>>)
      tpu.yield
    }) : () -> ()
    %mul3A_3 = arith.constant 88 : i32
    %mul3A_4 = arith.muli %add3A, %mul3A_3 : i32
    "tpu.region"() ({
      %run_scoped3A = tpu.sem_alloc : memref<!tpu.dma_semaphore, #tpu.memory_space<semaphore_mem>>
      %dma_start3A_46 = arith.constant 0 : i32
      %dma_start3A_47 = tpu.memref_slice %arg2[%mul3A_4, %dma_start3A_46] : memref<2816x128xi32, #tpu.memory_space<hbm>> -> memref<88x128xi32, #tpu.memory_space<hbm>>
      %dma_start3A_48 = arith.constant 0 : i32
      %dma_start3A_49 = tpu.memref_slice %arg2[%mul3A_4, %dma_start3A_48] : memref<2816x128xi32, #tpu.memory_space<hbm>> -> memref<88x128xi32, #tpu.memory_space<hbm>>
      tpu.enqueue_dma source(%dma_start3A_49 : memref<88x128xi32, #tpu.memory_space<hbm>>) target(%arg8 : memref<88x128xi32, #tpu.memory_space<vmem>>) target_semaphore(%run_scoped3A : memref<!tpu.dma_semaphore, #tpu.memory_space<semaphore_mem>>)
      %dma_wait3A_50 = arith.constant 0 : i32
      %dma_wait3A_51 = tpu.memref_slice %arg2[%mul3A_4, %dma_wait3A_50] : memref<2816x128xi32, #tpu.memory_space<hbm>> -> memref<88x128xi32, #tpu.memory_space<hbm>>
      %dma_wait3A_52 = arith.constant 0 : i32
      %dma_wait3A_53 = tpu.memref_slice %arg2[%mul3A_4, %dma_wait3A_52] : memref<2816x128xi32, #tpu.memory_space<hbm>> -> memref<88x128xi32, #tpu.memory_space<hbm>>
      tpu.wait_dma2 semaphore(%run_scoped3A : memref<!tpu.dma_semaphore, #tpu.memory_space<semaphore_mem>>) src(%dma_wait3A_53 : memref<88x128xi32, #tpu.memory_space<hbm>>) dst(%arg8 : memref<88x128xi32, #tpu.memory_space<vmem>>)
      tpu.yield
    }) : () -> ()
    %barrier3A = arith.constant 0 : index
    tpu.barrier barrier_id(%barrier3A)
    %dma_start3A = arith.constant 0 : i32
    %dma_start3A_5 = arith.constant 0 : i32
    %dma_start3A_6 = tpu.memref_slice %arg8[%dma_start3A, %dma_start3A_5] : memref<88x128xi32, #tpu.memory_space<vmem>> -> memref<1x128xi32, #tpu.memory_space<vmem>>
    %dma_start3A_7 = tpu.memref_squeeze %dma_start3A_6 : memref<1x128xi32, #tpu.memory_space<vmem>> -> memref<128xi32, #tpu.memory_space<vmem>>
    %dma_start3A_8 = arith.constant 0 : i32
    %dma_start3A_9 = arith.constant 0 : i32
    %dma_start3A_10 = tpu.memref_slice %arg4[%dma_start3A_8, %dma_start3A_9] : memref<10112x128xf32, #tpu.memory_space<hbm>> -> memref<10112x128xf32, #tpu.memory_space<hbm>>
    tpu.enqueue_indirect_dma source(%dma_start3A_10 : memref<10112x128xf32, #tpu.memory_space<hbm>>) target(%arg10 : memref<128x128xf32, #tpu.memory_space<vmem>>) offsets(%dma_start3A_7 : memref<128xi32, #tpu.memory_space<vmem>>) semaphore(%arg12 : memref<!tpu.dma_semaphore, #tpu.memory_space<semaphore_mem>>)
    %mul3A_11 = arith.constant 80 : i32
    %mul3A_12 = arith.muli %add3A, %mul3A_11 : i32
    %add3A_13 = arith.constant 0 : i32
    %add3A_14 = arith.addi %mul3A_12, %add3A_13 : i32
    "tpu.region"() ({
      %run_scoped3A = tpu.sem_alloc : memref<!tpu.dma_semaphore, #tpu.memory_space<semaphore_mem>>
      %dma_start3A_46 = arith.constant 0 : i32
      %dma_start3A_47 = tpu.memref_slice %arg3[%add3A_14, %dma_start3A_46] : memref<2560x128xi32, #tpu.memory_space<hbm>> -> memref<40x128xi32, #tpu.memory_space<hbm>>
      %dma_start3A_48 = arith.constant 0 : i32
      %dma_start3A_49 = tpu.memref_slice %arg3[%add3A_14, %dma_start3A_48] : memref<2560x128xi32, #tpu.memory_space<hbm>> -> memref<40x128xi32, #tpu.memory_space<hbm>>
      tpu.enqueue_dma source(%dma_start3A_49 : memref<40x128xi32, #tpu.memory_space<hbm>>) target(%arg9 : memref<40x128xi32, #tpu.memory_space<vmem>>) target_semaphore(%run_scoped3A : memref<!tpu.dma_semaphore, #tpu.memory_space<semaphore_mem>>)
      %dma_wait3A_50 = arith.constant 0 : i32
      %dma_wait3A_51 = tpu.memref_slice %arg3[%add3A_14, %dma_wait3A_50] : memref<2560x128xi32, #tpu.memory_space<hbm>> -> memref<40x128xi32, #tpu.memory_space<hbm>>
      %dma_wait3A_52 = arith.constant 0 : i32
      %dma_wait3A_53 = tpu.memref_slice %arg3[%add3A_14, %dma_wait3A_52] : memref<2560x128xi32, #tpu.memory_space<hbm>> -> memref<40x128xi32, #tpu.memory_space<hbm>>
      tpu.wait_dma2 semaphore(%run_scoped3A : memref<!tpu.dma_semaphore, #tpu.memory_space<semaphore_mem>>) src(%dma_wait3A_53 : memref<40x128xi32, #tpu.memory_space<hbm>>) dst(%arg9 : memref<40x128xi32, #tpu.memory_space<vmem>>)
      tpu.yield
    }) : () -> ()
    %scan3A = arith.constant 0 : i32
    %scan3A_15 = arith.constant 0 : i32
    %scan3A_16 = arith.constant 20 : i32
    %scan3A_17 = arith.addi %scan3A_15, %scan3A_16 : i32
    %scan3A_18 = arith.constant 1 : i32
    %scan3A_19 = scf.for %scan3A_46 = %scan3A_15 to %scan3A_17 step %scan3A_18 iter_args(%scan3A_47 = %scan3A) -> (i32)  : i32 {
      %mul3A_48 = arith.constant 2 : i32
      %mul3A_49 = arith.muli %mul3A_48, %scan3A_46 : i32
      %add3A_50 = arith.constant 0 : i32
      %add3A_51 = arith.addi %add3A_50, %mul3A_49 : i32
      %add3A_52 = arith.constant 1 : i32
      %add3A_53 = arith.addi %add3A_51, %add3A_52 : i32
      %mul3A_54 = arith.constant 2 : i32
      %mul3A_55 = arith.muli %mul3A_54, %scan3A_46 : i32
      %add3A_56 = arith.constant 1 : i32
      %add3A_57 = arith.addi %mul3A_55, %add3A_56 : i32
      %dma_start3A_58 = arith.constant 0 : i32
      %dma_start3A_59 = tpu.memref_slice %arg8[%add3A_53, %dma_start3A_58] : memref<88x128xi32, #tpu.memory_space<vmem>> -> memref<1x128xi32, #tpu.memory_space<vmem>>
      %dma_start3A_60 = tpu.memref_squeeze %dma_start3A_59 : memref<1x128xi32, #tpu.memory_space<vmem>> -> memref<128xi32, #tpu.memory_space<vmem>>
      %dma_start3A_61 = arith.constant 0 : i32
      %dma_start3A_62 = arith.constant 0 : i32
      %dma_start3A_63 = tpu.memref_slice %arg4[%dma_start3A_61, %dma_start3A_62] : memref<10112x128xf32, #tpu.memory_space<hbm>> -> memref<10112x128xf32, #tpu.memory_space<hbm>>
      tpu.enqueue_indirect_dma source(%dma_start3A_63 : memref<10112x128xf32, #tpu.memory_space<hbm>>) target(%arg11 : memref<128x128xf32, #tpu.memory_space<vmem>>) offsets(%dma_start3A_60 : memref<128xi32, #tpu.memory_space<vmem>>) semaphore(%arg12 : memref<!tpu.dma_semaphore, #tpu.memory_space<semaphore_mem>>)
      %dma_wait3A_64 = arith.constant 0 : i32
      %dma_wait3A_65 = tpu.memref_slice %arg8[%add3A_51, %dma_wait3A_64] : memref<88x128xi32, #tpu.memory_space<vmem>> -> memref<1x128xi32, #tpu.memory_space<vmem>>
      %dma_wait3A_66 = tpu.memref_squeeze %dma_wait3A_65 : memref<1x128xi32, #tpu.memory_space<vmem>> -> memref<128xi32, #tpu.memory_space<vmem>>
      %dma_wait3A_67 = arith.constant 0 : i32
      %dma_wait3A_68 = arith.constant 0 : i32
      %dma_wait3A_69 = tpu.memref_slice %arg4[%dma_wait3A_67, %dma_wait3A_68] : memref<10112x128xf32, #tpu.memory_space<hbm>> -> memref<10112x128xf32, #tpu.memory_space<hbm>>
      tpu.wait_indirect_dma semaphore(%arg12 : memref<!tpu.dma_semaphore, #tpu.memory_space<semaphore_mem>>) src(%dma_wait3A_69 : memref<10112x128xf32, #tpu.memory_space<hbm>>) dst(%arg10 : memref<128x128xf32, #tpu.memory_space<vmem>>)
      "tpu.region"() ({
        %run_scoped3A = tpu.sem_alloc : memref<!tpu.dma_semaphore, #tpu.memory_space<semaphore_mem>>
        %dma_start3A_85 = arith.constant 0 : i32
        %dma_start3A_86 = tpu.memref_slice %arg9[%mul3A_55, %dma_start3A_85] : memref<40x128xi32, #tpu.memory_space<vmem>> -> memref<1x128xi32, #tpu.memory_space<vmem>>
        %dma_start3A_87 = tpu.memref_squeeze %dma_start3A_86 : memref<1x128xi32, #tpu.memory_space<vmem>> -> memref<128xi32, #tpu.memory_space<vmem>>
        %dma_start3A_88 = arith.constant 0 : i32
        %dma_start3A_89 = arith.constant 0 : i32
        %dma_start3A_90 = tpu.memref_slice %arg7[%dma_start3A_88, %dma_start3A_89] : memref<10112x128xf32, #tpu.memory_space<vmem_shared>> -> memref<10112x128xf32, #tpu.memory_space<vmem_shared>>
        tpu.enqueue_indirect_dma source(%arg10 : memref<128x128xf32, #tpu.memory_space<vmem>>) target(%dma_start3A_90 : memref<10112x128xf32, #tpu.memory_space<vmem_shared>>) offsets(%dma_start3A_87 : memref<128xi32, #tpu.memory_space<vmem>>) semaphore(%run_scoped3A : memref<!tpu.dma_semaphore, #tpu.memory_space<semaphore_mem>>) {add = true}
        %dma_wait3A_91 = arith.constant 0 : i32
        %dma_wait3A_92 = tpu.memref_slice %arg9[%mul3A_55, %dma_wait3A_91] : memref<40x128xi32, #tpu.memory_space<vmem>> -> memref<1x128xi32, #tpu.memory_space<vmem>>
        %dma_wait3A_93 = tpu.memref_squeeze %dma_wait3A_92 : memref<1x128xi32, #tpu.memory_space<vmem>> -> memref<128xi32, #tpu.memory_space<vmem>>
        %dma_wait3A_94 = arith.constant 0 : i32
        %dma_wait3A_95 = arith.constant 0 : i32
        %dma_wait3A_96 = tpu.memref_slice %arg7[%dma_wait3A_94, %dma_wait3A_95] : memref<10112x128xf32, #tpu.memory_space<vmem_shared>> -> memref<10112x128xf32, #tpu.memory_space<vmem_shared>>
        tpu.wait_indirect_dma semaphore(%run_scoped3A : memref<!tpu.dma_semaphore, #tpu.memory_space<semaphore_mem>>) src(%arg10 : memref<128x128xf32, #tpu.memory_space<vmem>>) dst(%dma_wait3A_96 : memref<10112x128xf32, #tpu.memory_space<vmem_shared>>)
        tpu.yield
      }) : () -> ()
      %add3A_70 = arith.constant 1 : i32
      %add3A_71 = arith.addi %add3A_53, %add3A_70 : i32
      %dma_start3A_72 = arith.constant 0 : i32
      %dma_start3A_73 = tpu.memref_slice %arg8[%add3A_71, %dma_start3A_72] : memref<88x128xi32, #tpu.memory_space<vmem>> -> memref<1x128xi32, #tpu.memory_space<vmem>>
      %dma_start3A_74 = tpu.memref_squeeze %dma_start3A_73 : memref<1x128xi32, #tpu.memory_space<vmem>> -> memref<128xi32, #tpu.memory_space<vmem>>
      %dma_start3A_75 = arith.constant 0 : i32
      %dma_start3A_76 = arith.constant 0 : i32
      %dma_start3A_77 = tpu.memref_slice %arg4[%dma_start3A_75, %dma_start3A_76] : memref<10112x128xf32, #tpu.memory_space<hbm>> -> memref<10112x128xf32, #tpu.memory_space<hbm>>
      tpu.enqueue_indirect_dma source(%dma_start3A_77 : memref<10112x128xf32, #tpu.memory_space<hbm>>) target(%arg10 : memref<128x128xf32, #tpu.memory_space<vmem>>) offsets(%dma_start3A_74 : memref<128xi32, #tpu.memory_space<vmem>>) semaphore(%arg12 : memref<!tpu.dma_semaphore, #tpu.memory_space<semaphore_mem>>)
      %dma_wait3A_78 = arith.constant 0 : i32
      %dma_wait3A_79 = tpu.memref_slice %arg8[%add3A_53, %dma_wait3A_78] : memref<88x128xi32, #tpu.memory_space<vmem>> -> memref<1x128xi32, #tpu.memory_space<vmem>>
      %dma_wait3A_80 = tpu.memref_squeeze %dma_wait3A_79 : memref<1x128xi32, #tpu.memory_space<vmem>> -> memref<128xi32, #tpu.memory_space<vmem>>
      %dma_wait3A_81 = arith.constant 0 : i32
      %dma_wait3A_82 = arith.constant 0 : i32
      %dma_wait3A_83 = tpu.memref_slice %arg4[%dma_wait3A_81, %dma_wait3A_82] : memref<10112x128xf32, #tpu.memory_space<hbm>> -> memref<10112x128xf32, #tpu.memory_space<hbm>>
      tpu.wait_indirect_dma semaphore(%arg12 : memref<!tpu.dma_semaphore, #tpu.memory_space<semaphore_mem>>) src(%dma_wait3A_83 : memref<10112x128xf32, #tpu.memory_space<hbm>>) dst(%arg11 : memref<128x128xf32, #tpu.memory_space<vmem>>)
      "tpu.region"() ({
        %run_scoped3A = tpu.sem_alloc : memref<!tpu.dma_semaphore, #tpu.memory_space<semaphore_mem>>
        %dma_start3A_85 = arith.constant 0 : i32
        %dma_start3A_86 = tpu.memref_slice %arg9[%add3A_57, %dma_start3A_85] : memref<40x128xi32, #tpu.memory_space<vmem>> -> memref<1x128xi32, #tpu.memory_space<vmem>>
        %dma_start3A_87 = tpu.memref_squeeze %dma_start3A_86 : memref<1x128xi32, #tpu.memory_space<vmem>> -> memref<128xi32, #tpu.memory_space<vmem>>
        %dma_start3A_88 = arith.constant 0 : i32
        %dma_start3A_89 = arith.constant 0 : i32
        %dma_start3A_90 = tpu.memref_slice %arg7[%dma_start3A_88, %dma_start3A_89] : memref<10112x128xf32, #tpu.memory_space<vmem_shared>> -> memref<10112x128xf32, #tpu.memory_space<vmem_shared>>
        tpu.enqueue_indirect_dma source(%arg11 : memref<128x128xf32, #tpu.memory_space<vmem>>) target(%dma_start3A_90 : memref<10112x128xf32, #tpu.memory_space<vmem_shared>>) offsets(%dma_start3A_87 : memref<128xi32, #tpu.memory_space<vmem>>) semaphore(%run_scoped3A : memref<!tpu.dma_semaphore, #tpu.memory_space<semaphore_mem>>) {add = true}
        %dma_wait3A_91 = arith.constant 0 : i32
        %dma_wait3A_92 = tpu.memref_slice %arg9[%add3A_57, %dma_wait3A_91] : memref<40x128xi32, #tpu.memory_space<vmem>> -> memref<1x128xi32, #tpu.memory_space<vmem>>
        %dma_wait3A_93 = tpu.memref_squeeze %dma_wait3A_92 : memref<1x128xi32, #tpu.memory_space<vmem>> -> memref<128xi32, #tpu.memory_space<vmem>>
        %dma_wait3A_94 = arith.constant 0 : i32
        %dma_wait3A_95 = arith.constant 0 : i32
        %dma_wait3A_96 = tpu.memref_slice %arg7[%dma_wait3A_94, %dma_wait3A_95] : memref<10112x128xf32, #tpu.memory_space<vmem_shared>> -> memref<10112x128xf32, #tpu.memory_space<vmem_shared>>
        tpu.wait_indirect_dma semaphore(%run_scoped3A : memref<!tpu.dma_semaphore, #tpu.memory_space<semaphore_mem>>) src(%arg11 : memref<128x128xf32, #tpu.memory_space<vmem>>) dst(%dma_wait3A_96 : memref<10112x128xf32, #tpu.memory_space<vmem_shared>>)
        tpu.yield
      }) : () -> ()
      %scan3A_84 = arith.constant 0 : i32
      scf.yield %scan3A_84 : i32
    }
    %scan3A_20 = arith.constant 20 : i32
    %mul3A_21 = arith.constant 80 : i32
    %mul3A_22 = arith.muli %add3A, %mul3A_21 : i32
    %add3A_23 = arith.constant 40 : i32
    %add3A_24 = arith.addi %mul3A_22, %add3A_23 : i32
    "tpu.region"() ({
      %run_scoped3A = tpu.sem_alloc : memref<!tpu.dma_semaphore, #tpu.memory_space<semaphore_mem>>
      %dma_start3A_46 = arith.constant 0 : i32
      %dma_start3A_47 = tpu.memref_slice %arg3[%add3A_24, %dma_start3A_46] : memref<2560x128xi32, #tpu.memory_space<hbm>> -> memref<40x128xi32, #tpu.memory_space<hbm>>
      %dma_start3A_48 = arith.constant 0 : i32
      %dma_start3A_49 = tpu.memref_slice %arg3[%add3A_24, %dma_start3A_48] : memref<2560x128xi32, #tpu.memory_space<hbm>> -> memref<40x128xi32, #tpu.memory_space<hbm>>
      tpu.enqueue_dma source(%dma_start3A_49 : memref<40x128xi32, #tpu.memory_space<hbm>>) target(%arg9 : memref<40x128xi32, #tpu.memory_space<vmem>>) target_semaphore(%run_scoped3A : memref<!tpu.dma_semaphore, #tpu.memory_space<semaphore_mem>>)
      %dma_wait3A_50 = arith.constant 0 : i32
      %dma_wait3A_51 = tpu.memref_slice %arg3[%add3A_24, %dma_wait3A_50] : memref<2560x128xi32, #tpu.memory_space<hbm>> -> memref<40x128xi32, #tpu.memory_space<hbm>>
      %dma_wait3A_52 = arith.constant 0 : i32
      %dma_wait3A_53 = tpu.memref_slice %arg3[%add3A_24, %dma_wait3A_52] : memref<2560x128xi32, #tpu.memory_space<hbm>> -> memref<40x128xi32, #tpu.memory_space<hbm>>
      tpu.wait_dma2 semaphore(%run_scoped3A : memref<!tpu.dma_semaphore, #tpu.memory_space<semaphore_mem>>) src(%dma_wait3A_53 : memref<40x128xi32, #tpu.memory_space<hbm>>) dst(%arg9 : memref<40x128xi32, #tpu.memory_space<vmem>>)
      tpu.yield
    }) : () -> ()
    %scan3A_25 = arith.constant 0 : i32
    %scan3A_26 = arith.constant 0 : i32
    %scan3A_27 = arith.constant 20 : i32
    %scan3A_28 = arith.addi %scan3A_26, %scan3A_27 : i32
    %scan3A_29 = arith.constant 1 : i32
    %scan3A_30 = scf.for %scan3A_46 = %scan3A_26 to %scan3A_28 step %scan3A_29 iter_args(%scan3A_47 = %scan3A_25) -> (i32)  : i32 {
      %mul3A_48 = arith.constant 2 : i32
      %mul3A_49 = arith.muli %mul3A_48, %scan3A_46 : i32
      %add3A_50 = arith.constant 40 : i32
      %add3A_51 = arith.addi %add3A_50, %mul3A_49 : i32
      %add3A_52 = arith.constant 1 : i32
      %add3A_53 = arith.addi %add3A_51, %add3A_52 : i32
      %mul3A_54 = arith.constant 2 : i32
      %mul3A_55 = arith.muli %mul3A_54, %scan3A_46 : i32
      %add3A_56 = arith.constant 1 : i32
      %add3A_57 = arith.addi %mul3A_55, %add3A_56 : i32
      %dma_start3A_58 = arith.constant 0 : i32
      %dma_start3A_59 = tpu.memref_slice %arg8[%add3A_53, %dma_start3A_58] : memref<88x128xi32, #tpu.memory_space<vmem>> -> memref<1x128xi32, #tpu.memory_space<vmem>>
      %dma_start3A_60 = tpu.memref_squeeze %dma_start3A_59 : memref<1x128xi32, #tpu.memory_space<vmem>> -> memref<128xi32, #tpu.memory_space<vmem>>
      %dma_start3A_61 = arith.constant 0 : i32
      %dma_start3A_62 = arith.constant 0 : i32
      %dma_start3A_63 = tpu.memref_slice %arg4[%dma_start3A_61, %dma_start3A_62] : memref<10112x128xf32, #tpu.memory_space<hbm>> -> memref<10112x128xf32, #tpu.memory_space<hbm>>
      tpu.enqueue_indirect_dma source(%dma_start3A_63 : memref<10112x128xf32, #tpu.memory_space<hbm>>) target(%arg11 : memref<128x128xf32, #tpu.memory_space<vmem>>) offsets(%dma_start3A_60 : memref<128xi32, #tpu.memory_space<vmem>>) semaphore(%arg12 : memref<!tpu.dma_semaphore, #tpu.memory_space<semaphore_mem>>)
      %dma_wait3A_64 = arith.constant 0 : i32
      %dma_wait3A_65 = tpu.memref_slice %arg8[%add3A_51, %dma_wait3A_64] : memref<88x128xi32, #tpu.memory_space<vmem>> -> memref<1x128xi32, #tpu.memory_space<vmem>>
      %dma_wait3A_66 = tpu.memref_squeeze %dma_wait3A_65 : memref<1x128xi32, #tpu.memory_space<vmem>> -> memref<128xi32, #tpu.memory_space<vmem>>
      %dma_wait3A_67 = arith.constant 0 : i32
      %dma_wait3A_68 = arith.constant 0 : i32
      %dma_wait3A_69 = tpu.memref_slice %arg4[%dma_wait3A_67, %dma_wait3A_68] : memref<10112x128xf32, #tpu.memory_space<hbm>> -> memref<10112x128xf32, #tpu.memory_space<hbm>>
      tpu.wait_indirect_dma semaphore(%arg12 : memref<!tpu.dma_semaphore, #tpu.memory_space<semaphore_mem>>) src(%dma_wait3A_69 : memref<10112x128xf32, #tpu.memory_space<hbm>>) dst(%arg10 : memref<128x128xf32, #tpu.memory_space<vmem>>)
      "tpu.region"() ({
        %run_scoped3A = tpu.sem_alloc : memref<!tpu.dma_semaphore, #tpu.memory_space<semaphore_mem>>
        %dma_start3A_85 = arith.constant 0 : i32
        %dma_start3A_86 = tpu.memref_slice %arg9[%mul3A_55, %dma_start3A_85] : memref<40x128xi32, #tpu.memory_space<vmem>> -> memref<1x128xi32, #tpu.memory_space<vmem>>
        %dma_start3A_87 = tpu.memref_squeeze %dma_start3A_86 : memref<1x128xi32, #tpu.memory_space<vmem>> -> memref<128xi32, #tpu.memory_space<vmem>>
        %dma_start3A_88 = arith.constant 0 : i32
        %dma_start3A_89 = arith.constant 0 : i32
        %dma_start3A_90 = tpu.memref_slice %arg7[%dma_start3A_88, %dma_start3A_89] : memref<10112x128xf32, #tpu.memory_space<vmem_shared>> -> memref<10112x128xf32, #tpu.memory_space<vmem_shared>>
        tpu.enqueue_indirect_dma source(%arg10 : memref<128x128xf32, #tpu.memory_space<vmem>>) target(%dma_start3A_90 : memref<10112x128xf32, #tpu.memory_space<vmem_shared>>) offsets(%dma_start3A_87 : memref<128xi32, #tpu.memory_space<vmem>>) semaphore(%run_scoped3A : memref<!tpu.dma_semaphore, #tpu.memory_space<semaphore_mem>>) {add = true}
        %dma_wait3A_91 = arith.constant 0 : i32
        %dma_wait3A_92 = tpu.memref_slice %arg9[%mul3A_55, %dma_wait3A_91] : memref<40x128xi32, #tpu.memory_space<vmem>> -> memref<1x128xi32, #tpu.memory_space<vmem>>
        %dma_wait3A_93 = tpu.memref_squeeze %dma_wait3A_92 : memref<1x128xi32, #tpu.memory_space<vmem>> -> memref<128xi32, #tpu.memory_space<vmem>>
        %dma_wait3A_94 = arith.constant 0 : i32
        %dma_wait3A_95 = arith.constant 0 : i32
        %dma_wait3A_96 = tpu.memref_slice %arg7[%dma_wait3A_94, %dma_wait3A_95] : memref<10112x128xf32, #tpu.memory_space<vmem_shared>> -> memref<10112x128xf32, #tpu.memory_space<vmem_shared>>
        tpu.wait_indirect_dma semaphore(%run_scoped3A : memref<!tpu.dma_semaphore, #tpu.memory_space<semaphore_mem>>) src(%arg10 : memref<128x128xf32, #tpu.memory_space<vmem>>) dst(%dma_wait3A_96 : memref<10112x128xf32, #tpu.memory_space<vmem_shared>>)
        tpu.yield
      }) : () -> ()
      %add3A_70 = arith.constant 1 : i32
      %add3A_71 = arith.addi %add3A_53, %add3A_70 : i32
      %dma_start3A_72 = arith.constant 0 : i32
      %dma_start3A_73 = tpu.memref_slice %arg8[%add3A_71, %dma_start3A_72] : memref<88x128xi32, #tpu.memory_space<vmem>> -> memref<1x128xi32, #tpu.memory_space<vmem>>
      %dma_start3A_74 = tpu.memref_squeeze %dma_start3A_73 : memref<1x128xi32, #tpu.memory_space<vmem>> -> memref<128xi32, #tpu.memory_space<vmem>>
      %dma_start3A_75 = arith.constant 0 : i32
      %dma_start3A_76 = arith.constant 0 : i32
      %dma_start3A_77 = tpu.memref_slice %arg4[%dma_start3A_75, %dma_start3A_76] : memref<10112x128xf32, #tpu.memory_space<hbm>> -> memref<10112x128xf32, #tpu.memory_space<hbm>>
      tpu.enqueue_indirect_dma source(%dma_start3A_77 : memref<10112x128xf32, #tpu.memory_space<hbm>>) target(%arg10 : memref<128x128xf32, #tpu.memory_space<vmem>>) offsets(%dma_start3A_74 : memref<128xi32, #tpu.memory_space<vmem>>) semaphore(%arg12 : memref<!tpu.dma_semaphore, #tpu.memory_space<semaphore_mem>>)
      %dma_wait3A_78 = arith.constant 0 : i32
      %dma_wait3A_79 = tpu.memref_slice %arg8[%add3A_53, %dma_wait3A_78] : memref<88x128xi32, #tpu.memory_space<vmem>> -> memref<1x128xi32, #tpu.memory_space<vmem>>
      %dma_wait3A_80 = tpu.memref_squeeze %dma_wait3A_79 : memref<1x128xi32, #tpu.memory_space<vmem>> -> memref<128xi32, #tpu.memory_space<vmem>>
      %dma_wait3A_81 = arith.constant 0 : i32
      %dma_wait3A_82 = arith.constant 0 : i32
      %dma_wait3A_83 = tpu.memref_slice %arg4[%dma_wait3A_81, %dma_wait3A_82] : memref<10112x128xf32, #tpu.memory_space<hbm>> -> memref<10112x128xf32, #tpu.memory_space<hbm>>
      tpu.wait_indirect_dma semaphore(%arg12 : memref<!tpu.dma_semaphore, #tpu.memory_space<semaphore_mem>>) src(%dma_wait3A_83 : memref<10112x128xf32, #tpu.memory_space<hbm>>) dst(%arg11 : memref<128x128xf32, #tpu.memory_space<vmem>>)
      "tpu.region"() ({
        %run_scoped3A = tpu.sem_alloc : memref<!tpu.dma_semaphore, #tpu.memory_space<semaphore_mem>>
        %dma_start3A_85 = arith.constant 0 : i32
        %dma_start3A_86 = tpu.memref_slice %arg9[%add3A_57, %dma_start3A_85] : memref<40x128xi32, #tpu.memory_space<vmem>> -> memref<1x128xi32, #tpu.memory_space<vmem>>
        %dma_start3A_87 = tpu.memref_squeeze %dma_start3A_86 : memref<1x128xi32, #tpu.memory_space<vmem>> -> memref<128xi32, #tpu.memory_space<vmem>>
        %dma_start3A_88 = arith.constant 0 : i32
        %dma_start3A_89 = arith.constant 0 : i32
        %dma_start3A_90 = tpu.memref_slice %arg7[%dma_start3A_88, %dma_start3A_89] : memref<10112x128xf32, #tpu.memory_space<vmem_shared>> -> memref<10112x128xf32, #tpu.memory_space<vmem_shared>>
        tpu.enqueue_indirect_dma source(%arg11 : memref<128x128xf32, #tpu.memory_space<vmem>>) target(%dma_start3A_90 : memref<10112x128xf32, #tpu.memory_space<vmem_shared>>) offsets(%dma_start3A_87 : memref<128xi32, #tpu.memory_space<vmem>>) semaphore(%run_scoped3A : memref<!tpu.dma_semaphore, #tpu.memory_space<semaphore_mem>>) {add = true}
        %dma_wait3A_91 = arith.constant 0 : i32
        %dma_wait3A_92 = tpu.memref_slice %arg9[%add3A_57, %dma_wait3A_91] : memref<40x128xi32, #tpu.memory_space<vmem>> -> memref<1x128xi32, #tpu.memory_space<vmem>>
        %dma_wait3A_93 = tpu.memref_squeeze %dma_wait3A_92 : memref<1x128xi32, #tpu.memory_space<vmem>> -> memref<128xi32, #tpu.memory_space<vmem>>
        %dma_wait3A_94 = arith.constant 0 : i32
        %dma_wait3A_95 = arith.constant 0 : i32
        %dma_wait3A_96 = tpu.memref_slice %arg7[%dma_wait3A_94, %dma_wait3A_95] : memref<10112x128xf32, #tpu.memory_space<vmem_shared>> -> memref<10112x128xf32, #tpu.memory_space<vmem_shared>>
        tpu.wait_indirect_dma semaphore(%run_scoped3A : memref<!tpu.dma_semaphore, #tpu.memory_space<semaphore_mem>>) src(%arg11 : memref<128x128xf32, #tpu.memory_space<vmem>>) dst(%dma_wait3A_96 : memref<10112x128xf32, #tpu.memory_space<vmem_shared>>)
        tpu.yield
      }) : () -> ()
      %scan3A_84 = arith.constant 0 : i32
      scf.yield %scan3A_84 : i32
    }
    %scan3A_31 = arith.constant 20 : i32
    %dma_wait3A = arith.constant 80 : i32
    %dma_wait3A_32 = arith.constant 0 : i32
    %dma_wait3A_33 = tpu.memref_slice %arg8[%dma_wait3A, %dma_wait3A_32] : memref<88x128xi32, #tpu.memory_space<vmem>> -> memref<1x128xi32, #tpu.memory_space<vmem>>
    %dma_wait3A_34 = tpu.memref_squeeze %dma_wait3A_33 : memref<1x128xi32, #tpu.memory_space<vmem>> -> memref<128xi32, #tpu.memory_space<vmem>>
    %dma_wait3A_35 = arith.constant 0 : i32
    %dma_wait3A_36 = arith.constant 0 : i32
    %dma_wait3A_37 = tpu.memref_slice %arg4[%dma_wait3A_35, %dma_wait3A_36] : memref<10112x128xf32, #tpu.memory_space<hbm>> -> memref<10112x128xf32, #tpu.memory_space<hbm>>
    tpu.wait_indirect_dma semaphore(%arg12 : memref<!tpu.dma_semaphore, #tpu.memory_space<semaphore_mem>>) src(%dma_wait3A_37 : memref<10112x128xf32, #tpu.memory_space<hbm>>) dst(%arg10 : memref<128x128xf32, #tpu.memory_space<vmem>>)
    %barrier3A_38 = arith.constant 0 : index
    tpu.barrier barrier_id(%barrier3A_38)
    %mul3A_39 = arith.constant 632 : i32
    %mul3A_40 = arith.muli %arg1, %mul3A_39 : i32
    %mul3A_41 = arith.constant 10112 : i32
    %mul3A_42 = arith.muli %arg0, %mul3A_41 : i32
    %mul3A_43 = arith.constant 632 : i32
    %mul3A_44 = arith.muli %arg1, %mul3A_43 : i32
    %add3A_45 = arith.addi %mul3A_42, %mul3A_44 : i32
    "tpu.region"() ({
      %run_scoped3A = tpu.sem_alloc : memref<!tpu.dma_semaphore, #tpu.memory_space<semaphore_mem>>
      %dma_start3A_46 = arith.constant 0 : i32
      %dma_start3A_47 = tpu.memref_slice %arg6[%add3A_45, %dma_start3A_46] : memref<20224x128xf32, #tpu.memory_space<hbm>> -> memref<632x128xf32, #tpu.memory_space<hbm>>
      %dma_start3A_48 = arith.constant 0 : i32
      %dma_start3A_49 = tpu.memref_slice %arg7[%mul3A_40, %dma_start3A_48] : memref<10112x128xf32, #tpu.memory_space<vmem_shared>> -> memref<632x128xf32, #tpu.memory_space<vmem_shared>>
      tpu.enqueue_dma source(%dma_start3A_49 : memref<632x128xf32, #tpu.memory_space<vmem_shared>>) target(%dma_start3A_47 : memref<632x128xf32, #tpu.memory_space<hbm>>) target_semaphore(%run_scoped3A : memref<!tpu.dma_semaphore, #tpu.memory_space<semaphore_mem>>)
      %dma_wait3A_50 = arith.constant 0 : i32
      %dma_wait3A_51 = tpu.memref_slice %arg6[%add3A_45, %dma_wait3A_50] : memref<20224x128xf32, #tpu.memory_space<hbm>> -> memref<632x128xf32, #tpu.memory_space<hbm>>
      %dma_wait3A_52 = arith.constant 0 : i32
      %dma_wait3A_53 = tpu.memref_slice %arg7[%mul3A_40, %dma_wait3A_52] : memref<10112x128xf32, #tpu.memory_space<vmem_shared>> -> memref<632x128xf32, #tpu.memory_space<vmem_shared>>
      tpu.wait_dma2 semaphore(%run_scoped3A : memref<!tpu.dma_semaphore, #tpu.memory_space<semaphore_mem>>) src(%dma_wait3A_53 : memref<632x128xf32, #tpu.memory_space<vmem_shared>>) dst(%dma_wait3A_51 : memref<632x128xf32, #tpu.memory_space<hbm>>)
      tpu.yield
    }) : () -> ()
    return
  }
}

#map = affine_map<(d0, d1) -> (0, 0)>
module attributes {stable_mosaic.version = 14 : i64} {
  func.func @_agg1_kernel(%arg0: i32, %arg1: i32, %arg2: memref<2816x128xi32, #tpu.memory_space<hbm>>, %arg3: memref<2560x128xi32, #tpu.memory_space<hbm>>, %arg4: memref<10112x128xf32, #tpu.memory_space<hbm>>, %arg5: memref<632x128xf32, #tpu.memory_space<hbm>>, %arg6: memref<20224x128xf32, #tpu.memory_space<hbm>>, %arg7: memref<10112x128xf32, #tpu.memory_space<vmem_shared>>, %arg8: memref<88x128xi32, #tpu.memory_space<vmem>>, %arg9: memref<40x128xi32, #tpu.memory_space<vmem>>, %arg10: memref<128x128xf32, #tpu.memory_space<vmem>>, %arg11: memref<128x128xf32, #tpu.memory_space<vmem>>, %arg12: memref<!tpu.dma_semaphore, #tpu.memory_space<semaphore_mem>>) attributes {dimension_semantics = [#tpu.dimension_semantics<core_parallel>, #tpu.dimension_semantics<subcore_parallel>], iteration_bounds = array<i64: 2, 16>, scalar_prefetch = 0 : i64, scratch_operands = 6 : i64, tpu.core_type = #tpu.core_type<sc_vector_subcore>, window_params = [{transform_indices = #map}, {transform_indices = #map}, {transform_indices = #map}, {transform_indices = #map}, {transform_indices = #map}]} {
    %mul3A = arith.constant 16 : i32
    %mul3A_0 = arith.muli %arg0, %mul3A : i32
    %add3A = arith.addi %mul3A_0, %arg1 : i32
    %mul3A_1 = arith.constant 632 : i32
    %mul3A_2 = arith.muli %arg1, %mul3A_1 : i32
    "tpu.region"() ({
      %run_scoped3A = tpu.sem_alloc : memref<!tpu.dma_semaphore, #tpu.memory_space<semaphore_mem>>
      %dma_start3A_46 = arith.constant 0 : i32
      %dma_start3A_47 = tpu.memref_slice %arg7[%mul3A_2, %dma_start3A_46] : memref<10112x128xf32, #tpu.memory_space<vmem_shared>> -> memref<632x128xf32, #tpu.memory_space<vmem_shared>>
      tpu.enqueue_dma source(%arg5 : memref<632x128xf32, #tpu.memory_space<hbm>>) target(%dma_start3A_47 : memref<632x128xf32, #tpu.memory_space<vmem_shared>>) target_semaphore(%run_scoped3A : memref<!tpu.dma_semaphore, #tpu.memory_space<semaphore_mem>>)
      %dma_wait3A_48 = arith.constant 0 : i32
      %dma_wait3A_49 = tpu.memref_slice %arg7[%mul3A_2, %dma_wait3A_48] : memref<10112x128xf32, #tpu.memory_space<vmem_shared>> -> memref<632x128xf32, #tpu.memory_space<vmem_shared>>
      tpu.wait_dma2 semaphore(%run_scoped3A : memref<!tpu.dma_semaphore, #tpu.memory_space<semaphore_mem>>) src(%arg5 : memref<632x128xf32, #tpu.memory_space<hbm>>) dst(%dma_wait3A_49 : memref<632x128xf32, #tpu.memory_space<vmem_shared>>)
      tpu.yield
    }) : () -> ()
    %mul3A_3 = arith.constant 88 : i32
    %mul3A_4 = arith.muli %add3A, %mul3A_3 : i32
    "tpu.region"() ({
      %run_scoped3A = tpu.sem_alloc : memref<!tpu.dma_semaphore, #tpu.memory_space<semaphore_mem>>
      %dma_start3A_46 = arith.constant 0 : i32
      %dma_start3A_47 = tpu.memref_slice %arg2[%mul3A_4, %dma_start3A_46] : memref<2816x128xi32, #tpu.memory_space<hbm>> -> memref<88x128xi32, #tpu.memory_space<hbm>>
      %dma_start3A_48 = arith.constant 0 : i32
      %dma_start3A_49 = tpu.memref_slice %arg2[%mul3A_4, %dma_start3A_48] : memref<2816x128xi32, #tpu.memory_space<hbm>> -> memref<88x128xi32, #tpu.memory_space<hbm>>
      tpu.enqueue_dma source(%dma_start3A_49 : memref<88x128xi32, #tpu.memory_space<hbm>>) target(%arg8 : memref<88x128xi32, #tpu.memory_space<vmem>>) target_semaphore(%run_scoped3A : memref<!tpu.dma_semaphore, #tpu.memory_space<semaphore_mem>>)
      %dma_wait3A_50 = arith.constant 0 : i32
      %dma_wait3A_51 = tpu.memref_slice %arg2[%mul3A_4, %dma_wait3A_50] : memref<2816x128xi32, #tpu.memory_space<hbm>> -> memref<88x128xi32, #tpu.memory_space<hbm>>
      %dma_wait3A_52 = arith.constant 0 : i32
      %dma_wait3A_53 = tpu.memref_slice %arg2[%mul3A_4, %dma_wait3A_52] : memref<2816x128xi32, #tpu.memory_space<hbm>> -> memref<88x128xi32, #tpu.memory_space<hbm>>
      tpu.wait_dma2 semaphore(%run_scoped3A : memref<!tpu.dma_semaphore, #tpu.memory_space<semaphore_mem>>) src(%dma_wait3A_53 : memref<88x128xi32, #tpu.memory_space<hbm>>) dst(%arg8 : memref<88x128xi32, #tpu.memory_space<vmem>>)
      tpu.yield
    }) : () -> ()
    %barrier3A = arith.constant 0 : index
    tpu.barrier barrier_id(%barrier3A)
    %dma_start3A = arith.constant 0 : i32
    %dma_start3A_5 = arith.constant 0 : i32
    %dma_start3A_6 = tpu.memref_slice %arg8[%dma_start3A, %dma_start3A_5] : memref<88x128xi32, #tpu.memory_space<vmem>> -> memref<1x128xi32, #tpu.memory_space<vmem>>
    %dma_start3A_7 = tpu.memref_squeeze %dma_start3A_6 : memref<1x128xi32, #tpu.memory_space<vmem>> -> memref<128xi32, #tpu.memory_space<vmem>>
    %dma_start3A_8 = arith.constant 0 : i32
    %dma_start3A_9 = arith.constant 0 : i32
    %dma_start3A_10 = tpu.memref_slice %arg4[%dma_start3A_8, %dma_start3A_9] : memref<10112x128xf32, #tpu.memory_space<hbm>> -> memref<10112x128xf32, #tpu.memory_space<hbm>>
    tpu.enqueue_indirect_dma source(%dma_start3A_10 : memref<10112x128xf32, #tpu.memory_space<hbm>>) target(%arg10 : memref<128x128xf32, #tpu.memory_space<vmem>>) offsets(%dma_start3A_7 : memref<128xi32, #tpu.memory_space<vmem>>) semaphore(%arg12 : memref<!tpu.dma_semaphore, #tpu.memory_space<semaphore_mem>>)
    %mul3A_11 = arith.constant 80 : i32
    %mul3A_12 = arith.muli %add3A, %mul3A_11 : i32
    %add3A_13 = arith.constant 0 : i32
    %add3A_14 = arith.addi %mul3A_12, %add3A_13 : i32
    "tpu.region"() ({
      %run_scoped3A = tpu.sem_alloc : memref<!tpu.dma_semaphore, #tpu.memory_space<semaphore_mem>>
      %dma_start3A_46 = arith.constant 0 : i32
      %dma_start3A_47 = tpu.memref_slice %arg3[%add3A_14, %dma_start3A_46] : memref<2560x128xi32, #tpu.memory_space<hbm>> -> memref<40x128xi32, #tpu.memory_space<hbm>>
      %dma_start3A_48 = arith.constant 0 : i32
      %dma_start3A_49 = tpu.memref_slice %arg3[%add3A_14, %dma_start3A_48] : memref<2560x128xi32, #tpu.memory_space<hbm>> -> memref<40x128xi32, #tpu.memory_space<hbm>>
      tpu.enqueue_dma source(%dma_start3A_49 : memref<40x128xi32, #tpu.memory_space<hbm>>) target(%arg9 : memref<40x128xi32, #tpu.memory_space<vmem>>) target_semaphore(%run_scoped3A : memref<!tpu.dma_semaphore, #tpu.memory_space<semaphore_mem>>)
      %dma_wait3A_50 = arith.constant 0 : i32
      %dma_wait3A_51 = tpu.memref_slice %arg3[%add3A_14, %dma_wait3A_50] : memref<2560x128xi32, #tpu.memory_space<hbm>> -> memref<40x128xi32, #tpu.memory_space<hbm>>
      %dma_wait3A_52 = arith.constant 0 : i32
      %dma_wait3A_53 = tpu.memref_slice %arg3[%add3A_14, %dma_wait3A_52] : memref<2560x128xi32, #tpu.memory_space<hbm>> -> memref<40x128xi32, #tpu.memory_space<hbm>>
      tpu.wait_dma2 semaphore(%run_scoped3A : memref<!tpu.dma_semaphore, #tpu.memory_space<semaphore_mem>>) src(%dma_wait3A_53 : memref<40x128xi32, #tpu.memory_space<hbm>>) dst(%arg9 : memref<40x128xi32, #tpu.memory_space<vmem>>)
      tpu.yield
    }) : () -> ()
    %scan3A = arith.constant 0 : i32
    %scan3A_15 = arith.constant 0 : i32
    %scan3A_16 = arith.constant 20 : i32
    %scan3A_17 = arith.addi %scan3A_15, %scan3A_16 : i32
    %scan3A_18 = arith.constant 1 : i32
    %scan3A_19 = scf.for %scan3A_46 = %scan3A_15 to %scan3A_17 step %scan3A_18 iter_args(%scan3A_47 = %scan3A) -> (i32)  : i32 {
      %mul3A_48 = arith.constant 2 : i32
      %mul3A_49 = arith.muli %mul3A_48, %scan3A_46 : i32
      %add3A_50 = arith.constant 0 : i32
      %add3A_51 = arith.addi %add3A_50, %mul3A_49 : i32
      %add3A_52 = arith.constant 1 : i32
      %add3A_53 = arith.addi %add3A_51, %add3A_52 : i32
      %mul3A_54 = arith.constant 2 : i32
      %mul3A_55 = arith.muli %mul3A_54, %scan3A_46 : i32
      %add3A_56 = arith.constant 1 : i32
      %add3A_57 = arith.addi %mul3A_55, %add3A_56 : i32
      %dma_start3A_58 = arith.constant 0 : i32
      %dma_start3A_59 = tpu.memref_slice %arg8[%add3A_53, %dma_start3A_58] : memref<88x128xi32, #tpu.memory_space<vmem>> -> memref<1x128xi32, #tpu.memory_space<vmem>>
      %dma_start3A_60 = tpu.memref_squeeze %dma_start3A_59 : memref<1x128xi32, #tpu.memory_space<vmem>> -> memref<128xi32, #tpu.memory_space<vmem>>
      %dma_start3A_61 = arith.constant 0 : i32
      %dma_start3A_62 = arith.constant 0 : i32
      %dma_start3A_63 = tpu.memref_slice %arg4[%dma_start3A_61, %dma_start3A_62] : memref<10112x128xf32, #tpu.memory_space<hbm>> -> memref<10112x128xf32, #tpu.memory_space<hbm>>
      tpu.enqueue_indirect_dma source(%dma_start3A_63 : memref<10112x128xf32, #tpu.memory_space<hbm>>) target(%arg11 : memref<128x128xf32, #tpu.memory_space<vmem>>) offsets(%dma_start3A_60 : memref<128xi32, #tpu.memory_space<vmem>>) semaphore(%arg12 : memref<!tpu.dma_semaphore, #tpu.memory_space<semaphore_mem>>)
      %dma_wait3A_64 = arith.constant 0 : i32
      %dma_wait3A_65 = tpu.memref_slice %arg8[%add3A_51, %dma_wait3A_64] : memref<88x128xi32, #tpu.memory_space<vmem>> -> memref<1x128xi32, #tpu.memory_space<vmem>>
      %dma_wait3A_66 = tpu.memref_squeeze %dma_wait3A_65 : memref<1x128xi32, #tpu.memory_space<vmem>> -> memref<128xi32, #tpu.memory_space<vmem>>
      %dma_wait3A_67 = arith.constant 0 : i32
      %dma_wait3A_68 = arith.constant 0 : i32
      %dma_wait3A_69 = tpu.memref_slice %arg4[%dma_wait3A_67, %dma_wait3A_68] : memref<10112x128xf32, #tpu.memory_space<hbm>> -> memref<10112x128xf32, #tpu.memory_space<hbm>>
      tpu.wait_indirect_dma semaphore(%arg12 : memref<!tpu.dma_semaphore, #tpu.memory_space<semaphore_mem>>) src(%dma_wait3A_69 : memref<10112x128xf32, #tpu.memory_space<hbm>>) dst(%arg10 : memref<128x128xf32, #tpu.memory_space<vmem>>)
      "tpu.region"() ({
        %run_scoped3A = tpu.sem_alloc : memref<!tpu.dma_semaphore, #tpu.memory_space<semaphore_mem>>
        %dma_start3A_85 = arith.constant 0 : i32
        %dma_start3A_86 = tpu.memref_slice %arg9[%mul3A_55, %dma_start3A_85] : memref<40x128xi32, #tpu.memory_space<vmem>> -> memref<1x128xi32, #tpu.memory_space<vmem>>
        %dma_start3A_87 = tpu.memref_squeeze %dma_start3A_86 : memref<1x128xi32, #tpu.memory_space<vmem>> -> memref<128xi32, #tpu.memory_space<vmem>>
        %dma_start3A_88 = arith.constant 0 : i32
        %dma_start3A_89 = arith.constant 0 : i32
        %dma_start3A_90 = tpu.memref_slice %arg7[%dma_start3A_88, %dma_start3A_89] : memref<10112x128xf32, #tpu.memory_space<vmem_shared>> -> memref<10112x128xf32, #tpu.memory_space<vmem_shared>>
        tpu.enqueue_indirect_dma source(%arg10 : memref<128x128xf32, #tpu.memory_space<vmem>>) target(%dma_start3A_90 : memref<10112x128xf32, #tpu.memory_space<vmem_shared>>) offsets(%dma_start3A_87 : memref<128xi32, #tpu.memory_space<vmem>>) semaphore(%run_scoped3A : memref<!tpu.dma_semaphore, #tpu.memory_space<semaphore_mem>>) {add = true}
        %dma_wait3A_91 = arith.constant 0 : i32
        %dma_wait3A_92 = tpu.memref_slice %arg9[%mul3A_55, %dma_wait3A_91] : memref<40x128xi32, #tpu.memory_space<vmem>> -> memref<1x128xi32, #tpu.memory_space<vmem>>
        %dma_wait3A_93 = tpu.memref_squeeze %dma_wait3A_92 : memref<1x128xi32, #tpu.memory_space<vmem>> -> memref<128xi32, #tpu.memory_space<vmem>>
        %dma_wait3A_94 = arith.constant 0 : i32
        %dma_wait3A_95 = arith.constant 0 : i32
        %dma_wait3A_96 = tpu.memref_slice %arg7[%dma_wait3A_94, %dma_wait3A_95] : memref<10112x128xf32, #tpu.memory_space<vmem_shared>> -> memref<10112x128xf32, #tpu.memory_space<vmem_shared>>
        tpu.wait_indirect_dma semaphore(%run_scoped3A : memref<!tpu.dma_semaphore, #tpu.memory_space<semaphore_mem>>) src(%arg10 : memref<128x128xf32, #tpu.memory_space<vmem>>) dst(%dma_wait3A_96 : memref<10112x128xf32, #tpu.memory_space<vmem_shared>>)
        tpu.yield
      }) : () -> ()
      %add3A_70 = arith.constant 1 : i32
      %add3A_71 = arith.addi %add3A_53, %add3A_70 : i32
      %dma_start3A_72 = arith.constant 0 : i32
      %dma_start3A_73 = tpu.memref_slice %arg8[%add3A_71, %dma_start3A_72] : memref<88x128xi32, #tpu.memory_space<vmem>> -> memref<1x128xi32, #tpu.memory_space<vmem>>
      %dma_start3A_74 = tpu.memref_squeeze %dma_start3A_73 : memref<1x128xi32, #tpu.memory_space<vmem>> -> memref<128xi32, #tpu.memory_space<vmem>>
      %dma_start3A_75 = arith.constant 0 : i32
      %dma_start3A_76 = arith.constant 0 : i32
      %dma_start3A_77 = tpu.memref_slice %arg4[%dma_start3A_75, %dma_start3A_76] : memref<10112x128xf32, #tpu.memory_space<hbm>> -> memref<10112x128xf32, #tpu.memory_space<hbm>>
      tpu.enqueue_indirect_dma source(%dma_start3A_77 : memref<10112x128xf32, #tpu.memory_space<hbm>>) target(%arg10 : memref<128x128xf32, #tpu.memory_space<vmem>>) offsets(%dma_start3A_74 : memref<128xi32, #tpu.memory_space<vmem>>) semaphore(%arg12 : memref<!tpu.dma_semaphore, #tpu.memory_space<semaphore_mem>>)
      %dma_wait3A_78 = arith.constant 0 : i32
      %dma_wait3A_79 = tpu.memref_slice %arg8[%add3A_53, %dma_wait3A_78] : memref<88x128xi32, #tpu.memory_space<vmem>> -> memref<1x128xi32, #tpu.memory_space<vmem>>
      %dma_wait3A_80 = tpu.memref_squeeze %dma_wait3A_79 : memref<1x128xi32, #tpu.memory_space<vmem>> -> memref<128xi32, #tpu.memory_space<vmem>>
      %dma_wait3A_81 = arith.constant 0 : i32
      %dma_wait3A_82 = arith.constant 0 : i32
      %dma_wait3A_83 = tpu.memref_slice %arg4[%dma_wait3A_81, %dma_wait3A_82] : memref<10112x128xf32, #tpu.memory_space<hbm>> -> memref<10112x128xf32, #tpu.memory_space<hbm>>
      tpu.wait_indirect_dma semaphore(%arg12 : memref<!tpu.dma_semaphore, #tpu.memory_space<semaphore_mem>>) src(%dma_wait3A_83 : memref<10112x128xf32, #tpu.memory_space<hbm>>) dst(%arg11 : memref<128x128xf32, #tpu.memory_space<vmem>>)
      "tpu.region"() ({
        %run_scoped3A = tpu.sem_alloc : memref<!tpu.dma_semaphore, #tpu.memory_space<semaphore_mem>>
        %dma_start3A_85 = arith.constant 0 : i32
        %dma_start3A_86 = tpu.memref_slice %arg9[%add3A_57, %dma_start3A_85] : memref<40x128xi32, #tpu.memory_space<vmem>> -> memref<1x128xi32, #tpu.memory_space<vmem>>
        %dma_start3A_87 = tpu.memref_squeeze %dma_start3A_86 : memref<1x128xi32, #tpu.memory_space<vmem>> -> memref<128xi32, #tpu.memory_space<vmem>>
        %dma_start3A_88 = arith.constant 0 : i32
        %dma_start3A_89 = arith.constant 0 : i32
        %dma_start3A_90 = tpu.memref_slice %arg7[%dma_start3A_88, %dma_start3A_89] : memref<10112x128xf32, #tpu.memory_space<vmem_shared>> -> memref<10112x128xf32, #tpu.memory_space<vmem_shared>>
        tpu.enqueue_indirect_dma source(%arg11 : memref<128x128xf32, #tpu.memory_space<vmem>>) target(%dma_start3A_90 : memref<10112x128xf32, #tpu.memory_space<vmem_shared>>) offsets(%dma_start3A_87 : memref<128xi32, #tpu.memory_space<vmem>>) semaphore(%run_scoped3A : memref<!tpu.dma_semaphore, #tpu.memory_space<semaphore_mem>>) {add = true}
        %dma_wait3A_91 = arith.constant 0 : i32
        %dma_wait3A_92 = tpu.memref_slice %arg9[%add3A_57, %dma_wait3A_91] : memref<40x128xi32, #tpu.memory_space<vmem>> -> memref<1x128xi32, #tpu.memory_space<vmem>>
        %dma_wait3A_93 = tpu.memref_squeeze %dma_wait3A_92 : memref<1x128xi32, #tpu.memory_space<vmem>> -> memref<128xi32, #tpu.memory_space<vmem>>
        %dma_wait3A_94 = arith.constant 0 : i32
        %dma_wait3A_95 = arith.constant 0 : i32
        %dma_wait3A_96 = tpu.memref_slice %arg7[%dma_wait3A_94, %dma_wait3A_95] : memref<10112x128xf32, #tpu.memory_space<vmem_shared>> -> memref<10112x128xf32, #tpu.memory_space<vmem_shared>>
        tpu.wait_indirect_dma semaphore(%run_scoped3A : memref<!tpu.dma_semaphore, #tpu.memory_space<semaphore_mem>>) src(%arg11 : memref<128x128xf32, #tpu.memory_space<vmem>>) dst(%dma_wait3A_96 : memref<10112x128xf32, #tpu.memory_space<vmem_shared>>)
        tpu.yield
      }) : () -> ()
      %scan3A_84 = arith.constant 0 : i32
      scf.yield %scan3A_84 : i32
    }
    %scan3A_20 = arith.constant 20 : i32
    %mul3A_21 = arith.constant 80 : i32
    %mul3A_22 = arith.muli %add3A, %mul3A_21 : i32
    %add3A_23 = arith.constant 40 : i32
    %add3A_24 = arith.addi %mul3A_22, %add3A_23 : i32
    "tpu.region"() ({
      %run_scoped3A = tpu.sem_alloc : memref<!tpu.dma_semaphore, #tpu.memory_space<semaphore_mem>>
      %dma_start3A_46 = arith.constant 0 : i32
      %dma_start3A_47 = tpu.memref_slice %arg3[%add3A_24, %dma_start3A_46] : memref<2560x128xi32, #tpu.memory_space<hbm>> -> memref<40x128xi32, #tpu.memory_space<hbm>>
      %dma_start3A_48 = arith.constant 0 : i32
      %dma_start3A_49 = tpu.memref_slice %arg3[%add3A_24, %dma_start3A_48] : memref<2560x128xi32, #tpu.memory_space<hbm>> -> memref<40x128xi32, #tpu.memory_space<hbm>>
      tpu.enqueue_dma source(%dma_start3A_49 : memref<40x128xi32, #tpu.memory_space<hbm>>) target(%arg9 : memref<40x128xi32, #tpu.memory_space<vmem>>) target_semaphore(%run_scoped3A : memref<!tpu.dma_semaphore, #tpu.memory_space<semaphore_mem>>)
      %dma_wait3A_50 = arith.constant 0 : i32
      %dma_wait3A_51 = tpu.memref_slice %arg3[%add3A_24, %dma_wait3A_50] : memref<2560x128xi32, #tpu.memory_space<hbm>> -> memref<40x128xi32, #tpu.memory_space<hbm>>
      %dma_wait3A_52 = arith.constant 0 : i32
      %dma_wait3A_53 = tpu.memref_slice %arg3[%add3A_24, %dma_wait3A_52] : memref<2560x128xi32, #tpu.memory_space<hbm>> -> memref<40x128xi32, #tpu.memory_space<hbm>>
      tpu.wait_dma2 semaphore(%run_scoped3A : memref<!tpu.dma_semaphore, #tpu.memory_space<semaphore_mem>>) src(%dma_wait3A_53 : memref<40x128xi32, #tpu.memory_space<hbm>>) dst(%arg9 : memref<40x128xi32, #tpu.memory_space<vmem>>)
      tpu.yield
    }) : () -> ()
    %scan3A_25 = arith.constant 0 : i32
    %scan3A_26 = arith.constant 0 : i32
    %scan3A_27 = arith.constant 20 : i32
    %scan3A_28 = arith.addi %scan3A_26, %scan3A_27 : i32
    %scan3A_29 = arith.constant 1 : i32
    %scan3A_30 = scf.for %scan3A_46 = %scan3A_26 to %scan3A_28 step %scan3A_29 iter_args(%scan3A_47 = %scan3A_25) -> (i32)  : i32 {
      %mul3A_48 = arith.constant 2 : i32
      %mul3A_49 = arith.muli %mul3A_48, %scan3A_46 : i32
      %add3A_50 = arith.constant 40 : i32
      %add3A_51 = arith.addi %add3A_50, %mul3A_49 : i32
      %add3A_52 = arith.constant 1 : i32
      %add3A_53 = arith.addi %add3A_51, %add3A_52 : i32
      %mul3A_54 = arith.constant 2 : i32
      %mul3A_55 = arith.muli %mul3A_54, %scan3A_46 : i32
      %add3A_56 = arith.constant 1 : i32
      %add3A_57 = arith.addi %mul3A_55, %add3A_56 : i32
      %dma_start3A_58 = arith.constant 0 : i32
      %dma_start3A_59 = tpu.memref_slice %arg8[%add3A_53, %dma_start3A_58] : memref<88x128xi32, #tpu.memory_space<vmem>> -> memref<1x128xi32, #tpu.memory_space<vmem>>
      %dma_start3A_60 = tpu.memref_squeeze %dma_start3A_59 : memref<1x128xi32, #tpu.memory_space<vmem>> -> memref<128xi32, #tpu.memory_space<vmem>>
      %dma_start3A_61 = arith.constant 0 : i32
      %dma_start3A_62 = arith.constant 0 : i32
      %dma_start3A_63 = tpu.memref_slice %arg4[%dma_start3A_61, %dma_start3A_62] : memref<10112x128xf32, #tpu.memory_space<hbm>> -> memref<10112x128xf32, #tpu.memory_space<hbm>>
      tpu.enqueue_indirect_dma source(%dma_start3A_63 : memref<10112x128xf32, #tpu.memory_space<hbm>>) target(%arg11 : memref<128x128xf32, #tpu.memory_space<vmem>>) offsets(%dma_start3A_60 : memref<128xi32, #tpu.memory_space<vmem>>) semaphore(%arg12 : memref<!tpu.dma_semaphore, #tpu.memory_space<semaphore_mem>>)
      %dma_wait3A_64 = arith.constant 0 : i32
      %dma_wait3A_65 = tpu.memref_slice %arg8[%add3A_51, %dma_wait3A_64] : memref<88x128xi32, #tpu.memory_space<vmem>> -> memref<1x128xi32, #tpu.memory_space<vmem>>
      %dma_wait3A_66 = tpu.memref_squeeze %dma_wait3A_65 : memref<1x128xi32, #tpu.memory_space<vmem>> -> memref<128xi32, #tpu.memory_space<vmem>>
      %dma_wait3A_67 = arith.constant 0 : i32
      %dma_wait3A_68 = arith.constant 0 : i32
      %dma_wait3A_69 = tpu.memref_slice %arg4[%dma_wait3A_67, %dma_wait3A_68] : memref<10112x128xf32, #tpu.memory_space<hbm>> -> memref<10112x128xf32, #tpu.memory_space<hbm>>
      tpu.wait_indirect_dma semaphore(%arg12 : memref<!tpu.dma_semaphore, #tpu.memory_space<semaphore_mem>>) src(%dma_wait3A_69 : memref<10112x128xf32, #tpu.memory_space<hbm>>) dst(%arg10 : memref<128x128xf32, #tpu.memory_space<vmem>>)
      "tpu.region"() ({
        %run_scoped3A = tpu.sem_alloc : memref<!tpu.dma_semaphore, #tpu.memory_space<semaphore_mem>>
        %dma_start3A_85 = arith.constant 0 : i32
        %dma_start3A_86 = tpu.memref_slice %arg9[%mul3A_55, %dma_start3A_85] : memref<40x128xi32, #tpu.memory_space<vmem>> -> memref<1x128xi32, #tpu.memory_space<vmem>>
        %dma_start3A_87 = tpu.memref_squeeze %dma_start3A_86 : memref<1x128xi32, #tpu.memory_space<vmem>> -> memref<128xi32, #tpu.memory_space<vmem>>
        %dma_start3A_88 = arith.constant 0 : i32
        %dma_start3A_89 = arith.constant 0 : i32
        %dma_start3A_90 = tpu.memref_slice %arg7[%dma_start3A_88, %dma_start3A_89] : memref<10112x128xf32, #tpu.memory_space<vmem_shared>> -> memref<10112x128xf32, #tpu.memory_space<vmem_shared>>
        tpu.enqueue_indirect_dma source(%arg10 : memref<128x128xf32, #tpu.memory_space<vmem>>) target(%dma_start3A_90 : memref<10112x128xf32, #tpu.memory_space<vmem_shared>>) offsets(%dma_start3A_87 : memref<128xi32, #tpu.memory_space<vmem>>) semaphore(%run_scoped3A : memref<!tpu.dma_semaphore, #tpu.memory_space<semaphore_mem>>) {add = true}
        %dma_wait3A_91 = arith.constant 0 : i32
        %dma_wait3A_92 = tpu.memref_slice %arg9[%mul3A_55, %dma_wait3A_91] : memref<40x128xi32, #tpu.memory_space<vmem>> -> memref<1x128xi32, #tpu.memory_space<vmem>>
        %dma_wait3A_93 = tpu.memref_squeeze %dma_wait3A_92 : memref<1x128xi32, #tpu.memory_space<vmem>> -> memref<128xi32, #tpu.memory_space<vmem>>
        %dma_wait3A_94 = arith.constant 0 : i32
        %dma_wait3A_95 = arith.constant 0 : i32
        %dma_wait3A_96 = tpu.memref_slice %arg7[%dma_wait3A_94, %dma_wait3A_95] : memref<10112x128xf32, #tpu.memory_space<vmem_shared>> -> memref<10112x128xf32, #tpu.memory_space<vmem_shared>>
        tpu.wait_indirect_dma semaphore(%run_scoped3A : memref<!tpu.dma_semaphore, #tpu.memory_space<semaphore_mem>>) src(%arg10 : memref<128x128xf32, #tpu.memory_space<vmem>>) dst(%dma_wait3A_96 : memref<10112x128xf32, #tpu.memory_space<vmem_shared>>)
        tpu.yield
      }) : () -> ()
      %add3A_70 = arith.constant 1 : i32
      %add3A_71 = arith.addi %add3A_53, %add3A_70 : i32
      %dma_start3A_72 = arith.constant 0 : i32
      %dma_start3A_73 = tpu.memref_slice %arg8[%add3A_71, %dma_start3A_72] : memref<88x128xi32, #tpu.memory_space<vmem>> -> memref<1x128xi32, #tpu.memory_space<vmem>>
      %dma_start3A_74 = tpu.memref_squeeze %dma_start3A_73 : memref<1x128xi32, #tpu.memory_space<vmem>> -> memref<128xi32, #tpu.memory_space<vmem>>
      %dma_start3A_75 = arith.constant 0 : i32
      %dma_start3A_76 = arith.constant 0 : i32
      %dma_start3A_77 = tpu.memref_slice %arg4[%dma_start3A_75, %dma_start3A_76] : memref<10112x128xf32, #tpu.memory_space<hbm>> -> memref<10112x128xf32, #tpu.memory_space<hbm>>
      tpu.enqueue_indirect_dma source(%dma_start3A_77 : memref<10112x128xf32, #tpu.memory_space<hbm>>) target(%arg10 : memref<128x128xf32, #tpu.memory_space<vmem>>) offsets(%dma_start3A_74 : memref<128xi32, #tpu.memory_space<vmem>>) semaphore(%arg12 : memref<!tpu.dma_semaphore, #tpu.memory_space<semaphore_mem>>)
      %dma_wait3A_78 = arith.constant 0 : i32
      %dma_wait3A_79 = tpu.memref_slice %arg8[%add3A_53, %dma_wait3A_78] : memref<88x128xi32, #tpu.memory_space<vmem>> -> memref<1x128xi32, #tpu.memory_space<vmem>>
      %dma_wait3A_80 = tpu.memref_squeeze %dma_wait3A_79 : memref<1x128xi32, #tpu.memory_space<vmem>> -> memref<128xi32, #tpu.memory_space<vmem>>
      %dma_wait3A_81 = arith.constant 0 : i32
      %dma_wait3A_82 = arith.constant 0 : i32
      %dma_wait3A_83 = tpu.memref_slice %arg4[%dma_wait3A_81, %dma_wait3A_82] : memref<10112x128xf32, #tpu.memory_space<hbm>> -> memref<10112x128xf32, #tpu.memory_space<hbm>>
      tpu.wait_indirect_dma semaphore(%arg12 : memref<!tpu.dma_semaphore, #tpu.memory_space<semaphore_mem>>) src(%dma_wait3A_83 : memref<10112x128xf32, #tpu.memory_space<hbm>>) dst(%arg11 : memref<128x128xf32, #tpu.memory_space<vmem>>)
      "tpu.region"() ({
        %run_scoped3A = tpu.sem_alloc : memref<!tpu.dma_semaphore, #tpu.memory_space<semaphore_mem>>
        %dma_start3A_85 = arith.constant 0 : i32
        %dma_start3A_86 = tpu.memref_slice %arg9[%add3A_57, %dma_start3A_85] : memref<40x128xi32, #tpu.memory_space<vmem>> -> memref<1x128xi32, #tpu.memory_space<vmem>>
        %dma_start3A_87 = tpu.memref_squeeze %dma_start3A_86 : memref<1x128xi32, #tpu.memory_space<vmem>> -> memref<128xi32, #tpu.memory_space<vmem>>
        %dma_start3A_88 = arith.constant 0 : i32
        %dma_start3A_89 = arith.constant 0 : i32
        %dma_start3A_90 = tpu.memref_slice %arg7[%dma_start3A_88, %dma_start3A_89] : memref<10112x128xf32, #tpu.memory_space<vmem_shared>> -> memref<10112x128xf32, #tpu.memory_space<vmem_shared>>
        tpu.enqueue_indirect_dma source(%arg11 : memref<128x128xf32, #tpu.memory_space<vmem>>) target(%dma_start3A_90 : memref<10112x128xf32, #tpu.memory_space<vmem_shared>>) offsets(%dma_start3A_87 : memref<128xi32, #tpu.memory_space<vmem>>) semaphore(%run_scoped3A : memref<!tpu.dma_semaphore, #tpu.memory_space<semaphore_mem>>) {add = true}
        %dma_wait3A_91 = arith.constant 0 : i32
        %dma_wait3A_92 = tpu.memref_slice %arg9[%add3A_57, %dma_wait3A_91] : memref<40x128xi32, #tpu.memory_space<vmem>> -> memref<1x128xi32, #tpu.memory_space<vmem>>
        %dma_wait3A_93 = tpu.memref_squeeze %dma_wait3A_92 : memref<1x128xi32, #tpu.memory_space<vmem>> -> memref<128xi32, #tpu.memory_space<vmem>>
        %dma_wait3A_94 = arith.constant 0 : i32
        %dma_wait3A_95 = arith.constant 0 : i32
        %dma_wait3A_96 = tpu.memref_slice %arg7[%dma_wait3A_94, %dma_wait3A_95] : memref<10112x128xf32, #tpu.memory_space<vmem_shared>> -> memref<10112x128xf32, #tpu.memory_space<vmem_shared>>
        tpu.wait_indirect_dma semaphore(%run_scoped3A : memref<!tpu.dma_semaphore, #tpu.memory_space<semaphore_mem>>) src(%arg11 : memref<128x128xf32, #tpu.memory_space<vmem>>) dst(%dma_wait3A_96 : memref<10112x128xf32, #tpu.memory_space<vmem_shared>>)
        tpu.yield
      }) : () -> ()
      %scan3A_84 = arith.constant 0 : i32
      scf.yield %scan3A_84 : i32
    }
    %scan3A_31 = arith.constant 20 : i32
    %dma_wait3A = arith.constant 80 : i32
    %dma_wait3A_32 = arith.constant 0 : i32
    %dma_wait3A_33 = tpu.memref_slice %arg8[%dma_wait3A, %dma_wait3A_32] : memref<88x128xi32, #tpu.memory_space<vmem>> -> memref<1x128xi32, #tpu.memory_space<vmem>>
    %dma_wait3A_34 = tpu.memref_squeeze %dma_wait3A_33 : memref<1x128xi32, #tpu.memory_space<vmem>> -> memref<128xi32, #tpu.memory_space<vmem>>
    %dma_wait3A_35 = arith.constant 0 : i32
    %dma_wait3A_36 = arith.constant 0 : i32
    %dma_wait3A_37 = tpu.memref_slice %arg4[%dma_wait3A_35, %dma_wait3A_36] : memref<10112x128xf32, #tpu.memory_space<hbm>> -> memref<10112x128xf32, #tpu.memory_space<hbm>>
    tpu.wait_indirect_dma semaphore(%arg12 : memref<!tpu.dma_semaphore, #tpu.memory_space<semaphore_mem>>) src(%dma_wait3A_37 : memref<10112x128xf32, #tpu.memory_space<hbm>>) dst(%arg10 : memref<128x128xf32, #tpu.memory_space<vmem>>)
    %barrier3A_38 = arith.constant 0 : index
    tpu.barrier barrier_id(%barrier3A_38)
    %mul3A_39 = arith.constant 632 : i32
    %mul3A_40 = arith.muli %arg1, %mul3A_39 : i32
    %mul3A_41 = arith.constant 10112 : i32
    %mul3A_42 = arith.muli %arg0, %mul3A_41 : i32
    %mul3A_43 = arith.constant 632 : i32
    %mul3A_44 = arith.muli %arg1, %mul3A_43 : i32
    %add3A_45 = arith.addi %mul3A_42, %mul3A_44 : i32
    "tpu.region"() ({
      %run_scoped3A = tpu.sem_alloc : memref<!tpu.dma_semaphore, #tpu.memory_space<semaphore_mem>>
      %dma_start3A_46 = arith.constant 0 : i32
      %dma_start3A_47 = tpu.memref_slice %arg6[%add3A_45, %dma_start3A_46] : memref<20224x128xf32, #tpu.memory_space<hbm>> -> memref<632x128xf32, #tpu.memory_space<hbm>>
      %dma_start3A_48 = arith.constant 0 : i32
      %dma_start3A_49 = tpu.memref_slice %arg7[%mul3A_40, %dma_start3A_48] : memref<10112x128xf32, #tpu.memory_space<vmem_shared>> -> memref<632x128xf32, #tpu.memory_space<vmem_shared>>
      tpu.enqueue_dma source(%dma_start3A_49 : memref<632x128xf32, #tpu.memory_space<vmem_shared>>) target(%dma_start3A_47 : memref<632x128xf32, #tpu.memory_space<hbm>>) target_semaphore(%run_scoped3A : memref<!tpu.dma_semaphore, #tpu.memory_space<semaphore_mem>>)
      %dma_wait3A_50 = arith.constant 0 : i32
      %dma_wait3A_51 = tpu.memref_slice %arg6[%add3A_45, %dma_wait3A_50] : memref<20224x128xf32, #tpu.memory_space<hbm>> -> memref<632x128xf32, #tpu.memory_space<hbm>>
      %dma_wait3A_52 = arith.constant 0 : i32
      %dma_wait3A_53 = tpu.memref_slice %arg7[%mul3A_40, %dma_wait3A_52] : memref<10112x128xf32, #tpu.memory_space<vmem_shared>> -> memref<632x128xf32, #tpu.memory_space<vmem_shared>>
      tpu.wait_dma2 semaphore(%run_scoped3A : memref<!tpu.dma_semaphore, #tpu.memory_space<semaphore_mem>>) src(%dma_wait3A_53 : memref<632x128xf32, #tpu.memory_space<vmem_shared>>) dst(%dma_wait3A_51 : memref<632x128xf32, #tpu.memory_space<hbm>>)
      tpu.yield
    }) : () -> ()
    return
  }
}

#map = affine_map<(d0, d1) -> (0, 0)>
module attributes {stable_mosaic.version = 14 : i64} {
  func.func @_deg_kernel(%arg0: i32, %arg1: i32, %arg2: memref<5120x128xi32, #tpu.memory_space<hbm>>, %arg3: memref<632x128xf32, #tpu.memory_space<hbm>>, %arg4: memref<128x128xf32, #tpu.memory_space<hbm>>, %arg5: memref<20224x128xf32, #tpu.memory_space<hbm>>, %arg6: memref<10112x128xf32, #tpu.memory_space<vmem_shared>>, %arg7: memref<160x128xi32, #tpu.memory_space<vmem>>, %arg8: memref<128x128xf32, #tpu.memory_space<vmem>>) attributes {dimension_semantics = [#tpu.dimension_semantics<core_parallel>, #tpu.dimension_semantics<subcore_parallel>], iteration_bounds = array<i64: 2, 16>, scalar_prefetch = 0 : i64, scratch_operands = 3 : i64, tpu.core_type = #tpu.core_type<sc_vector_subcore>, window_params = [{transform_indices = #map}, {transform_indices = #map}, {transform_indices = #map}, {transform_indices = #map}]} {
    "tpu.region"() ({
      %run_scoped3A = tpu.sem_alloc : memref<!tpu.dma_semaphore, #tpu.memory_space<semaphore_mem>>
      tpu.enqueue_dma source(%arg4 : memref<128x128xf32, #tpu.memory_space<hbm>>) target(%arg8 : memref<128x128xf32, #tpu.memory_space<vmem>>) target_semaphore(%run_scoped3A : memref<!tpu.dma_semaphore, #tpu.memory_space<semaphore_mem>>)
      tpu.wait_dma2 semaphore(%run_scoped3A : memref<!tpu.dma_semaphore, #tpu.memory_space<semaphore_mem>>) src(%arg4 : memref<128x128xf32, #tpu.memory_space<hbm>>) dst(%arg8 : memref<128x128xf32, #tpu.memory_space<vmem>>)
      tpu.yield
    }) : () -> ()
    %mul3A = arith.constant 632 : i32
    %mul3A_0 = arith.muli %arg1, %mul3A : i32
    "tpu.region"() ({
      %run_scoped3A = tpu.sem_alloc : memref<!tpu.dma_semaphore, #tpu.memory_space<semaphore_mem>>
      %dma_start3A = arith.constant 0 : i32
      %dma_start3A_19 = tpu.memref_slice %arg6[%mul3A_0, %dma_start3A] : memref<10112x128xf32, #tpu.memory_space<vmem_shared>> -> memref<632x128xf32, #tpu.memory_space<vmem_shared>>
      tpu.enqueue_dma source(%arg3 : memref<632x128xf32, #tpu.memory_space<hbm>>) target(%dma_start3A_19 : memref<632x128xf32, #tpu.memory_space<vmem_shared>>) target_semaphore(%run_scoped3A : memref<!tpu.dma_semaphore, #tpu.memory_space<semaphore_mem>>)
      %dma_wait3A = arith.constant 0 : i32
      %dma_wait3A_20 = tpu.memref_slice %arg6[%mul3A_0, %dma_wait3A] : memref<10112x128xf32, #tpu.memory_space<vmem_shared>> -> memref<632x128xf32, #tpu.memory_space<vmem_shared>>
      tpu.wait_dma2 semaphore(%run_scoped3A : memref<!tpu.dma_semaphore, #tpu.memory_space<semaphore_mem>>) src(%arg3 : memref<632x128xf32, #tpu.memory_space<hbm>>) dst(%dma_wait3A_20 : memref<632x128xf32, #tpu.memory_space<vmem_shared>>)
      tpu.yield
    }) : () -> ()
    %barrier3A = arith.constant 0 : index
    tpu.barrier barrier_id(%barrier3A)
    %mul3A_1 = arith.constant 2560 : i32
    %mul3A_2 = arith.muli %arg0, %mul3A_1 : i32
    %mul3A_3 = arith.constant 160 : i32
    %mul3A_4 = arith.muli %arg1, %mul3A_3 : i32
    %add3A = arith.addi %mul3A_2, %mul3A_4 : i32
    "tpu.region"() ({
      %run_scoped3A = tpu.sem_alloc : memref<!tpu.dma_semaphore, #tpu.memory_space<semaphore_mem>>
      %dma_start3A = arith.constant 0 : i32
      %dma_start3A_19 = tpu.memref_slice %arg2[%add3A, %dma_start3A] : memref<5120x128xi32, #tpu.memory_space<hbm>> -> memref<160x128xi32, #tpu.memory_space<hbm>>
      %dma_start3A_20 = arith.constant 0 : i32
      %dma_start3A_21 = tpu.memref_slice %arg2[%add3A, %dma_start3A_20] : memref<5120x128xi32, #tpu.memory_space<hbm>> -> memref<160x128xi32, #tpu.memory_space<hbm>>
      tpu.enqueue_dma source(%dma_start3A_21 : memref<160x128xi32, #tpu.memory_space<hbm>>) target(%arg7 : memref<160x128xi32, #tpu.memory_space<vmem>>) target_semaphore(%run_scoped3A : memref<!tpu.dma_semaphore, #tpu.memory_space<semaphore_mem>>)
      %dma_wait3A = arith.constant 0 : i32
      %dma_wait3A_22 = tpu.memref_slice %arg2[%add3A, %dma_wait3A] : memref<5120x128xi32, #tpu.memory_space<hbm>> -> memref<160x128xi32, #tpu.memory_space<hbm>>
      %dma_wait3A_23 = arith.constant 0 : i32
      %dma_wait3A_24 = tpu.memref_slice %arg2[%add3A, %dma_wait3A_23] : memref<5120x128xi32, #tpu.memory_space<hbm>> -> memref<160x128xi32, #tpu.memory_space<hbm>>
      tpu.wait_dma2 semaphore(%run_scoped3A : memref<!tpu.dma_semaphore, #tpu.memory_space<semaphore_mem>>) src(%dma_wait3A_24 : memref<160x128xi32, #tpu.memory_space<hbm>>) dst(%arg7 : memref<160x128xi32, #tpu.memory_space<vmem>>)
      tpu.yield
    }) : () -> ()
    %scan3A = arith.constant 0 : i32
    %scan3A_5 = arith.constant 0 : i32
    %scan3A_6 = arith.constant 160 : i32
    %scan3A_7 = arith.addi %scan3A_5, %scan3A_6 : i32
    %scan3A_8 = arith.constant 1 : i32
    %scan3A_9 = scf.for %scan3A_19 = %scan3A_5 to %scan3A_7 step %scan3A_8 iter_args(%scan3A_20 = %scan3A) -> (i32)  : i32 {
      "tpu.region"() ({
        %run_scoped3A = tpu.sem_alloc : memref<!tpu.dma_semaphore, #tpu.memory_space<semaphore_mem>>
        %dma_start3A = arith.constant 0 : i32
        %dma_start3A_22 = tpu.memref_slice %arg7[%scan3A_19, %dma_start3A] : memref<160x128xi32, #tpu.memory_space<vmem>> -> memref<1x128xi32, #tpu.memory_space<vmem>>
        %dma_start3A_23 = tpu.memref_squeeze %dma_start3A_22 : memref<1x128xi32, #tpu.memory_space<vmem>> -> memref<128xi32, #tpu.memory_space<vmem>>
        %dma_start3A_24 = arith.constant 0 : i32
        %dma_start3A_25 = arith.constant 0 : i32
        %dma_start3A_26 = tpu.memref_slice %arg6[%dma_start3A_24, %dma_start3A_25] : memref<10112x128xf32, #tpu.memory_space<vmem_shared>> -> memref<10112x128xf32, #tpu.memory_space<vmem_shared>>
        tpu.enqueue_indirect_dma source(%arg8 : memref<128x128xf32, #tpu.memory_space<vmem>>) target(%dma_start3A_26 : memref<10112x128xf32, #tpu.memory_space<vmem_shared>>) offsets(%dma_start3A_23 : memref<128xi32, #tpu.memory_space<vmem>>) semaphore(%run_scoped3A : memref<!tpu.dma_semaphore, #tpu.memory_space<semaphore_mem>>) {add = true}
        %dma_wait3A = arith.constant 0 : i32
        %dma_wait3A_27 = tpu.memref_slice %arg7[%scan3A_19, %dma_wait3A] : memref<160x128xi32, #tpu.memory_space<vmem>> -> memref<1x128xi32, #tpu.memory_space<vmem>>
        %dma_wait3A_28 = tpu.memref_squeeze %dma_wait3A_27 : memref<1x128xi32, #tpu.memory_space<vmem>> -> memref<128xi32, #tpu.memory_space<vmem>>
        %dma_wait3A_29 = arith.constant 0 : i32
        %dma_wait3A_30 = arith.constant 0 : i32
        %dma_wait3A_31 = tpu.memref_slice %arg6[%dma_wait3A_29, %dma_wait3A_30] : memref<10112x128xf32, #tpu.memory_space<vmem_shared>> -> memref<10112x128xf32, #tpu.memory_space<vmem_shared>>
        tpu.wait_indirect_dma semaphore(%run_scoped3A : memref<!tpu.dma_semaphore, #tpu.memory_space<semaphore_mem>>) src(%arg8 : memref<128x128xf32, #tpu.memory_space<vmem>>) dst(%dma_wait3A_31 : memref<10112x128xf32, #tpu.memory_space<vmem_shared>>)
        tpu.yield
      }) : () -> ()
      %scan3A_21 = arith.constant 0 : i32
      scf.yield %scan3A_21 : i32
    }
    %scan3A_10 = arith.constant 160 : i32
    %barrier3A_11 = arith.constant 0 : index
    tpu.barrier barrier_id(%barrier3A_11)
    %mul3A_12 = arith.constant 632 : i32
    %mul3A_13 = arith.muli %arg1, %mul3A_12 : i32
    %mul3A_14 = arith.constant 10112 : i32
    %mul3A_15 = arith.muli %arg0, %mul3A_14 : i32
    %mul3A_16 = arith.constant 632 : i32
    %mul3A_17 = arith.muli %arg1, %mul3A_16 : i32
    %add3A_18 = arith.addi %mul3A_15, %mul3A_17 : i32
    "tpu.region"() ({
      %run_scoped3A = tpu.sem_alloc : memref<!tpu.dma_semaphore, #tpu.memory_space<semaphore_mem>>
      %dma_start3A = arith.constant 0 : i32
      %dma_start3A_19 = tpu.memref_slice %arg5[%add3A_18, %dma_start3A] : memref<20224x128xf32, #tpu.memory_space<hbm>> -> memref<632x128xf32, #tpu.memory_space<hbm>>
      %dma_start3A_20 = arith.constant 0 : i32
      %dma_start3A_21 = tpu.memref_slice %arg6[%mul3A_13, %dma_start3A_20] : memref<10112x128xf32, #tpu.memory_space<vmem_shared>> -> memref<632x128xf32, #tpu.memory_space<vmem_shared>>
      tpu.enqueue_dma source(%dma_start3A_21 : memref<632x128xf32, #tpu.memory_space<vmem_shared>>) target(%dma_start3A_19 : memref<632x128xf32, #tpu.memory_space<hbm>>) target_semaphore(%run_scoped3A : memref<!tpu.dma_semaphore, #tpu.memory_space<semaphore_mem>>)
      %dma_wait3A = arith.constant 0 : i32
      %dma_wait3A_22 = tpu.memref_slice %arg5[%add3A_18, %dma_wait3A] : memref<20224x128xf32, #tpu.memory_space<hbm>> -> memref<632x128xf32, #tpu.memory_space<hbm>>
      %dma_wait3A_23 = arith.constant 0 : i32
      %dma_wait3A_24 = tpu.memref_slice %arg6[%mul3A_13, %dma_wait3A_23] : memref<10112x128xf32, #tpu.memory_space<vmem_shared>> -> memref<632x128xf32, #tpu.memory_space<vmem_shared>>
      tpu.wait_dma2 semaphore(%run_scoped3A : memref<!tpu.dma_semaphore, #tpu.memory_space<semaphore_mem>>) src(%dma_wait3A_24 : memref<632x128xf32, #tpu.memory_space<vmem_shared>>) dst(%dma_wait3A_22 : memref<632x128xf32, #tpu.memory_space<hbm>>)
      tpu.yield
    }) : () -> ()
    return
  }
}

#map = affine_map<(d0, d1) -> (0, 0)>
module attributes {stable_mosaic.version = 14 : i64} {
  func.func @_agg1_kernel(%arg0: i32, %arg1: i32, %arg2: memref<2816x128xi32, #tpu.memory_space<hbm>>, %arg3: memref<2560x128xi32, #tpu.memory_space<hbm>>, %arg4: memref<10112x128xf32, #tpu.memory_space<hbm>>, %arg5: memref<632x128xf32, #tpu.memory_space<hbm>>, %arg6: memref<20224x128xf32, #tpu.memory_space<hbm>>, %arg7: memref<10112x128xf32, #tpu.memory_space<vmem_shared>>, %arg8: memref<88x128xi32, #tpu.memory_space<vmem>>, %arg9: memref<40x128xi32, #tpu.memory_space<vmem>>, %arg10: memref<128x128xf32, #tpu.memory_space<vmem>>, %arg11: memref<128x128xf32, #tpu.memory_space<vmem>>, %arg12: memref<!tpu.dma_semaphore, #tpu.memory_space<semaphore_mem>>) attributes {dimension_semantics = [#tpu.dimension_semantics<core_parallel>, #tpu.dimension_semantics<subcore_parallel>], iteration_bounds = array<i64: 2, 16>, scalar_prefetch = 0 : i64, scratch_operands = 6 : i64, tpu.core_type = #tpu.core_type<sc_vector_subcore>, window_params = [{transform_indices = #map}, {transform_indices = #map}, {transform_indices = #map}, {transform_indices = #map}, {transform_indices = #map}]} {
    %mul3A = arith.constant 16 : i32
    %mul3A_0 = arith.muli %arg0, %mul3A : i32
    %add3A = arith.addi %mul3A_0, %arg1 : i32
    %mul3A_1 = arith.constant 632 : i32
    %mul3A_2 = arith.muli %arg1, %mul3A_1 : i32
    "tpu.region"() ({
      %run_scoped3A = tpu.sem_alloc : memref<!tpu.dma_semaphore, #tpu.memory_space<semaphore_mem>>
      %dma_start3A_46 = arith.constant 0 : i32
      %dma_start3A_47 = tpu.memref_slice %arg7[%mul3A_2, %dma_start3A_46] : memref<10112x128xf32, #tpu.memory_space<vmem_shared>> -> memref<632x128xf32, #tpu.memory_space<vmem_shared>>
      tpu.enqueue_dma source(%arg5 : memref<632x128xf32, #tpu.memory_space<hbm>>) target(%dma_start3A_47 : memref<632x128xf32, #tpu.memory_space<vmem_shared>>) target_semaphore(%run_scoped3A : memref<!tpu.dma_semaphore, #tpu.memory_space<semaphore_mem>>)
      %dma_wait3A_48 = arith.constant 0 : i32
      %dma_wait3A_49 = tpu.memref_slice %arg7[%mul3A_2, %dma_wait3A_48] : memref<10112x128xf32, #tpu.memory_space<vmem_shared>> -> memref<632x128xf32, #tpu.memory_space<vmem_shared>>
      tpu.wait_dma2 semaphore(%run_scoped3A : memref<!tpu.dma_semaphore, #tpu.memory_space<semaphore_mem>>) src(%arg5 : memref<632x128xf32, #tpu.memory_space<hbm>>) dst(%dma_wait3A_49 : memref<632x128xf32, #tpu.memory_space<vmem_shared>>)
      tpu.yield
    }) : () -> ()
    %mul3A_3 = arith.constant 88 : i32
    %mul3A_4 = arith.muli %add3A, %mul3A_3 : i32
    "tpu.region"() ({
      %run_scoped3A = tpu.sem_alloc : memref<!tpu.dma_semaphore, #tpu.memory_space<semaphore_mem>>
      %dma_start3A_46 = arith.constant 0 : i32
      %dma_start3A_47 = tpu.memref_slice %arg2[%mul3A_4, %dma_start3A_46] : memref<2816x128xi32, #tpu.memory_space<hbm>> -> memref<88x128xi32, #tpu.memory_space<hbm>>
      %dma_start3A_48 = arith.constant 0 : i32
      %dma_start3A_49 = tpu.memref_slice %arg2[%mul3A_4, %dma_start3A_48] : memref<2816x128xi32, #tpu.memory_space<hbm>> -> memref<88x128xi32, #tpu.memory_space<hbm>>
      tpu.enqueue_dma source(%dma_start3A_49 : memref<88x128xi32, #tpu.memory_space<hbm>>) target(%arg8 : memref<88x128xi32, #tpu.memory_space<vmem>>) target_semaphore(%run_scoped3A : memref<!tpu.dma_semaphore, #tpu.memory_space<semaphore_mem>>)
      %dma_wait3A_50 = arith.constant 0 : i32
      %dma_wait3A_51 = tpu.memref_slice %arg2[%mul3A_4, %dma_wait3A_50] : memref<2816x128xi32, #tpu.memory_space<hbm>> -> memref<88x128xi32, #tpu.memory_space<hbm>>
      %dma_wait3A_52 = arith.constant 0 : i32
      %dma_wait3A_53 = tpu.memref_slice %arg2[%mul3A_4, %dma_wait3A_52] : memref<2816x128xi32, #tpu.memory_space<hbm>> -> memref<88x128xi32, #tpu.memory_space<hbm>>
      tpu.wait_dma2 semaphore(%run_scoped3A : memref<!tpu.dma_semaphore, #tpu.memory_space<semaphore_mem>>) src(%dma_wait3A_53 : memref<88x128xi32, #tpu.memory_space<hbm>>) dst(%arg8 : memref<88x128xi32, #tpu.memory_space<vmem>>)
      tpu.yield
    }) : () -> ()
    %barrier3A = arith.constant 0 : index
    tpu.barrier barrier_id(%barrier3A)
    %dma_start3A = arith.constant 0 : i32
    %dma_start3A_5 = arith.constant 0 : i32
    %dma_start3A_6 = tpu.memref_slice %arg8[%dma_start3A, %dma_start3A_5] : memref<88x128xi32, #tpu.memory_space<vmem>> -> memref<1x128xi32, #tpu.memory_space<vmem>>
    %dma_start3A_7 = tpu.memref_squeeze %dma_start3A_6 : memref<1x128xi32, #tpu.memory_space<vmem>> -> memref<128xi32, #tpu.memory_space<vmem>>
    %dma_start3A_8 = arith.constant 0 : i32
    %dma_start3A_9 = arith.constant 0 : i32
    %dma_start3A_10 = tpu.memref_slice %arg4[%dma_start3A_8, %dma_start3A_9] : memref<10112x128xf32, #tpu.memory_space<hbm>> -> memref<10112x128xf32, #tpu.memory_space<hbm>>
    tpu.enqueue_indirect_dma source(%dma_start3A_10 : memref<10112x128xf32, #tpu.memory_space<hbm>>) target(%arg10 : memref<128x128xf32, #tpu.memory_space<vmem>>) offsets(%dma_start3A_7 : memref<128xi32, #tpu.memory_space<vmem>>) semaphore(%arg12 : memref<!tpu.dma_semaphore, #tpu.memory_space<semaphore_mem>>)
    %mul3A_11 = arith.constant 80 : i32
    %mul3A_12 = arith.muli %add3A, %mul3A_11 : i32
    %add3A_13 = arith.constant 0 : i32
    %add3A_14 = arith.addi %mul3A_12, %add3A_13 : i32
    "tpu.region"() ({
      %run_scoped3A = tpu.sem_alloc : memref<!tpu.dma_semaphore, #tpu.memory_space<semaphore_mem>>
      %dma_start3A_46 = arith.constant 0 : i32
      %dma_start3A_47 = tpu.memref_slice %arg3[%add3A_14, %dma_start3A_46] : memref<2560x128xi32, #tpu.memory_space<hbm>> -> memref<40x128xi32, #tpu.memory_space<hbm>>
      %dma_start3A_48 = arith.constant 0 : i32
      %dma_start3A_49 = tpu.memref_slice %arg3[%add3A_14, %dma_start3A_48] : memref<2560x128xi32, #tpu.memory_space<hbm>> -> memref<40x128xi32, #tpu.memory_space<hbm>>
      tpu.enqueue_dma source(%dma_start3A_49 : memref<40x128xi32, #tpu.memory_space<hbm>>) target(%arg9 : memref<40x128xi32, #tpu.memory_space<vmem>>) target_semaphore(%run_scoped3A : memref<!tpu.dma_semaphore, #tpu.memory_space<semaphore_mem>>)
      %dma_wait3A_50 = arith.constant 0 : i32
      %dma_wait3A_51 = tpu.memref_slice %arg3[%add3A_14, %dma_wait3A_50] : memref<2560x128xi32, #tpu.memory_space<hbm>> -> memref<40x128xi32, #tpu.memory_space<hbm>>
      %dma_wait3A_52 = arith.constant 0 : i32
      %dma_wait3A_53 = tpu.memref_slice %arg3[%add3A_14, %dma_wait3A_52] : memref<2560x128xi32, #tpu.memory_space<hbm>> -> memref<40x128xi32, #tpu.memory_space<hbm>>
      tpu.wait_dma2 semaphore(%run_scoped3A : memref<!tpu.dma_semaphore, #tpu.memory_space<semaphore_mem>>) src(%dma_wait3A_53 : memref<40x128xi32, #tpu.memory_space<hbm>>) dst(%arg9 : memref<40x128xi32, #tpu.memory_space<vmem>>)
      tpu.yield
    }) : () -> ()
    %scan3A = arith.constant 0 : i32
    %scan3A_15 = arith.constant 0 : i32
    %scan3A_16 = arith.constant 20 : i32
    %scan3A_17 = arith.addi %scan3A_15, %scan3A_16 : i32
    %scan3A_18 = arith.constant 1 : i32
    %scan3A_19 = scf.for %scan3A_46 = %scan3A_15 to %scan3A_17 step %scan3A_18 iter_args(%scan3A_47 = %scan3A) -> (i32)  : i32 {
      %mul3A_48 = arith.constant 2 : i32
      %mul3A_49 = arith.muli %mul3A_48, %scan3A_46 : i32
      %add3A_50 = arith.constant 0 : i32
      %add3A_51 = arith.addi %add3A_50, %mul3A_49 : i32
      %add3A_52 = arith.constant 1 : i32
      %add3A_53 = arith.addi %add3A_51, %add3A_52 : i32
      %mul3A_54 = arith.constant 2 : i32
      %mul3A_55 = arith.muli %mul3A_54, %scan3A_46 : i32
      %add3A_56 = arith.constant 1 : i32
      %add3A_57 = arith.addi %mul3A_55, %add3A_56 : i32
      %dma_start3A_58 = arith.constant 0 : i32
      %dma_start3A_59 = tpu.memref_slice %arg8[%add3A_53, %dma_start3A_58] : memref<88x128xi32, #tpu.memory_space<vmem>> -> memref<1x128xi32, #tpu.memory_space<vmem>>
      %dma_start3A_60 = tpu.memref_squeeze %dma_start3A_59 : memref<1x128xi32, #tpu.memory_space<vmem>> -> memref<128xi32, #tpu.memory_space<vmem>>
      %dma_start3A_61 = arith.constant 0 : i32
      %dma_start3A_62 = arith.constant 0 : i32
      %dma_start3A_63 = tpu.memref_slice %arg4[%dma_start3A_61, %dma_start3A_62] : memref<10112x128xf32, #tpu.memory_space<hbm>> -> memref<10112x128xf32, #tpu.memory_space<hbm>>
      tpu.enqueue_indirect_dma source(%dma_start3A_63 : memref<10112x128xf32, #tpu.memory_space<hbm>>) target(%arg11 : memref<128x128xf32, #tpu.memory_space<vmem>>) offsets(%dma_start3A_60 : memref<128xi32, #tpu.memory_space<vmem>>) semaphore(%arg12 : memref<!tpu.dma_semaphore, #tpu.memory_space<semaphore_mem>>)
      %dma_wait3A_64 = arith.constant 0 : i32
      %dma_wait3A_65 = tpu.memref_slice %arg8[%add3A_51, %dma_wait3A_64] : memref<88x128xi32, #tpu.memory_space<vmem>> -> memref<1x128xi32, #tpu.memory_space<vmem>>
      %dma_wait3A_66 = tpu.memref_squeeze %dma_wait3A_65 : memref<1x128xi32, #tpu.memory_space<vmem>> -> memref<128xi32, #tpu.memory_space<vmem>>
      %dma_wait3A_67 = arith.constant 0 : i32
      %dma_wait3A_68 = arith.constant 0 : i32
      %dma_wait3A_69 = tpu.memref_slice %arg4[%dma_wait3A_67, %dma_wait3A_68] : memref<10112x128xf32, #tpu.memory_space<hbm>> -> memref<10112x128xf32, #tpu.memory_space<hbm>>
      tpu.wait_indirect_dma semaphore(%arg12 : memref<!tpu.dma_semaphore, #tpu.memory_space<semaphore_mem>>) src(%dma_wait3A_69 : memref<10112x128xf32, #tpu.memory_space<hbm>>) dst(%arg10 : memref<128x128xf32, #tpu.memory_space<vmem>>)
      "tpu.region"() ({
        %run_scoped3A = tpu.sem_alloc : memref<!tpu.dma_semaphore, #tpu.memory_space<semaphore_mem>>
        %dma_start3A_85 = arith.constant 0 : i32
        %dma_start3A_86 = tpu.memref_slice %arg9[%mul3A_55, %dma_start3A_85] : memref<40x128xi32, #tpu.memory_space<vmem>> -> memref<1x128xi32, #tpu.memory_space<vmem>>
        %dma_start3A_87 = tpu.memref_squeeze %dma_start3A_86 : memref<1x128xi32, #tpu.memory_space<vmem>> -> memref<128xi32, #tpu.memory_space<vmem>>
        %dma_start3A_88 = arith.constant 0 : i32
        %dma_start3A_89 = arith.constant 0 : i32
        %dma_start3A_90 = tpu.memref_slice %arg7[%dma_start3A_88, %dma_start3A_89] : memref<10112x128xf32, #tpu.memory_space<vmem_shared>> -> memref<10112x128xf32, #tpu.memory_space<vmem_shared>>
        tpu.enqueue_indirect_dma source(%arg10 : memref<128x128xf32, #tpu.memory_space<vmem>>) target(%dma_start3A_90 : memref<10112x128xf32, #tpu.memory_space<vmem_shared>>) offsets(%dma_start3A_87 : memref<128xi32, #tpu.memory_space<vmem>>) semaphore(%run_scoped3A : memref<!tpu.dma_semaphore, #tpu.memory_space<semaphore_mem>>) {add = true}
        %dma_wait3A_91 = arith.constant 0 : i32
        %dma_wait3A_92 = tpu.memref_slice %arg9[%mul3A_55, %dma_wait3A_91] : memref<40x128xi32, #tpu.memory_space<vmem>> -> memref<1x128xi32, #tpu.memory_space<vmem>>
        %dma_wait3A_93 = tpu.memref_squeeze %dma_wait3A_92 : memref<1x128xi32, #tpu.memory_space<vmem>> -> memref<128xi32, #tpu.memory_space<vmem>>
        %dma_wait3A_94 = arith.constant 0 : i32
        %dma_wait3A_95 = arith.constant 0 : i32
        %dma_wait3A_96 = tpu.memref_slice %arg7[%dma_wait3A_94, %dma_wait3A_95] : memref<10112x128xf32, #tpu.memory_space<vmem_shared>> -> memref<10112x128xf32, #tpu.memory_space<vmem_shared>>
        tpu.wait_indirect_dma semaphore(%run_scoped3A : memref<!tpu.dma_semaphore, #tpu.memory_space<semaphore_mem>>) src(%arg10 : memref<128x128xf32, #tpu.memory_space<vmem>>) dst(%dma_wait3A_96 : memref<10112x128xf32, #tpu.memory_space<vmem_shared>>)
        tpu.yield
      }) : () -> ()
      %add3A_70 = arith.constant 1 : i32
      %add3A_71 = arith.addi %add3A_53, %add3A_70 : i32
      %dma_start3A_72 = arith.constant 0 : i32
      %dma_start3A_73 = tpu.memref_slice %arg8[%add3A_71, %dma_start3A_72] : memref<88x128xi32, #tpu.memory_space<vmem>> -> memref<1x128xi32, #tpu.memory_space<vmem>>
      %dma_start3A_74 = tpu.memref_squeeze %dma_start3A_73 : memref<1x128xi32, #tpu.memory_space<vmem>> -> memref<128xi32, #tpu.memory_space<vmem>>
      %dma_start3A_75 = arith.constant 0 : i32
      %dma_start3A_76 = arith.constant 0 : i32
      %dma_start3A_77 = tpu.memref_slice %arg4[%dma_start3A_75, %dma_start3A_76] : memref<10112x128xf32, #tpu.memory_space<hbm>> -> memref<10112x128xf32, #tpu.memory_space<hbm>>
      tpu.enqueue_indirect_dma source(%dma_start3A_77 : memref<10112x128xf32, #tpu.memory_space<hbm>>) target(%arg10 : memref<128x128xf32, #tpu.memory_space<vmem>>) offsets(%dma_start3A_74 : memref<128xi32, #tpu.memory_space<vmem>>) semaphore(%arg12 : memref<!tpu.dma_semaphore, #tpu.memory_space<semaphore_mem>>)
      %dma_wait3A_78 = arith.constant 0 : i32
      %dma_wait3A_79 = tpu.memref_slice %arg8[%add3A_53, %dma_wait3A_78] : memref<88x128xi32, #tpu.memory_space<vmem>> -> memref<1x128xi32, #tpu.memory_space<vmem>>
      %dma_wait3A_80 = tpu.memref_squeeze %dma_wait3A_79 : memref<1x128xi32, #tpu.memory_space<vmem>> -> memref<128xi32, #tpu.memory_space<vmem>>
      %dma_wait3A_81 = arith.constant 0 : i32
      %dma_wait3A_82 = arith.constant 0 : i32
      %dma_wait3A_83 = tpu.memref_slice %arg4[%dma_wait3A_81, %dma_wait3A_82] : memref<10112x128xf32, #tpu.memory_space<hbm>> -> memref<10112x128xf32, #tpu.memory_space<hbm>>
      tpu.wait_indirect_dma semaphore(%arg12 : memref<!tpu.dma_semaphore, #tpu.memory_space<semaphore_mem>>) src(%dma_wait3A_83 : memref<10112x128xf32, #tpu.memory_space<hbm>>) dst(%arg11 : memref<128x128xf32, #tpu.memory_space<vmem>>)
      "tpu.region"() ({
        %run_scoped3A = tpu.sem_alloc : memref<!tpu.dma_semaphore, #tpu.memory_space<semaphore_mem>>
        %dma_start3A_85 = arith.constant 0 : i32
        %dma_start3A_86 = tpu.memref_slice %arg9[%add3A_57, %dma_start3A_85] : memref<40x128xi32, #tpu.memory_space<vmem>> -> memref<1x128xi32, #tpu.memory_space<vmem>>
        %dma_start3A_87 = tpu.memref_squeeze %dma_start3A_86 : memref<1x128xi32, #tpu.memory_space<vmem>> -> memref<128xi32, #tpu.memory_space<vmem>>
        %dma_start3A_88 = arith.constant 0 : i32
        %dma_start3A_89 = arith.constant 0 : i32
        %dma_start3A_90 = tpu.memref_slice %arg7[%dma_start3A_88, %dma_start3A_89] : memref<10112x128xf32, #tpu.memory_space<vmem_shared>> -> memref<10112x128xf32, #tpu.memory_space<vmem_shared>>
        tpu.enqueue_indirect_dma source(%arg11 : memref<128x128xf32, #tpu.memory_space<vmem>>) target(%dma_start3A_90 : memref<10112x128xf32, #tpu.memory_space<vmem_shared>>) offsets(%dma_start3A_87 : memref<128xi32, #tpu.memory_space<vmem>>) semaphore(%run_scoped3A : memref<!tpu.dma_semaphore, #tpu.memory_space<semaphore_mem>>) {add = true}
        %dma_wait3A_91 = arith.constant 0 : i32
        %dma_wait3A_92 = tpu.memref_slice %arg9[%add3A_57, %dma_wait3A_91] : memref<40x128xi32, #tpu.memory_space<vmem>> -> memref<1x128xi32, #tpu.memory_space<vmem>>
        %dma_wait3A_93 = tpu.memref_squeeze %dma_wait3A_92 : memref<1x128xi32, #tpu.memory_space<vmem>> -> memref<128xi32, #tpu.memory_space<vmem>>
        %dma_wait3A_94 = arith.constant 0 : i32
        %dma_wait3A_95 = arith.constant 0 : i32
        %dma_wait3A_96 = tpu.memref_slice %arg7[%dma_wait3A_94, %dma_wait3A_95] : memref<10112x128xf32, #tpu.memory_space<vmem_shared>> -> memref<10112x128xf32, #tpu.memory_space<vmem_shared>>
        tpu.wait_indirect_dma semaphore(%run_scoped3A : memref<!tpu.dma_semaphore, #tpu.memory_space<semaphore_mem>>) src(%arg11 : memref<128x128xf32, #tpu.memory_space<vmem>>) dst(%dma_wait3A_96 : memref<10112x128xf32, #tpu.memory_space<vmem_shared>>)
        tpu.yield
      }) : () -> ()
      %scan3A_84 = arith.constant 0 : i32
      scf.yield %scan3A_84 : i32
    }
    %scan3A_20 = arith.constant 20 : i32
    %mul3A_21 = arith.constant 80 : i32
    %mul3A_22 = arith.muli %add3A, %mul3A_21 : i32
    %add3A_23 = arith.constant 40 : i32
    %add3A_24 = arith.addi %mul3A_22, %add3A_23 : i32
    "tpu.region"() ({
      %run_scoped3A = tpu.sem_alloc : memref<!tpu.dma_semaphore, #tpu.memory_space<semaphore_mem>>
      %dma_start3A_46 = arith.constant 0 : i32
      %dma_start3A_47 = tpu.memref_slice %arg3[%add3A_24, %dma_start3A_46] : memref<2560x128xi32, #tpu.memory_space<hbm>> -> memref<40x128xi32, #tpu.memory_space<hbm>>
      %dma_start3A_48 = arith.constant 0 : i32
      %dma_start3A_49 = tpu.memref_slice %arg3[%add3A_24, %dma_start3A_48] : memref<2560x128xi32, #tpu.memory_space<hbm>> -> memref<40x128xi32, #tpu.memory_space<hbm>>
      tpu.enqueue_dma source(%dma_start3A_49 : memref<40x128xi32, #tpu.memory_space<hbm>>) target(%arg9 : memref<40x128xi32, #tpu.memory_space<vmem>>) target_semaphore(%run_scoped3A : memref<!tpu.dma_semaphore, #tpu.memory_space<semaphore_mem>>)
      %dma_wait3A_50 = arith.constant 0 : i32
      %dma_wait3A_51 = tpu.memref_slice %arg3[%add3A_24, %dma_wait3A_50] : memref<2560x128xi32, #tpu.memory_space<hbm>> -> memref<40x128xi32, #tpu.memory_space<hbm>>
      %dma_wait3A_52 = arith.constant 0 : i32
      %dma_wait3A_53 = tpu.memref_slice %arg3[%add3A_24, %dma_wait3A_52] : memref<2560x128xi32, #tpu.memory_space<hbm>> -> memref<40x128xi32, #tpu.memory_space<hbm>>
      tpu.wait_dma2 semaphore(%run_scoped3A : memref<!tpu.dma_semaphore, #tpu.memory_space<semaphore_mem>>) src(%dma_wait3A_53 : memref<40x128xi32, #tpu.memory_space<hbm>>) dst(%arg9 : memref<40x128xi32, #tpu.memory_space<vmem>>)
      tpu.yield
    }) : () -> ()
    %scan3A_25 = arith.constant 0 : i32
    %scan3A_26 = arith.constant 0 : i32
    %scan3A_27 = arith.constant 20 : i32
    %scan3A_28 = arith.addi %scan3A_26, %scan3A_27 : i32
    %scan3A_29 = arith.constant 1 : i32
    %scan3A_30 = scf.for %scan3A_46 = %scan3A_26 to %scan3A_28 step %scan3A_29 iter_args(%scan3A_47 = %scan3A_25) -> (i32)  : i32 {
      %mul3A_48 = arith.constant 2 : i32
      %mul3A_49 = arith.muli %mul3A_48, %scan3A_46 : i32
      %add3A_50 = arith.constant 40 : i32
      %add3A_51 = arith.addi %add3A_50, %mul3A_49 : i32
      %add3A_52 = arith.constant 1 : i32
      %add3A_53 = arith.addi %add3A_51, %add3A_52 : i32
      %mul3A_54 = arith.constant 2 : i32
      %mul3A_55 = arith.muli %mul3A_54, %scan3A_46 : i32
      %add3A_56 = arith.constant 1 : i32
      %add3A_57 = arith.addi %mul3A_55, %add3A_56 : i32
      %dma_start3A_58 = arith.constant 0 : i32
      %dma_start3A_59 = tpu.memref_slice %arg8[%add3A_53, %dma_start3A_58] : memref<88x128xi32, #tpu.memory_space<vmem>> -> memref<1x128xi32, #tpu.memory_space<vmem>>
      %dma_start3A_60 = tpu.memref_squeeze %dma_start3A_59 : memref<1x128xi32, #tpu.memory_space<vmem>> -> memref<128xi32, #tpu.memory_space<vmem>>
      %dma_start3A_61 = arith.constant 0 : i32
      %dma_start3A_62 = arith.constant 0 : i32
      %dma_start3A_63 = tpu.memref_slice %arg4[%dma_start3A_61, %dma_start3A_62] : memref<10112x128xf32, #tpu.memory_space<hbm>> -> memref<10112x128xf32, #tpu.memory_space<hbm>>
      tpu.enqueue_indirect_dma source(%dma_start3A_63 : memref<10112x128xf32, #tpu.memory_space<hbm>>) target(%arg11 : memref<128x128xf32, #tpu.memory_space<vmem>>) offsets(%dma_start3A_60 : memref<128xi32, #tpu.memory_space<vmem>>) semaphore(%arg12 : memref<!tpu.dma_semaphore, #tpu.memory_space<semaphore_mem>>)
      %dma_wait3A_64 = arith.constant 0 : i32
      %dma_wait3A_65 = tpu.memref_slice %arg8[%add3A_51, %dma_wait3A_64] : memref<88x128xi32, #tpu.memory_space<vmem>> -> memref<1x128xi32, #tpu.memory_space<vmem>>
      %dma_wait3A_66 = tpu.memref_squeeze %dma_wait3A_65 : memref<1x128xi32, #tpu.memory_space<vmem>> -> memref<128xi32, #tpu.memory_space<vmem>>
      %dma_wait3A_67 = arith.constant 0 : i32
      %dma_wait3A_68 = arith.constant 0 : i32
      %dma_wait3A_69 = tpu.memref_slice %arg4[%dma_wait3A_67, %dma_wait3A_68] : memref<10112x128xf32, #tpu.memory_space<hbm>> -> memref<10112x128xf32, #tpu.memory_space<hbm>>
      tpu.wait_indirect_dma semaphore(%arg12 : memref<!tpu.dma_semaphore, #tpu.memory_space<semaphore_mem>>) src(%dma_wait3A_69 : memref<10112x128xf32, #tpu.memory_space<hbm>>) dst(%arg10 : memref<128x128xf32, #tpu.memory_space<vmem>>)
      "tpu.region"() ({
        %run_scoped3A = tpu.sem_alloc : memref<!tpu.dma_semaphore, #tpu.memory_space<semaphore_mem>>
        %dma_start3A_85 = arith.constant 0 : i32
        %dma_start3A_86 = tpu.memref_slice %arg9[%mul3A_55, %dma_start3A_85] : memref<40x128xi32, #tpu.memory_space<vmem>> -> memref<1x128xi32, #tpu.memory_space<vmem>>
        %dma_start3A_87 = tpu.memref_squeeze %dma_start3A_86 : memref<1x128xi32, #tpu.memory_space<vmem>> -> memref<128xi32, #tpu.memory_space<vmem>>
        %dma_start3A_88 = arith.constant 0 : i32
        %dma_start3A_89 = arith.constant 0 : i32
        %dma_start3A_90 = tpu.memref_slice %arg7[%dma_start3A_88, %dma_start3A_89] : memref<10112x128xf32, #tpu.memory_space<vmem_shared>> -> memref<10112x128xf32, #tpu.memory_space<vmem_shared>>
        tpu.enqueue_indirect_dma source(%arg10 : memref<128x128xf32, #tpu.memory_space<vmem>>) target(%dma_start3A_90 : memref<10112x128xf32, #tpu.memory_space<vmem_shared>>) offsets(%dma_start3A_87 : memref<128xi32, #tpu.memory_space<vmem>>) semaphore(%run_scoped3A : memref<!tpu.dma_semaphore, #tpu.memory_space<semaphore_mem>>) {add = true}
        %dma_wait3A_91 = arith.constant 0 : i32
        %dma_wait3A_92 = tpu.memref_slice %arg9[%mul3A_55, %dma_wait3A_91] : memref<40x128xi32, #tpu.memory_space<vmem>> -> memref<1x128xi32, #tpu.memory_space<vmem>>
        %dma_wait3A_93 = tpu.memref_squeeze %dma_wait3A_92 : memref<1x128xi32, #tpu.memory_space<vmem>> -> memref<128xi32, #tpu.memory_space<vmem>>
        %dma_wait3A_94 = arith.constant 0 : i32
        %dma_wait3A_95 = arith.constant 0 : i32
        %dma_wait3A_96 = tpu.memref_slice %arg7[%dma_wait3A_94, %dma_wait3A_95] : memref<10112x128xf32, #tpu.memory_space<vmem_shared>> -> memref<10112x128xf32, #tpu.memory_space<vmem_shared>>
        tpu.wait_indirect_dma semaphore(%run_scoped3A : memref<!tpu.dma_semaphore, #tpu.memory_space<semaphore_mem>>) src(%arg10 : memref<128x128xf32, #tpu.memory_space<vmem>>) dst(%dma_wait3A_96 : memref<10112x128xf32, #tpu.memory_space<vmem_shared>>)
        tpu.yield
      }) : () -> ()
      %add3A_70 = arith.constant 1 : i32
      %add3A_71 = arith.addi %add3A_53, %add3A_70 : i32
      %dma_start3A_72 = arith.constant 0 : i32
      %dma_start3A_73 = tpu.memref_slice %arg8[%add3A_71, %dma_start3A_72] : memref<88x128xi32, #tpu.memory_space<vmem>> -> memref<1x128xi32, #tpu.memory_space<vmem>>
      %dma_start3A_74 = tpu.memref_squeeze %dma_start3A_73 : memref<1x128xi32, #tpu.memory_space<vmem>> -> memref<128xi32, #tpu.memory_space<vmem>>
      %dma_start3A_75 = arith.constant 0 : i32
      %dma_start3A_76 = arith.constant 0 : i32
      %dma_start3A_77 = tpu.memref_slice %arg4[%dma_start3A_75, %dma_start3A_76] : memref<10112x128xf32, #tpu.memory_space<hbm>> -> memref<10112x128xf32, #tpu.memory_space<hbm>>
      tpu.enqueue_indirect_dma source(%dma_start3A_77 : memref<10112x128xf32, #tpu.memory_space<hbm>>) target(%arg10 : memref<128x128xf32, #tpu.memory_space<vmem>>) offsets(%dma_start3A_74 : memref<128xi32, #tpu.memory_space<vmem>>) semaphore(%arg12 : memref<!tpu.dma_semaphore, #tpu.memory_space<semaphore_mem>>)
      %dma_wait3A_78 = arith.constant 0 : i32
      %dma_wait3A_79 = tpu.memref_slice %arg8[%add3A_53, %dma_wait3A_78] : memref<88x128xi32, #tpu.memory_space<vmem>> -> memref<1x128xi32, #tpu.memory_space<vmem>>
      %dma_wait3A_80 = tpu.memref_squeeze %dma_wait3A_79 : memref<1x128xi32, #tpu.memory_space<vmem>> -> memref<128xi32, #tpu.memory_space<vmem>>
      %dma_wait3A_81 = arith.constant 0 : i32
      %dma_wait3A_82 = arith.constant 0 : i32
      %dma_wait3A_83 = tpu.memref_slice %arg4[%dma_wait3A_81, %dma_wait3A_82] : memref<10112x128xf32, #tpu.memory_space<hbm>> -> memref<10112x128xf32, #tpu.memory_space<hbm>>
      tpu.wait_indirect_dma semaphore(%arg12 : memref<!tpu.dma_semaphore, #tpu.memory_space<semaphore_mem>>) src(%dma_wait3A_83 : memref<10112x128xf32, #tpu.memory_space<hbm>>) dst(%arg11 : memref<128x128xf32, #tpu.memory_space<vmem>>)
      "tpu.region"() ({
        %run_scoped3A = tpu.sem_alloc : memref<!tpu.dma_semaphore, #tpu.memory_space<semaphore_mem>>
        %dma_start3A_85 = arith.constant 0 : i32
        %dma_start3A_86 = tpu.memref_slice %arg9[%add3A_57, %dma_start3A_85] : memref<40x128xi32, #tpu.memory_space<vmem>> -> memref<1x128xi32, #tpu.memory_space<vmem>>
        %dma_start3A_87 = tpu.memref_squeeze %dma_start3A_86 : memref<1x128xi32, #tpu.memory_space<vmem>> -> memref<128xi32, #tpu.memory_space<vmem>>
        %dma_start3A_88 = arith.constant 0 : i32
        %dma_start3A_89 = arith.constant 0 : i32
        %dma_start3A_90 = tpu.memref_slice %arg7[%dma_start3A_88, %dma_start3A_89] : memref<10112x128xf32, #tpu.memory_space<vmem_shared>> -> memref<10112x128xf32, #tpu.memory_space<vmem_shared>>
        tpu.enqueue_indirect_dma source(%arg11 : memref<128x128xf32, #tpu.memory_space<vmem>>) target(%dma_start3A_90 : memref<10112x128xf32, #tpu.memory_space<vmem_shared>>) offsets(%dma_start3A_87 : memref<128xi32, #tpu.memory_space<vmem>>) semaphore(%run_scoped3A : memref<!tpu.dma_semaphore, #tpu.memory_space<semaphore_mem>>) {add = true}
        %dma_wait3A_91 = arith.constant 0 : i32
        %dma_wait3A_92 = tpu.memref_slice %arg9[%add3A_57, %dma_wait3A_91] : memref<40x128xi32, #tpu.memory_space<vmem>> -> memref<1x128xi32, #tpu.memory_space<vmem>>
        %dma_wait3A_93 = tpu.memref_squeeze %dma_wait3A_92 : memref<1x128xi32, #tpu.memory_space<vmem>> -> memref<128xi32, #tpu.memory_space<vmem>>
        %dma_wait3A_94 = arith.constant 0 : i32
        %dma_wait3A_95 = arith.constant 0 : i32
        %dma_wait3A_96 = tpu.memref_slice %arg7[%dma_wait3A_94, %dma_wait3A_95] : memref<10112x128xf32, #tpu.memory_space<vmem_shared>> -> memref<10112x128xf32, #tpu.memory_space<vmem_shared>>
        tpu.wait_indirect_dma semaphore(%run_scoped3A : memref<!tpu.dma_semaphore, #tpu.memory_space<semaphore_mem>>) src(%arg11 : memref<128x128xf32, #tpu.memory_space<vmem>>) dst(%dma_wait3A_96 : memref<10112x128xf32, #tpu.memory_space<vmem_shared>>)
        tpu.yield
      }) : () -> ()
      %scan3A_84 = arith.constant 0 : i32
      scf.yield %scan3A_84 : i32
    }
    %scan3A_31 = arith.constant 20 : i32
    %dma_wait3A = arith.constant 80 : i32
    %dma_wait3A_32 = arith.constant 0 : i32
    %dma_wait3A_33 = tpu.memref_slice %arg8[%dma_wait3A, %dma_wait3A_32] : memref<88x128xi32, #tpu.memory_space<vmem>> -> memref<1x128xi32, #tpu.memory_space<vmem>>
    %dma_wait3A_34 = tpu.memref_squeeze %dma_wait3A_33 : memref<1x128xi32, #tpu.memory_space<vmem>> -> memref<128xi32, #tpu.memory_space<vmem>>
    %dma_wait3A_35 = arith.constant 0 : i32
    %dma_wait3A_36 = arith.constant 0 : i32
    %dma_wait3A_37 = tpu.memref_slice %arg4[%dma_wait3A_35, %dma_wait3A_36] : memref<10112x128xf32, #tpu.memory_space<hbm>> -> memref<10112x128xf32, #tpu.memory_space<hbm>>
    tpu.wait_indirect_dma semaphore(%arg12 : memref<!tpu.dma_semaphore, #tpu.memory_space<semaphore_mem>>) src(%dma_wait3A_37 : memref<10112x128xf32, #tpu.memory_space<hbm>>) dst(%arg10 : memref<128x128xf32, #tpu.memory_space<vmem>>)
    %barrier3A_38 = arith.constant 0 : index
    tpu.barrier barrier_id(%barrier3A_38)
    %mul3A_39 = arith.constant 632 : i32
    %mul3A_40 = arith.muli %arg1, %mul3A_39 : i32
    %mul3A_41 = arith.constant 10112 : i32
    %mul3A_42 = arith.muli %arg0, %mul3A_41 : i32
    %mul3A_43 = arith.constant 632 : i32
    %mul3A_44 = arith.muli %arg1, %mul3A_43 : i32
    %add3A_45 = arith.addi %mul3A_42, %mul3A_44 : i32
    "tpu.region"() ({
      %run_scoped3A = tpu.sem_alloc : memref<!tpu.dma_semaphore, #tpu.memory_space<semaphore_mem>>
      %dma_start3A_46 = arith.constant 0 : i32
      %dma_start3A_47 = tpu.memref_slice %arg6[%add3A_45, %dma_start3A_46] : memref<20224x128xf32, #tpu.memory_space<hbm>> -> memref<632x128xf32, #tpu.memory_space<hbm>>
      %dma_start3A_48 = arith.constant 0 : i32
      %dma_start3A_49 = tpu.memref_slice %arg7[%mul3A_40, %dma_start3A_48] : memref<10112x128xf32, #tpu.memory_space<vmem_shared>> -> memref<632x128xf32, #tpu.memory_space<vmem_shared>>
      tpu.enqueue_dma source(%dma_start3A_49 : memref<632x128xf32, #tpu.memory_space<vmem_shared>>) target(%dma_start3A_47 : memref<632x128xf32, #tpu.memory_space<hbm>>) target_semaphore(%run_scoped3A : memref<!tpu.dma_semaphore, #tpu.memory_space<semaphore_mem>>)
      %dma_wait3A_50 = arith.constant 0 : i32
      %dma_wait3A_51 = tpu.memref_slice %arg6[%add3A_45, %dma_wait3A_50] : memref<20224x128xf32, #tpu.memory_space<hbm>> -> memref<632x128xf32, #tpu.memory_space<hbm>>
      %dma_wait3A_52 = arith.constant 0 : i32
      %dma_wait3A_53 = tpu.memref_slice %arg7[%mul3A_40, %dma_wait3A_52] : memref<10112x128xf32, #tpu.memory_space<vmem_shared>> -> memref<632x128xf32, #tpu.memory_space<vmem_shared>>
      tpu.wait_dma2 semaphore(%run_scoped3A : memref<!tpu.dma_semaphore, #tpu.memory_space<semaphore_mem>>) src(%dma_wait3A_53 : memref<632x128xf32, #tpu.memory_space<vmem_shared>>) dst(%dma_wait3A_51 : memref<632x128xf32, #tpu.memory_space<hbm>>)
      tpu.yield
    }) : () -> ()
    return
  }
}

#map = affine_map<(d0, d1) -> (0, 0)>
module attributes {stable_mosaic.version = 14 : i64} {
  func.func @_pairs_kernel(%arg0: i32, %arg1: i32, %arg2: memref<10112x128xf32, #tpu.memory_space<hbm>>, %arg3: memref<10112x128xf32, #tpu.memory_space<hbm>>, %arg4: memref<1024x128xi32, #tpu.memory_space<hbm>>, %arg5: memref<1024x128xi32, #tpu.memory_space<hbm>>, %arg6: memref<1024x128xi32, #tpu.memory_space<hbm>>, %arg7: memref<1024x128xi32, #tpu.memory_space<hbm>>, %arg8: memref<110592x128xf32, #tpu.memory_space<hbm>>, %arg9: memref<110592x128xf32, #tpu.memory_space<hbm>>, %arg10: memref<110592x128xf32, #tpu.memory_space<hbm>>, %arg11: memref<110592x128xf32, #tpu.memory_space<hbm>>, %arg12: memref<110592x128xf32, #tpu.memory_space<hbm>>, %arg13: memref<110592x128xf32, #tpu.memory_space<hbm>>, %arg14: memref<110592x128xf32, #tpu.memory_space<hbm>>, %arg15: memref<110592x128xf32, #tpu.memory_space<hbm>>, %arg16: memref<32x128xi32, #tpu.memory_space<vmem>>, %arg17: memref<32x128xi32, #tpu.memory_space<vmem>>, %arg18: memref<128x128xf32, #tpu.memory_space<vmem>>, %arg19: memref<128x128xf32, #tpu.memory_space<vmem>>, %arg20: memref<128x128xf32, #tpu.memory_space<vmem>>, %arg21: memref<128x128xf32, #tpu.memory_space<vmem>>, %arg22: memref<!tpu.dma_semaphore, #tpu.memory_space<semaphore_mem>>, %arg23: memref<!tpu.dma_semaphore, #tpu.memory_space<semaphore_mem>>) attributes {dimension_semantics = [#tpu.dimension_semantics<core_parallel>, #tpu.dimension_semantics<subcore_parallel>], iteration_bounds = array<i64: 2, 16>, scalar_prefetch = 0 : i64, scratch_operands = 8 : i64, tpu.core_type = #tpu.core_type<sc_vector_subcore>, window_params = [{transform_indices = #map}, {transform_indices = #map}, {transform_indices = #map}, {transform_indices = #map}, {transform_indices = #map}, {transform_indices = #map}, {transform_indices = #map}, {transform_indices = #map}, {transform_indices = #map}, {transform_indices = #map}, {transform_indices = #map}, {transform_indices = #map}, {transform_indices = #map}, {transform_indices = #map}]} {
    %mul3A = arith.constant 16 : i32
    %mul3A_0 = arith.muli %arg0, %mul3A : i32
    %add3A = arith.addi %mul3A_0, %arg1 : i32
    %mul3A_1 = arith.constant 32 : i32
    %mul3A_2 = arith.muli %add3A, %mul3A_1 : i32
    "tpu.region"() ({
      %run_scoped3A = tpu.sem_alloc : memref<!tpu.dma_semaphore, #tpu.memory_space<semaphore_mem>>
      %dma_start3A_850 = arith.constant 0 : i32
      %dma_start3A_851 = tpu.memref_slice %arg4[%mul3A_2, %dma_start3A_850] : memref<1024x128xi32, #tpu.memory_space<hbm>> -> memref<32x128xi32, #tpu.memory_space<hbm>>
      %dma_start3A_852 = arith.constant 0 : i32
      %dma_start3A_853 = tpu.memref_slice %arg4[%mul3A_2, %dma_start3A_852] : memref<1024x128xi32, #tpu.memory_space<hbm>> -> memref<32x128xi32, #tpu.memory_space<hbm>>
      tpu.enqueue_dma source(%dma_start3A_853 : memref<32x128xi32, #tpu.memory_space<hbm>>) target(%arg16 : memref<32x128xi32, #tpu.memory_space<vmem>>) target_semaphore(%run_scoped3A : memref<!tpu.dma_semaphore, #tpu.memory_space<semaphore_mem>>)
      %dma_wait3A_854 = arith.constant 0 : i32
      %dma_wait3A_855 = tpu.memref_slice %arg4[%mul3A_2, %dma_wait3A_854] : memref<1024x128xi32, #tpu.memory_space<hbm>> -> memref<32x128xi32, #tpu.memory_space<hbm>>
      %dma_wait3A_856 = arith.constant 0 : i32
      %dma_wait3A_857 = tpu.memref_slice %arg4[%mul3A_2, %dma_wait3A_856] : memref<1024x128xi32, #tpu.memory_space<hbm>> -> memref<32x128xi32, #tpu.memory_space<hbm>>
      tpu.wait_dma2 semaphore(%run_scoped3A : memref<!tpu.dma_semaphore, #tpu.memory_space<semaphore_mem>>) src(%dma_wait3A_857 : memref<32x128xi32, #tpu.memory_space<hbm>>) dst(%arg16 : memref<32x128xi32, #tpu.memory_space<vmem>>)
      tpu.yield
    }) : () -> ()
    %mul3A_3 = arith.constant 32 : i32
    %mul3A_4 = arith.muli %add3A, %mul3A_3 : i32
    "tpu.region"() ({
      %run_scoped3A = tpu.sem_alloc : memref<!tpu.dma_semaphore, #tpu.memory_space<semaphore_mem>>
      %dma_start3A_850 = arith.constant 0 : i32
      %dma_start3A_851 = tpu.memref_slice %arg5[%mul3A_4, %dma_start3A_850] : memref<1024x128xi32, #tpu.memory_space<hbm>> -> memref<32x128xi32, #tpu.memory_space<hbm>>
      %dma_start3A_852 = arith.constant 0 : i32
      %dma_start3A_853 = tpu.memref_slice %arg5[%mul3A_4, %dma_start3A_852] : memref<1024x128xi32, #tpu.memory_space<hbm>> -> memref<32x128xi32, #tpu.memory_space<hbm>>
      tpu.enqueue_dma source(%dma_start3A_853 : memref<32x128xi32, #tpu.memory_space<hbm>>) target(%arg17 : memref<32x128xi32, #tpu.memory_space<vmem>>) target_semaphore(%run_scoped3A : memref<!tpu.dma_semaphore, #tpu.memory_space<semaphore_mem>>)
      %dma_wait3A_854 = arith.constant 0 : i32
      %dma_wait3A_855 = tpu.memref_slice %arg5[%mul3A_4, %dma_wait3A_854] : memref<1024x128xi32, #tpu.memory_space<hbm>> -> memref<32x128xi32, #tpu.memory_space<hbm>>
      %dma_wait3A_856 = arith.constant 0 : i32
      %dma_wait3A_857 = tpu.memref_slice %arg5[%mul3A_4, %dma_wait3A_856] : memref<1024x128xi32, #tpu.memory_space<hbm>> -> memref<32x128xi32, #tpu.memory_space<hbm>>
      tpu.wait_dma2 semaphore(%run_scoped3A : memref<!tpu.dma_semaphore, #tpu.memory_space<semaphore_mem>>) src(%dma_wait3A_857 : memref<32x128xi32, #tpu.memory_space<hbm>>) dst(%arg17 : memref<32x128xi32, #tpu.memory_space<vmem>>)
      tpu.yield
    }) : () -> ()
    %dma_start3A = arith.constant 0 : i32
    %dma_start3A_5 = arith.constant 0 : i32
    %dma_start3A_6 = tpu.memref_slice %arg16[%dma_start3A, %dma_start3A_5] : memref<32x128xi32, #tpu.memory_space<vmem>> -> memref<1x128xi32, #tpu.memory_space<vmem>>
    %dma_start3A_7 = tpu.memref_squeeze %dma_start3A_6 : memref<1x128xi32, #tpu.memory_space<vmem>> -> memref<128xi32, #tpu.memory_space<vmem>>
    %dma_start3A_8 = arith.constant 0 : i32
    %dma_start3A_9 = arith.constant 0 : i32
    %dma_start3A_10 = tpu.memref_slice %arg2[%dma_start3A_8, %dma_start3A_9] : memref<10112x128xf32, #tpu.memory_space<hbm>> -> memref<10112x128xf32, #tpu.memory_space<hbm>>
    tpu.enqueue_indirect_dma source(%dma_start3A_10 : memref<10112x128xf32, #tpu.memory_space<hbm>>) target(%arg18 : memref<128x128xf32, #tpu.memory_space<vmem>>) offsets(%dma_start3A_7 : memref<128xi32, #tpu.memory_space<vmem>>) semaphore(%arg22 : memref<!tpu.dma_semaphore, #tpu.memory_space<semaphore_mem>>)
    %dma_start3A_11 = arith.constant 0 : i32
    %dma_start3A_12 = arith.constant 0 : i32
    %dma_start3A_13 = tpu.memref_slice %arg17[%dma_start3A_11, %dma_start3A_12] : memref<32x128xi32, #tpu.memory_space<vmem>> -> memref<1x128xi32, #tpu.memory_space<vmem>>
    %dma_start3A_14 = tpu.memref_squeeze %dma_start3A_13 : memref<1x128xi32, #tpu.memory_space<vmem>> -> memref<128xi32, #tpu.memory_space<vmem>>
    %dma_start3A_15 = arith.constant 0 : i32
    %dma_start3A_16 = arith.constant 0 : i32
    %dma_start3A_17 = tpu.memref_slice %arg2[%dma_start3A_15, %dma_start3A_16] : memref<10112x128xf32, #tpu.memory_space<hbm>> -> memref<10112x128xf32, #tpu.memory_space<hbm>>
    tpu.enqueue_indirect_dma source(%dma_start3A_17 : memref<10112x128xf32, #tpu.memory_space<hbm>>) target(%arg19 : memref<128x128xf32, #tpu.memory_space<vmem>>) offsets(%dma_start3A_14 : memref<128xi32, #tpu.memory_space<vmem>>) semaphore(%arg22 : memref<!tpu.dma_semaphore, #tpu.memory_space<semaphore_mem>>)
    %dma_start3A_18 = arith.constant 1 : i32
    %dma_start3A_19 = arith.constant 0 : i32
    %dma_start3A_20 = tpu.memref_slice %arg16[%dma_start3A_18, %dma_start3A_19] : memref<32x128xi32, #tpu.memory_space<vmem>> -> memref<1x128xi32, #tpu.memory_space<vmem>>
    %dma_start3A_21 = tpu.memref_squeeze %dma_start3A_20 : memref<1x128xi32, #tpu.memory_space<vmem>> -> memref<128xi32, #tpu.memory_space<vmem>>
    %dma_start3A_22 = arith.constant 0 : i32
    %dma_start3A_23 = arith.constant 0 : i32
    %dma_start3A_24 = tpu.memref_slice %arg2[%dma_start3A_22, %dma_start3A_23] : memref<10112x128xf32, #tpu.memory_space<hbm>> -> memref<10112x128xf32, #tpu.memory_space<hbm>>
    tpu.enqueue_indirect_dma source(%dma_start3A_24 : memref<10112x128xf32, #tpu.memory_space<hbm>>) target(%arg20 : memref<128x128xf32, #tpu.memory_space<vmem>>) offsets(%dma_start3A_21 : memref<128xi32, #tpu.memory_space<vmem>>) semaphore(%arg22 : memref<!tpu.dma_semaphore, #tpu.memory_space<semaphore_mem>>)
    %dma_start3A_25 = arith.constant 1 : i32
    %dma_start3A_26 = arith.constant 0 : i32
    %dma_start3A_27 = tpu.memref_slice %arg17[%dma_start3A_25, %dma_start3A_26] : memref<32x128xi32, #tpu.memory_space<vmem>> -> memref<1x128xi32, #tpu.memory_space<vmem>>
    %dma_start3A_28 = tpu.memref_squeeze %dma_start3A_27 : memref<1x128xi32, #tpu.memory_space<vmem>> -> memref<128xi32, #tpu.memory_space<vmem>>
    %dma_start3A_29 = arith.constant 0 : i32
    %dma_start3A_30 = arith.constant 0 : i32
    %dma_start3A_31 = tpu.memref_slice %arg2[%dma_start3A_29, %dma_start3A_30] : memref<10112x128xf32, #tpu.memory_space<hbm>> -> memref<10112x128xf32, #tpu.memory_space<hbm>>
    tpu.enqueue_indirect_dma source(%dma_start3A_31 : memref<10112x128xf32, #tpu.memory_space<hbm>>) target(%arg21 : memref<128x128xf32, #tpu.memory_space<vmem>>) offsets(%dma_start3A_28 : memref<128xi32, #tpu.memory_space<vmem>>) semaphore(%arg22 : memref<!tpu.dma_semaphore, #tpu.memory_space<semaphore_mem>>)
    %dma_wait3A = arith.constant 0 : i32
    %dma_wait3A_32 = arith.constant 0 : i32
    %dma_wait3A_33 = tpu.memref_slice %arg16[%dma_wait3A, %dma_wait3A_32] : memref<32x128xi32, #tpu.memory_space<vmem>> -> memref<1x128xi32, #tpu.memory_space<vmem>>
    %dma_wait3A_34 = tpu.memref_squeeze %dma_wait3A_33 : memref<1x128xi32, #tpu.memory_space<vmem>> -> memref<128xi32, #tpu.memory_space<vmem>>
    %dma_wait3A_35 = arith.constant 0 : i32
    %dma_wait3A_36 = arith.constant 0 : i32
    %dma_wait3A_37 = tpu.memref_slice %arg2[%dma_wait3A_35, %dma_wait3A_36] : memref<10112x128xf32, #tpu.memory_space<hbm>> -> memref<10112x128xf32, #tpu.memory_space<hbm>>
    tpu.wait_indirect_dma semaphore(%arg22 : memref<!tpu.dma_semaphore, #tpu.memory_space<semaphore_mem>>) src(%dma_wait3A_37 : memref<10112x128xf32, #tpu.memory_space<hbm>>) dst(%arg18 : memref<128x128xf32, #tpu.memory_space<vmem>>)
    %mul3A_38 = arith.constant 27 : i32
    %mul3A_39 = arith.muli %add3A, %mul3A_38 : i32
    %add3A_40 = arith.constant 0 : i32
    %add3A_41 = arith.addi %mul3A_39, %add3A_40 : i32
    %mul3A_42 = arith.constant 128 : i32
    %mul3A_43 = arith.muli %add3A_41, %mul3A_42 : i32
    %dma_start3A_44 = arith.constant 0 : i32
    %dma_start3A_45 = tpu.memref_slice %arg8[%mul3A_43, %dma_start3A_44] : memref<110592x128xf32, #tpu.memory_space<hbm>> -> memref<128x128xf32, #tpu.memory_space<hbm>>
    %dma_start3A_46 = arith.constant 0 : i32
    %dma_start3A_47 = tpu.memref_slice %arg8[%mul3A_43, %dma_start3A_46] : memref<110592x128xf32, #tpu.memory_space<hbm>> -> memref<128x128xf32, #tpu.memory_space<hbm>>
    tpu.enqueue_dma source(%arg18 : memref<128x128xf32, #tpu.memory_space<vmem>>) target(%dma_start3A_47 : memref<128x128xf32, #tpu.memory_space<hbm>>) target_semaphore(%arg23 : memref<!tpu.dma_semaphore, #tpu.memory_space<semaphore_mem>>)
    %dma_wait3A_48 = arith.constant 0 : i32
    %dma_wait3A_49 = arith.constant 0 : i32
    %dma_wait3A_50 = tpu.memref_slice %arg17[%dma_wait3A_48, %dma_wait3A_49] : memref<32x128xi32, #tpu.memory_space<vmem>> -> memref<1x128xi32, #tpu.memory_space<vmem>>
    %dma_wait3A_51 = tpu.memref_squeeze %dma_wait3A_50 : memref<1x128xi32, #tpu.memory_space<vmem>> -> memref<128xi32, #tpu.memory_space<vmem>>
    %dma_wait3A_52 = arith.constant 0 : i32
    %dma_wait3A_53 = arith.constant 0 : i32
    %dma_wait3A_54 = tpu.memref_slice %arg2[%dma_wait3A_52, %dma_wait3A_53] : memref<10112x128xf32, #tpu.memory_space<hbm>> -> memref<10112x128xf32, #tpu.memory_space<hbm>>
    tpu.wait_indirect_dma semaphore(%arg22 : memref<!tpu.dma_semaphore, #tpu.memory_space<semaphore_mem>>) src(%dma_wait3A_54 : memref<10112x128xf32, #tpu.memory_space<hbm>>) dst(%arg19 : memref<128x128xf32, #tpu.memory_space<vmem>>)
    %mul3A_55 = arith.constant 27 : i32
    %mul3A_56 = arith.muli %add3A, %mul3A_55 : i32
    %add3A_57 = arith.constant 0 : i32
    %add3A_58 = arith.addi %mul3A_56, %add3A_57 : i32
    %mul3A_59 = arith.constant 128 : i32
    %mul3A_60 = arith.muli %add3A_58, %mul3A_59 : i32
    %dma_start3A_61 = arith.constant 0 : i32
    %dma_start3A_62 = tpu.memref_slice %arg9[%mul3A_60, %dma_start3A_61] : memref<110592x128xf32, #tpu.memory_space<hbm>> -> memref<128x128xf32, #tpu.memory_space<hbm>>
    %dma_start3A_63 = arith.constant 0 : i32
    %dma_start3A_64 = tpu.memref_slice %arg9[%mul3A_60, %dma_start3A_63] : memref<110592x128xf32, #tpu.memory_space<hbm>> -> memref<128x128xf32, #tpu.memory_space<hbm>>
    tpu.enqueue_dma source(%arg19 : memref<128x128xf32, #tpu.memory_space<vmem>>) target(%dma_start3A_64 : memref<128x128xf32, #tpu.memory_space<hbm>>) target_semaphore(%arg23 : memref<!tpu.dma_semaphore, #tpu.memory_space<semaphore_mem>>)
    %dma_wait3A_65 = arith.constant 1 : i32
    %dma_wait3A_66 = arith.constant 0 : i32
    %dma_wait3A_67 = tpu.memref_slice %arg16[%dma_wait3A_65, %dma_wait3A_66] : memref<32x128xi32, #tpu.memory_space<vmem>> -> memref<1x128xi32, #tpu.memory_space<vmem>>
    %dma_wait3A_68 = tpu.memref_squeeze %dma_wait3A_67 : memref<1x128xi32, #tpu.memory_space<vmem>> -> memref<128xi32, #tpu.memory_space<vmem>>
    %dma_wait3A_69 = arith.constant 0 : i32
    %dma_wait3A_70 = arith.constant 0 : i32
    %dma_wait3A_71 = tpu.memref_slice %arg2[%dma_wait3A_69, %dma_wait3A_70] : memref<10112x128xf32, #tpu.memory_space<hbm>> -> memref<10112x128xf32, #tpu.memory_space<hbm>>
    tpu.wait_indirect_dma semaphore(%arg22 : memref<!tpu.dma_semaphore, #tpu.memory_space<semaphore_mem>>) src(%dma_wait3A_71 : memref<10112x128xf32, #tpu.memory_space<hbm>>) dst(%arg20 : memref<128x128xf32, #tpu.memory_space<vmem>>)
    %mul3A_72 = arith.constant 27 : i32
    %mul3A_73 = arith.muli %add3A, %mul3A_72 : i32
    %add3A_74 = arith.constant 1 : i32
    %add3A_75 = arith.addi %mul3A_73, %add3A_74 : i32
    %mul3A_76 = arith.constant 128 : i32
    %mul3A_77 = arith.muli %add3A_75, %mul3A_76 : i32
    %dma_start3A_78 = arith.constant 0 : i32
    %dma_start3A_79 = tpu.memref_slice %arg8[%mul3A_77, %dma_start3A_78] : memref<110592x128xf32, #tpu.memory_space<hbm>> -> memref<128x128xf32, #tpu.memory_space<hbm>>
    %dma_start3A_80 = arith.constant 0 : i32
    %dma_start3A_81 = tpu.memref_slice %arg8[%mul3A_77, %dma_start3A_80] : memref<110592x128xf32, #tpu.memory_space<hbm>> -> memref<128x128xf32, #tpu.memory_space<hbm>>
    tpu.enqueue_dma source(%arg20 : memref<128x128xf32, #tpu.memory_space<vmem>>) target(%dma_start3A_81 : memref<128x128xf32, #tpu.memory_space<hbm>>) target_semaphore(%arg23 : memref<!tpu.dma_semaphore, #tpu.memory_space<semaphore_mem>>)
    %dma_wait3A_82 = arith.constant 1 : i32
    %dma_wait3A_83 = arith.constant 0 : i32
    %dma_wait3A_84 = tpu.memref_slice %arg17[%dma_wait3A_82, %dma_wait3A_83] : memref<32x128xi32, #tpu.memory_space<vmem>> -> memref<1x128xi32, #tpu.memory_space<vmem>>
    %dma_wait3A_85 = tpu.memref_squeeze %dma_wait3A_84 : memref<1x128xi32, #tpu.memory_space<vmem>> -> memref<128xi32, #tpu.memory_space<vmem>>
    %dma_wait3A_86 = arith.constant 0 : i32
    %dma_wait3A_87 = arith.constant 0 : i32
    %dma_wait3A_88 = tpu.memref_slice %arg2[%dma_wait3A_86, %dma_wait3A_87] : memref<10112x128xf32, #tpu.memory_space<hbm>> -> memref<10112x128xf32, #tpu.memory_space<hbm>>
    tpu.wait_indirect_dma semaphore(%arg22 : memref<!tpu.dma_semaphore, #tpu.memory_space<semaphore_mem>>) src(%dma_wait3A_88 : memref<10112x128xf32, #tpu.memory_space<hbm>>) dst(%arg21 : memref<128x128xf32, #tpu.memory_space<vmem>>)
    %mul3A_89 = arith.constant 27 : i32
    %mul3A_90 = arith.muli %add3A, %mul3A_89 : i32
    %add3A_91 = arith.constant 1 : i32
    %add3A_92 = arith.addi %mul3A_90, %add3A_91 : i32
    %mul3A_93 = arith.constant 128 : i32
    %mul3A_94 = arith.muli %add3A_92, %mul3A_93 : i32
    %dma_start3A_95 = arith.constant 0 : i32
    %dma_start3A_96 = tpu.memref_slice %arg9[%mul3A_94, %dma_start3A_95] : memref<110592x128xf32, #tpu.memory_space<hbm>> -> memref<128x128xf32, #tpu.memory_space<hbm>>
    %dma_start3A_97 = arith.constant 0 : i32
    %dma_start3A_98 = tpu.memref_slice %arg9[%mul3A_94, %dma_start3A_97] : memref<110592x128xf32, #tpu.memory_space<hbm>> -> memref<128x128xf32, #tpu.memory_space<hbm>>
    tpu.enqueue_dma source(%arg21 : memref<128x128xf32, #tpu.memory_space<vmem>>) target(%dma_start3A_98 : memref<128x128xf32, #tpu.memory_space<hbm>>) target_semaphore(%arg23 : memref<!tpu.dma_semaphore, #tpu.memory_space<semaphore_mem>>)
    %scan3A = arith.constant 0 : i32
    %scan3A_99 = arith.constant 0 : i32
    %scan3A_100 = arith.constant 12 : i32
    %scan3A_101 = arith.addi %scan3A_99, %scan3A_100 : i32
    %scan3A_102 = arith.constant 1 : i32
    %scan3A_103 = scf.for %scan3A_850 = %scan3A_99 to %scan3A_101 step %scan3A_102 iter_args(%scan3A_851 = %scan3A) -> (i32)  : i32 {
      %mul3A_852 = arith.constant 2 : i32
      %mul3A_853 = arith.muli %mul3A_852, %scan3A_850 : i32
      %add3A_854 = arith.constant 2 : i32
      %add3A_855 = arith.addi %add3A_854, %mul3A_853 : i32
      %add3A_856 = arith.constant 1 : i32
      %add3A_857 = arith.addi %add3A_855, %add3A_856 : i32
      %sub3A = arith.constant 2 : i32
      %sub3A_858 = arith.subi %add3A_855, %sub3A : i32
      %mul3A_859 = arith.constant 27 : i32
      %mul3A_860 = arith.muli %add3A, %mul3A_859 : i32
      %add3A_861 = arith.addi %mul3A_860, %sub3A_858 : i32
      %mul3A_862 = arith.constant 128 : i32
      %mul3A_863 = arith.muli %add3A_861, %mul3A_862 : i32
      %dma_wait3A_864 = arith.constant 0 : i32
      %dma_wait3A_865 = tpu.memref_slice %arg8[%mul3A_863, %dma_wait3A_864] : memref<110592x128xf32, #tpu.memory_space<hbm>> -> memref<128x128xf32, #tpu.memory_space<hbm>>
      %dma_wait3A_866 = arith.constant 0 : i32
      %dma_wait3A_867 = tpu.memref_slice %arg8[%mul3A_863, %dma_wait3A_866] : memref<110592x128xf32, #tpu.memory_space<hbm>> -> memref<128x128xf32, #tpu.memory_space<hbm>>
      tpu.wait_dma2 semaphore(%arg23 : memref<!tpu.dma_semaphore, #tpu.memory_space<semaphore_mem>>) src(%arg18 : memref<128x128xf32, #tpu.memory_space<vmem>>) dst(%dma_wait3A_867 : memref<128x128xf32, #tpu.memory_space<hbm>>)
      %mul3A_868 = arith.constant 27 : i32
      %mul3A_869 = arith.muli %add3A, %mul3A_868 : i32
      %add3A_870 = arith.addi %mul3A_869, %sub3A_858 : i32
      %mul3A_871 = arith.constant 128 : i32
      %mul3A_872 = arith.muli %add3A_870, %mul3A_871 : i32
      %dma_wait3A_873 = arith.constant 0 : i32
      %dma_wait3A_874 = tpu.memref_slice %arg9[%mul3A_872, %dma_wait3A_873] : memref<110592x128xf32, #tpu.memory_space<hbm>> -> memref<128x128xf32, #tpu.memory_space<hbm>>
      %dma_wait3A_875 = arith.constant 0 : i32
      %dma_wait3A_876 = tpu.memref_slice %arg9[%mul3A_872, %dma_wait3A_875] : memref<110592x128xf32, #tpu.memory_space<hbm>> -> memref<128x128xf32, #tpu.memory_space<hbm>>
      tpu.wait_dma2 semaphore(%arg23 : memref<!tpu.dma_semaphore, #tpu.memory_space<semaphore_mem>>) src(%arg19 : memref<128x128xf32, #tpu.memory_space<vmem>>) dst(%dma_wait3A_876 : memref<128x128xf32, #tpu.memory_space<hbm>>)
      %dma_start3A_877 = arith.constant 0 : i32
      %dma_start3A_878 = tpu.memref_slice %arg16[%add3A_855, %dma_start3A_877] : memref<32x128xi32, #tpu.memory_space<vmem>> -> memref<1x128xi32, #tpu.memory_space<vmem>>
      %dma_start3A_879 = tpu.memref_squeeze %dma_start3A_878 : memref<1x128xi32, #tpu.memory_space<vmem>> -> memref<128xi32, #tpu.memory_space<vmem>>
      %dma_start3A_880 = arith.constant 0 : i32
      %dma_start3A_881 = arith.constant 0 : i32
      %dma_start3A_882 = tpu.memref_slice %arg2[%dma_start3A_880, %dma_start3A_881] : memref<10112x128xf32, #tpu.memory_space<hbm>> -> memref<10112x128xf32, #tpu.memory_space<hbm>>
      tpu.enqueue_indirect_dma source(%dma_start3A_882 : memref<10112x128xf32, #tpu.memory_space<hbm>>) target(%arg18 : memref<128x128xf32, #tpu.memory_space<vmem>>) offsets(%dma_start3A_879 : memref<128xi32, #tpu.memory_space<vmem>>) semaphore(%arg22 : memref<!tpu.dma_semaphore, #tpu.memory_space<semaphore_mem>>)
      %dma_start3A_883 = arith.constant 0 : i32
      %dma_start3A_884 = tpu.memref_slice %arg17[%add3A_855, %dma_start3A_883] : memref<32x128xi32, #tpu.memory_space<vmem>> -> memref<1x128xi32, #tpu.memory_space<vmem>>
      %dma_start3A_885 = tpu.memref_squeeze %dma_start3A_884 : memref<1x128xi32, #tpu.memory_space<vmem>> -> memref<128xi32, #tpu.memory_space<vmem>>
      %dma_start3A_886 = arith.constant 0 : i32
      %dma_start3A_887 = arith.constant 0 : i32
      %dma_start3A_888 = tpu.memref_slice %arg2[%dma_start3A_886, %dma_start3A_887] : memref<10112x128xf32, #tpu.memory_space<hbm>> -> memref<10112x128xf32, #tpu.memory_space<hbm>>
      tpu.enqueue_indirect_dma source(%dma_start3A_888 : memref<10112x128xf32, #tpu.memory_space<hbm>>) target(%arg19 : memref<128x128xf32, #tpu.memory_space<vmem>>) offsets(%dma_start3A_885 : memref<128xi32, #tpu.memory_space<vmem>>) semaphore(%arg22 : memref<!tpu.dma_semaphore, #tpu.memory_space<semaphore_mem>>)
      %sub3A_889 = arith.constant 2 : i32
      %sub3A_890 = arith.subi %add3A_857, %sub3A_889 : i32
      %mul3A_891 = arith.constant 27 : i32
      %mul3A_892 = arith.muli %add3A, %mul3A_891 : i32
      %add3A_893 = arith.addi %mul3A_892, %sub3A_890 : i32
      %mul3A_894 = arith.constant 128 : i32
      %mul3A_895 = arith.muli %add3A_893, %mul3A_894 : i32
      %dma_wait3A_896 = arith.constant 0 : i32
      %dma_wait3A_897 = tpu.memref_slice %arg8[%mul3A_895, %dma_wait3A_896] : memref<110592x128xf32, #tpu.memory_space<hbm>> -> memref<128x128xf32, #tpu.memory_space<hbm>>
      %dma_wait3A_898 = arith.constant 0 : i32
      %dma_wait3A_899 = tpu.memref_slice %arg8[%mul3A_895, %dma_wait3A_898] : memref<110592x128xf32, #tpu.memory_space<hbm>> -> memref<128x128xf32, #tpu.memory_space<hbm>>
      tpu.wait_dma2 semaphore(%arg23 : memref<!tpu.dma_semaphore, #tpu.memory_space<semaphore_mem>>) src(%arg20 : memref<128x128xf32, #tpu.memory_space<vmem>>) dst(%dma_wait3A_899 : memref<128x128xf32, #tpu.memory_space<hbm>>)
      %mul3A_900 = arith.constant 27 : i32
      %mul3A_901 = arith.muli %add3A, %mul3A_900 : i32
      %add3A_902 = arith.addi %mul3A_901, %sub3A_890 : i32
      %mul3A_903 = arith.constant 128 : i32
      %mul3A_904 = arith.muli %add3A_902, %mul3A_903 : i32
      %dma_wait3A_905 = arith.constant 0 : i32
      %dma_wait3A_906 = tpu.memref_slice %arg9[%mul3A_904, %dma_wait3A_905] : memref<110592x128xf32, #tpu.memory_space<hbm>> -> memref<128x128xf32, #tpu.memory_space<hbm>>
      %dma_wait3A_907 = arith.constant 0 : i32
      %dma_wait3A_908 = tpu.memref_slice %arg9[%mul3A_904, %dma_wait3A_907] : memref<110592x128xf32, #tpu.memory_space<hbm>> -> memref<128x128xf32, #tpu.memory_space<hbm>>
      tpu.wait_dma2 semaphore(%arg23 : memref<!tpu.dma_semaphore, #tpu.memory_space<semaphore_mem>>) src(%arg21 : memref<128x128xf32, #tpu.memory_space<vmem>>) dst(%dma_wait3A_908 : memref<128x128xf32, #tpu.memory_space<hbm>>)
      %dma_start3A_909 = arith.constant 0 : i32
      %dma_start3A_910 = tpu.memref_slice %arg16[%add3A_857, %dma_start3A_909] : memref<32x128xi32, #tpu.memory_space<vmem>> -> memref<1x128xi32, #tpu.memory_space<vmem>>
      %dma_start3A_911 = tpu.memref_squeeze %dma_start3A_910 : memref<1x128xi32, #tpu.memory_space<vmem>> -> memref<128xi32, #tpu.memory_space<vmem>>
      %dma_start3A_912 = arith.constant 0 : i32
      %dma_start3A_913 = arith.constant 0 : i32
      %dma_start3A_914 = tpu.memref_slice %arg2[%dma_start3A_912, %dma_start3A_913] : memref<10112x128xf32, #tpu.memory_space<hbm>> -> memref<10112x128xf32, #tpu.memory_space<hbm>>
      tpu.enqueue_indirect_dma source(%dma_start3A_914 : memref<10112x128xf32, #tpu.memory_space<hbm>>) target(%arg20 : memref<128x128xf32, #tpu.memory_space<vmem>>) offsets(%dma_start3A_911 : memref<128xi32, #tpu.memory_space<vmem>>) semaphore(%arg22 : memref<!tpu.dma_semaphore, #tpu.memory_space<semaphore_mem>>)
      %dma_start3A_915 = arith.constant 0 : i32
      %dma_start3A_916 = tpu.memref_slice %arg17[%add3A_857, %dma_start3A_915] : memref<32x128xi32, #tpu.memory_space<vmem>> -> memref<1x128xi32, #tpu.memory_space<vmem>>
      %dma_start3A_917 = tpu.memref_squeeze %dma_start3A_916 : memref<1x128xi32, #tpu.memory_space<vmem>> -> memref<128xi32, #tpu.memory_space<vmem>>
      %dma_start3A_918 = arith.constant 0 : i32
      %dma_start3A_919 = arith.constant 0 : i32
      %dma_start3A_920 = tpu.memref_slice %arg2[%dma_start3A_918, %dma_start3A_919] : memref<10112x128xf32, #tpu.memory_space<hbm>> -> memref<10112x128xf32, #tpu.memory_space<hbm>>
      tpu.enqueue_indirect_dma source(%dma_start3A_920 : memref<10112x128xf32, #tpu.memory_space<hbm>>) target(%arg21 : memref<128x128xf32, #tpu.memory_space<vmem>>) offsets(%dma_start3A_917 : memref<128xi32, #tpu.memory_space<vmem>>) semaphore(%arg22 : memref<!tpu.dma_semaphore, #tpu.memory_space<semaphore_mem>>)
      %dma_wait3A_921 = arith.constant 0 : i32
      %dma_wait3A_922 = tpu.memref_slice %arg16[%add3A_855, %dma_wait3A_921] : memref<32x128xi32, #tpu.memory_space<vmem>> -> memref<1x128xi32, #tpu.memory_space<vmem>>
      %dma_wait3A_923 = tpu.memref_squeeze %dma_wait3A_922 : memref<1x128xi32, #tpu.memory_space<vmem>> -> memref<128xi32, #tpu.memory_space<vmem>>
      %dma_wait3A_924 = arith.constant 0 : i32
      %dma_wait3A_925 = arith.constant 0 : i32
      %dma_wait3A_926 = tpu.memref_slice %arg2[%dma_wait3A_924, %dma_wait3A_925] : memref<10112x128xf32, #tpu.memory_space<hbm>> -> memref<10112x128xf32, #tpu.memory_space<hbm>>
      tpu.wait_indirect_dma semaphore(%arg22 : memref<!tpu.dma_semaphore, #tpu.memory_space<semaphore_mem>>) src(%dma_wait3A_926 : memref<10112x128xf32, #tpu.memory_space<hbm>>) dst(%arg18 : memref<128x128xf32, #tpu.memory_space<vmem>>)
      %mul3A_927 = arith.constant 27 : i32
      %mul3A_928 = arith.muli %add3A, %mul3A_927 : i32
      %add3A_929 = arith.addi %mul3A_928, %add3A_855 : i32
      %mul3A_930 = arith.constant 128 : i32
      %mul3A_931 = arith.muli %add3A_929, %mul3A_930 : i32
      %dma_start3A_932 = arith.constant 0 : i32
      %dma_start3A_933 = tpu.memref_slice %arg8[%mul3A_931, %dma_start3A_932] : memref<110592x128xf32, #tpu.memory_space<hbm>> -> memref<128x128xf32, #tpu.memory_space<hbm>>
      %dma_start3A_934 = arith.constant 0 : i32
      %dma_start3A_935 = tpu.memref_slice %arg8[%mul3A_931, %dma_start3A_934] : memref<110592x128xf32, #tpu.memory_space<hbm>> -> memref<128x128xf32, #tpu.memory_space<hbm>>
      tpu.enqueue_dma source(%arg18 : memref<128x128xf32, #tpu.memory_space<vmem>>) target(%dma_start3A_935 : memref<128x128xf32, #tpu.memory_space<hbm>>) target_semaphore(%arg23 : memref<!tpu.dma_semaphore, #tpu.memory_space<semaphore_mem>>)
      %dma_wait3A_936 = arith.constant 0 : i32
      %dma_wait3A_937 = tpu.memref_slice %arg17[%add3A_855, %dma_wait3A_936] : memref<32x128xi32, #tpu.memory_space<vmem>> -> memref<1x128xi32, #tpu.memory_space<vmem>>
      %dma_wait3A_938 = tpu.memref_squeeze %dma_wait3A_937 : memref<1x128xi32, #tpu.memory_space<vmem>> -> memref<128xi32, #tpu.memory_space<vmem>>
      %dma_wait3A_939 = arith.constant 0 : i32
      %dma_wait3A_940 = arith.constant 0 : i32
      %dma_wait3A_941 = tpu.memref_slice %arg2[%dma_wait3A_939, %dma_wait3A_940] : memref<10112x128xf32, #tpu.memory_space<hbm>> -> memref<10112x128xf32, #tpu.memory_space<hbm>>
      tpu.wait_indirect_dma semaphore(%arg22 : memref<!tpu.dma_semaphore, #tpu.memory_space<semaphore_mem>>) src(%dma_wait3A_941 : memref<10112x128xf32, #tpu.memory_space<hbm>>) dst(%arg19 : memref<128x128xf32, #tpu.memory_space<vmem>>)
      %mul3A_942 = arith.constant 27 : i32
      %mul3A_943 = arith.muli %add3A, %mul3A_942 : i32
      %add3A_944 = arith.addi %mul3A_943, %add3A_855 : i32
      %mul3A_945 = arith.constant 128 : i32
      %mul3A_946 = arith.muli %add3A_944, %mul3A_945 : i32
      %dma_start3A_947 = arith.constant 0 : i32
      %dma_start3A_948 = tpu.memref_slice %arg9[%mul3A_946, %dma_start3A_947] : memref<110592x128xf32, #tpu.memory_space<hbm>> -> memref<128x128xf32, #tpu.memory_space<hbm>>
      %dma_start3A_949 = arith.constant 0 : i32
      %dma_start3A_950 = tpu.memref_slice %arg9[%mul3A_946, %dma_start3A_949] : memref<110592x128xf32, #tpu.memory_space<hbm>> -> memref<128x128xf32, #tpu.memory_space<hbm>>
      tpu.enqueue_dma source(%arg19 : memref<128x128xf32, #tpu.memory_space<vmem>>) target(%dma_start3A_950 : memref<128x128xf32, #tpu.memory_space<hbm>>) target_semaphore(%arg23 : memref<!tpu.dma_semaphore, #tpu.memory_space<semaphore_mem>>)
      %dma_wait3A_951 = arith.constant 0 : i32
      %dma_wait3A_952 = tpu.memref_slice %arg16[%add3A_857, %dma_wait3A_951] : memref<32x128xi32, #tpu.memory_space<vmem>> -> memref<1x128xi32, #tpu.memory_space<vmem>>
      %dma_wait3A_953 = tpu.memref_squeeze %dma_wait3A_952 : memref<1x128xi32, #tpu.memory_space<vmem>> -> memref<128xi32, #tpu.memory_space<vmem>>
      %dma_wait3A_954 = arith.constant 0 : i32
      %dma_wait3A_955 = arith.constant 0 : i32
      %dma_wait3A_956 = tpu.memref_slice %arg2[%dma_wait3A_954, %dma_wait3A_955] : memref<10112x128xf32, #tpu.memory_space<hbm>> -> memref<10112x128xf32, #tpu.memory_space<hbm>>
      tpu.wait_indirect_dma semaphore(%arg22 : memref<!tpu.dma_semaphore, #tpu.memory_space<semaphore_mem>>) src(%dma_wait3A_956 : memref<10112x128xf32, #tpu.memory_space<hbm>>) dst(%arg20 : memref<128x128xf32, #tpu.memory_space<vmem>>)
      %mul3A_957 = arith.constant 27 : i32
      %mul3A_958 = arith.muli %add3A, %mul3A_957 : i32
      %add3A_959 = arith.addi %mul3A_958, %add3A_857 : i32
      %mul3A_960 = arith.constant 128 : i32
      %mul3A_961 = arith.muli %add3A_959, %mul3A_960 : i32
      %dma_start3A_962 = arith.constant 0 : i32
      %dma_start3A_963 = tpu.memref_slice %arg8[%mul3A_961, %dma_start3A_962] : memref<110592x128xf32, #tpu.memory_space<hbm>> -> memref<128x128xf32, #tpu.memory_space<hbm>>
      %dma_start3A_964 = arith.constant 0 : i32
      %dma_start3A_965 = tpu.memref_slice %arg8[%mul3A_961, %dma_start3A_964] : memref<110592x128xf32, #tpu.memory_space<hbm>> -> memref<128x128xf32, #tpu.memory_space<hbm>>
      tpu.enqueue_dma source(%arg20 : memref<128x128xf32, #tpu.memory_space<vmem>>) target(%dma_start3A_965 : memref<128x128xf32, #tpu.memory_space<hbm>>) target_semaphore(%arg23 : memref<!tpu.dma_semaphore, #tpu.memory_space<semaphore_mem>>)
      %dma_wait3A_966 = arith.constant 0 : i32
      %dma_wait3A_967 = tpu.memref_slice %arg17[%add3A_857, %dma_wait3A_966] : memref<32x128xi32, #tpu.memory_space<vmem>> -> memref<1x128xi32, #tpu.memory_space<vmem>>
      %dma_wait3A_968 = tpu.memref_squeeze %dma_wait3A_967 : memref<1x128xi32, #tpu.memory_space<vmem>> -> memref<128xi32, #tpu.memory_space<vmem>>
      %dma_wait3A_969 = arith.constant 0 : i32
      %dma_wait3A_970 = arith.constant 0 : i32
      %dma_wait3A_971 = tpu.memref_slice %arg2[%dma_wait3A_969, %dma_wait3A_970] : memref<10112x128xf32, #tpu.memory_space<hbm>> -> memref<10112x128xf32, #tpu.memory_space<hbm>>
      tpu.wait_indirect_dma semaphore(%arg22 : memref<!tpu.dma_semaphore, #tpu.memory_space<semaphore_mem>>) src(%dma_wait3A_971 : memref<10112x128xf32, #tpu.memory_space<hbm>>) dst(%arg21 : memref<128x128xf32, #tpu.memory_space<vmem>>)
      %mul3A_972 = arith.constant 27 : i32
      %mul3A_973 = arith.muli %add3A, %mul3A_972 : i32
      %add3A_974 = arith.addi %mul3A_973, %add3A_857 : i32
      %mul3A_975 = arith.constant 128 : i32
      %mul3A_976 = arith.muli %add3A_974, %mul3A_975 : i32
      %dma_start3A_977 = arith.constant 0 : i32
      %dma_start3A_978 = tpu.memref_slice %arg9[%mul3A_976, %dma_start3A_977] : memref<110592x128xf32, #tpu.memory_space<hbm>> -> memref<128x128xf32, #tpu.memory_space<hbm>>
      %dma_start3A_979 = arith.constant 0 : i32
      %dma_start3A_980 = tpu.memref_slice %arg9[%mul3A_976, %dma_start3A_979] : memref<110592x128xf32, #tpu.memory_space<hbm>> -> memref<128x128xf32, #tpu.memory_space<hbm>>
      tpu.enqueue_dma source(%arg21 : memref<128x128xf32, #tpu.memory_space<vmem>>) target(%dma_start3A_980 : memref<128x128xf32, #tpu.memory_space<hbm>>) target_semaphore(%arg23 : memref<!tpu.dma_semaphore, #tpu.memory_space<semaphore_mem>>)
      %scan3A_981 = arith.constant 0 : i32
      scf.yield %scan3A_981 : i32
    }
    %scan3A_104 = arith.constant 12 : i32
    %mul3A_105 = arith.constant 27 : i32
    %mul3A_106 = arith.muli %add3A, %mul3A_105 : i32
    %add3A_107 = arith.constant 24 : i32
    %add3A_108 = arith.addi %mul3A_106, %add3A_107 : i32
    %mul3A_109 = arith.constant 128 : i32
    %mul3A_110 = arith.muli %add3A_108, %mul3A_109 : i32
    %dma_wait3A_111 = arith.constant 0 : i32
    %dma_wait3A_112 = tpu.memref_slice %arg8[%mul3A_110, %dma_wait3A_111] : memref<110592x128xf32, #tpu.memory_space<hbm>> -> memref<128x128xf32, #tpu.memory_space<hbm>>
    %dma_wait3A_113 = arith.constant 0 : i32
    %dma_wait3A_114 = tpu.memref_slice %arg8[%mul3A_110, %dma_wait3A_113] : memref<110592x128xf32, #tpu.memory_space<hbm>> -> memref<128x128xf32, #tpu.memory_space<hbm>>
    tpu.wait_dma2 semaphore(%arg23 : memref<!tpu.dma_semaphore, #tpu.memory_space<semaphore_mem>>) src(%arg18 : memref<128x128xf32, #tpu.memory_space<vmem>>) dst(%dma_wait3A_114 : memref<128x128xf32, #tpu.memory_space<hbm>>)
    %mul3A_115 = arith.constant 27 : i32
    %mul3A_116 = arith.muli %add3A, %mul3A_115 : i32
    %add3A_117 = arith.constant 24 : i32
    %add3A_118 = arith.addi %mul3A_116, %add3A_117 : i32
    %mul3A_119 = arith.constant 128 : i32
    %mul3A_120 = arith.muli %add3A_118, %mul3A_119 : i32
    %dma_wait3A_121 = arith.constant 0 : i32
    %dma_wait3A_122 = tpu.memref_slice %arg9[%mul3A_120, %dma_wait3A_121] : memref<110592x128xf32, #tpu.memory_space<hbm>> -> memref<128x128xf32, #tpu.memory_space<hbm>>
    %dma_wait3A_123 = arith.constant 0 : i32
    %dma_wait3A_124 = tpu.memref_slice %arg9[%mul3A_120, %dma_wait3A_123] : memref<110592x128xf32, #tpu.memory_space<hbm>> -> memref<128x128xf32, #tpu.memory_space<hbm>>
    tpu.wait_dma2 semaphore(%arg23 : memref<!tpu.dma_semaphore, #tpu.memory_space<semaphore_mem>>) src(%arg19 : memref<128x128xf32, #tpu.memory_space<vmem>>) dst(%dma_wait3A_124 : memref<128x128xf32, #tpu.memory_space<hbm>>)
    %dma_start3A_125 = arith.constant 26 : i32
    %dma_start3A_126 = arith.constant 0 : i32
    %dma_start3A_127 = tpu.memref_slice %arg16[%dma_start3A_125, %dma_start3A_126] : memref<32x128xi32, #tpu.memory_space<vmem>> -> memref<1x128xi32, #tpu.memory_space<vmem>>
    %dma_start3A_128 = tpu.memref_squeeze %dma_start3A_127 : memref<1x128xi32, #tpu.memory_space<vmem>> -> memref<128xi32, #tpu.memory_space<vmem>>
    %dma_start3A_129 = arith.constant 0 : i32
    %dma_start3A_130 = arith.constant 0 : i32
    %dma_start3A_131 = tpu.memref_slice %arg2[%dma_start3A_129, %dma_start3A_130] : memref<10112x128xf32, #tpu.memory_space<hbm>> -> memref<10112x128xf32, #tpu.memory_space<hbm>>
    tpu.enqueue_indirect_dma source(%dma_start3A_131 : memref<10112x128xf32, #tpu.memory_space<hbm>>) target(%arg18 : memref<128x128xf32, #tpu.memory_space<vmem>>) offsets(%dma_start3A_128 : memref<128xi32, #tpu.memory_space<vmem>>) semaphore(%arg22 : memref<!tpu.dma_semaphore, #tpu.memory_space<semaphore_mem>>)
    %dma_start3A_132 = arith.constant 26 : i32
    %dma_start3A_133 = arith.constant 0 : i32
    %dma_start3A_134 = tpu.memref_slice %arg17[%dma_start3A_132, %dma_start3A_133] : memref<32x128xi32, #tpu.memory_space<vmem>> -> memref<1x128xi32, #tpu.memory_space<vmem>>
    %dma_start3A_135 = tpu.memref_squeeze %dma_start3A_134 : memref<1x128xi32, #tpu.memory_space<vmem>> -> memref<128xi32, #tpu.memory_space<vmem>>
    %dma_start3A_136 = arith.constant 0 : i32
    %dma_start3A_137 = arith.constant 0 : i32
    %dma_start3A_138 = tpu.memref_slice %arg2[%dma_start3A_136, %dma_start3A_137] : memref<10112x128xf32, #tpu.memory_space<hbm>> -> memref<10112x128xf32, #tpu.memory_space<hbm>>
    tpu.enqueue_indirect_dma source(%dma_start3A_138 : memref<10112x128xf32, #tpu.memory_space<hbm>>) target(%arg19 : memref<128x128xf32, #tpu.memory_space<vmem>>) offsets(%dma_start3A_135 : memref<128xi32, #tpu.memory_space<vmem>>) semaphore(%arg22 : memref<!tpu.dma_semaphore, #tpu.memory_space<semaphore_mem>>)
    %dma_wait3A_139 = arith.constant 26 : i32
    %dma_wait3A_140 = arith.constant 0 : i32
    %dma_wait3A_141 = tpu.memref_slice %arg16[%dma_wait3A_139, %dma_wait3A_140] : memref<32x128xi32, #tpu.memory_space<vmem>> -> memref<1x128xi32, #tpu.memory_space<vmem>>
    %dma_wait3A_142 = tpu.memref_squeeze %dma_wait3A_141 : memref<1x128xi32, #tpu.memory_space<vmem>> -> memref<128xi32, #tpu.memory_space<vmem>>
    %dma_wait3A_143 = arith.constant 0 : i32
    %dma_wait3A_144 = arith.constant 0 : i32
    %dma_wait3A_145 = tpu.memref_slice %arg2[%dma_wait3A_143, %dma_wait3A_144] : memref<10112x128xf32, #tpu.memory_space<hbm>> -> memref<10112x128xf32, #tpu.memory_space<hbm>>
    tpu.wait_indirect_dma semaphore(%arg22 : memref<!tpu.dma_semaphore, #tpu.memory_space<semaphore_mem>>) src(%dma_wait3A_145 : memref<10112x128xf32, #tpu.memory_space<hbm>>) dst(%arg18 : memref<128x128xf32, #tpu.memory_space<vmem>>)
    %mul3A_146 = arith.constant 27 : i32
    %mul3A_147 = arith.muli %add3A, %mul3A_146 : i32
    %add3A_148 = arith.constant 26 : i32
    %add3A_149 = arith.addi %mul3A_147, %add3A_148 : i32
    %mul3A_150 = arith.constant 128 : i32
    %mul3A_151 = arith.muli %add3A_149, %mul3A_150 : i32
    %dma_start3A_152 = arith.constant 0 : i32
    %dma_start3A_153 = tpu.memref_slice %arg8[%mul3A_151, %dma_start3A_152] : memref<110592x128xf32, #tpu.memory_space<hbm>> -> memref<128x128xf32, #tpu.memory_space<hbm>>
    %dma_start3A_154 = arith.constant 0 : i32
    %dma_start3A_155 = tpu.memref_slice %arg8[%mul3A_151, %dma_start3A_154] : memref<110592x128xf32, #tpu.memory_space<hbm>> -> memref<128x128xf32, #tpu.memory_space<hbm>>
    tpu.enqueue_dma source(%arg18 : memref<128x128xf32, #tpu.memory_space<vmem>>) target(%dma_start3A_155 : memref<128x128xf32, #tpu.memory_space<hbm>>) target_semaphore(%arg23 : memref<!tpu.dma_semaphore, #tpu.memory_space<semaphore_mem>>)
    %dma_wait3A_156 = arith.constant 26 : i32
    %dma_wait3A_157 = arith.constant 0 : i32
    %dma_wait3A_158 = tpu.memref_slice %arg17[%dma_wait3A_156, %dma_wait3A_157] : memref<32x128xi32, #tpu.memory_space<vmem>> -> memref<1x128xi32, #tpu.memory_space<vmem>>
    %dma_wait3A_159 = tpu.memref_squeeze %dma_wait3A_158 : memref<1x128xi32, #tpu.memory_space<vmem>> -> memref<128xi32, #tpu.memory_space<vmem>>
    %dma_wait3A_160 = arith.constant 0 : i32
    %dma_wait3A_161 = arith.constant 0 : i32
    %dma_wait3A_162 = tpu.memref_slice %arg2[%dma_wait3A_160, %dma_wait3A_161] : memref<10112x128xf32, #tpu.memory_space<hbm>> -> memref<10112x128xf32, #tpu.memory_space<hbm>>
    tpu.wait_indirect_dma semaphore(%arg22 : memref<!tpu.dma_semaphore, #tpu.memory_space<semaphore_mem>>) src(%dma_wait3A_162 : memref<10112x128xf32, #tpu.memory_space<hbm>>) dst(%arg19 : memref<128x128xf32, #tpu.memory_space<vmem>>)
    %mul3A_163 = arith.constant 27 : i32
    %mul3A_164 = arith.muli %add3A, %mul3A_163 : i32
    %add3A_165 = arith.constant 26 : i32
    %add3A_166 = arith.addi %mul3A_164, %add3A_165 : i32
    %mul3A_167 = arith.constant 128 : i32
    %mul3A_168 = arith.muli %add3A_166, %mul3A_167 : i32
    %dma_start3A_169 = arith.constant 0 : i32
    %dma_start3A_170 = tpu.memref_slice %arg9[%mul3A_168, %dma_start3A_169] : memref<110592x128xf32, #tpu.memory_space<hbm>> -> memref<128x128xf32, #tpu.memory_space<hbm>>
    %dma_start3A_171 = arith.constant 0 : i32
    %dma_start3A_172 = tpu.memref_slice %arg9[%mul3A_168, %dma_start3A_171] : memref<110592x128xf32, #tpu.memory_space<hbm>> -> memref<128x128xf32, #tpu.memory_space<hbm>>
    tpu.enqueue_dma source(%arg19 : memref<128x128xf32, #tpu.memory_space<vmem>>) target(%dma_start3A_172 : memref<128x128xf32, #tpu.memory_space<hbm>>) target_semaphore(%arg23 : memref<!tpu.dma_semaphore, #tpu.memory_space<semaphore_mem>>)
    %mul3A_173 = arith.constant 27 : i32
    %mul3A_174 = arith.muli %add3A, %mul3A_173 : i32
    %add3A_175 = arith.constant 25 : i32
    %add3A_176 = arith.addi %mul3A_174, %add3A_175 : i32
    %mul3A_177 = arith.constant 128 : i32
    %mul3A_178 = arith.muli %add3A_176, %mul3A_177 : i32
    %dma_wait3A_179 = arith.constant 0 : i32
    %dma_wait3A_180 = tpu.memref_slice %arg8[%mul3A_178, %dma_wait3A_179] : memref<110592x128xf32, #tpu.memory_space<hbm>> -> memref<128x128xf32, #tpu.memory_space<hbm>>
    %dma_wait3A_181 = arith.constant 0 : i32
    %dma_wait3A_182 = tpu.memref_slice %arg8[%mul3A_178, %dma_wait3A_181] : memref<110592x128xf32, #tpu.memory_space<hbm>> -> memref<128x128xf32, #tpu.memory_space<hbm>>
    tpu.wait_dma2 semaphore(%arg23 : memref<!tpu.dma_semaphore, #tpu.memory_space<semaphore_mem>>) src(%arg20 : memref<128x128xf32, #tpu.memory_space<vmem>>) dst(%dma_wait3A_182 : memref<128x128xf32, #tpu.memory_space<hbm>>)
    %mul3A_183 = arith.constant 27 : i32
    %mul3A_184 = arith.muli %add3A, %mul3A_183 : i32
    %add3A_185 = arith.constant 25 : i32
    %add3A_186 = arith.addi %mul3A_184, %add3A_185 : i32
    %mul3A_187 = arith.constant 128 : i32
    %mul3A_188 = arith.muli %add3A_186, %mul3A_187 : i32
    %dma_wait3A_189 = arith.constant 0 : i32
    %dma_wait3A_190 = tpu.memref_slice %arg9[%mul3A_188, %dma_wait3A_189] : memref<110592x128xf32, #tpu.memory_space<hbm>> -> memref<128x128xf32, #tpu.memory_space<hbm>>
    %dma_wait3A_191 = arith.constant 0 : i32
    %dma_wait3A_192 = tpu.memref_slice %arg9[%mul3A_188, %dma_wait3A_191] : memref<110592x128xf32, #tpu.memory_space<hbm>> -> memref<128x128xf32, #tpu.memory_space<hbm>>
    tpu.wait_dma2 semaphore(%arg23 : memref<!tpu.dma_semaphore, #tpu.memory_space<semaphore_mem>>) src(%arg21 : memref<128x128xf32, #tpu.memory_space<vmem>>) dst(%dma_wait3A_192 : memref<128x128xf32, #tpu.memory_space<hbm>>)
    %mul3A_193 = arith.constant 27 : i32
    %mul3A_194 = arith.muli %add3A, %mul3A_193 : i32
    %add3A_195 = arith.constant 26 : i32
    %add3A_196 = arith.addi %mul3A_194, %add3A_195 : i32
    %mul3A_197 = arith.constant 128 : i32
    %mul3A_198 = arith.muli %add3A_196, %mul3A_197 : i32
    %dma_wait3A_199 = arith.constant 0 : i32
    %dma_wait3A_200 = tpu.memref_slice %arg8[%mul3A_198, %dma_wait3A_199] : memref<110592x128xf32, #tpu.memory_space<hbm>> -> memref<128x128xf32, #tpu.memory_space<hbm>>
    %dma_wait3A_201 = arith.constant 0 : i32
    %dma_wait3A_202 = tpu.memref_slice %arg8[%mul3A_198, %dma_wait3A_201] : memref<110592x128xf32, #tpu.memory_space<hbm>> -> memref<128x128xf32, #tpu.memory_space<hbm>>
    tpu.wait_dma2 semaphore(%arg23 : memref<!tpu.dma_semaphore, #tpu.memory_space<semaphore_mem>>) src(%arg18 : memref<128x128xf32, #tpu.memory_space<vmem>>) dst(%dma_wait3A_202 : memref<128x128xf32, #tpu.memory_space<hbm>>)
    %mul3A_203 = arith.constant 27 : i32
    %mul3A_204 = arith.muli %add3A, %mul3A_203 : i32
    %add3A_205 = arith.constant 26 : i32
    %add3A_206 = arith.addi %mul3A_204, %add3A_205 : i32
    %mul3A_207 = arith.constant 128 : i32
    %mul3A_208 = arith.muli %add3A_206, %mul3A_207 : i32
    %dma_wait3A_209 = arith.constant 0 : i32
    %dma_wait3A_210 = tpu.memref_slice %arg9[%mul3A_208, %dma_wait3A_209] : memref<110592x128xf32, #tpu.memory_space<hbm>> -> memref<128x128xf32, #tpu.memory_space<hbm>>
    %dma_wait3A_211 = arith.constant 0 : i32
    %dma_wait3A_212 = tpu.memref_slice %arg9[%mul3A_208, %dma_wait3A_211] : memref<110592x128xf32, #tpu.memory_space<hbm>> -> memref<128x128xf32, #tpu.memory_space<hbm>>
    tpu.wait_dma2 semaphore(%arg23 : memref<!tpu.dma_semaphore, #tpu.memory_space<semaphore_mem>>) src(%arg19 : memref<128x128xf32, #tpu.memory_space<vmem>>) dst(%dma_wait3A_212 : memref<128x128xf32, #tpu.memory_space<hbm>>)
    %dma_start3A_213 = arith.constant 0 : i32
    %dma_start3A_214 = arith.constant 0 : i32
    %dma_start3A_215 = tpu.memref_slice %arg16[%dma_start3A_213, %dma_start3A_214] : memref<32x128xi32, #tpu.memory_space<vmem>> -> memref<1x128xi32, #tpu.memory_space<vmem>>
    %dma_start3A_216 = tpu.memref_squeeze %dma_start3A_215 : memref<1x128xi32, #tpu.memory_space<vmem>> -> memref<128xi32, #tpu.memory_space<vmem>>
    %dma_start3A_217 = arith.constant 0 : i32
    %dma_start3A_218 = arith.constant 0 : i32
    %dma_start3A_219 = tpu.memref_slice %arg3[%dma_start3A_217, %dma_start3A_218] : memref<10112x128xf32, #tpu.memory_space<hbm>> -> memref<10112x128xf32, #tpu.memory_space<hbm>>
    tpu.enqueue_indirect_dma source(%dma_start3A_219 : memref<10112x128xf32, #tpu.memory_space<hbm>>) target(%arg18 : memref<128x128xf32, #tpu.memory_space<vmem>>) offsets(%dma_start3A_216 : memref<128xi32, #tpu.memory_space<vmem>>) semaphore(%arg22 : memref<!tpu.dma_semaphore, #tpu.memory_space<semaphore_mem>>)
    %dma_start3A_220 = arith.constant 0 : i32
    %dma_start3A_221 = arith.constant 0 : i32
    %dma_start3A_222 = tpu.memref_slice %arg17[%dma_start3A_220, %dma_start3A_221] : memref<32x128xi32, #tpu.memory_space<vmem>> -> memref<1x128xi32, #tpu.memory_space<vmem>>
    %dma_start3A_223 = tpu.memref_squeeze %dma_start3A_222 : memref<1x128xi32, #tpu.memory_space<vmem>> -> memref<128xi32, #tpu.memory_space<vmem>>
    %dma_start3A_224 = arith.constant 0 : i32
    %dma_start3A_225 = arith.constant 0 : i32
    %dma_start3A_226 = tpu.memref_slice %arg3[%dma_start3A_224, %dma_start3A_225] : memref<10112x128xf32, #tpu.memory_space<hbm>> -> memref<10112x128xf32, #tpu.memory_space<hbm>>
    tpu.enqueue_indirect_dma source(%dma_start3A_226 : memref<10112x128xf32, #tpu.memory_space<hbm>>) target(%arg19 : memref<128x128xf32, #tpu.memory_space<vmem>>) offsets(%dma_start3A_223 : memref<128xi32, #tpu.memory_space<vmem>>) semaphore(%arg22 : memref<!tpu.dma_semaphore, #tpu.memory_space<semaphore_mem>>)
    %dma_start3A_227 = arith.constant 1 : i32
    %dma_start3A_228 = arith.constant 0 : i32
    %dma_start3A_229 = tpu.memref_slice %arg16[%dma_start3A_227, %dma_start3A_228] : memref<32x128xi32, #tpu.memory_space<vmem>> -> memref<1x128xi32, #tpu.memory_space<vmem>>
    %dma_start3A_230 = tpu.memref_squeeze %dma_start3A_229 : memref<1x128xi32, #tpu.memory_space<vmem>> -> memref<128xi32, #tpu.memory_space<vmem>>
    %dma_start3A_231 = arith.constant 0 : i32
    %dma_start3A_232 = arith.constant 0 : i32
    %dma_start3A_233 = tpu.memref_slice %arg3[%dma_start3A_231, %dma_start3A_232] : memref<10112x128xf32, #tpu.memory_space<hbm>> -> memref<10112x128xf32, #tpu.memory_space<hbm>>
    tpu.enqueue_indirect_dma source(%dma_start3A_233 : memref<10112x128xf32, #tpu.memory_space<hbm>>) target(%arg20 : memref<128x128xf32, #tpu.memory_space<vmem>>) offsets(%dma_start3A_230 : memref<128xi32, #tpu.memory_space<vmem>>) semaphore(%arg22 : memref<!tpu.dma_semaphore, #tpu.memory_space<semaphore_mem>>)
    %dma_start3A_234 = arith.constant 1 : i32
    %dma_start3A_235 = arith.constant 0 : i32
    %dma_start3A_236 = tpu.memref_slice %arg17[%dma_start3A_234, %dma_start3A_235] : memref<32x128xi32, #tpu.memory_space<vmem>> -> memref<1x128xi32, #tpu.memory_space<vmem>>
    %dma_start3A_237 = tpu.memref_squeeze %dma_start3A_236 : memref<1x128xi32, #tpu.memory_space<vmem>> -> memref<128xi32, #tpu.memory_space<vmem>>
    %dma_start3A_238 = arith.constant 0 : i32
    %dma_start3A_239 = arith.constant 0 : i32
    %dma_start3A_240 = tpu.memref_slice %arg3[%dma_start3A_238, %dma_start3A_239] : memref<10112x128xf32, #tpu.memory_space<hbm>> -> memref<10112x128xf32, #tpu.memory_space<hbm>>
    tpu.enqueue_indirect_dma source(%dma_start3A_240 : memref<10112x128xf32, #tpu.memory_space<hbm>>) target(%arg21 : memref<128x128xf32, #tpu.memory_space<vmem>>) offsets(%dma_start3A_237 : memref<128xi32, #tpu.memory_space<vmem>>) semaphore(%arg22 : memref<!tpu.dma_semaphore, #tpu.memory_space<semaphore_mem>>)
    %dma_wait3A_241 = arith.constant 0 : i32
    %dma_wait3A_242 = arith.constant 0 : i32
    %dma_wait3A_243 = tpu.memref_slice %arg16[%dma_wait3A_241, %dma_wait3A_242] : memref<32x128xi32, #tpu.memory_space<vmem>> -> memref<1x128xi32, #tpu.memory_space<vmem>>
    %dma_wait3A_244 = tpu.memref_squeeze %dma_wait3A_243 : memref<1x128xi32, #tpu.memory_space<vmem>> -> memref<128xi32, #tpu.memory_space<vmem>>
    %dma_wait3A_245 = arith.constant 0 : i32
    %dma_wait3A_246 = arith.constant 0 : i32
    %dma_wait3A_247 = tpu.memref_slice %arg3[%dma_wait3A_245, %dma_wait3A_246] : memref<10112x128xf32, #tpu.memory_space<hbm>> -> memref<10112x128xf32, #tpu.memory_space<hbm>>
    tpu.wait_indirect_dma semaphore(%arg22 : memref<!tpu.dma_semaphore, #tpu.memory_space<semaphore_mem>>) src(%dma_wait3A_247 : memref<10112x128xf32, #tpu.memory_space<hbm>>) dst(%arg18 : memref<128x128xf32, #tpu.memory_space<vmem>>)
    %mul3A_248 = arith.constant 27 : i32
    %mul3A_249 = arith.muli %add3A, %mul3A_248 : i32
    %add3A_250 = arith.constant 0 : i32
    %add3A_251 = arith.addi %mul3A_249, %add3A_250 : i32
    %mul3A_252 = arith.constant 128 : i32
    %mul3A_253 = arith.muli %add3A_251, %mul3A_252 : i32
    %dma_start3A_254 = arith.constant 0 : i32
    %dma_start3A_255 = tpu.memref_slice %arg10[%mul3A_253, %dma_start3A_254] : memref<110592x128xf32, #tpu.memory_space<hbm>> -> memref<128x128xf32, #tpu.memory_space<hbm>>
    %dma_start3A_256 = arith.constant 0 : i32
    %dma_start3A_257 = tpu.memref_slice %arg10[%mul3A_253, %dma_start3A_256] : memref<110592x128xf32, #tpu.memory_space<hbm>> -> memref<128x128xf32, #tpu.memory_space<hbm>>
    tpu.enqueue_dma source(%arg18 : memref<128x128xf32, #tpu.memory_space<vmem>>) target(%dma_start3A_257 : memref<128x128xf32, #tpu.memory_space<hbm>>) target_semaphore(%arg23 : memref<!tpu.dma_semaphore, #tpu.memory_space<semaphore_mem>>)
    %dma_wait3A_258 = arith.constant 0 : i32
    %dma_wait3A_259 = arith.constant 0 : i32
    %dma_wait3A_260 = tpu.memref_slice %arg17[%dma_wait3A_258, %dma_wait3A_259] : memref<32x128xi32, #tpu.memory_space<vmem>> -> memref<1x128xi32, #tpu.memory_space<vmem>>
    %dma_wait3A_261 = tpu.memref_squeeze %dma_wait3A_260 : memref<1x128xi32, #tpu.memory_space<vmem>> -> memref<128xi32, #tpu.memory_space<vmem>>
    %dma_wait3A_262 = arith.constant 0 : i32
    %dma_wait3A_263 = arith.constant 0 : i32
    %dma_wait3A_264 = tpu.memref_slice %arg3[%dma_wait3A_262, %dma_wait3A_263] : memref<10112x128xf32, #tpu.memory_space<hbm>> -> memref<10112x128xf32, #tpu.memory_space<hbm>>
    tpu.wait_indirect_dma semaphore(%arg22 : memref<!tpu.dma_semaphore, #tpu.memory_space<semaphore_mem>>) src(%dma_wait3A_264 : memref<10112x128xf32, #tpu.memory_space<hbm>>) dst(%arg19 : memref<128x128xf32, #tpu.memory_space<vmem>>)
    %mul3A_265 = arith.constant 27 : i32
    %mul3A_266 = arith.muli %add3A, %mul3A_265 : i32
    %add3A_267 = arith.constant 0 : i32
    %add3A_268 = arith.addi %mul3A_266, %add3A_267 : i32
    %mul3A_269 = arith.constant 128 : i32
    %mul3A_270 = arith.muli %add3A_268, %mul3A_269 : i32
    %dma_start3A_271 = arith.constant 0 : i32
    %dma_start3A_272 = tpu.memref_slice %arg11[%mul3A_270, %dma_start3A_271] : memref<110592x128xf32, #tpu.memory_space<hbm>> -> memref<128x128xf32, #tpu.memory_space<hbm>>
    %dma_start3A_273 = arith.constant 0 : i32
    %dma_start3A_274 = tpu.memref_slice %arg11[%mul3A_270, %dma_start3A_273] : memref<110592x128xf32, #tpu.memory_space<hbm>> -> memref<128x128xf32, #tpu.memory_space<hbm>>
    tpu.enqueue_dma source(%arg19 : memref<128x128xf32, #tpu.memory_space<vmem>>) target(%dma_start3A_274 : memref<128x128xf32, #tpu.memory_space<hbm>>) target_semaphore(%arg23 : memref<!tpu.dma_semaphore, #tpu.memory_space<semaphore_mem>>)
    %dma_wait3A_275 = arith.constant 1 : i32
    %dma_wait3A_276 = arith.constant 0 : i32
    %dma_wait3A_277 = tpu.memref_slice %arg16[%dma_wait3A_275, %dma_wait3A_276] : memref<32x128xi32, #tpu.memory_space<vmem>> -> memref<1x128xi32, #tpu.memory_space<vmem>>
    %dma_wait3A_278 = tpu.memref_squeeze %dma_wait3A_277 : memref<1x128xi32, #tpu.memory_space<vmem>> -> memref<128xi32, #tpu.memory_space<vmem>>
    %dma_wait3A_279 = arith.constant 0 : i32
    %dma_wait3A_280 = arith.constant 0 : i32
    %dma_wait3A_281 = tpu.memref_slice %arg3[%dma_wait3A_279, %dma_wait3A_280] : memref<10112x128xf32, #tpu.memory_space<hbm>> -> memref<10112x128xf32, #tpu.memory_space<hbm>>
    tpu.wait_indirect_dma semaphore(%arg22 : memref<!tpu.dma_semaphore, #tpu.memory_space<semaphore_mem>>) src(%dma_wait3A_281 : memref<10112x128xf32, #tpu.memory_space<hbm>>) dst(%arg20 : memref<128x128xf32, #tpu.memory_space<vmem>>)
    %mul3A_282 = arith.constant 27 : i32
    %mul3A_283 = arith.muli %add3A, %mul3A_282 : i32
    %add3A_284 = arith.constant 1 : i32
    %add3A_285 = arith.addi %mul3A_283, %add3A_284 : i32
    %mul3A_286 = arith.constant 128 : i32
    %mul3A_287 = arith.muli %add3A_285, %mul3A_286 : i32
    %dma_start3A_288 = arith.constant 0 : i32
    %dma_start3A_289 = tpu.memref_slice %arg10[%mul3A_287, %dma_start3A_288] : memref<110592x128xf32, #tpu.memory_space<hbm>> -> memref<128x128xf32, #tpu.memory_space<hbm>>
    %dma_start3A_290 = arith.constant 0 : i32
    %dma_start3A_291 = tpu.memref_slice %arg10[%mul3A_287, %dma_start3A_290] : memref<110592x128xf32, #tpu.memory_space<hbm>> -> memref<128x128xf32, #tpu.memory_space<hbm>>
    tpu.enqueue_dma source(%arg20 : memref<128x128xf32, #tpu.memory_space<vmem>>) target(%dma_start3A_291 : memref<128x128xf32, #tpu.memory_space<hbm>>) target_semaphore(%arg23 : memref<!tpu.dma_semaphore, #tpu.memory_space<semaphore_mem>>)
    %dma_wait3A_292 = arith.constant 1 : i32
    %dma_wait3A_293 = arith.constant 0 : i32
    %dma_wait3A_294 = tpu.memref_slice %arg17[%dma_wait3A_292, %dma_wait3A_293] : memref<32x128xi32, #tpu.memory_space<vmem>> -> memref<1x128xi32, #tpu.memory_space<vmem>>
    %dma_wait3A_295 = tpu.memref_squeeze %dma_wait3A_294 : memref<1x128xi32, #tpu.memory_space<vmem>> -> memref<128xi32, #tpu.memory_space<vmem>>
    %dma_wait3A_296 = arith.constant 0 : i32
    %dma_wait3A_297 = arith.constant 0 : i32
    %dma_wait3A_298 = tpu.memref_slice %arg3[%dma_wait3A_296, %dma_wait3A_297] : memref<10112x128xf32, #tpu.memory_space<hbm>> -> memref<10112x128xf32, #tpu.memory_space<hbm>>
    tpu.wait_indirect_dma semaphore(%arg22 : memref<!tpu.dma_semaphore, #tpu.memory_space<semaphore_mem>>) src(%dma_wait3A_298 : memref<10112x128xf32, #tpu.memory_space<hbm>>) dst(%arg21 : memref<128x128xf32, #tpu.memory_space<vmem>>)
    %mul3A_299 = arith.constant 27 : i32
    %mul3A_300 = arith.muli %add3A, %mul3A_299 : i32
    %add3A_301 = arith.constant 1 : i32
    %add3A_302 = arith.addi %mul3A_300, %add3A_301 : i32
    %mul3A_303 = arith.constant 128 : i32
    %mul3A_304 = arith.muli %add3A_302, %mul3A_303 : i32
    %dma_start3A_305 = arith.constant 0 : i32
    %dma_start3A_306 = tpu.memref_slice %arg11[%mul3A_304, %dma_start3A_305] : memref<110592x128xf32, #tpu.memory_space<hbm>> -> memref<128x128xf32, #tpu.memory_space<hbm>>
    %dma_start3A_307 = arith.constant 0 : i32
    %dma_start3A_308 = tpu.memref_slice %arg11[%mul3A_304, %dma_start3A_307] : memref<110592x128xf32, #tpu.memory_space<hbm>> -> memref<128x128xf32, #tpu.memory_space<hbm>>
    tpu.enqueue_dma source(%arg21 : memref<128x128xf32, #tpu.memory_space<vmem>>) target(%dma_start3A_308 : memref<128x128xf32, #tpu.memory_space<hbm>>) target_semaphore(%arg23 : memref<!tpu.dma_semaphore, #tpu.memory_space<semaphore_mem>>)
    %scan3A_309 = arith.constant 0 : i32
    %scan3A_310 = arith.constant 0 : i32
    %scan3A_311 = arith.constant 12 : i32
    %scan3A_312 = arith.addi %scan3A_310, %scan3A_311 : i32
    %scan3A_313 = arith.constant 1 : i32
    %scan3A_314 = scf.for %scan3A_850 = %scan3A_310 to %scan3A_312 step %scan3A_313 iter_args(%scan3A_851 = %scan3A_309) -> (i32)  : i32 {
      %mul3A_852 = arith.constant 2 : i32
      %mul3A_853 = arith.muli %mul3A_852, %scan3A_850 : i32
      %add3A_854 = arith.constant 2 : i32
      %add3A_855 = arith.addi %add3A_854, %mul3A_853 : i32
      %add3A_856 = arith.constant 1 : i32
      %add3A_857 = arith.addi %add3A_855, %add3A_856 : i32
      %sub3A = arith.constant 2 : i32
      %sub3A_858 = arith.subi %add3A_855, %sub3A : i32
      %mul3A_859 = arith.constant 27 : i32
      %mul3A_860 = arith.muli %add3A, %mul3A_859 : i32
      %add3A_861 = arith.addi %mul3A_860, %sub3A_858 : i32
      %mul3A_862 = arith.constant 128 : i32
      %mul3A_863 = arith.muli %add3A_861, %mul3A_862 : i32
      %dma_wait3A_864 = arith.constant 0 : i32
      %dma_wait3A_865 = tpu.memref_slice %arg10[%mul3A_863, %dma_wait3A_864] : memref<110592x128xf32, #tpu.memory_space<hbm>> -> memref<128x128xf32, #tpu.memory_space<hbm>>
      %dma_wait3A_866 = arith.constant 0 : i32
      %dma_wait3A_867 = tpu.memref_slice %arg10[%mul3A_863, %dma_wait3A_866] : memref<110592x128xf32, #tpu.memory_space<hbm>> -> memref<128x128xf32, #tpu.memory_space<hbm>>
      tpu.wait_dma2 semaphore(%arg23 : memref<!tpu.dma_semaphore, #tpu.memory_space<semaphore_mem>>) src(%arg18 : memref<128x128xf32, #tpu.memory_space<vmem>>) dst(%dma_wait3A_867 : memref<128x128xf32, #tpu.memory_space<hbm>>)
      %mul3A_868 = arith.constant 27 : i32
      %mul3A_869 = arith.muli %add3A, %mul3A_868 : i32
      %add3A_870 = arith.addi %mul3A_869, %sub3A_858 : i32
      %mul3A_871 = arith.constant 128 : i32
      %mul3A_872 = arith.muli %add3A_870, %mul3A_871 : i32
      %dma_wait3A_873 = arith.constant 0 : i32
      %dma_wait3A_874 = tpu.memref_slice %arg11[%mul3A_872, %dma_wait3A_873] : memref<110592x128xf32, #tpu.memory_space<hbm>> -> memref<128x128xf32, #tpu.memory_space<hbm>>
      %dma_wait3A_875 = arith.constant 0 : i32
      %dma_wait3A_876 = tpu.memref_slice %arg11[%mul3A_872, %dma_wait3A_875] : memref<110592x128xf32, #tpu.memory_space<hbm>> -> memref<128x128xf32, #tpu.memory_space<hbm>>
      tpu.wait_dma2 semaphore(%arg23 : memref<!tpu.dma_semaphore, #tpu.memory_space<semaphore_mem>>) src(%arg19 : memref<128x128xf32, #tpu.memory_space<vmem>>) dst(%dma_wait3A_876 : memref<128x128xf32, #tpu.memory_space<hbm>>)
      %dma_start3A_877 = arith.constant 0 : i32
      %dma_start3A_878 = tpu.memref_slice %arg16[%add3A_855, %dma_start3A_877] : memref<32x128xi32, #tpu.memory_space<vmem>> -> memref<1x128xi32, #tpu.memory_space<vmem>>
      %dma_start3A_879 = tpu.memref_squeeze %dma_start3A_878 : memref<1x128xi32, #tpu.memory_space<vmem>> -> memref<128xi32, #tpu.memory_space<vmem>>
      %dma_start3A_880 = arith.constant 0 : i32
      %dma_start3A_881 = arith.constant 0 : i32
      %dma_start3A_882 = tpu.memref_slice %arg3[%dma_start3A_880, %dma_start3A_881] : memref<10112x128xf32, #tpu.memory_space<hbm>> -> memref<10112x128xf32, #tpu.memory_space<hbm>>
      tpu.enqueue_indirect_dma source(%dma_start3A_882 : memref<10112x128xf32, #tpu.memory_space<hbm>>) target(%arg18 : memref<128x128xf32, #tpu.memory_space<vmem>>) offsets(%dma_start3A_879 : memref<128xi32, #tpu.memory_space<vmem>>) semaphore(%arg22 : memref<!tpu.dma_semaphore, #tpu.memory_space<semaphore_mem>>)
      %dma_start3A_883 = arith.constant 0 : i32
      %dma_start3A_884 = tpu.memref_slice %arg17[%add3A_855, %dma_start3A_883] : memref<32x128xi32, #tpu.memory_space<vmem>> -> memref<1x128xi32, #tpu.memory_space<vmem>>
      %dma_start3A_885 = tpu.memref_squeeze %dma_start3A_884 : memref<1x128xi32, #tpu.memory_space<vmem>> -> memref<128xi32, #tpu.memory_space<vmem>>
      %dma_start3A_886 = arith.constant 0 : i32
      %dma_start3A_887 = arith.constant 0 : i32
      %dma_start3A_888 = tpu.memref_slice %arg3[%dma_start3A_886, %dma_start3A_887] : memref<10112x128xf32, #tpu.memory_space<hbm>> -> memref<10112x128xf32, #tpu.memory_space<hbm>>
      tpu.enqueue_indirect_dma source(%dma_start3A_888 : memref<10112x128xf32, #tpu.memory_space<hbm>>) target(%arg19 : memref<128x128xf32, #tpu.memory_space<vmem>>) offsets(%dma_start3A_885 : memref<128xi32, #tpu.memory_space<vmem>>) semaphore(%arg22 : memref<!tpu.dma_semaphore, #tpu.memory_space<semaphore_mem>>)
      %sub3A_889 = arith.constant 2 : i32
      %sub3A_890 = arith.subi %add3A_857, %sub3A_889 : i32
      %mul3A_891 = arith.constant 27 : i32
      %mul3A_892 = arith.muli %add3A, %mul3A_891 : i32
      %add3A_893 = arith.addi %mul3A_892, %sub3A_890 : i32
      %mul3A_894 = arith.constant 128 : i32
      %mul3A_895 = arith.muli %add3A_893, %mul3A_894 : i32
      %dma_wait3A_896 = arith.constant 0 : i32
      %dma_wait3A_897 = tpu.memref_slice %arg10[%mul3A_895, %dma_wait3A_896] : memref<110592x128xf32, #tpu.memory_space<hbm>> -> memref<128x128xf32, #tpu.memory_space<hbm>>
      %dma_wait3A_898 = arith.constant 0 : i32
      %dma_wait3A_899 = tpu.memref_slice %arg10[%mul3A_895, %dma_wait3A_898] : memref<110592x128xf32, #tpu.memory_space<hbm>> -> memref<128x128xf32, #tpu.memory_space<hbm>>
      tpu.wait_dma2 semaphore(%arg23 : memref<!tpu.dma_semaphore, #tpu.memory_space<semaphore_mem>>) src(%arg20 : memref<128x128xf32, #tpu.memory_space<vmem>>) dst(%dma_wait3A_899 : memref<128x128xf32, #tpu.memory_space<hbm>>)
      %mul3A_900 = arith.constant 27 : i32
      %mul3A_901 = arith.muli %add3A, %mul3A_900 : i32
      %add3A_902 = arith.addi %mul3A_901, %sub3A_890 : i32
      %mul3A_903 = arith.constant 128 : i32
      %mul3A_904 = arith.muli %add3A_902, %mul3A_903 : i32
      %dma_wait3A_905 = arith.constant 0 : i32
      %dma_wait3A_906 = tpu.memref_slice %arg11[%mul3A_904, %dma_wait3A_905] : memref<110592x128xf32, #tpu.memory_space<hbm>> -> memref<128x128xf32, #tpu.memory_space<hbm>>
      %dma_wait3A_907 = arith.constant 0 : i32
      %dma_wait3A_908 = tpu.memref_slice %arg11[%mul3A_904, %dma_wait3A_907] : memref<110592x128xf32, #tpu.memory_space<hbm>> -> memref<128x128xf32, #tpu.memory_space<hbm>>
      tpu.wait_dma2 semaphore(%arg23 : memref<!tpu.dma_semaphore, #tpu.memory_space<semaphore_mem>>) src(%arg21 : memref<128x128xf32, #tpu.memory_space<vmem>>) dst(%dma_wait3A_908 : memref<128x128xf32, #tpu.memory_space<hbm>>)
      %dma_start3A_909 = arith.constant 0 : i32
      %dma_start3A_910 = tpu.memref_slice %arg16[%add3A_857, %dma_start3A_909] : memref<32x128xi32, #tpu.memory_space<vmem>> -> memref<1x128xi32, #tpu.memory_space<vmem>>
      %dma_start3A_911 = tpu.memref_squeeze %dma_start3A_910 : memref<1x128xi32, #tpu.memory_space<vmem>> -> memref<128xi32, #tpu.memory_space<vmem>>
      %dma_start3A_912 = arith.constant 0 : i32
      %dma_start3A_913 = arith.constant 0 : i32
      %dma_start3A_914 = tpu.memref_slice %arg3[%dma_start3A_912, %dma_start3A_913] : memref<10112x128xf32, #tpu.memory_space<hbm>> -> memref<10112x128xf32, #tpu.memory_space<hbm>>
      tpu.enqueue_indirect_dma source(%dma_start3A_914 : memref<10112x128xf32, #tpu.memory_space<hbm>>) target(%arg20 : memref<128x128xf32, #tpu.memory_space<vmem>>) offsets(%dma_start3A_911 : memref<128xi32, #tpu.memory_space<vmem>>) semaphore(%arg22 : memref<!tpu.dma_semaphore, #tpu.memory_space<semaphore_mem>>)
      %dma_start3A_915 = arith.constant 0 : i32
      %dma_start3A_916 = tpu.memref_slice %arg17[%add3A_857, %dma_start3A_915] : memref<32x128xi32, #tpu.memory_space<vmem>> -> memref<1x128xi32, #tpu.memory_space<vmem>>
      %dma_start3A_917 = tpu.memref_squeeze %dma_start3A_916 : memref<1x128xi32, #tpu.memory_space<vmem>> -> memref<128xi32, #tpu.memory_space<vmem>>
      %dma_start3A_918 = arith.constant 0 : i32
      %dma_start3A_919 = arith.constant 0 : i32
      %dma_start3A_920 = tpu.memref_slice %arg3[%dma_start3A_918, %dma_start3A_919] : memref<10112x128xf32, #tpu.memory_space<hbm>> -> memref<10112x128xf32, #tpu.memory_space<hbm>>
      tpu.enqueue_indirect_dma source(%dma_start3A_920 : memref<10112x128xf32, #tpu.memory_space<hbm>>) target(%arg21 : memref<128x128xf32, #tpu.memory_space<vmem>>) offsets(%dma_start3A_917 : memref<128xi32, #tpu.memory_space<vmem>>) semaphore(%arg22 : memref<!tpu.dma_semaphore, #tpu.memory_space<semaphore_mem>>)
      %dma_wait3A_921 = arith.constant 0 : i32
      %dma_wait3A_922 = tpu.memref_slice %arg16[%add3A_855, %dma_wait3A_921] : memref<32x128xi32, #tpu.memory_space<vmem>> -> memref<1x128xi32, #tpu.memory_space<vmem>>
      %dma_wait3A_923 = tpu.memref_squeeze %dma_wait3A_922 : memref<1x128xi32, #tpu.memory_space<vmem>> -> memref<128xi32, #tpu.memory_space<vmem>>
      %dma_wait3A_924 = arith.constant 0 : i32
      %dma_wait3A_925 = arith.constant 0 : i32
      %dma_wait3A_926 = tpu.memref_slice %arg3[%dma_wait3A_924, %dma_wait3A_925] : memref<10112x128xf32, #tpu.memory_space<hbm>> -> memref<10112x128xf32, #tpu.memory_space<hbm>>
      tpu.wait_indirect_dma semaphore(%arg22 : memref<!tpu.dma_semaphore, #tpu.memory_space<semaphore_mem>>) src(%dma_wait3A_926 : memref<10112x128xf32, #tpu.memory_space<hbm>>) dst(%arg18 : memref<128x128xf32, #tpu.memory_space<vmem>>)
      %mul3A_927 = arith.constant 27 : i32
      %mul3A_928 = arith.muli %add3A, %mul3A_927 : i32
      %add3A_929 = arith.addi %mul3A_928, %add3A_855 : i32
      %mul3A_930 = arith.constant 128 : i32
      %mul3A_931 = arith.muli %add3A_929, %mul3A_930 : i32
      %dma_start3A_932 = arith.constant 0 : i32
      %dma_start3A_933 = tpu.memref_slice %arg10[%mul3A_931, %dma_start3A_932] : memref<110592x128xf32, #tpu.memory_space<hbm>> -> memref<128x128xf32, #tpu.memory_space<hbm>>
      %dma_start3A_934 = arith.constant 0 : i32
      %dma_start3A_935 = tpu.memref_slice %arg10[%mul3A_931, %dma_start3A_934] : memref<110592x128xf32, #tpu.memory_space<hbm>> -> memref<128x128xf32, #tpu.memory_space<hbm>>
      tpu.enqueue_dma source(%arg18 : memref<128x128xf32, #tpu.memory_space<vmem>>) target(%dma_start3A_935 : memref<128x128xf32, #tpu.memory_space<hbm>>) target_semaphore(%arg23 : memref<!tpu.dma_semaphore, #tpu.memory_space<semaphore_mem>>)
      %dma_wait3A_936 = arith.constant 0 : i32
      %dma_wait3A_937 = tpu.memref_slice %arg17[%add3A_855, %dma_wait3A_936] : memref<32x128xi32, #tpu.memory_space<vmem>> -> memref<1x128xi32, #tpu.memory_space<vmem>>
      %dma_wait3A_938 = tpu.memref_squeeze %dma_wait3A_937 : memref<1x128xi32, #tpu.memory_space<vmem>> -> memref<128xi32, #tpu.memory_space<vmem>>
      %dma_wait3A_939 = arith.constant 0 : i32
      %dma_wait3A_940 = arith.constant 0 : i32
      %dma_wait3A_941 = tpu.memref_slice %arg3[%dma_wait3A_939, %dma_wait3A_940] : memref<10112x128xf32, #tpu.memory_space<hbm>> -> memref<10112x128xf32, #tpu.memory_space<hbm>>
      tpu.wait_indirect_dma semaphore(%arg22 : memref<!tpu.dma_semaphore, #tpu.memory_space<semaphore_mem>>) src(%dma_wait3A_941 : memref<10112x128xf32, #tpu.memory_space<hbm>>) dst(%arg19 : memref<128x128xf32, #tpu.memory_space<vmem>>)
      %mul3A_942 = arith.constant 27 : i32
      %mul3A_943 = arith.muli %add3A, %mul3A_942 : i32
      %add3A_944 = arith.addi %mul3A_943, %add3A_855 : i32
      %mul3A_945 = arith.constant 128 : i32
      %mul3A_946 = arith.muli %add3A_944, %mul3A_945 : i32
      %dma_start3A_947 = arith.constant 0 : i32
      %dma_start3A_948 = tpu.memref_slice %arg11[%mul3A_946, %dma_start3A_947] : memref<110592x128xf32, #tpu.memory_space<hbm>> -> memref<128x128xf32, #tpu.memory_space<hbm>>
      %dma_start3A_949 = arith.constant 0 : i32
      %dma_start3A_950 = tpu.memref_slice %arg11[%mul3A_946, %dma_start3A_949] : memref<110592x128xf32, #tpu.memory_space<hbm>> -> memref<128x128xf32, #tpu.memory_space<hbm>>
      tpu.enqueue_dma source(%arg19 : memref<128x128xf32, #tpu.memory_space<vmem>>) target(%dma_start3A_950 : memref<128x128xf32, #tpu.memory_space<hbm>>) target_semaphore(%arg23 : memref<!tpu.dma_semaphore, #tpu.memory_space<semaphore_mem>>)
      %dma_wait3A_951 = arith.constant 0 : i32
      %dma_wait3A_952 = tpu.memref_slice %arg16[%add3A_857, %dma_wait3A_951] : memref<32x128xi32, #tpu.memory_space<vmem>> -> memref<1x128xi32, #tpu.memory_space<vmem>>
      %dma_wait3A_953 = tpu.memref_squeeze %dma_wait3A_952 : memref<1x128xi32, #tpu.memory_space<vmem>> -> memref<128xi32, #tpu.memory_space<vmem>>
      %dma_wait3A_954 = arith.constant 0 : i32
      %dma_wait3A_955 = arith.constant 0 : i32
      %dma_wait3A_956 = tpu.memref_slice %arg3[%dma_wait3A_954, %dma_wait3A_955] : memref<10112x128xf32, #tpu.memory_space<hbm>> -> memref<10112x128xf32, #tpu.memory_space<hbm>>
      tpu.wait_indirect_dma semaphore(%arg22 : memref<!tpu.dma_semaphore, #tpu.memory_space<semaphore_mem>>) src(%dma_wait3A_956 : memref<10112x128xf32, #tpu.memory_space<hbm>>) dst(%arg20 : memref<128x128xf32, #tpu.memory_space<vmem>>)
      %mul3A_957 = arith.constant 27 : i32
      %mul3A_958 = arith.muli %add3A, %mul3A_957 : i32
      %add3A_959 = arith.addi %mul3A_958, %add3A_857 : i32
      %mul3A_960 = arith.constant 128 : i32
      %mul3A_961 = arith.muli %add3A_959, %mul3A_960 : i32
      %dma_start3A_962 = arith.constant 0 : i32
      %dma_start3A_963 = tpu.memref_slice %arg10[%mul3A_961, %dma_start3A_962] : memref<110592x128xf32, #tpu.memory_space<hbm>> -> memref<128x128xf32, #tpu.memory_space<hbm>>
      %dma_start3A_964 = arith.constant 0 : i32
      %dma_start3A_965 = tpu.memref_slice %arg10[%mul3A_961, %dma_start3A_964] : memref<110592x128xf32, #tpu.memory_space<hbm>> -> memref<128x128xf32, #tpu.memory_space<hbm>>
      tpu.enqueue_dma source(%arg20 : memref<128x128xf32, #tpu.memory_space<vmem>>) target(%dma_start3A_965 : memref<128x128xf32, #tpu.memory_space<hbm>>) target_semaphore(%arg23 : memref<!tpu.dma_semaphore, #tpu.memory_space<semaphore_mem>>)
      %dma_wait3A_966 = arith.constant 0 : i32
      %dma_wait3A_967 = tpu.memref_slice %arg17[%add3A_857, %dma_wait3A_966] : memref<32x128xi32, #tpu.memory_space<vmem>> -> memref<1x128xi32, #tpu.memory_space<vmem>>
      %dma_wait3A_968 = tpu.memref_squeeze %dma_wait3A_967 : memref<1x128xi32, #tpu.memory_space<vmem>> -> memref<128xi32, #tpu.memory_space<vmem>>
      %dma_wait3A_969 = arith.constant 0 : i32
      %dma_wait3A_970 = arith.constant 0 : i32
      %dma_wait3A_971 = tpu.memref_slice %arg3[%dma_wait3A_969, %dma_wait3A_970] : memref<10112x128xf32, #tpu.memory_space<hbm>> -> memref<10112x128xf32, #tpu.memory_space<hbm>>
      tpu.wait_indirect_dma semaphore(%arg22 : memref<!tpu.dma_semaphore, #tpu.memory_space<semaphore_mem>>) src(%dma_wait3A_971 : memref<10112x128xf32, #tpu.memory_space<hbm>>) dst(%arg21 : memref<128x128xf32, #tpu.memory_space<vmem>>)
      %mul3A_972 = arith.constant 27 : i32
      %mul3A_973 = arith.muli %add3A, %mul3A_972 : i32
      %add3A_974 = arith.addi %mul3A_973, %add3A_857 : i32
      %mul3A_975 = arith.constant 128 : i32
      %mul3A_976 = arith.muli %add3A_974, %mul3A_975 : i32
      %dma_start3A_977 = arith.constant 0 : i32
      %dma_start3A_978 = tpu.memref_slice %arg11[%mul3A_976, %dma_start3A_977] : memref<110592x128xf32, #tpu.memory_space<hbm>> -> memref<128x128xf32, #tpu.memory_space<hbm>>
      %dma_start3A_979 = arith.constant 0 : i32
      %dma_start3A_980 = tpu.memref_slice %arg11[%mul3A_976, %dma_start3A_979] : memref<110592x128xf32, #tpu.memory_space<hbm>> -> memref<128x128xf32, #tpu.memory_space<hbm>>
      tpu.enqueue_dma source(%arg21 : memref<128x128xf32, #tpu.memory_space<vmem>>) target(%dma_start3A_980 : memref<128x128xf32, #tpu.memory_space<hbm>>) target_semaphore(%arg23 : memref<!tpu.dma_semaphore, #tpu.memory_space<semaphore_mem>>)
      %scan3A_981 = arith.constant 0 : i32
      scf.yield %scan3A_981 : i32
    }
    %scan3A_315 = arith.constant 12 : i32
    %mul3A_316 = arith.constant 27 : i32
    %mul3A_317 = arith.muli %add3A, %mul3A_316 : i32
    %add3A_318 = arith.constant 24 : i32
    %add3A_319 = arith.addi %mul3A_317, %add3A_318 : i32
    %mul3A_320 = arith.constant 128 : i32
    %mul3A_321 = arith.muli %add3A_319, %mul3A_320 : i32
    %dma_wait3A_322 = arith.constant 0 : i32
    %dma_wait3A_323 = tpu.memref_slice %arg10[%mul3A_321, %dma_wait3A_322] : memref<110592x128xf32, #tpu.memory_space<hbm>> -> memref<128x128xf32, #tpu.memory_space<hbm>>
    %dma_wait3A_324 = arith.constant 0 : i32
    %dma_wait3A_325 = tpu.memref_slice %arg10[%mul3A_321, %dma_wait3A_324] : memref<110592x128xf32, #tpu.memory_space<hbm>> -> memref<128x128xf32, #tpu.memory_space<hbm>>
    tpu.wait_dma2 semaphore(%arg23 : memref<!tpu.dma_semaphore, #tpu.memory_space<semaphore_mem>>) src(%arg18 : memref<128x128xf32, #tpu.memory_space<vmem>>) dst(%dma_wait3A_325 : memref<128x128xf32, #tpu.memory_space<hbm>>)
    %mul3A_326 = arith.constant 27 : i32
    %mul3A_327 = arith.muli %add3A, %mul3A_326 : i32
    %add3A_328 = arith.constant 24 : i32
    %add3A_329 = arith.addi %mul3A_327, %add3A_328 : i32
    %mul3A_330 = arith.constant 128 : i32
    %mul3A_331 = arith.muli %add3A_329, %mul3A_330 : i32
    %dma_wait3A_332 = arith.constant 0 : i32
    %dma_wait3A_333 = tpu.memref_slice %arg11[%mul3A_331, %dma_wait3A_332] : memref<110592x128xf32, #tpu.memory_space<hbm>> -> memref<128x128xf32, #tpu.memory_space<hbm>>
    %dma_wait3A_334 = arith.constant 0 : i32
    %dma_wait3A_335 = tpu.memref_slice %arg11[%mul3A_331, %dma_wait3A_334] : memref<110592x128xf32, #tpu.memory_space<hbm>> -> memref<128x128xf32, #tpu.memory_space<hbm>>
    tpu.wait_dma2 semaphore(%arg23 : memref<!tpu.dma_semaphore, #tpu.memory_space<semaphore_mem>>) src(%arg19 : memref<128x128xf32, #tpu.memory_space<vmem>>) dst(%dma_wait3A_335 : memref<128x128xf32, #tpu.memory_space<hbm>>)
    %dma_start3A_336 = arith.constant 26 : i32
    %dma_start3A_337 = arith.constant 0 : i32
    %dma_start3A_338 = tpu.memref_slice %arg16[%dma_start3A_336, %dma_start3A_337] : memref<32x128xi32, #tpu.memory_space<vmem>> -> memref<1x128xi32, #tpu.memory_space<vmem>>
    %dma_start3A_339 = tpu.memref_squeeze %dma_start3A_338 : memref<1x128xi32, #tpu.memory_space<vmem>> -> memref<128xi32, #tpu.memory_space<vmem>>
    %dma_start3A_340 = arith.constant 0 : i32
    %dma_start3A_341 = arith.constant 0 : i32
    %dma_start3A_342 = tpu.memref_slice %arg3[%dma_start3A_340, %dma_start3A_341] : memref<10112x128xf32, #tpu.memory_space<hbm>> -> memref<10112x128xf32, #tpu.memory_space<hbm>>
    tpu.enqueue_indirect_dma source(%dma_start3A_342 : memref<10112x128xf32, #tpu.memory_space<hbm>>) target(%arg18 : memref<128x128xf32, #tpu.memory_space<vmem>>) offsets(%dma_start3A_339 : memref<128xi32, #tpu.memory_space<vmem>>) semaphore(%arg22 : memref<!tpu.dma_semaphore, #tpu.memory_space<semaphore_mem>>)
    %dma_start3A_343 = arith.constant 26 : i32
    %dma_start3A_344 = arith.constant 0 : i32
    %dma_start3A_345 = tpu.memref_slice %arg17[%dma_start3A_343, %dma_start3A_344] : memref<32x128xi32, #tpu.memory_space<vmem>> -> memref<1x128xi32, #tpu.memory_space<vmem>>
    %dma_start3A_346 = tpu.memref_squeeze %dma_start3A_345 : memref<1x128xi32, #tpu.memory_space<vmem>> -> memref<128xi32, #tpu.memory_space<vmem>>
    %dma_start3A_347 = arith.constant 0 : i32
    %dma_start3A_348 = arith.constant 0 : i32
    %dma_start3A_349 = tpu.memref_slice %arg3[%dma_start3A_347, %dma_start3A_348] : memref<10112x128xf32, #tpu.memory_space<hbm>> -> memref<10112x128xf32, #tpu.memory_space<hbm>>
    tpu.enqueue_indirect_dma source(%dma_start3A_349 : memref<10112x128xf32, #tpu.memory_space<hbm>>) target(%arg19 : memref<128x128xf32, #tpu.memory_space<vmem>>) offsets(%dma_start3A_346 : memref<128xi32, #tpu.memory_space<vmem>>) semaphore(%arg22 : memref<!tpu.dma_semaphore, #tpu.memory_space<semaphore_mem>>)
    %dma_wait3A_350 = arith.constant 26 : i32
    %dma_wait3A_351 = arith.constant 0 : i32
    %dma_wait3A_352 = tpu.memref_slice %arg16[%dma_wait3A_350, %dma_wait3A_351] : memref<32x128xi32, #tpu.memory_space<vmem>> -> memref<1x128xi32, #tpu.memory_space<vmem>>
    %dma_wait3A_353 = tpu.memref_squeeze %dma_wait3A_352 : memref<1x128xi32, #tpu.memory_space<vmem>> -> memref<128xi32, #tpu.memory_space<vmem>>
    %dma_wait3A_354 = arith.constant 0 : i32
    %dma_wait3A_355 = arith.constant 0 : i32
    %dma_wait3A_356 = tpu.memref_slice %arg3[%dma_wait3A_354, %dma_wait3A_355] : memref<10112x128xf32, #tpu.memory_space<hbm>> -> memref<10112x128xf32, #tpu.memory_space<hbm>>
    tpu.wait_indirect_dma semaphore(%arg22 : memref<!tpu.dma_semaphore, #tpu.memory_space<semaphore_mem>>) src(%dma_wait3A_356 : memref<10112x128xf32, #tpu.memory_space<hbm>>) dst(%arg18 : memref<128x128xf32, #tpu.memory_space<vmem>>)
    %mul3A_357 = arith.constant 27 : i32
    %mul3A_358 = arith.muli %add3A, %mul3A_357 : i32
    %add3A_359 = arith.constant 26 : i32
    %add3A_360 = arith.addi %mul3A_358, %add3A_359 : i32
    %mul3A_361 = arith.constant 128 : i32
    %mul3A_362 = arith.muli %add3A_360, %mul3A_361 : i32
    %dma_start3A_363 = arith.constant 0 : i32
    %dma_start3A_364 = tpu.memref_slice %arg10[%mul3A_362, %dma_start3A_363] : memref<110592x128xf32, #tpu.memory_space<hbm>> -> memref<128x128xf32, #tpu.memory_space<hbm>>
    %dma_start3A_365 = arith.constant 0 : i32
    %dma_start3A_366 = tpu.memref_slice %arg10[%mul3A_362, %dma_start3A_365] : memref<110592x128xf32, #tpu.memory_space<hbm>> -> memref<128x128xf32, #tpu.memory_space<hbm>>
    tpu.enqueue_dma source(%arg18 : memref<128x128xf32, #tpu.memory_space<vmem>>) target(%dma_start3A_366 : memref<128x128xf32, #tpu.memory_space<hbm>>) target_semaphore(%arg23 : memref<!tpu.dma_semaphore, #tpu.memory_space<semaphore_mem>>)
    %dma_wait3A_367 = arith.constant 26 : i32
    %dma_wait3A_368 = arith.constant 0 : i32
    %dma_wait3A_369 = tpu.memref_slice %arg17[%dma_wait3A_367, %dma_wait3A_368] : memref<32x128xi32, #tpu.memory_space<vmem>> -> memref<1x128xi32, #tpu.memory_space<vmem>>
    %dma_wait3A_370 = tpu.memref_squeeze %dma_wait3A_369 : memref<1x128xi32, #tpu.memory_space<vmem>> -> memref<128xi32, #tpu.memory_space<vmem>>
    %dma_wait3A_371 = arith.constant 0 : i32
    %dma_wait3A_372 = arith.constant 0 : i32
    %dma_wait3A_373 = tpu.memref_slice %arg3[%dma_wait3A_371, %dma_wait3A_372] : memref<10112x128xf32, #tpu.memory_space<hbm>> -> memref<10112x128xf32, #tpu.memory_space<hbm>>
    tpu.wait_indirect_dma semaphore(%arg22 : memref<!tpu.dma_semaphore, #tpu.memory_space<semaphore_mem>>) src(%dma_wait3A_373 : memref<10112x128xf32, #tpu.memory_space<hbm>>) dst(%arg19 : memref<128x128xf32, #tpu.memory_space<vmem>>)
    %mul3A_374 = arith.constant 27 : i32
    %mul3A_375 = arith.muli %add3A, %mul3A_374 : i32
    %add3A_376 = arith.constant 26 : i32
    %add3A_377 = arith.addi %mul3A_375, %add3A_376 : i32
    %mul3A_378 = arith.constant 128 : i32
    %mul3A_379 = arith.muli %add3A_377, %mul3A_378 : i32
    %dma_start3A_380 = arith.constant 0 : i32
    %dma_start3A_381 = tpu.memref_slice %arg11[%mul3A_379, %dma_start3A_380] : memref<110592x128xf32, #tpu.memory_space<hbm>> -> memref<128x128xf32, #tpu.memory_space<hbm>>
    %dma_start3A_382 = arith.constant 0 : i32
    %dma_start3A_383 = tpu.memref_slice %arg11[%mul3A_379, %dma_start3A_382] : memref<110592x128xf32, #tpu.memory_space<hbm>> -> memref<128x128xf32, #tpu.memory_space<hbm>>
    tpu.enqueue_dma source(%arg19 : memref<128x128xf32, #tpu.memory_space<vmem>>) target(%dma_start3A_383 : memref<128x128xf32, #tpu.memory_space<hbm>>) target_semaphore(%arg23 : memref<!tpu.dma_semaphore, #tpu.memory_space<semaphore_mem>>)
    %mul3A_384 = arith.constant 27 : i32
    %mul3A_385 = arith.muli %add3A, %mul3A_384 : i32
    %add3A_386 = arith.constant 25 : i32
    %add3A_387 = arith.addi %mul3A_385, %add3A_386 : i32
    %mul3A_388 = arith.constant 128 : i32
    %mul3A_389 = arith.muli %add3A_387, %mul3A_388 : i32
    %dma_wait3A_390 = arith.constant 0 : i32
    %dma_wait3A_391 = tpu.memref_slice %arg10[%mul3A_389, %dma_wait3A_390] : memref<110592x128xf32, #tpu.memory_space<hbm>> -> memref<128x128xf32, #tpu.memory_space<hbm>>
    %dma_wait3A_392 = arith.constant 0 : i32
    %dma_wait3A_393 = tpu.memref_slice %arg10[%mul3A_389, %dma_wait3A_392] : memref<110592x128xf32, #tpu.memory_space<hbm>> -> memref<128x128xf32, #tpu.memory_space<hbm>>
    tpu.wait_dma2 semaphore(%arg23 : memref<!tpu.dma_semaphore, #tpu.memory_space<semaphore_mem>>) src(%arg20 : memref<128x128xf32, #tpu.memory_space<vmem>>) dst(%dma_wait3A_393 : memref<128x128xf32, #tpu.memory_space<hbm>>)
    %mul3A_394 = arith.constant 27 : i32
    %mul3A_395 = arith.muli %add3A, %mul3A_394 : i32
    %add3A_396 = arith.constant 25 : i32
    %add3A_397 = arith.addi %mul3A_395, %add3A_396 : i32
    %mul3A_398 = arith.constant 128 : i32
    %mul3A_399 = arith.muli %add3A_397, %mul3A_398 : i32
    %dma_wait3A_400 = arith.constant 0 : i32
    %dma_wait3A_401 = tpu.memref_slice %arg11[%mul3A_399, %dma_wait3A_400] : memref<110592x128xf32, #tpu.memory_space<hbm>> -> memref<128x128xf32, #tpu.memory_space<hbm>>
    %dma_wait3A_402 = arith.constant 0 : i32
    %dma_wait3A_403 = tpu.memref_slice %arg11[%mul3A_399, %dma_wait3A_402] : memref<110592x128xf32, #tpu.memory_space<hbm>> -> memref<128x128xf32, #tpu.memory_space<hbm>>
    tpu.wait_dma2 semaphore(%arg23 : memref<!tpu.dma_semaphore, #tpu.memory_space<semaphore_mem>>) src(%arg21 : memref<128x128xf32, #tpu.memory_space<vmem>>) dst(%dma_wait3A_403 : memref<128x128xf32, #tpu.memory_space<hbm>>)
    %mul3A_404 = arith.constant 27 : i32
    %mul3A_405 = arith.muli %add3A, %mul3A_404 : i32
    %add3A_406 = arith.constant 26 : i32
    %add3A_407 = arith.addi %mul3A_405, %add3A_406 : i32
    %mul3A_408 = arith.constant 128 : i32
    %mul3A_409 = arith.muli %add3A_407, %mul3A_408 : i32
    %dma_wait3A_410 = arith.constant 0 : i32
    %dma_wait3A_411 = tpu.memref_slice %arg10[%mul3A_409, %dma_wait3A_410] : memref<110592x128xf32, #tpu.memory_space<hbm>> -> memref<128x128xf32, #tpu.memory_space<hbm>>
    %dma_wait3A_412 = arith.constant 0 : i32
    %dma_wait3A_413 = tpu.memref_slice %arg10[%mul3A_409, %dma_wait3A_412] : memref<110592x128xf32, #tpu.memory_space<hbm>> -> memref<128x128xf32, #tpu.memory_space<hbm>>
    tpu.wait_dma2 semaphore(%arg23 : memref<!tpu.dma_semaphore, #tpu.memory_space<semaphore_mem>>) src(%arg18 : memref<128x128xf32, #tpu.memory_space<vmem>>) dst(%dma_wait3A_413 : memref<128x128xf32, #tpu.memory_space<hbm>>)
    %mul3A_414 = arith.constant 27 : i32
    %mul3A_415 = arith.muli %add3A, %mul3A_414 : i32
    %add3A_416 = arith.constant 26 : i32
    %add3A_417 = arith.addi %mul3A_415, %add3A_416 : i32
    %mul3A_418 = arith.constant 128 : i32
    %mul3A_419 = arith.muli %add3A_417, %mul3A_418 : i32
    %dma_wait3A_420 = arith.constant 0 : i32
    %dma_wait3A_421 = tpu.memref_slice %arg11[%mul3A_419, %dma_wait3A_420] : memref<110592x128xf32, #tpu.memory_space<hbm>> -> memref<128x128xf32, #tpu.memory_space<hbm>>
    %dma_wait3A_422 = arith.constant 0 : i32
    %dma_wait3A_423 = tpu.memref_slice %arg11[%mul3A_419, %dma_wait3A_422] : memref<110592x128xf32, #tpu.memory_space<hbm>> -> memref<128x128xf32, #tpu.memory_space<hbm>>
    tpu.wait_dma2 semaphore(%arg23 : memref<!tpu.dma_semaphore, #tpu.memory_space<semaphore_mem>>) src(%arg19 : memref<128x128xf32, #tpu.memory_space<vmem>>) dst(%dma_wait3A_423 : memref<128x128xf32, #tpu.memory_space<hbm>>)
    %mul3A_424 = arith.constant 32 : i32
    %mul3A_425 = arith.muli %add3A, %mul3A_424 : i32
    "tpu.region"() ({
      %run_scoped3A = tpu.sem_alloc : memref<!tpu.dma_semaphore, #tpu.memory_space<semaphore_mem>>
      %dma_start3A_850 = arith.constant 0 : i32
      %dma_start3A_851 = tpu.memref_slice %arg6[%mul3A_425, %dma_start3A_850] : memref<1024x128xi32, #tpu.memory_space<hbm>> -> memref<32x128xi32, #tpu.memory_space<hbm>>
      %dma_start3A_852 = arith.constant 0 : i32
      %dma_start3A_853 = tpu.memref_slice %arg6[%mul3A_425, %dma_start3A_852] : memref<1024x128xi32, #tpu.memory_space<hbm>> -> memref<32x128xi32, #tpu.memory_space<hbm>>
      tpu.enqueue_dma source(%dma_start3A_853 : memref<32x128xi32, #tpu.memory_space<hbm>>) target(%arg16 : memref<32x128xi32, #tpu.memory_space<vmem>>) target_semaphore(%run_scoped3A : memref<!tpu.dma_semaphore, #tpu.memory_space<semaphore_mem>>)
      %dma_wait3A_854 = arith.constant 0 : i32
      %dma_wait3A_855 = tpu.memref_slice %arg6[%mul3A_425, %dma_wait3A_854] : memref<1024x128xi32, #tpu.memory_space<hbm>> -> memref<32x128xi32, #tpu.memory_space<hbm>>
      %dma_wait3A_856 = arith.constant 0 : i32
      %dma_wait3A_857 = tpu.memref_slice %arg6[%mul3A_425, %dma_wait3A_856] : memref<1024x128xi32, #tpu.memory_space<hbm>> -> memref<32x128xi32, #tpu.memory_space<hbm>>
      tpu.wait_dma2 semaphore(%run_scoped3A : memref<!tpu.dma_semaphore, #tpu.memory_space<semaphore_mem>>) src(%dma_wait3A_857 : memref<32x128xi32, #tpu.memory_space<hbm>>) dst(%arg16 : memref<32x128xi32, #tpu.memory_space<vmem>>)
      tpu.yield
    }) : () -> ()
    %mul3A_426 = arith.constant 32 : i32
    %mul3A_427 = arith.muli %add3A, %mul3A_426 : i32
    "tpu.region"() ({
      %run_scoped3A = tpu.sem_alloc : memref<!tpu.dma_semaphore, #tpu.memory_space<semaphore_mem>>
      %dma_start3A_850 = arith.constant 0 : i32
      %dma_start3A_851 = tpu.memref_slice %arg7[%mul3A_427, %dma_start3A_850] : memref<1024x128xi32, #tpu.memory_space<hbm>> -> memref<32x128xi32, #tpu.memory_space<hbm>>
      %dma_start3A_852 = arith.constant 0 : i32
      %dma_start3A_853 = tpu.memref_slice %arg7[%mul3A_427, %dma_start3A_852] : memref<1024x128xi32, #tpu.memory_space<hbm>> -> memref<32x128xi32, #tpu.memory_space<hbm>>
      tpu.enqueue_dma source(%dma_start3A_853 : memref<32x128xi32, #tpu.memory_space<hbm>>) target(%arg17 : memref<32x128xi32, #tpu.memory_space<vmem>>) target_semaphore(%run_scoped3A : memref<!tpu.dma_semaphore, #tpu.memory_space<semaphore_mem>>)
      %dma_wait3A_854 = arith.constant 0 : i32
      %dma_wait3A_855 = tpu.memref_slice %arg7[%mul3A_427, %dma_wait3A_854] : memref<1024x128xi32, #tpu.memory_space<hbm>> -> memref<32x128xi32, #tpu.memory_space<hbm>>
      %dma_wait3A_856 = arith.constant 0 : i32
      %dma_wait3A_857 = tpu.memref_slice %arg7[%mul3A_427, %dma_wait3A_856] : memref<1024x128xi32, #tpu.memory_space<hbm>> -> memref<32x128xi32, #tpu.memory_space<hbm>>
      tpu.wait_dma2 semaphore(%run_scoped3A : memref<!tpu.dma_semaphore, #tpu.memory_space<semaphore_mem>>) src(%dma_wait3A_857 : memref<32x128xi32, #tpu.memory_space<hbm>>) dst(%arg17 : memref<32x128xi32, #tpu.memory_space<vmem>>)
      tpu.yield
    }) : () -> ()
    %dma_start3A_428 = arith.constant 0 : i32
    %dma_start3A_429 = arith.constant 0 : i32
    %dma_start3A_430 = tpu.memref_slice %arg16[%dma_start3A_428, %dma_start3A_429] : memref<32x128xi32, #tpu.memory_space<vmem>> -> memref<1x128xi32, #tpu.memory_space<vmem>>
    %dma_start3A_431 = tpu.memref_squeeze %dma_start3A_430 : memref<1x128xi32, #tpu.memory_space<vmem>> -> memref<128xi32, #tpu.memory_space<vmem>>
    %dma_start3A_432 = arith.constant 0 : i32
    %dma_start3A_433 = arith.constant 0 : i32
    %dma_start3A_434 = tpu.memref_slice %arg2[%dma_start3A_432, %dma_start3A_433] : memref<10112x128xf32, #tpu.memory_space<hbm>> -> memref<10112x128xf32, #tpu.memory_space<hbm>>
    tpu.enqueue_indirect_dma source(%dma_start3A_434 : memref<10112x128xf32, #tpu.memory_space<hbm>>) target(%arg18 : memref<128x128xf32, #tpu.memory_space<vmem>>) offsets(%dma_start3A_431 : memref<128xi32, #tpu.memory_space<vmem>>) semaphore(%arg22 : memref<!tpu.dma_semaphore, #tpu.memory_space<semaphore_mem>>)
    %dma_start3A_435 = arith.constant 0 : i32
    %dma_start3A_436 = arith.constant 0 : i32
    %dma_start3A_437 = tpu.memref_slice %arg17[%dma_start3A_435, %dma_start3A_436] : memref<32x128xi32, #tpu.memory_space<vmem>> -> memref<1x128xi32, #tpu.memory_space<vmem>>
    %dma_start3A_438 = tpu.memref_squeeze %dma_start3A_437 : memref<1x128xi32, #tpu.memory_space<vmem>> -> memref<128xi32, #tpu.memory_space<vmem>>
    %dma_start3A_439 = arith.constant 0 : i32
    %dma_start3A_440 = arith.constant 0 : i32
    %dma_start3A_441 = tpu.memref_slice %arg2[%dma_start3A_439, %dma_start3A_440] : memref<10112x128xf32, #tpu.memory_space<hbm>> -> memref<10112x128xf32, #tpu.memory_space<hbm>>
    tpu.enqueue_indirect_dma source(%dma_start3A_441 : memref<10112x128xf32, #tpu.memory_space<hbm>>) target(%arg19 : memref<128x128xf32, #tpu.memory_space<vmem>>) offsets(%dma_start3A_438 : memref<128xi32, #tpu.memory_space<vmem>>) semaphore(%arg22 : memref<!tpu.dma_semaphore, #tpu.memory_space<semaphore_mem>>)
    %dma_start3A_442 = arith.constant 1 : i32
    %dma_start3A_443 = arith.constant 0 : i32
    %dma_start3A_444 = tpu.memref_slice %arg16[%dma_start3A_442, %dma_start3A_443] : memref<32x128xi32, #tpu.memory_space<vmem>> -> memref<1x128xi32, #tpu.memory_space<vmem>>
    %dma_start3A_445 = tpu.memref_squeeze %dma_start3A_444 : memref<1x128xi32, #tpu.memory_space<vmem>> -> memref<128xi32, #tpu.memory_space<vmem>>
    %dma_start3A_446 = arith.constant 0 : i32
    %dma_start3A_447 = arith.constant 0 : i32
    %dma_start3A_448 = tpu.memref_slice %arg2[%dma_start3A_446, %dma_start3A_447] : memref<10112x128xf32, #tpu.memory_space<hbm>> -> memref<10112x128xf32, #tpu.memory_space<hbm>>
    tpu.enqueue_indirect_dma source(%dma_start3A_448 : memref<10112x128xf32, #tpu.memory_space<hbm>>) target(%arg20 : memref<128x128xf32, #tpu.memory_space<vmem>>) offsets(%dma_start3A_445 : memref<128xi32, #tpu.memory_space<vmem>>) semaphore(%arg22 : memref<!tpu.dma_semaphore, #tpu.memory_space<semaphore_mem>>)
    %dma_start3A_449 = arith.constant 1 : i32
    %dma_start3A_450 = arith.constant 0 : i32
    %dma_start3A_451 = tpu.memref_slice %arg17[%dma_start3A_449, %dma_start3A_450] : memref<32x128xi32, #tpu.memory_space<vmem>> -> memref<1x128xi32, #tpu.memory_space<vmem>>
    %dma_start3A_452 = tpu.memref_squeeze %dma_start3A_451 : memref<1x128xi32, #tpu.memory_space<vmem>> -> memref<128xi32, #tpu.memory_space<vmem>>
    %dma_start3A_453 = arith.constant 0 : i32
    %dma_start3A_454 = arith.constant 0 : i32
    %dma_start3A_455 = tpu.memref_slice %arg2[%dma_start3A_453, %dma_start3A_454] : memref<10112x128xf32, #tpu.memory_space<hbm>> -> memref<10112x128xf32, #tpu.memory_space<hbm>>
    tpu.enqueue_indirect_dma source(%dma_start3A_455 : memref<10112x128xf32, #tpu.memory_space<hbm>>) target(%arg21 : memref<128x128xf32, #tpu.memory_space<vmem>>) offsets(%dma_start3A_452 : memref<128xi32, #tpu.memory_space<vmem>>) semaphore(%arg22 : memref<!tpu.dma_semaphore, #tpu.memory_space<semaphore_mem>>)
    %dma_wait3A_456 = arith.constant 0 : i32
    %dma_wait3A_457 = arith.constant 0 : i32
    %dma_wait3A_458 = tpu.memref_slice %arg16[%dma_wait3A_456, %dma_wait3A_457] : memref<32x128xi32, #tpu.memory_space<vmem>> -> memref<1x128xi32, #tpu.memory_space<vmem>>
    %dma_wait3A_459 = tpu.memref_squeeze %dma_wait3A_458 : memref<1x128xi32, #tpu.memory_space<vmem>> -> memref<128xi32, #tpu.memory_space<vmem>>
    %dma_wait3A_460 = arith.constant 0 : i32
    %dma_wait3A_461 = arith.constant 0 : i32
    %dma_wait3A_462 = tpu.memref_slice %arg2[%dma_wait3A_460, %dma_wait3A_461] : memref<10112x128xf32, #tpu.memory_space<hbm>> -> memref<10112x128xf32, #tpu.memory_space<hbm>>
    tpu.wait_indirect_dma semaphore(%arg22 : memref<!tpu.dma_semaphore, #tpu.memory_space<semaphore_mem>>) src(%dma_wait3A_462 : memref<10112x128xf32, #tpu.memory_space<hbm>>) dst(%arg18 : memref<128x128xf32, #tpu.memory_space<vmem>>)
    %mul3A_463 = arith.constant 27 : i32
    %mul3A_464 = arith.muli %add3A, %mul3A_463 : i32
    %add3A_465 = arith.constant 0 : i32
    %add3A_466 = arith.addi %mul3A_464, %add3A_465 : i32
    %mul3A_467 = arith.constant 128 : i32
    %mul3A_468 = arith.muli %add3A_466, %mul3A_467 : i32
    %dma_start3A_469 = arith.constant 0 : i32
    %dma_start3A_470 = tpu.memref_slice %arg12[%mul3A_468, %dma_start3A_469] : memref<110592x128xf32, #tpu.memory_space<hbm>> -> memref<128x128xf32, #tpu.memory_space<hbm>>
    %dma_start3A_471 = arith.constant 0 : i32
    %dma_start3A_472 = tpu.memref_slice %arg12[%mul3A_468, %dma_start3A_471] : memref<110592x128xf32, #tpu.memory_space<hbm>> -> memref<128x128xf32, #tpu.memory_space<hbm>>
    tpu.enqueue_dma source(%arg18 : memref<128x128xf32, #tpu.memory_space<vmem>>) target(%dma_start3A_472 : memref<128x128xf32, #tpu.memory_space<hbm>>) target_semaphore(%arg23 : memref<!tpu.dma_semaphore, #tpu.memory_space<semaphore_mem>>)
    %dma_wait3A_473 = arith.constant 0 : i32
    %dma_wait3A_474 = arith.constant 0 : i32
    %dma_wait3A_475 = tpu.memref_slice %arg17[%dma_wait3A_473, %dma_wait3A_474] : memref<32x128xi32, #tpu.memory_space<vmem>> -> memref<1x128xi32, #tpu.memory_space<vmem>>
    %dma_wait3A_476 = tpu.memref_squeeze %dma_wait3A_475 : memref<1x128xi32, #tpu.memory_space<vmem>> -> memref<128xi32, #tpu.memory_space<vmem>>
    %dma_wait3A_477 = arith.constant 0 : i32
    %dma_wait3A_478 = arith.constant 0 : i32
    %dma_wait3A_479 = tpu.memref_slice %arg2[%dma_wait3A_477, %dma_wait3A_478] : memref<10112x128xf32, #tpu.memory_space<hbm>> -> memref<10112x128xf32, #tpu.memory_space<hbm>>
    tpu.wait_indirect_dma semaphore(%arg22 : memref<!tpu.dma_semaphore, #tpu.memory_space<semaphore_mem>>) src(%dma_wait3A_479 : memref<10112x128xf32, #tpu.memory_space<hbm>>) dst(%arg19 : memref<128x128xf32, #tpu.memory_space<vmem>>)
    %mul3A_480 = arith.constant 27 : i32
    %mul3A_481 = arith.muli %add3A, %mul3A_480 : i32
    %add3A_482 = arith.constant 0 : i32
    %add3A_483 = arith.addi %mul3A_481, %add3A_482 : i32
    %mul3A_484 = arith.constant 128 : i32
    %mul3A_485 = arith.muli %add3A_483, %mul3A_484 : i32
    %dma_start3A_486 = arith.constant 0 : i32
    %dma_start3A_487 = tpu.memref_slice %arg13[%mul3A_485, %dma_start3A_486] : memref<110592x128xf32, #tpu.memory_space<hbm>> -> memref<128x128xf32, #tpu.memory_space<hbm>>
    %dma_start3A_488 = arith.constant 0 : i32
    %dma_start3A_489 = tpu.memref_slice %arg13[%mul3A_485, %dma_start3A_488] : memref<110592x128xf32, #tpu.memory_space<hbm>> -> memref<128x128xf32, #tpu.memory_space<hbm>>
    tpu.enqueue_dma source(%arg19 : memref<128x128xf32, #tpu.memory_space<vmem>>) target(%dma_start3A_489 : memref<128x128xf32, #tpu.memory_space<hbm>>) target_semaphore(%arg23 : memref<!tpu.dma_semaphore, #tpu.memory_space<semaphore_mem>>)
    %dma_wait3A_490 = arith.constant 1 : i32
    %dma_wait3A_491 = arith.constant 0 : i32
    %dma_wait3A_492 = tpu.memref_slice %arg16[%dma_wait3A_490, %dma_wait3A_491] : memref<32x128xi32, #tpu.memory_space<vmem>> -> memref<1x128xi32, #tpu.memory_space<vmem>>
    %dma_wait3A_493 = tpu.memref_squeeze %dma_wait3A_492 : memref<1x128xi32, #tpu.memory_space<vmem>> -> memref<128xi32, #tpu.memory_space<vmem>>
    %dma_wait3A_494 = arith.constant 0 : i32
    %dma_wait3A_495 = arith.constant 0 : i32
    %dma_wait3A_496 = tpu.memref_slice %arg2[%dma_wait3A_494, %dma_wait3A_495] : memref<10112x128xf32, #tpu.memory_space<hbm>> -> memref<10112x128xf32, #tpu.memory_space<hbm>>
    tpu.wait_indirect_dma semaphore(%arg22 : memref<!tpu.dma_semaphore, #tpu.memory_space<semaphore_mem>>) src(%dma_wait3A_496 : memref<10112x128xf32, #tpu.memory_space<hbm>>) dst(%arg20 : memref<128x128xf32, #tpu.memory_space<vmem>>)
    %mul3A_497 = arith.constant 27 : i32
    %mul3A_498 = arith.muli %add3A, %mul3A_497 : i32
    %add3A_499 = arith.constant 1 : i32
    %add3A_500 = arith.addi %mul3A_498, %add3A_499 : i32
    %mul3A_501 = arith.constant 128 : i32
    %mul3A_502 = arith.muli %add3A_500, %mul3A_501 : i32
    %dma_start3A_503 = arith.constant 0 : i32
    %dma_start3A_504 = tpu.memref_slice %arg12[%mul3A_502, %dma_start3A_503] : memref<110592x128xf32, #tpu.memory_space<hbm>> -> memref<128x128xf32, #tpu.memory_space<hbm>>
    %dma_start3A_505 = arith.constant 0 : i32
    %dma_start3A_506 = tpu.memref_slice %arg12[%mul3A_502, %dma_start3A_505] : memref<110592x128xf32, #tpu.memory_space<hbm>> -> memref<128x128xf32, #tpu.memory_space<hbm>>
    tpu.enqueue_dma source(%arg20 : memref<128x128xf32, #tpu.memory_space<vmem>>) target(%dma_start3A_506 : memref<128x128xf32, #tpu.memory_space<hbm>>) target_semaphore(%arg23 : memref<!tpu.dma_semaphore, #tpu.memory_space<semaphore_mem>>)
    %dma_wait3A_507 = arith.constant 1 : i32
    %dma_wait3A_508 = arith.constant 0 : i32
    %dma_wait3A_509 = tpu.memref_slice %arg17[%dma_wait3A_507, %dma_wait3A_508] : memref<32x128xi32, #tpu.memory_space<vmem>> -> memref<1x128xi32, #tpu.memory_space<vmem>>
    %dma_wait3A_510 = tpu.memref_squeeze %dma_wait3A_509 : memref<1x128xi32, #tpu.memory_space<vmem>> -> memref<128xi32, #tpu.memory_space<vmem>>
    %dma_wait3A_511 = arith.constant 0 : i32
    %dma_wait3A_512 = arith.constant 0 : i32
    %dma_wait3A_513 = tpu.memref_slice %arg2[%dma_wait3A_511, %dma_wait3A_512] : memref<10112x128xf32, #tpu.memory_space<hbm>> -> memref<10112x128xf32, #tpu.memory_space<hbm>>
    tpu.wait_indirect_dma semaphore(%arg22 : memref<!tpu.dma_semaphore, #tpu.memory_space<semaphore_mem>>) src(%dma_wait3A_513 : memref<10112x128xf32, #tpu.memory_space<hbm>>) dst(%arg21 : memref<128x128xf32, #tpu.memory_space<vmem>>)
    %mul3A_514 = arith.constant 27 : i32
    %mul3A_515 = arith.muli %add3A, %mul3A_514 : i32
    %add3A_516 = arith.constant 1 : i32
    %add3A_517 = arith.addi %mul3A_515, %add3A_516 : i32
    %mul3A_518 = arith.constant 128 : i32
    %mul3A_519 = arith.muli %add3A_517, %mul3A_518 : i32
    %dma_start3A_520 = arith.constant 0 : i32
    %dma_start3A_521 = tpu.memref_slice %arg13[%mul3A_519, %dma_start3A_520] : memref<110592x128xf32, #tpu.memory_space<hbm>> -> memref<128x128xf32, #tpu.memory_space<hbm>>
    %dma_start3A_522 = arith.constant 0 : i32
    %dma_start3A_523 = tpu.memref_slice %arg13[%mul3A_519, %dma_start3A_522] : memref<110592x128xf32, #tpu.memory_space<hbm>> -> memref<128x128xf32, #tpu.memory_space<hbm>>
    tpu.enqueue_dma source(%arg21 : memref<128x128xf32, #tpu.memory_space<vmem>>) target(%dma_start3A_523 : memref<128x128xf32, #tpu.memory_space<hbm>>) target_semaphore(%arg23 : memref<!tpu.dma_semaphore, #tpu.memory_space<semaphore_mem>>)
    %scan3A_524 = arith.constant 0 : i32
    %scan3A_525 = arith.constant 0 : i32
    %scan3A_526 = arith.constant 12 : i32
    %scan3A_527 = arith.addi %scan3A_525, %scan3A_526 : i32
    %scan3A_528 = arith.constant 1 : i32
    %scan3A_529 = scf.for %scan3A_850 = %scan3A_525 to %scan3A_527 step %scan3A_528 iter_args(%scan3A_851 = %scan3A_524) -> (i32)  : i32 {
      %mul3A_852 = arith.constant 2 : i32
      %mul3A_853 = arith.muli %mul3A_852, %scan3A_850 : i32
      %add3A_854 = arith.constant 2 : i32
      %add3A_855 = arith.addi %add3A_854, %mul3A_853 : i32
      %add3A_856 = arith.constant 1 : i32
      %add3A_857 = arith.addi %add3A_855, %add3A_856 : i32
      %sub3A = arith.constant 2 : i32
      %sub3A_858 = arith.subi %add3A_855, %sub3A : i32
      %mul3A_859 = arith.constant 27 : i32
      %mul3A_860 = arith.muli %add3A, %mul3A_859 : i32
      %add3A_861 = arith.addi %mul3A_860, %sub3A_858 : i32
      %mul3A_862 = arith.constant 128 : i32
      %mul3A_863 = arith.muli %add3A_861, %mul3A_862 : i32
      %dma_wait3A_864 = arith.constant 0 : i32
      %dma_wait3A_865 = tpu.memref_slice %arg12[%mul3A_863, %dma_wait3A_864] : memref<110592x128xf32, #tpu.memory_space<hbm>> -> memref<128x128xf32, #tpu.memory_space<hbm>>
      %dma_wait3A_866 = arith.constant 0 : i32
      %dma_wait3A_867 = tpu.memref_slice %arg12[%mul3A_863, %dma_wait3A_866] : memref<110592x128xf32, #tpu.memory_space<hbm>> -> memref<128x128xf32, #tpu.memory_space<hbm>>
      tpu.wait_dma2 semaphore(%arg23 : memref<!tpu.dma_semaphore, #tpu.memory_space<semaphore_mem>>) src(%arg18 : memref<128x128xf32, #tpu.memory_space<vmem>>) dst(%dma_wait3A_867 : memref<128x128xf32, #tpu.memory_space<hbm>>)
      %mul3A_868 = arith.constant 27 : i32
      %mul3A_869 = arith.muli %add3A, %mul3A_868 : i32
      %add3A_870 = arith.addi %mul3A_869, %sub3A_858 : i32
      %mul3A_871 = arith.constant 128 : i32
      %mul3A_872 = arith.muli %add3A_870, %mul3A_871 : i32
      %dma_wait3A_873 = arith.constant 0 : i32
      %dma_wait3A_874 = tpu.memref_slice %arg13[%mul3A_872, %dma_wait3A_873] : memref<110592x128xf32, #tpu.memory_space<hbm>> -> memref<128x128xf32, #tpu.memory_space<hbm>>
      %dma_wait3A_875 = arith.constant 0 : i32
      %dma_wait3A_876 = tpu.memref_slice %arg13[%mul3A_872, %dma_wait3A_875] : memref<110592x128xf32, #tpu.memory_space<hbm>> -> memref<128x128xf32, #tpu.memory_space<hbm>>
      tpu.wait_dma2 semaphore(%arg23 : memref<!tpu.dma_semaphore, #tpu.memory_space<semaphore_mem>>) src(%arg19 : memref<128x128xf32, #tpu.memory_space<vmem>>) dst(%dma_wait3A_876 : memref<128x128xf32, #tpu.memory_space<hbm>>)
      %dma_start3A_877 = arith.constant 0 : i32
      %dma_start3A_878 = tpu.memref_slice %arg16[%add3A_855, %dma_start3A_877] : memref<32x128xi32, #tpu.memory_space<vmem>> -> memref<1x128xi32, #tpu.memory_space<vmem>>
      %dma_start3A_879 = tpu.memref_squeeze %dma_start3A_878 : memref<1x128xi32, #tpu.memory_space<vmem>> -> memref<128xi32, #tpu.memory_space<vmem>>
      %dma_start3A_880 = arith.constant 0 : i32
      %dma_start3A_881 = arith.constant 0 : i32
      %dma_start3A_882 = tpu.memref_slice %arg2[%dma_start3A_880, %dma_start3A_881] : memref<10112x128xf32, #tpu.memory_space<hbm>> -> memref<10112x128xf32, #tpu.memory_space<hbm>>
      tpu.enqueue_indirect_dma source(%dma_start3A_882 : memref<10112x128xf32, #tpu.memory_space<hbm>>) target(%arg18 : memref<128x128xf32, #tpu.memory_space<vmem>>) offsets(%dma_start3A_879 : memref<128xi32, #tpu.memory_space<vmem>>) semaphore(%arg22 : memref<!tpu.dma_semaphore, #tpu.memory_space<semaphore_mem>>)
      %dma_start3A_883 = arith.constant 0 : i32
      %dma_start3A_884 = tpu.memref_slice %arg17[%add3A_855, %dma_start3A_883] : memref<32x128xi32, #tpu.memory_space<vmem>> -> memref<1x128xi32, #tpu.memory_space<vmem>>
      %dma_start3A_885 = tpu.memref_squeeze %dma_start3A_884 : memref<1x128xi32, #tpu.memory_space<vmem>> -> memref<128xi32, #tpu.memory_space<vmem>>
      %dma_start3A_886 = arith.constant 0 : i32
      %dma_start3A_887 = arith.constant 0 : i32
      %dma_start3A_888 = tpu.memref_slice %arg2[%dma_start3A_886, %dma_start3A_887] : memref<10112x128xf32, #tpu.memory_space<hbm>> -> memref<10112x128xf32, #tpu.memory_space<hbm>>
      tpu.enqueue_indirect_dma source(%dma_start3A_888 : memref<10112x128xf32, #tpu.memory_space<hbm>>) target(%arg19 : memref<128x128xf32, #tpu.memory_space<vmem>>) offsets(%dma_start3A_885 : memref<128xi32, #tpu.memory_space<vmem>>) semaphore(%arg22 : memref<!tpu.dma_semaphore, #tpu.memory_space<semaphore_mem>>)
      %sub3A_889 = arith.constant 2 : i32
      %sub3A_890 = arith.subi %add3A_857, %sub3A_889 : i32
      %mul3A_891 = arith.constant 27 : i32
      %mul3A_892 = arith.muli %add3A, %mul3A_891 : i32
      %add3A_893 = arith.addi %mul3A_892, %sub3A_890 : i32
      %mul3A_894 = arith.constant 128 : i32
      %mul3A_895 = arith.muli %add3A_893, %mul3A_894 : i32
      %dma_wait3A_896 = arith.constant 0 : i32
      %dma_wait3A_897 = tpu.memref_slice %arg12[%mul3A_895, %dma_wait3A_896] : memref<110592x128xf32, #tpu.memory_space<hbm>> -> memref<128x128xf32, #tpu.memory_space<hbm>>
      %dma_wait3A_898 = arith.constant 0 : i32
      %dma_wait3A_899 = tpu.memref_slice %arg12[%mul3A_895, %dma_wait3A_898] : memref<110592x128xf32, #tpu.memory_space<hbm>> -> memref<128x128xf32, #tpu.memory_space<hbm>>
      tpu.wait_dma2 semaphore(%arg23 : memref<!tpu.dma_semaphore, #tpu.memory_space<semaphore_mem>>) src(%arg20 : memref<128x128xf32, #tpu.memory_space<vmem>>) dst(%dma_wait3A_899 : memref<128x128xf32, #tpu.memory_space<hbm>>)
      %mul3A_900 = arith.constant 27 : i32
      %mul3A_901 = arith.muli %add3A, %mul3A_900 : i32
      %add3A_902 = arith.addi %mul3A_901, %sub3A_890 : i32
      %mul3A_903 = arith.constant 128 : i32
      %mul3A_904 = arith.muli %add3A_902, %mul3A_903 : i32
      %dma_wait3A_905 = arith.constant 0 : i32
      %dma_wait3A_906 = tpu.memref_slice %arg13[%mul3A_904, %dma_wait3A_905] : memref<110592x128xf32, #tpu.memory_space<hbm>> -> memref<128x128xf32, #tpu.memory_space<hbm>>
      %dma_wait3A_907 = arith.constant 0 : i32
      %dma_wait3A_908 = tpu.memref_slice %arg13[%mul3A_904, %dma_wait3A_907] : memref<110592x128xf32, #tpu.memory_space<hbm>> -> memref<128x128xf32, #tpu.memory_space<hbm>>
      tpu.wait_dma2 semaphore(%arg23 : memref<!tpu.dma_semaphore, #tpu.memory_space<semaphore_mem>>) src(%arg21 : memref<128x128xf32, #tpu.memory_space<vmem>>) dst(%dma_wait3A_908 : memref<128x128xf32, #tpu.memory_space<hbm>>)
      %dma_start3A_909 = arith.constant 0 : i32
      %dma_start3A_910 = tpu.memref_slice %arg16[%add3A_857, %dma_start3A_909] : memref<32x128xi32, #tpu.memory_space<vmem>> -> memref<1x128xi32, #tpu.memory_space<vmem>>
      %dma_start3A_911 = tpu.memref_squeeze %dma_start3A_910 : memref<1x128xi32, #tpu.memory_space<vmem>> -> memref<128xi32, #tpu.memory_space<vmem>>
      %dma_start3A_912 = arith.constant 0 : i32
      %dma_start3A_913 = arith.constant 0 : i32
      %dma_start3A_914 = tpu.memref_slice %arg2[%dma_start3A_912, %dma_start3A_913] : memref<10112x128xf32, #tpu.memory_space<hbm>> -> memref<10112x128xf32, #tpu.memory_space<hbm>>
      tpu.enqueue_indirect_dma source(%dma_start3A_914 : memref<10112x128xf32, #tpu.memory_space<hbm>>) target(%arg20 : memref<128x128xf32, #tpu.memory_space<vmem>>) offsets(%dma_start3A_911 : memref<128xi32, #tpu.memory_space<vmem>>) semaphore(%arg22 : memref<!tpu.dma_semaphore, #tpu.memory_space<semaphore_mem>>)
      %dma_start3A_915 = arith.constant 0 : i32
      %dma_start3A_916 = tpu.memref_slice %arg17[%add3A_857, %dma_start3A_915] : memref<32x128xi32, #tpu.memory_space<vmem>> -> memref<1x128xi32, #tpu.memory_space<vmem>>
      %dma_start3A_917 = tpu.memref_squeeze %dma_start3A_916 : memref<1x128xi32, #tpu.memory_space<vmem>> -> memref<128xi32, #tpu.memory_space<vmem>>
      %dma_start3A_918 = arith.constant 0 : i32
      %dma_start3A_919 = arith.constant 0 : i32
      %dma_start3A_920 = tpu.memref_slice %arg2[%dma_start3A_918, %dma_start3A_919] : memref<10112x128xf32, #tpu.memory_space<hbm>> -> memref<10112x128xf32, #tpu.memory_space<hbm>>
      tpu.enqueue_indirect_dma source(%dma_start3A_920 : memref<10112x128xf32, #tpu.memory_space<hbm>>) target(%arg21 : memref<128x128xf32, #tpu.memory_space<vmem>>) offsets(%dma_start3A_917 : memref<128xi32, #tpu.memory_space<vmem>>) semaphore(%arg22 : memref<!tpu.dma_semaphore, #tpu.memory_space<semaphore_mem>>)
      %dma_wait3A_921 = arith.constant 0 : i32
      %dma_wait3A_922 = tpu.memref_slice %arg16[%add3A_855, %dma_wait3A_921] : memref<32x128xi32, #tpu.memory_space<vmem>> -> memref<1x128xi32, #tpu.memory_space<vmem>>
      %dma_wait3A_923 = tpu.memref_squeeze %dma_wait3A_922 : memref<1x128xi32, #tpu.memory_space<vmem>> -> memref<128xi32, #tpu.memory_space<vmem>>
      %dma_wait3A_924 = arith.constant 0 : i32
      %dma_wait3A_925 = arith.constant 0 : i32
      %dma_wait3A_926 = tpu.memref_slice %arg2[%dma_wait3A_924, %dma_wait3A_925] : memref<10112x128xf32, #tpu.memory_space<hbm>> -> memref<10112x128xf32, #tpu.memory_space<hbm>>
      tpu.wait_indirect_dma semaphore(%arg22 : memref<!tpu.dma_semaphore, #tpu.memory_space<semaphore_mem>>) src(%dma_wait3A_926 : memref<10112x128xf32, #tpu.memory_space<hbm>>) dst(%arg18 : memref<128x128xf32, #tpu.memory_space<vmem>>)
      %mul3A_927 = arith.constant 27 : i32
      %mul3A_928 = arith.muli %add3A, %mul3A_927 : i32
      %add3A_929 = arith.addi %mul3A_928, %add3A_855 : i32
      %mul3A_930 = arith.constant 128 : i32
      %mul3A_931 = arith.muli %add3A_929, %mul3A_930 : i32
      %dma_start3A_932 = arith.constant 0 : i32
      %dma_start3A_933 = tpu.memref_slice %arg12[%mul3A_931, %dma_start3A_932] : memref<110592x128xf32, #tpu.memory_space<hbm>> -> memref<128x128xf32, #tpu.memory_space<hbm>>
      %dma_start3A_934 = arith.constant 0 : i32
      %dma_start3A_935 = tpu.memref_slice %arg12[%mul3A_931, %dma_start3A_934] : memref<110592x128xf32, #tpu.memory_space<hbm>> -> memref<128x128xf32, #tpu.memory_space<hbm>>
      tpu.enqueue_dma source(%arg18 : memref<128x128xf32, #tpu.memory_space<vmem>>) target(%dma_start3A_935 : memref<128x128xf32, #tpu.memory_space<hbm>>) target_semaphore(%arg23 : memref<!tpu.dma_semaphore, #tpu.memory_space<semaphore_mem>>)
      %dma_wait3A_936 = arith.constant 0 : i32
      %dma_wait3A_937 = tpu.memref_slice %arg17[%add3A_855, %dma_wait3A_936] : memref<32x128xi32, #tpu.memory_space<vmem>> -> memref<1x128xi32, #tpu.memory_space<vmem>>
      %dma_wait3A_938 = tpu.memref_squeeze %dma_wait3A_937 : memref<1x128xi32, #tpu.memory_space<vmem>> -> memref<128xi32, #tpu.memory_space<vmem>>
      %dma_wait3A_939 = arith.constant 0 : i32
      %dma_wait3A_940 = arith.constant 0 : i32
      %dma_wait3A_941 = tpu.memref_slice %arg2[%dma_wait3A_939, %dma_wait3A_940] : memref<10112x128xf32, #tpu.memory_space<hbm>> -> memref<10112x128xf32, #tpu.memory_space<hbm>>
      tpu.wait_indirect_dma semaphore(%arg22 : memref<!tpu.dma_semaphore, #tpu.memory_space<semaphore_mem>>) src(%dma_wait3A_941 : memref<10112x128xf32, #tpu.memory_space<hbm>>) dst(%arg19 : memref<128x128xf32, #tpu.memory_space<vmem>>)
      %mul3A_942 = arith.constant 27 : i32
      %mul3A_943 = arith.muli %add3A, %mul3A_942 : i32
      %add3A_944 = arith.addi %mul3A_943, %add3A_855 : i32
      %mul3A_945 = arith.constant 128 : i32
      %mul3A_946 = arith.muli %add3A_944, %mul3A_945 : i32
      %dma_start3A_947 = arith.constant 0 : i32
      %dma_start3A_948 = tpu.memref_slice %arg13[%mul3A_946, %dma_start3A_947] : memref<110592x128xf32, #tpu.memory_space<hbm>> -> memref<128x128xf32, #tpu.memory_space<hbm>>
      %dma_start3A_949 = arith.constant 0 : i32
      %dma_start3A_950 = tpu.memref_slice %arg13[%mul3A_946, %dma_start3A_949] : memref<110592x128xf32, #tpu.memory_space<hbm>> -> memref<128x128xf32, #tpu.memory_space<hbm>>
      tpu.enqueue_dma source(%arg19 : memref<128x128xf32, #tpu.memory_space<vmem>>) target(%dma_start3A_950 : memref<128x128xf32, #tpu.memory_space<hbm>>) target_semaphore(%arg23 : memref<!tpu.dma_semaphore, #tpu.memory_space<semaphore_mem>>)
      %dma_wait3A_951 = arith.constant 0 : i32
      %dma_wait3A_952 = tpu.memref_slice %arg16[%add3A_857, %dma_wait3A_951] : memref<32x128xi32, #tpu.memory_space<vmem>> -> memref<1x128xi32, #tpu.memory_space<vmem>>
      %dma_wait3A_953 = tpu.memref_squeeze %dma_wait3A_952 : memref<1x128xi32, #tpu.memory_space<vmem>> -> memref<128xi32, #tpu.memory_space<vmem>>
      %dma_wait3A_954 = arith.constant 0 : i32
      %dma_wait3A_955 = arith.constant 0 : i32
      %dma_wait3A_956 = tpu.memref_slice %arg2[%dma_wait3A_954, %dma_wait3A_955] : memref<10112x128xf32, #tpu.memory_space<hbm>> -> memref<10112x128xf32, #tpu.memory_space<hbm>>
      tpu.wait_indirect_dma semaphore(%arg22 : memref<!tpu.dma_semaphore, #tpu.memory_space<semaphore_mem>>) src(%dma_wait3A_956 : memref<10112x128xf32, #tpu.memory_space<hbm>>) dst(%arg20 : memref<128x128xf32, #tpu.memory_space<vmem>>)
      %mul3A_957 = arith.constant 27 : i32
      %mul3A_958 = arith.muli %add3A, %mul3A_957 : i32
      %add3A_959 = arith.addi %mul3A_958, %add3A_857 : i32
      %mul3A_960 = arith.constant 128 : i32
      %mul3A_961 = arith.muli %add3A_959, %mul3A_960 : i32
      %dma_start3A_962 = arith.constant 0 : i32
      %dma_start3A_963 = tpu.memref_slice %arg12[%mul3A_961, %dma_start3A_962] : memref<110592x128xf32, #tpu.memory_space<hbm>> -> memref<128x128xf32, #tpu.memory_space<hbm>>
      %dma_start3A_964 = arith.constant 0 : i32
      %dma_start3A_965 = tpu.memref_slice %arg12[%mul3A_961, %dma_start3A_964] : memref<110592x128xf32, #tpu.memory_space<hbm>> -> memref<128x128xf32, #tpu.memory_space<hbm>>
      tpu.enqueue_dma source(%arg20 : memref<128x128xf32, #tpu.memory_space<vmem>>) target(%dma_start3A_965 : memref<128x128xf32, #tpu.memory_space<hbm>>) target_semaphore(%arg23 : memref<!tpu.dma_semaphore, #tpu.memory_space<semaphore_mem>>)
      %dma_wait3A_966 = arith.constant 0 : i32
      %dma_wait3A_967 = tpu.memref_slice %arg17[%add3A_857, %dma_wait3A_966] : memref<32x128xi32, #tpu.memory_space<vmem>> -> memref<1x128xi32, #tpu.memory_space<vmem>>
      %dma_wait3A_968 = tpu.memref_squeeze %dma_wait3A_967 : memref<1x128xi32, #tpu.memory_space<vmem>> -> memref<128xi32, #tpu.memory_space<vmem>>
      %dma_wait3A_969 = arith.constant 0 : i32
      %dma_wait3A_970 = arith.constant 0 : i32
      %dma_wait3A_971 = tpu.memref_slice %arg2[%dma_wait3A_969, %dma_wait3A_970] : memref<10112x128xf32, #tpu.memory_space<hbm>> -> memref<10112x128xf32, #tpu.memory_space<hbm>>
      tpu.wait_indirect_dma semaphore(%arg22 : memref<!tpu.dma_semaphore, #tpu.memory_space<semaphore_mem>>) src(%dma_wait3A_971 : memref<10112x128xf32, #tpu.memory_space<hbm>>) dst(%arg21 : memref<128x128xf32, #tpu.memory_space<vmem>>)
      %mul3A_972 = arith.constant 27 : i32
      %mul3A_973 = arith.muli %add3A, %mul3A_972 : i32
      %add3A_974 = arith.addi %mul3A_973, %add3A_857 : i32
      %mul3A_975 = arith.constant 128 : i32
      %mul3A_976 = arith.muli %add3A_974, %mul3A_975 : i32
      %dma_start3A_977 = arith.constant 0 : i32
      %dma_start3A_978 = tpu.memref_slice %arg13[%mul3A_976, %dma_start3A_977] : memref<110592x128xf32, #tpu.memory_space<hbm>> -> memref<128x128xf32, #tpu.memory_space<hbm>>
      %dma_start3A_979 = arith.constant 0 : i32
      %dma_start3A_980 = tpu.memref_slice %arg13[%mul3A_976, %dma_start3A_979] : memref<110592x128xf32, #tpu.memory_space<hbm>> -> memref<128x128xf32, #tpu.memory_space<hbm>>
      tpu.enqueue_dma source(%arg21 : memref<128x128xf32, #tpu.memory_space<vmem>>) target(%dma_start3A_980 : memref<128x128xf32, #tpu.memory_space<hbm>>) target_semaphore(%arg23 : memref<!tpu.dma_semaphore, #tpu.memory_space<semaphore_mem>>)
      %scan3A_981 = arith.constant 0 : i32
      scf.yield %scan3A_981 : i32
    }
    %scan3A_530 = arith.constant 12 : i32
    %mul3A_531 = arith.constant 27 : i32
    %mul3A_532 = arith.muli %add3A, %mul3A_531 : i32
    %add3A_533 = arith.constant 24 : i32
    %add3A_534 = arith.addi %mul3A_532, %add3A_533 : i32
    %mul3A_535 = arith.constant 128 : i32
    %mul3A_536 = arith.muli %add3A_534, %mul3A_535 : i32
    %dma_wait3A_537 = arith.constant 0 : i32
    %dma_wait3A_538 = tpu.memref_slice %arg12[%mul3A_536, %dma_wait3A_537] : memref<110592x128xf32, #tpu.memory_space<hbm>> -> memref<128x128xf32, #tpu.memory_space<hbm>>
    %dma_wait3A_539 = arith.constant 0 : i32
    %dma_wait3A_540 = tpu.memref_slice %arg12[%mul3A_536, %dma_wait3A_539] : memref<110592x128xf32, #tpu.memory_space<hbm>> -> memref<128x128xf32, #tpu.memory_space<hbm>>
    tpu.wait_dma2 semaphore(%arg23 : memref<!tpu.dma_semaphore, #tpu.memory_space<semaphore_mem>>) src(%arg18 : memref<128x128xf32, #tpu.memory_space<vmem>>) dst(%dma_wait3A_540 : memref<128x128xf32, #tpu.memory_space<hbm>>)
    %mul3A_541 = arith.constant 27 : i32
    %mul3A_542 = arith.muli %add3A, %mul3A_541 : i32
    %add3A_543 = arith.constant 24 : i32
    %add3A_544 = arith.addi %mul3A_542, %add3A_543 : i32
    %mul3A_545 = arith.constant 128 : i32
    %mul3A_546 = arith.muli %add3A_544, %mul3A_545 : i32
    %dma_wait3A_547 = arith.constant 0 : i32
    %dma_wait3A_548 = tpu.memref_slice %arg13[%mul3A_546, %dma_wait3A_547] : memref<110592x128xf32, #tpu.memory_space<hbm>> -> memref<128x128xf32, #tpu.memory_space<hbm>>
    %dma_wait3A_549 = arith.constant 0 : i32
    %dma_wait3A_550 = tpu.memref_slice %arg13[%mul3A_546, %dma_wait3A_549] : memref<110592x128xf32, #tpu.memory_space<hbm>> -> memref<128x128xf32, #tpu.memory_space<hbm>>
    tpu.wait_dma2 semaphore(%arg23 : memref<!tpu.dma_semaphore, #tpu.memory_space<semaphore_mem>>) src(%arg19 : memref<128x128xf32, #tpu.memory_space<vmem>>) dst(%dma_wait3A_550 : memref<128x128xf32, #tpu.memory_space<hbm>>)
    %dma_start3A_551 = arith.constant 26 : i32
    %dma_start3A_552 = arith.constant 0 : i32
    %dma_start3A_553 = tpu.memref_slice %arg16[%dma_start3A_551, %dma_start3A_552] : memref<32x128xi32, #tpu.memory_space<vmem>> -> memref<1x128xi32, #tpu.memory_space<vmem>>
    %dma_start3A_554 = tpu.memref_squeeze %dma_start3A_553 : memref<1x128xi32, #tpu.memory_space<vmem>> -> memref<128xi32, #tpu.memory_space<vmem>>
    %dma_start3A_555 = arith.constant 0 : i32
    %dma_start3A_556 = arith.constant 0 : i32
    %dma_start3A_557 = tpu.memref_slice %arg2[%dma_start3A_555, %dma_start3A_556] : memref<10112x128xf32, #tpu.memory_space<hbm>> -> memref<10112x128xf32, #tpu.memory_space<hbm>>
    tpu.enqueue_indirect_dma source(%dma_start3A_557 : memref<10112x128xf32, #tpu.memory_space<hbm>>) target(%arg18 : memref<128x128xf32, #tpu.memory_space<vmem>>) offsets(%dma_start3A_554 : memref<128xi32, #tpu.memory_space<vmem>>) semaphore(%arg22 : memref<!tpu.dma_semaphore, #tpu.memory_space<semaphore_mem>>)
    %dma_start3A_558 = arith.constant 26 : i32
    %dma_start3A_559 = arith.constant 0 : i32
    %dma_start3A_560 = tpu.memref_slice %arg17[%dma_start3A_558, %dma_start3A_559] : memref<32x128xi32, #tpu.memory_space<vmem>> -> memref<1x128xi32, #tpu.memory_space<vmem>>
    %dma_start3A_561 = tpu.memref_squeeze %dma_start3A_560 : memref<1x128xi32, #tpu.memory_space<vmem>> -> memref<128xi32, #tpu.memory_space<vmem>>
    %dma_start3A_562 = arith.constant 0 : i32
    %dma_start3A_563 = arith.constant 0 : i32
    %dma_start3A_564 = tpu.memref_slice %arg2[%dma_start3A_562, %dma_start3A_563] : memref<10112x128xf32, #tpu.memory_space<hbm>> -> memref<10112x128xf32, #tpu.memory_space<hbm>>
    tpu.enqueue_indirect_dma source(%dma_start3A_564 : memref<10112x128xf32, #tpu.memory_space<hbm>>) target(%arg19 : memref<128x128xf32, #tpu.memory_space<vmem>>) offsets(%dma_start3A_561 : memref<128xi32, #tpu.memory_space<vmem>>) semaphore(%arg22 : memref<!tpu.dma_semaphore, #tpu.memory_space<semaphore_mem>>)
    %dma_wait3A_565 = arith.constant 26 : i32
    %dma_wait3A_566 = arith.constant 0 : i32
    %dma_wait3A_567 = tpu.memref_slice %arg16[%dma_wait3A_565, %dma_wait3A_566] : memref<32x128xi32, #tpu.memory_space<vmem>> -> memref<1x128xi32, #tpu.memory_space<vmem>>
    %dma_wait3A_568 = tpu.memref_squeeze %dma_wait3A_567 : memref<1x128xi32, #tpu.memory_space<vmem>> -> memref<128xi32, #tpu.memory_space<vmem>>
    %dma_wait3A_569 = arith.constant 0 : i32
    %dma_wait3A_570 = arith.constant 0 : i32
    %dma_wait3A_571 = tpu.memref_slice %arg2[%dma_wait3A_569, %dma_wait3A_570] : memref<10112x128xf32, #tpu.memory_space<hbm>> -> memref<10112x128xf32, #tpu.memory_space<hbm>>
    tpu.wait_indirect_dma semaphore(%arg22 : memref<!tpu.dma_semaphore, #tpu.memory_space<semaphore_mem>>) src(%dma_wait3A_571 : memref<10112x128xf32, #tpu.memory_space<hbm>>) dst(%arg18 : memref<128x128xf32, #tpu.memory_space<vmem>>)
    %mul3A_572 = arith.constant 27 : i32
    %mul3A_573 = arith.muli %add3A, %mul3A_572 : i32
    %add3A_574 = arith.constant 26 : i32
    %add3A_575 = arith.addi %mul3A_573, %add3A_574 : i32
    %mul3A_576 = arith.constant 128 : i32
    %mul3A_577 = arith.muli %add3A_575, %mul3A_576 : i32
    %dma_start3A_578 = arith.constant 0 : i32
    %dma_start3A_579 = tpu.memref_slice %arg12[%mul3A_577, %dma_start3A_578] : memref<110592x128xf32, #tpu.memory_space<hbm>> -> memref<128x128xf32, #tpu.memory_space<hbm>>
    %dma_start3A_580 = arith.constant 0 : i32
    %dma_start3A_581 = tpu.memref_slice %arg12[%mul3A_577, %dma_start3A_580] : memref<110592x128xf32, #tpu.memory_space<hbm>> -> memref<128x128xf32, #tpu.memory_space<hbm>>
    tpu.enqueue_dma source(%arg18 : memref<128x128xf32, #tpu.memory_space<vmem>>) target(%dma_start3A_581 : memref<128x128xf32, #tpu.memory_space<hbm>>) target_semaphore(%arg23 : memref<!tpu.dma_semaphore, #tpu.memory_space<semaphore_mem>>)
    %dma_wait3A_582 = arith.constant 26 : i32
    %dma_wait3A_583 = arith.constant 0 : i32
    %dma_wait3A_584 = tpu.memref_slice %arg17[%dma_wait3A_582, %dma_wait3A_583] : memref<32x128xi32, #tpu.memory_space<vmem>> -> memref<1x128xi32, #tpu.memory_space<vmem>>
    %dma_wait3A_585 = tpu.memref_squeeze %dma_wait3A_584 : memref<1x128xi32, #tpu.memory_space<vmem>> -> memref<128xi32, #tpu.memory_space<vmem>>
    %dma_wait3A_586 = arith.constant 0 : i32
    %dma_wait3A_587 = arith.constant 0 : i32
    %dma_wait3A_588 = tpu.memref_slice %arg2[%dma_wait3A_586, %dma_wait3A_587] : memref<10112x128xf32, #tpu.memory_space<hbm>> -> memref<10112x128xf32, #tpu.memory_space<hbm>>
    tpu.wait_indirect_dma semaphore(%arg22 : memref<!tpu.dma_semaphore, #tpu.memory_space<semaphore_mem>>) src(%dma_wait3A_588 : memref<10112x128xf32, #tpu.memory_space<hbm>>) dst(%arg19 : memref<128x128xf32, #tpu.memory_space<vmem>>)
    %mul3A_589 = arith.constant 27 : i32
    %mul3A_590 = arith.muli %add3A, %mul3A_589 : i32
    %add3A_591 = arith.constant 26 : i32
    %add3A_592 = arith.addi %mul3A_590, %add3A_591 : i32
    %mul3A_593 = arith.constant 128 : i32
    %mul3A_594 = arith.muli %add3A_592, %mul3A_593 : i32
    %dma_start3A_595 = arith.constant 0 : i32
    %dma_start3A_596 = tpu.memref_slice %arg13[%mul3A_594, %dma_start3A_595] : memref<110592x128xf32, #tpu.memory_space<hbm>> -> memref<128x128xf32, #tpu.memory_space<hbm>>
    %dma_start3A_597 = arith.constant 0 : i32
    %dma_start3A_598 = tpu.memref_slice %arg13[%mul3A_594, %dma_start3A_597] : memref<110592x128xf32, #tpu.memory_space<hbm>> -> memref<128x128xf32, #tpu.memory_space<hbm>>
    tpu.enqueue_dma source(%arg19 : memref<128x128xf32, #tpu.memory_space<vmem>>) target(%dma_start3A_598 : memref<128x128xf32, #tpu.memory_space<hbm>>) target_semaphore(%arg23 : memref<!tpu.dma_semaphore, #tpu.memory_space<semaphore_mem>>)
    %mul3A_599 = arith.constant 27 : i32
    %mul3A_600 = arith.muli %add3A, %mul3A_599 : i32
    %add3A_601 = arith.constant 25 : i32
    %add3A_602 = arith.addi %mul3A_600, %add3A_601 : i32
    %mul3A_603 = arith.constant 128 : i32
    %mul3A_604 = arith.muli %add3A_602, %mul3A_603 : i32
    %dma_wait3A_605 = arith.constant 0 : i32
    %dma_wait3A_606 = tpu.memref_slice %arg12[%mul3A_604, %dma_wait3A_605] : memref<110592x128xf32, #tpu.memory_space<hbm>> -> memref<128x128xf32, #tpu.memory_space<hbm>>
    %dma_wait3A_607 = arith.constant 0 : i32
    %dma_wait3A_608 = tpu.memref_slice %arg12[%mul3A_604, %dma_wait3A_607] : memref<110592x128xf32, #tpu.memory_space<hbm>> -> memref<128x128xf32, #tpu.memory_space<hbm>>
    tpu.wait_dma2 semaphore(%arg23 : memref<!tpu.dma_semaphore, #tpu.memory_space<semaphore_mem>>) src(%arg20 : memref<128x128xf32, #tpu.memory_space<vmem>>) dst(%dma_wait3A_608 : memref<128x128xf32, #tpu.memory_space<hbm>>)
    %mul3A_609 = arith.constant 27 : i32
    %mul3A_610 = arith.muli %add3A, %mul3A_609 : i32
    %add3A_611 = arith.constant 25 : i32
    %add3A_612 = arith.addi %mul3A_610, %add3A_611 : i32
    %mul3A_613 = arith.constant 128 : i32
    %mul3A_614 = arith.muli %add3A_612, %mul3A_613 : i32
    %dma_wait3A_615 = arith.constant 0 : i32
    %dma_wait3A_616 = tpu.memref_slice %arg13[%mul3A_614, %dma_wait3A_615] : memref<110592x128xf32, #tpu.memory_space<hbm>> -> memref<128x128xf32, #tpu.memory_space<hbm>>
    %dma_wait3A_617 = arith.constant 0 : i32
    %dma_wait3A_618 = tpu.memref_slice %arg13[%mul3A_614, %dma_wait3A_617] : memref<110592x128xf32, #tpu.memory_space<hbm>> -> memref<128x128xf32, #tpu.memory_space<hbm>>
    tpu.wait_dma2 semaphore(%arg23 : memref<!tpu.dma_semaphore, #tpu.memory_space<semaphore_mem>>) src(%arg21 : memref<128x128xf32, #tpu.memory_space<vmem>>) dst(%dma_wait3A_618 : memref<128x128xf32, #tpu.memory_space<hbm>>)
    %mul3A_619 = arith.constant 27 : i32
    %mul3A_620 = arith.muli %add3A, %mul3A_619 : i32
    %add3A_621 = arith.constant 26 : i32
    %add3A_622 = arith.addi %mul3A_620, %add3A_621 : i32
    %mul3A_623 = arith.constant 128 : i32
    %mul3A_624 = arith.muli %add3A_622, %mul3A_623 : i32
    %dma_wait3A_625 = arith.constant 0 : i32
    %dma_wait3A_626 = tpu.memref_slice %arg12[%mul3A_624, %dma_wait3A_625] : memref<110592x128xf32, #tpu.memory_space<hbm>> -> memref<128x128xf32, #tpu.memory_space<hbm>>
    %dma_wait3A_627 = arith.constant 0 : i32
    %dma_wait3A_628 = tpu.memref_slice %arg12[%mul3A_624, %dma_wait3A_627] : memref<110592x128xf32, #tpu.memory_space<hbm>> -> memref<128x128xf32, #tpu.memory_space<hbm>>
    tpu.wait_dma2 semaphore(%arg23 : memref<!tpu.dma_semaphore, #tpu.memory_space<semaphore_mem>>) src(%arg18 : memref<128x128xf32, #tpu.memory_space<vmem>>) dst(%dma_wait3A_628 : memref<128x128xf32, #tpu.memory_space<hbm>>)
    %mul3A_629 = arith.constant 27 : i32
    %mul3A_630 = arith.muli %add3A, %mul3A_629 : i32
    %add3A_631 = arith.constant 26 : i32
    %add3A_632 = arith.addi %mul3A_630, %add3A_631 : i32
    %mul3A_633 = arith.constant 128 : i32
    %mul3A_634 = arith.muli %add3A_632, %mul3A_633 : i32
    %dma_wait3A_635 = arith.constant 0 : i32
    %dma_wait3A_636 = tpu.memref_slice %arg13[%mul3A_634, %dma_wait3A_635] : memref<110592x128xf32, #tpu.memory_space<hbm>> -> memref<128x128xf32, #tpu.memory_space<hbm>>
    %dma_wait3A_637 = arith.constant 0 : i32
    %dma_wait3A_638 = tpu.memref_slice %arg13[%mul3A_634, %dma_wait3A_637] : memref<110592x128xf32, #tpu.memory_space<hbm>> -> memref<128x128xf32, #tpu.memory_space<hbm>>
    tpu.wait_dma2 semaphore(%arg23 : memref<!tpu.dma_semaphore, #tpu.memory_space<semaphore_mem>>) src(%arg19 : memref<128x128xf32, #tpu.memory_space<vmem>>) dst(%dma_wait3A_638 : memref<128x128xf32, #tpu.memory_space<hbm>>)
    %dma_start3A_639 = arith.constant 0 : i32
    %dma_start3A_640 = arith.constant 0 : i32
    %dma_start3A_641 = tpu.memref_slice %arg16[%dma_start3A_639, %dma_start3A_640] : memref<32x128xi32, #tpu.memory_space<vmem>> -> memref<1x128xi32, #tpu.memory_space<vmem>>
    %dma_start3A_642 = tpu.memref_squeeze %dma_start3A_641 : memref<1x128xi32, #tpu.memory_space<vmem>> -> memref<128xi32, #tpu.memory_space<vmem>>
    %dma_start3A_643 = arith.constant 0 : i32
    %dma_start3A_644 = arith.constant 0 : i32
    %dma_start3A_645 = tpu.memref_slice %arg3[%dma_start3A_643, %dma_start3A_644] : memref<10112x128xf32, #tpu.memory_space<hbm>> -> memref<10112x128xf32, #tpu.memory_space<hbm>>
    tpu.enqueue_indirect_dma source(%dma_start3A_645 : memref<10112x128xf32, #tpu.memory_space<hbm>>) target(%arg18 : memref<128x128xf32, #tpu.memory_space<vmem>>) offsets(%dma_start3A_642 : memref<128xi32, #tpu.memory_space<vmem>>) semaphore(%arg22 : memref<!tpu.dma_semaphore, #tpu.memory_space<semaphore_mem>>)
    %dma_start3A_646 = arith.constant 0 : i32
    %dma_start3A_647 = arith.constant 0 : i32
    %dma_start3A_648 = tpu.memref_slice %arg17[%dma_start3A_646, %dma_start3A_647] : memref<32x128xi32, #tpu.memory_space<vmem>> -> memref<1x128xi32, #tpu.memory_space<vmem>>
    %dma_start3A_649 = tpu.memref_squeeze %dma_start3A_648 : memref<1x128xi32, #tpu.memory_space<vmem>> -> memref<128xi32, #tpu.memory_space<vmem>>
    %dma_start3A_650 = arith.constant 0 : i32
    %dma_start3A_651 = arith.constant 0 : i32
    %dma_start3A_652 = tpu.memref_slice %arg3[%dma_start3A_650, %dma_start3A_651] : memref<10112x128xf32, #tpu.memory_space<hbm>> -> memref<10112x128xf32, #tpu.memory_space<hbm>>
    tpu.enqueue_indirect_dma source(%dma_start3A_652 : memref<10112x128xf32, #tpu.memory_space<hbm>>) target(%arg19 : memref<128x128xf32, #tpu.memory_space<vmem>>) offsets(%dma_start3A_649 : memref<128xi32, #tpu.memory_space<vmem>>) semaphore(%arg22 : memref<!tpu.dma_semaphore, #tpu.memory_space<semaphore_mem>>)
    %dma_start3A_653 = arith.constant 1 : i32
    %dma_start3A_654 = arith.constant 0 : i32
    %dma_start3A_655 = tpu.memref_slice %arg16[%dma_start3A_653, %dma_start3A_654] : memref<32x128xi32, #tpu.memory_space<vmem>> -> memref<1x128xi32, #tpu.memory_space<vmem>>
    %dma_start3A_656 = tpu.memref_squeeze %dma_start3A_655 : memref<1x128xi32, #tpu.memory_space<vmem>> -> memref<128xi32, #tpu.memory_space<vmem>>
    %dma_start3A_657 = arith.constant 0 : i32
    %dma_start3A_658 = arith.constant 0 : i32
    %dma_start3A_659 = tpu.memref_slice %arg3[%dma_start3A_657, %dma_start3A_658] : memref<10112x128xf32, #tpu.memory_space<hbm>> -> memref<10112x128xf32, #tpu.memory_space<hbm>>
    tpu.enqueue_indirect_dma source(%dma_start3A_659 : memref<10112x128xf32, #tpu.memory_space<hbm>>) target(%arg20 : memref<128x128xf32, #tpu.memory_space<vmem>>) offsets(%dma_start3A_656 : memref<128xi32, #tpu.memory_space<vmem>>) semaphore(%arg22 : memref<!tpu.dma_semaphore, #tpu.memory_space<semaphore_mem>>)
    %dma_start3A_660 = arith.constant 1 : i32
    %dma_start3A_661 = arith.constant 0 : i32
    %dma_start3A_662 = tpu.memref_slice %arg17[%dma_start3A_660, %dma_start3A_661] : memref<32x128xi32, #tpu.memory_space<vmem>> -> memref<1x128xi32, #tpu.memory_space<vmem>>
    %dma_start3A_663 = tpu.memref_squeeze %dma_start3A_662 : memref<1x128xi32, #tpu.memory_space<vmem>> -> memref<128xi32, #tpu.memory_space<vmem>>
    %dma_start3A_664 = arith.constant 0 : i32
    %dma_start3A_665 = arith.constant 0 : i32
    %dma_start3A_666 = tpu.memref_slice %arg3[%dma_start3A_664, %dma_start3A_665] : memref<10112x128xf32, #tpu.memory_space<hbm>> -> memref<10112x128xf32, #tpu.memory_space<hbm>>
    tpu.enqueue_indirect_dma source(%dma_start3A_666 : memref<10112x128xf32, #tpu.memory_space<hbm>>) target(%arg21 : memref<128x128xf32, #tpu.memory_space<vmem>>) offsets(%dma_start3A_663 : memref<128xi32, #tpu.memory_space<vmem>>) semaphore(%arg22 : memref<!tpu.dma_semaphore, #tpu.memory_space<semaphore_mem>>)
    %dma_wait3A_667 = arith.constant 0 : i32
    %dma_wait3A_668 = arith.constant 0 : i32
    %dma_wait3A_669 = tpu.memref_slice %arg16[%dma_wait3A_667, %dma_wait3A_668] : memref<32x128xi32, #tpu.memory_space<vmem>> -> memref<1x128xi32, #tpu.memory_space<vmem>>
    %dma_wait3A_670 = tpu.memref_squeeze %dma_wait3A_669 : memref<1x128xi32, #tpu.memory_space<vmem>> -> memref<128xi32, #tpu.memory_space<vmem>>
    %dma_wait3A_671 = arith.constant 0 : i32
    %dma_wait3A_672 = arith.constant 0 : i32
    %dma_wait3A_673 = tpu.memref_slice %arg3[%dma_wait3A_671, %dma_wait3A_672] : memref<10112x128xf32, #tpu.memory_space<hbm>> -> memref<10112x128xf32, #tpu.memory_space<hbm>>
    tpu.wait_indirect_dma semaphore(%arg22 : memref<!tpu.dma_semaphore, #tpu.memory_space<semaphore_mem>>) src(%dma_wait3A_673 : memref<10112x128xf32, #tpu.memory_space<hbm>>) dst(%arg18 : memref<128x128xf32, #tpu.memory_space<vmem>>)
    %mul3A_674 = arith.constant 27 : i32
    %mul3A_675 = arith.muli %add3A, %mul3A_674 : i32
    %add3A_676 = arith.constant 0 : i32
    %add3A_677 = arith.addi %mul3A_675, %add3A_676 : i32
    %mul3A_678 = arith.constant 128 : i32
    %mul3A_679 = arith.muli %add3A_677, %mul3A_678 : i32
    %dma_start3A_680 = arith.constant 0 : i32
    %dma_start3A_681 = tpu.memref_slice %arg14[%mul3A_679, %dma_start3A_680] : memref<110592x128xf32, #tpu.memory_space<hbm>> -> memref<128x128xf32, #tpu.memory_space<hbm>>
    %dma_start3A_682 = arith.constant 0 : i32
    %dma_start3A_683 = tpu.memref_slice %arg14[%mul3A_679, %dma_start3A_682] : memref<110592x128xf32, #tpu.memory_space<hbm>> -> memref<128x128xf32, #tpu.memory_space<hbm>>
    tpu.enqueue_dma source(%arg18 : memref<128x128xf32, #tpu.memory_space<vmem>>) target(%dma_start3A_683 : memref<128x128xf32, #tpu.memory_space<hbm>>) target_semaphore(%arg23 : memref<!tpu.dma_semaphore, #tpu.memory_space<semaphore_mem>>)
    %dma_wait3A_684 = arith.constant 0 : i32
    %dma_wait3A_685 = arith.constant 0 : i32
    %dma_wait3A_686 = tpu.memref_slice %arg17[%dma_wait3A_684, %dma_wait3A_685] : memref<32x128xi32, #tpu.memory_space<vmem>> -> memref<1x128xi32, #tpu.memory_space<vmem>>
    %dma_wait3A_687 = tpu.memref_squeeze %dma_wait3A_686 : memref<1x128xi32, #tpu.memory_space<vmem>> -> memref<128xi32, #tpu.memory_space<vmem>>
    %dma_wait3A_688 = arith.constant 0 : i32
    %dma_wait3A_689 = arith.constant 0 : i32
    %dma_wait3A_690 = tpu.memref_slice %arg3[%dma_wait3A_688, %dma_wait3A_689] : memref<10112x128xf32, #tpu.memory_space<hbm>> -> memref<10112x128xf32, #tpu.memory_space<hbm>>
    tpu.wait_indirect_dma semaphore(%arg22 : memref<!tpu.dma_semaphore, #tpu.memory_space<semaphore_mem>>) src(%dma_wait3A_690 : memref<10112x128xf32, #tpu.memory_space<hbm>>) dst(%arg19 : memref<128x128xf32, #tpu.memory_space<vmem>>)
    %mul3A_691 = arith.constant 27 : i32
    %mul3A_692 = arith.muli %add3A, %mul3A_691 : i32
    %add3A_693 = arith.constant 0 : i32
    %add3A_694 = arith.addi %mul3A_692, %add3A_693 : i32
    %mul3A_695 = arith.constant 128 : i32
    %mul3A_696 = arith.muli %add3A_694, %mul3A_695 : i32
    %dma_start3A_697 = arith.constant 0 : i32
    %dma_start3A_698 = tpu.memref_slice %arg15[%mul3A_696, %dma_start3A_697] : memref<110592x128xf32, #tpu.memory_space<hbm>> -> memref<128x128xf32, #tpu.memory_space<hbm>>
    %dma_start3A_699 = arith.constant 0 : i32
    %dma_start3A_700 = tpu.memref_slice %arg15[%mul3A_696, %dma_start3A_699] : memref<110592x128xf32, #tpu.memory_space<hbm>> -> memref<128x128xf32, #tpu.memory_space<hbm>>
    tpu.enqueue_dma source(%arg19 : memref<128x128xf32, #tpu.memory_space<vmem>>) target(%dma_start3A_700 : memref<128x128xf32, #tpu.memory_space<hbm>>) target_semaphore(%arg23 : memref<!tpu.dma_semaphore, #tpu.memory_space<semaphore_mem>>)
    %dma_wait3A_701 = arith.constant 1 : i32
    %dma_wait3A_702 = arith.constant 0 : i32
    %dma_wait3A_703 = tpu.memref_slice %arg16[%dma_wait3A_701, %dma_wait3A_702] : memref<32x128xi32, #tpu.memory_space<vmem>> -> memref<1x128xi32, #tpu.memory_space<vmem>>
    %dma_wait3A_704 = tpu.memref_squeeze %dma_wait3A_703 : memref<1x128xi32, #tpu.memory_space<vmem>> -> memref<128xi32, #tpu.memory_space<vmem>>
    %dma_wait3A_705 = arith.constant 0 : i32
    %dma_wait3A_706 = arith.constant 0 : i32
    %dma_wait3A_707 = tpu.memref_slice %arg3[%dma_wait3A_705, %dma_wait3A_706] : memref<10112x128xf32, #tpu.memory_space<hbm>> -> memref<10112x128xf32, #tpu.memory_space<hbm>>
    tpu.wait_indirect_dma semaphore(%arg22 : memref<!tpu.dma_semaphore, #tpu.memory_space<semaphore_mem>>) src(%dma_wait3A_707 : memref<10112x128xf32, #tpu.memory_space<hbm>>) dst(%arg20 : memref<128x128xf32, #tpu.memory_space<vmem>>)
    %mul3A_708 = arith.constant 27 : i32
    %mul3A_709 = arith.muli %add3A, %mul3A_708 : i32
    %add3A_710 = arith.constant 1 : i32
    %add3A_711 = arith.addi %mul3A_709, %add3A_710 : i32
    %mul3A_712 = arith.constant 128 : i32
    %mul3A_713 = arith.muli %add3A_711, %mul3A_712 : i32
    %dma_start3A_714 = arith.constant 0 : i32
    %dma_start3A_715 = tpu.memref_slice %arg14[%mul3A_713, %dma_start3A_714] : memref<110592x128xf32, #tpu.memory_space<hbm>> -> memref<128x128xf32, #tpu.memory_space<hbm>>
    %dma_start3A_716 = arith.constant 0 : i32
    %dma_start3A_717 = tpu.memref_slice %arg14[%mul3A_713, %dma_start3A_716] : memref<110592x128xf32, #tpu.memory_space<hbm>> -> memref<128x128xf32, #tpu.memory_space<hbm>>
    tpu.enqueue_dma source(%arg20 : memref<128x128xf32, #tpu.memory_space<vmem>>) target(%dma_start3A_717 : memref<128x128xf32, #tpu.memory_space<hbm>>) target_semaphore(%arg23 : memref<!tpu.dma_semaphore, #tpu.memory_space<semaphore_mem>>)
    %dma_wait3A_718 = arith.constant 1 : i32
    %dma_wait3A_719 = arith.constant 0 : i32
    %dma_wait3A_720 = tpu.memref_slice %arg17[%dma_wait3A_718, %dma_wait3A_719] : memref<32x128xi32, #tpu.memory_space<vmem>> -> memref<1x128xi32, #tpu.memory_space<vmem>>
    %dma_wait3A_721 = tpu.memref_squeeze %dma_wait3A_720 : memref<1x128xi32, #tpu.memory_space<vmem>> -> memref<128xi32, #tpu.memory_space<vmem>>
    %dma_wait3A_722 = arith.constant 0 : i32
    %dma_wait3A_723 = arith.constant 0 : i32
    %dma_wait3A_724 = tpu.memref_slice %arg3[%dma_wait3A_722, %dma_wait3A_723] : memref<10112x128xf32, #tpu.memory_space<hbm>> -> memref<10112x128xf32, #tpu.memory_space<hbm>>
    tpu.wait_indirect_dma semaphore(%arg22 : memref<!tpu.dma_semaphore, #tpu.memory_space<semaphore_mem>>) src(%dma_wait3A_724 : memref<10112x128xf32, #tpu.memory_space<hbm>>) dst(%arg21 : memref<128x128xf32, #tpu.memory_space<vmem>>)
    %mul3A_725 = arith.constant 27 : i32
    %mul3A_726 = arith.muli %add3A, %mul3A_725 : i32
    %add3A_727 = arith.constant 1 : i32
    %add3A_728 = arith.addi %mul3A_726, %add3A_727 : i32
    %mul3A_729 = arith.constant 128 : i32
    %mul3A_730 = arith.muli %add3A_728, %mul3A_729 : i32
    %dma_start3A_731 = arith.constant 0 : i32
    %dma_start3A_732 = tpu.memref_slice %arg15[%mul3A_730, %dma_start3A_731] : memref<110592x128xf32, #tpu.memory_space<hbm>> -> memref<128x128xf32, #tpu.memory_space<hbm>>
    %dma_start3A_733 = arith.constant 0 : i32
    %dma_start3A_734 = tpu.memref_slice %arg15[%mul3A_730, %dma_start3A_733] : memref<110592x128xf32, #tpu.memory_space<hbm>> -> memref<128x128xf32, #tpu.memory_space<hbm>>
    tpu.enqueue_dma source(%arg21 : memref<128x128xf32, #tpu.memory_space<vmem>>) target(%dma_start3A_734 : memref<128x128xf32, #tpu.memory_space<hbm>>) target_semaphore(%arg23 : memref<!tpu.dma_semaphore, #tpu.memory_space<semaphore_mem>>)
    %scan3A_735 = arith.constant 0 : i32
    %scan3A_736 = arith.constant 0 : i32
    %scan3A_737 = arith.constant 12 : i32
    %scan3A_738 = arith.addi %scan3A_736, %scan3A_737 : i32
    %scan3A_739 = arith.constant 1 : i32
    %scan3A_740 = scf.for %scan3A_850 = %scan3A_736 to %scan3A_738 step %scan3A_739 iter_args(%scan3A_851 = %scan3A_735) -> (i32)  : i32 {
      %mul3A_852 = arith.constant 2 : i32
      %mul3A_853 = arith.muli %mul3A_852, %scan3A_850 : i32
      %add3A_854 = arith.constant 2 : i32
      %add3A_855 = arith.addi %add3A_854, %mul3A_853 : i32
      %add3A_856 = arith.constant 1 : i32
      %add3A_857 = arith.addi %add3A_855, %add3A_856 : i32
      %sub3A = arith.constant 2 : i32
      %sub3A_858 = arith.subi %add3A_855, %sub3A : i32
      %mul3A_859 = arith.constant 27 : i32
      %mul3A_860 = arith.muli %add3A, %mul3A_859 : i32
      %add3A_861 = arith.addi %mul3A_860, %sub3A_858 : i32
      %mul3A_862 = arith.constant 128 : i32
      %mul3A_863 = arith.muli %add3A_861, %mul3A_862 : i32
      %dma_wait3A_864 = arith.constant 0 : i32
      %dma_wait3A_865 = tpu.memref_slice %arg14[%mul3A_863, %dma_wait3A_864] : memref<110592x128xf32, #tpu.memory_space<hbm>> -> memref<128x128xf32, #tpu.memory_space<hbm>>
      %dma_wait3A_866 = arith.constant 0 : i32
      %dma_wait3A_867 = tpu.memref_slice %arg14[%mul3A_863, %dma_wait3A_866] : memref<110592x128xf32, #tpu.memory_space<hbm>> -> memref<128x128xf32, #tpu.memory_space<hbm>>
      tpu.wait_dma2 semaphore(%arg23 : memref<!tpu.dma_semaphore, #tpu.memory_space<semaphore_mem>>) src(%arg18 : memref<128x128xf32, #tpu.memory_space<vmem>>) dst(%dma_wait3A_867 : memref<128x128xf32, #tpu.memory_space<hbm>>)
      %mul3A_868 = arith.constant 27 : i32
      %mul3A_869 = arith.muli %add3A, %mul3A_868 : i32
      %add3A_870 = arith.addi %mul3A_869, %sub3A_858 : i32
      %mul3A_871 = arith.constant 128 : i32
      %mul3A_872 = arith.muli %add3A_870, %mul3A_871 : i32
      %dma_wait3A_873 = arith.constant 0 : i32
      %dma_wait3A_874 = tpu.memref_slice %arg15[%mul3A_872, %dma_wait3A_873] : memref<110592x128xf32, #tpu.memory_space<hbm>> -> memref<128x128xf32, #tpu.memory_space<hbm>>
      %dma_wait3A_875 = arith.constant 0 : i32
      %dma_wait3A_876 = tpu.memref_slice %arg15[%mul3A_872, %dma_wait3A_875] : memref<110592x128xf32, #tpu.memory_space<hbm>> -> memref<128x128xf32, #tpu.memory_space<hbm>>
      tpu.wait_dma2 semaphore(%arg23 : memref<!tpu.dma_semaphore, #tpu.memory_space<semaphore_mem>>) src(%arg19 : memref<128x128xf32, #tpu.memory_space<vmem>>) dst(%dma_wait3A_876 : memref<128x128xf32, #tpu.memory_space<hbm>>)
      %dma_start3A_877 = arith.constant 0 : i32
      %dma_start3A_878 = tpu.memref_slice %arg16[%add3A_855, %dma_start3A_877] : memref<32x128xi32, #tpu.memory_space<vmem>> -> memref<1x128xi32, #tpu.memory_space<vmem>>
      %dma_start3A_879 = tpu.memref_squeeze %dma_start3A_878 : memref<1x128xi32, #tpu.memory_space<vmem>> -> memref<128xi32, #tpu.memory_space<vmem>>
      %dma_start3A_880 = arith.constant 0 : i32
      %dma_start3A_881 = arith.constant 0 : i32
      %dma_start3A_882 = tpu.memref_slice %arg3[%dma_start3A_880, %dma_start3A_881] : memref<10112x128xf32, #tpu.memory_space<hbm>> -> memref<10112x128xf32, #tpu.memory_space<hbm>>
      tpu.enqueue_indirect_dma source(%dma_start3A_882 : memref<10112x128xf32, #tpu.memory_space<hbm>>) target(%arg18 : memref<128x128xf32, #tpu.memory_space<vmem>>) offsets(%dma_start3A_879 : memref<128xi32, #tpu.memory_space<vmem>>) semaphore(%arg22 : memref<!tpu.dma_semaphore, #tpu.memory_space<semaphore_mem>>)
      %dma_start3A_883 = arith.constant 0 : i32
      %dma_start3A_884 = tpu.memref_slice %arg17[%add3A_855, %dma_start3A_883] : memref<32x128xi32, #tpu.memory_space<vmem>> -> memref<1x128xi32, #tpu.memory_space<vmem>>
      %dma_start3A_885 = tpu.memref_squeeze %dma_start3A_884 : memref<1x128xi32, #tpu.memory_space<vmem>> -> memref<128xi32, #tpu.memory_space<vmem>>
      %dma_start3A_886 = arith.constant 0 : i32
      %dma_start3A_887 = arith.constant 0 : i32
      %dma_start3A_888 = tpu.memref_slice %arg3[%dma_start3A_886, %dma_start3A_887] : memref<10112x128xf32, #tpu.memory_space<hbm>> -> memref<10112x128xf32, #tpu.memory_space<hbm>>
      tpu.enqueue_indirect_dma source(%dma_start3A_888 : memref<10112x128xf32, #tpu.memory_space<hbm>>) target(%arg19 : memref<128x128xf32, #tpu.memory_space<vmem>>) offsets(%dma_start3A_885 : memref<128xi32, #tpu.memory_space<vmem>>) semaphore(%arg22 : memref<!tpu.dma_semaphore, #tpu.memory_space<semaphore_mem>>)
      %sub3A_889 = arith.constant 2 : i32
      %sub3A_890 = arith.subi %add3A_857, %sub3A_889 : i32
      %mul3A_891 = arith.constant 27 : i32
      %mul3A_892 = arith.muli %add3A, %mul3A_891 : i32
      %add3A_893 = arith.addi %mul3A_892, %sub3A_890 : i32
      %mul3A_894 = arith.constant 128 : i32
      %mul3A_895 = arith.muli %add3A_893, %mul3A_894 : i32
      %dma_wait3A_896 = arith.constant 0 : i32
      %dma_wait3A_897 = tpu.memref_slice %arg14[%mul3A_895, %dma_wait3A_896] : memref<110592x128xf32, #tpu.memory_space<hbm>> -> memref<128x128xf32, #tpu.memory_space<hbm>>
      %dma_wait3A_898 = arith.constant 0 : i32
      %dma_wait3A_899 = tpu.memref_slice %arg14[%mul3A_895, %dma_wait3A_898] : memref<110592x128xf32, #tpu.memory_space<hbm>> -> memref<128x128xf32, #tpu.memory_space<hbm>>
      tpu.wait_dma2 semaphore(%arg23 : memref<!tpu.dma_semaphore, #tpu.memory_space<semaphore_mem>>) src(%arg20 : memref<128x128xf32, #tpu.memory_space<vmem>>) dst(%dma_wait3A_899 : memref<128x128xf32, #tpu.memory_space<hbm>>)
      %mul3A_900 = arith.constant 27 : i32
      %mul3A_901 = arith.muli %add3A, %mul3A_900 : i32
      %add3A_902 = arith.addi %mul3A_901, %sub3A_890 : i32
      %mul3A_903 = arith.constant 128 : i32
      %mul3A_904 = arith.muli %add3A_902, %mul3A_903 : i32
      %dma_wait3A_905 = arith.constant 0 : i32
      %dma_wait3A_906 = tpu.memref_slice %arg15[%mul3A_904, %dma_wait3A_905] : memref<110592x128xf32, #tpu.memory_space<hbm>> -> memref<128x128xf32, #tpu.memory_space<hbm>>
      %dma_wait3A_907 = arith.constant 0 : i32
      %dma_wait3A_908 = tpu.memref_slice %arg15[%mul3A_904, %dma_wait3A_907] : memref<110592x128xf32, #tpu.memory_space<hbm>> -> memref<128x128xf32, #tpu.memory_space<hbm>>
      tpu.wait_dma2 semaphore(%arg23 : memref<!tpu.dma_semaphore, #tpu.memory_space<semaphore_mem>>) src(%arg21 : memref<128x128xf32, #tpu.memory_space<vmem>>) dst(%dma_wait3A_908 : memref<128x128xf32, #tpu.memory_space<hbm>>)
      %dma_start3A_909 = arith.constant 0 : i32
      %dma_start3A_910 = tpu.memref_slice %arg16[%add3A_857, %dma_start3A_909] : memref<32x128xi32, #tpu.memory_space<vmem>> -> memref<1x128xi32, #tpu.memory_space<vmem>>
      %dma_start3A_911 = tpu.memref_squeeze %dma_start3A_910 : memref<1x128xi32, #tpu.memory_space<vmem>> -> memref<128xi32, #tpu.memory_space<vmem>>
      %dma_start3A_912 = arith.constant 0 : i32
      %dma_start3A_913 = arith.constant 0 : i32
      %dma_start3A_914 = tpu.memref_slice %arg3[%dma_start3A_912, %dma_start3A_913] : memref<10112x128xf32, #tpu.memory_space<hbm>> -> memref<10112x128xf32, #tpu.memory_space<hbm>>
      tpu.enqueue_indirect_dma source(%dma_start3A_914 : memref<10112x128xf32, #tpu.memory_space<hbm>>) target(%arg20 : memref<128x128xf32, #tpu.memory_space<vmem>>) offsets(%dma_start3A_911 : memref<128xi32, #tpu.memory_space<vmem>>) semaphore(%arg22 : memref<!tpu.dma_semaphore, #tpu.memory_space<semaphore_mem>>)
      %dma_start3A_915 = arith.constant 0 : i32
      %dma_start3A_916 = tpu.memref_slice %arg17[%add3A_857, %dma_start3A_915] : memref<32x128xi32, #tpu.memory_space<vmem>> -> memref<1x128xi32, #tpu.memory_space<vmem>>
      %dma_start3A_917 = tpu.memref_squeeze %dma_start3A_916 : memref<1x128xi32, #tpu.memory_space<vmem>> -> memref<128xi32, #tpu.memory_space<vmem>>
      %dma_start3A_918 = arith.constant 0 : i32
      %dma_start3A_919 = arith.constant 0 : i32
      %dma_start3A_920 = tpu.memref_slice %arg3[%dma_start3A_918, %dma_start3A_919] : memref<10112x128xf32, #tpu.memory_space<hbm>> -> memref<10112x128xf32, #tpu.memory_space<hbm>>
      tpu.enqueue_indirect_dma source(%dma_start3A_920 : memref<10112x128xf32, #tpu.memory_space<hbm>>) target(%arg21 : memref<128x128xf32, #tpu.memory_space<vmem>>) offsets(%dma_start3A_917 : memref<128xi32, #tpu.memory_space<vmem>>) semaphore(%arg22 : memref<!tpu.dma_semaphore, #tpu.memory_space<semaphore_mem>>)
      %dma_wait3A_921 = arith.constant 0 : i32
      %dma_wait3A_922 = tpu.memref_slice %arg16[%add3A_855, %dma_wait3A_921] : memref<32x128xi32, #tpu.memory_space<vmem>> -> memref<1x128xi32, #tpu.memory_space<vmem>>
      %dma_wait3A_923 = tpu.memref_squeeze %dma_wait3A_922 : memref<1x128xi32, #tpu.memory_space<vmem>> -> memref<128xi32, #tpu.memory_space<vmem>>
      %dma_wait3A_924 = arith.constant 0 : i32
      %dma_wait3A_925 = arith.constant 0 : i32
      %dma_wait3A_926 = tpu.memref_slice %arg3[%dma_wait3A_924, %dma_wait3A_925] : memref<10112x128xf32, #tpu.memory_space<hbm>> -> memref<10112x128xf32, #tpu.memory_space<hbm>>
      tpu.wait_indirect_dma semaphore(%arg22 : memref<!tpu.dma_semaphore, #tpu.memory_space<semaphore_mem>>) src(%dma_wait3A_926 : memref<10112x128xf32, #tpu.memory_space<hbm>>) dst(%arg18 : memref<128x128xf32, #tpu.memory_space<vmem>>)
      %mul3A_927 = arith.constant 27 : i32
      %mul3A_928 = arith.muli %add3A, %mul3A_927 : i32
      %add3A_929 = arith.addi %mul3A_928, %add3A_855 : i32
      %mul3A_930 = arith.constant 128 : i32
      %mul3A_931 = arith.muli %add3A_929, %mul3A_930 : i32
      %dma_start3A_932 = arith.constant 0 : i32
      %dma_start3A_933 = tpu.memref_slice %arg14[%mul3A_931, %dma_start3A_932] : memref<110592x128xf32, #tpu.memory_space<hbm>> -> memref<128x128xf32, #tpu.memory_space<hbm>>
      %dma_start3A_934 = arith.constant 0 : i32
      %dma_start3A_935 = tpu.memref_slice %arg14[%mul3A_931, %dma_start3A_934] : memref<110592x128xf32, #tpu.memory_space<hbm>> -> memref<128x128xf32, #tpu.memory_space<hbm>>
      tpu.enqueue_dma source(%arg18 : memref<128x128xf32, #tpu.memory_space<vmem>>) target(%dma_start3A_935 : memref<128x128xf32, #tpu.memory_space<hbm>>) target_semaphore(%arg23 : memref<!tpu.dma_semaphore, #tpu.memory_space<semaphore_mem>>)
      %dma_wait3A_936 = arith.constant 0 : i32
      %dma_wait3A_937 = tpu.memref_slice %arg17[%add3A_855, %dma_wait3A_936] : memref<32x128xi32, #tpu.memory_space<vmem>> -> memref<1x128xi32, #tpu.memory_space<vmem>>
      %dma_wait3A_938 = tpu.memref_squeeze %dma_wait3A_937 : memref<1x128xi32, #tpu.memory_space<vmem>> -> memref<128xi32, #tpu.memory_space<vmem>>
      %dma_wait3A_939 = arith.constant 0 : i32
      %dma_wait3A_940 = arith.constant 0 : i32
      %dma_wait3A_941 = tpu.memref_slice %arg3[%dma_wait3A_939, %dma_wait3A_940] : memref<10112x128xf32, #tpu.memory_space<hbm>> -> memref<10112x128xf32, #tpu.memory_space<hbm>>
      tpu.wait_indirect_dma semaphore(%arg22 : memref<!tpu.dma_semaphore, #tpu.memory_space<semaphore_mem>>) src(%dma_wait3A_941 : memref<10112x128xf32, #tpu.memory_space<hbm>>) dst(%arg19 : memref<128x128xf32, #tpu.memory_space<vmem>>)
      %mul3A_942 = arith.constant 27 : i32
      %mul3A_943 = arith.muli %add3A, %mul3A_942 : i32
      %add3A_944 = arith.addi %mul3A_943, %add3A_855 : i32
      %mul3A_945 = arith.constant 128 : i32
      %mul3A_946 = arith.muli %add3A_944, %mul3A_945 : i32
      %dma_start3A_947 = arith.constant 0 : i32
      %dma_start3A_948 = tpu.memref_slice %arg15[%mul3A_946, %dma_start3A_947] : memref<110592x128xf32, #tpu.memory_space<hbm>> -> memref<128x128xf32, #tpu.memory_space<hbm>>
      %dma_start3A_949 = arith.constant 0 : i32
      %dma_start3A_950 = tpu.memref_slice %arg15[%mul3A_946, %dma_start3A_949] : memref<110592x128xf32, #tpu.memory_space<hbm>> -> memref<128x128xf32, #tpu.memory_space<hbm>>
      tpu.enqueue_dma source(%arg19 : memref<128x128xf32, #tpu.memory_space<vmem>>) target(%dma_start3A_950 : memref<128x128xf32, #tpu.memory_space<hbm>>) target_semaphore(%arg23 : memref<!tpu.dma_semaphore, #tpu.memory_space<semaphore_mem>>)
      %dma_wait3A_951 = arith.constant 0 : i32
      %dma_wait3A_952 = tpu.memref_slice %arg16[%add3A_857, %dma_wait3A_951] : memref<32x128xi32, #tpu.memory_space<vmem>> -> memref<1x128xi32, #tpu.memory_space<vmem>>
      %dma_wait3A_953 = tpu.memref_squeeze %dma_wait3A_952 : memref<1x128xi32, #tpu.memory_space<vmem>> -> memref<128xi32, #tpu.memory_space<vmem>>
      %dma_wait3A_954 = arith.constant 0 : i32
      %dma_wait3A_955 = arith.constant 0 : i32
      %dma_wait3A_956 = tpu.memref_slice %arg3[%dma_wait3A_954, %dma_wait3A_955] : memref<10112x128xf32, #tpu.memory_space<hbm>> -> memref<10112x128xf32, #tpu.memory_space<hbm>>
      tpu.wait_indirect_dma semaphore(%arg22 : memref<!tpu.dma_semaphore, #tpu.memory_space<semaphore_mem>>) src(%dma_wait3A_956 : memref<10112x128xf32, #tpu.memory_space<hbm>>) dst(%arg20 : memref<128x128xf32, #tpu.memory_space<vmem>>)
      %mul3A_957 = arith.constant 27 : i32
      %mul3A_958 = arith.muli %add3A, %mul3A_957 : i32
      %add3A_959 = arith.addi %mul3A_958, %add3A_857 : i32
      %mul3A_960 = arith.constant 128 : i32
      %mul3A_961 = arith.muli %add3A_959, %mul3A_960 : i32
      %dma_start3A_962 = arith.constant 0 : i32
      %dma_start3A_963 = tpu.memref_slice %arg14[%mul3A_961, %dma_start3A_962] : memref<110592x128xf32, #tpu.memory_space<hbm>> -> memref<128x128xf32, #tpu.memory_space<hbm>>
      %dma_start3A_964 = arith.constant 0 : i32
      %dma_start3A_965 = tpu.memref_slice %arg14[%mul3A_961, %dma_start3A_964] : memref<110592x128xf32, #tpu.memory_space<hbm>> -> memref<128x128xf32, #tpu.memory_space<hbm>>
      tpu.enqueue_dma source(%arg20 : memref<128x128xf32, #tpu.memory_space<vmem>>) target(%dma_start3A_965 : memref<128x128xf32, #tpu.memory_space<hbm>>) target_semaphore(%arg23 : memref<!tpu.dma_semaphore, #tpu.memory_space<semaphore_mem>>)
      %dma_wait3A_966 = arith.constant 0 : i32
      %dma_wait3A_967 = tpu.memref_slice %arg17[%add3A_857, %dma_wait3A_966] : memref<32x128xi32, #tpu.memory_space<vmem>> -> memref<1x128xi32, #tpu.memory_space<vmem>>
      %dma_wait3A_968 = tpu.memref_squeeze %dma_wait3A_967 : memref<1x128xi32, #tpu.memory_space<vmem>> -> memref<128xi32, #tpu.memory_space<vmem>>
      %dma_wait3A_969 = arith.constant 0 : i32
      %dma_wait3A_970 = arith.constant 0 : i32
      %dma_wait3A_971 = tpu.memref_slice %arg3[%dma_wait3A_969, %dma_wait3A_970] : memref<10112x128xf32, #tpu.memory_space<hbm>> -> memref<10112x128xf32, #tpu.memory_space<hbm>>
      tpu.wait_indirect_dma semaphore(%arg22 : memref<!tpu.dma_semaphore, #tpu.memory_space<semaphore_mem>>) src(%dma_wait3A_971 : memref<10112x128xf32, #tpu.memory_space<hbm>>) dst(%arg21 : memref<128x128xf32, #tpu.memory_space<vmem>>)
      %mul3A_972 = arith.constant 27 : i32
      %mul3A_973 = arith.muli %add3A, %mul3A_972 : i32
      %add3A_974 = arith.addi %mul3A_973, %add3A_857 : i32
      %mul3A_975 = arith.constant 128 : i32
      %mul3A_976 = arith.muli %add3A_974, %mul3A_975 : i32
      %dma_start3A_977 = arith.constant 0 : i32
      %dma_start3A_978 = tpu.memref_slice %arg15[%mul3A_976, %dma_start3A_977] : memref<110592x128xf32, #tpu.memory_space<hbm>> -> memref<128x128xf32, #tpu.memory_space<hbm>>
      %dma_start3A_979 = arith.constant 0 : i32
      %dma_start3A_980 = tpu.memref_slice %arg15[%mul3A_976, %dma_start3A_979] : memref<110592x128xf32, #tpu.memory_space<hbm>> -> memref<128x128xf32, #tpu.memory_space<hbm>>
      tpu.enqueue_dma source(%arg21 : memref<128x128xf32, #tpu.memory_space<vmem>>) target(%dma_start3A_980 : memref<128x128xf32, #tpu.memory_space<hbm>>) target_semaphore(%arg23 : memref<!tpu.dma_semaphore, #tpu.memory_space<semaphore_mem>>)
      %scan3A_981 = arith.constant 0 : i32
      scf.yield %scan3A_981 : i32
    }
    %scan3A_741 = arith.constant 12 : i32
    %mul3A_742 = arith.constant 27 : i32
    %mul3A_743 = arith.muli %add3A, %mul3A_742 : i32
    %add3A_744 = arith.constant 24 : i32
    %add3A_745 = arith.addi %mul3A_743, %add3A_744 : i32
    %mul3A_746 = arith.constant 128 : i32
    %mul3A_747 = arith.muli %add3A_745, %mul3A_746 : i32
    %dma_wait3A_748 = arith.constant 0 : i32
    %dma_wait3A_749 = tpu.memref_slice %arg14[%mul3A_747, %dma_wait3A_748] : memref<110592x128xf32, #tpu.memory_space<hbm>> -> memref<128x128xf32, #tpu.memory_space<hbm>>
    %dma_wait3A_750 = arith.constant 0 : i32
    %dma_wait3A_751 = tpu.memref_slice %arg14[%mul3A_747, %dma_wait3A_750] : memref<110592x128xf32, #tpu.memory_space<hbm>> -> memref<128x128xf32, #tpu.memory_space<hbm>>
    tpu.wait_dma2 semaphore(%arg23 : memref<!tpu.dma_semaphore, #tpu.memory_space<semaphore_mem>>) src(%arg18 : memref<128x128xf32, #tpu.memory_space<vmem>>) dst(%dma_wait3A_751 : memref<128x128xf32, #tpu.memory_space<hbm>>)
    %mul3A_752 = arith.constant 27 : i32
    %mul3A_753 = arith.muli %add3A, %mul3A_752 : i32
    %add3A_754 = arith.constant 24 : i32
    %add3A_755 = arith.addi %mul3A_753, %add3A_754 : i32
    %mul3A_756 = arith.constant 128 : i32
    %mul3A_757 = arith.muli %add3A_755, %mul3A_756 : i32
    %dma_wait3A_758 = arith.constant 0 : i32
    %dma_wait3A_759 = tpu.memref_slice %arg15[%mul3A_757, %dma_wait3A_758] : memref<110592x128xf32, #tpu.memory_space<hbm>> -> memref<128x128xf32, #tpu.memory_space<hbm>>
    %dma_wait3A_760 = arith.constant 0 : i32
    %dma_wait3A_761 = tpu.memref_slice %arg15[%mul3A_757, %dma_wait3A_760] : memref<110592x128xf32, #tpu.memory_space<hbm>> -> memref<128x128xf32, #tpu.memory_space<hbm>>
    tpu.wait_dma2 semaphore(%arg23 : memref<!tpu.dma_semaphore, #tpu.memory_space<semaphore_mem>>) src(%arg19 : memref<128x128xf32, #tpu.memory_space<vmem>>) dst(%dma_wait3A_761 : memref<128x128xf32, #tpu.memory_space<hbm>>)
    %dma_start3A_762 = arith.constant 26 : i32
    %dma_start3A_763 = arith.constant 0 : i32
    %dma_start3A_764 = tpu.memref_slice %arg16[%dma_start3A_762, %dma_start3A_763] : memref<32x128xi32, #tpu.memory_space<vmem>> -> memref<1x128xi32, #tpu.memory_space<vmem>>
    %dma_start3A_765 = tpu.memref_squeeze %dma_start3A_764 : memref<1x128xi32, #tpu.memory_space<vmem>> -> memref<128xi32, #tpu.memory_space<vmem>>
    %dma_start3A_766 = arith.constant 0 : i32
    %dma_start3A_767 = arith.constant 0 : i32
    %dma_start3A_768 = tpu.memref_slice %arg3[%dma_start3A_766, %dma_start3A_767] : memref<10112x128xf32, #tpu.memory_space<hbm>> -> memref<10112x128xf32, #tpu.memory_space<hbm>>
    tpu.enqueue_indirect_dma source(%dma_start3A_768 : memref<10112x128xf32, #tpu.memory_space<hbm>>) target(%arg18 : memref<128x128xf32, #tpu.memory_space<vmem>>) offsets(%dma_start3A_765 : memref<128xi32, #tpu.memory_space<vmem>>) semaphore(%arg22 : memref<!tpu.dma_semaphore, #tpu.memory_space<semaphore_mem>>)
    %dma_start3A_769 = arith.constant 26 : i32
    %dma_start3A_770 = arith.constant 0 : i32
    %dma_start3A_771 = tpu.memref_slice %arg17[%dma_start3A_769, %dma_start3A_770] : memref<32x128xi32, #tpu.memory_space<vmem>> -> memref<1x128xi32, #tpu.memory_space<vmem>>
    %dma_start3A_772 = tpu.memref_squeeze %dma_start3A_771 : memref<1x128xi32, #tpu.memory_space<vmem>> -> memref<128xi32, #tpu.memory_space<vmem>>
    %dma_start3A_773 = arith.constant 0 : i32
    %dma_start3A_774 = arith.constant 0 : i32
    %dma_start3A_775 = tpu.memref_slice %arg3[%dma_start3A_773, %dma_start3A_774] : memref<10112x128xf32, #tpu.memory_space<hbm>> -> memref<10112x128xf32, #tpu.memory_space<hbm>>
    tpu.enqueue_indirect_dma source(%dma_start3A_775 : memref<10112x128xf32, #tpu.memory_space<hbm>>) target(%arg19 : memref<128x128xf32, #tpu.memory_space<vmem>>) offsets(%dma_start3A_772 : memref<128xi32, #tpu.memory_space<vmem>>) semaphore(%arg22 : memref<!tpu.dma_semaphore, #tpu.memory_space<semaphore_mem>>)
    %dma_wait3A_776 = arith.constant 26 : i32
    %dma_wait3A_777 = arith.constant 0 : i32
    %dma_wait3A_778 = tpu.memref_slice %arg16[%dma_wait3A_776, %dma_wait3A_777] : memref<32x128xi32, #tpu.memory_space<vmem>> -> memref<1x128xi32, #tpu.memory_space<vmem>>
    %dma_wait3A_779 = tpu.memref_squeeze %dma_wait3A_778 : memref<1x128xi32, #tpu.memory_space<vmem>> -> memref<128xi32, #tpu.memory_space<vmem>>
    %dma_wait3A_780 = arith.constant 0 : i32
    %dma_wait3A_781 = arith.constant 0 : i32
    %dma_wait3A_782 = tpu.memref_slice %arg3[%dma_wait3A_780, %dma_wait3A_781] : memref<10112x128xf32, #tpu.memory_space<hbm>> -> memref<10112x128xf32, #tpu.memory_space<hbm>>
    tpu.wait_indirect_dma semaphore(%arg22 : memref<!tpu.dma_semaphore, #tpu.memory_space<semaphore_mem>>) src(%dma_wait3A_782 : memref<10112x128xf32, #tpu.memory_space<hbm>>) dst(%arg18 : memref<128x128xf32, #tpu.memory_space<vmem>>)
    %mul3A_783 = arith.constant 27 : i32
    %mul3A_784 = arith.muli %add3A, %mul3A_783 : i32
    %add3A_785 = arith.constant 26 : i32
    %add3A_786 = arith.addi %mul3A_784, %add3A_785 : i32
    %mul3A_787 = arith.constant 128 : i32
    %mul3A_788 = arith.muli %add3A_786, %mul3A_787 : i32
    %dma_start3A_789 = arith.constant 0 : i32
    %dma_start3A_790 = tpu.memref_slice %arg14[%mul3A_788, %dma_start3A_789] : memref<110592x128xf32, #tpu.memory_space<hbm>> -> memref<128x128xf32, #tpu.memory_space<hbm>>
    %dma_start3A_791 = arith.constant 0 : i32
    %dma_start3A_792 = tpu.memref_slice %arg14[%mul3A_788, %dma_start3A_791] : memref<110592x128xf32, #tpu.memory_space<hbm>> -> memref<128x128xf32, #tpu.memory_space<hbm>>
    tpu.enqueue_dma source(%arg18 : memref<128x128xf32, #tpu.memory_space<vmem>>) target(%dma_start3A_792 : memref<128x128xf32, #tpu.memory_space<hbm>>) target_semaphore(%arg23 : memref<!tpu.dma_semaphore, #tpu.memory_space<semaphore_mem>>)
    %dma_wait3A_793 = arith.constant 26 : i32
    %dma_wait3A_794 = arith.constant 0 : i32
    %dma_wait3A_795 = tpu.memref_slice %arg17[%dma_wait3A_793, %dma_wait3A_794] : memref<32x128xi32, #tpu.memory_space<vmem>> -> memref<1x128xi32, #tpu.memory_space<vmem>>
    %dma_wait3A_796 = tpu.memref_squeeze %dma_wait3A_795 : memref<1x128xi32, #tpu.memory_space<vmem>> -> memref<128xi32, #tpu.memory_space<vmem>>
    %dma_wait3A_797 = arith.constant 0 : i32
    %dma_wait3A_798 = arith.constant 0 : i32
    %dma_wait3A_799 = tpu.memref_slice %arg3[%dma_wait3A_797, %dma_wait3A_798] : memref<10112x128xf32, #tpu.memory_space<hbm>> -> memref<10112x128xf32, #tpu.memory_space<hbm>>
    tpu.wait_indirect_dma semaphore(%arg22 : memref<!tpu.dma_semaphore, #tpu.memory_space<semaphore_mem>>) src(%dma_wait3A_799 : memref<10112x128xf32, #tpu.memory_space<hbm>>) dst(%arg19 : memref<128x128xf32, #tpu.memory_space<vmem>>)
    %mul3A_800 = arith.constant 27 : i32
    %mul3A_801 = arith.muli %add3A, %mul3A_800 : i32
    %add3A_802 = arith.constant 26 : i32
    %add3A_803 = arith.addi %mul3A_801, %add3A_802 : i32
    %mul3A_804 = arith.constant 128 : i32
    %mul3A_805 = arith.muli %add3A_803, %mul3A_804 : i32
    %dma_start3A_806 = arith.constant 0 : i32
    %dma_start3A_807 = tpu.memref_slice %arg15[%mul3A_805, %dma_start3A_806] : memref<110592x128xf32, #tpu.memory_space<hbm>> -> memref<128x128xf32, #tpu.memory_space<hbm>>
    %dma_start3A_808 = arith.constant 0 : i32
    %dma_start3A_809 = tpu.memref_slice %arg15[%mul3A_805, %dma_start3A_808] : memref<110592x128xf32, #tpu.memory_space<hbm>> -> memref<128x128xf32, #tpu.memory_space<hbm>>
    tpu.enqueue_dma source(%arg19 : memref<128x128xf32, #tpu.memory_space<vmem>>) target(%dma_start3A_809 : memref<128x128xf32, #tpu.memory_space<hbm>>) target_semaphore(%arg23 : memref<!tpu.dma_semaphore, #tpu.memory_space<semaphore_mem>>)
    %mul3A_810 = arith.constant 27 : i32
    %mul3A_811 = arith.muli %add3A, %mul3A_810 : i32
    %add3A_812 = arith.constant 25 : i32
    %add3A_813 = arith.addi %mul3A_811, %add3A_812 : i32
    %mul3A_814 = arith.constant 128 : i32
    %mul3A_815 = arith.muli %add3A_813, %mul3A_814 : i32
    %dma_wait3A_816 = arith.constant 0 : i32
    %dma_wait3A_817 = tpu.memref_slice %arg14[%mul3A_815, %dma_wait3A_816] : memref<110592x128xf32, #tpu.memory_space<hbm>> -> memref<128x128xf32, #tpu.memory_space<hbm>>
    %dma_wait3A_818 = arith.constant 0 : i32
    %dma_wait3A_819 = tpu.memref_slice %arg14[%mul3A_815, %dma_wait3A_818] : memref<110592x128xf32, #tpu.memory_space<hbm>> -> memref<128x128xf32, #tpu.memory_space<hbm>>
    tpu.wait_dma2 semaphore(%arg23 : memref<!tpu.dma_semaphore, #tpu.memory_space<semaphore_mem>>) src(%arg20 : memref<128x128xf32, #tpu.memory_space<vmem>>) dst(%dma_wait3A_819 : memref<128x128xf32, #tpu.memory_space<hbm>>)
    %mul3A_820 = arith.constant 27 : i32
    %mul3A_821 = arith.muli %add3A, %mul3A_820 : i32
    %add3A_822 = arith.constant 25 : i32
    %add3A_823 = arith.addi %mul3A_821, %add3A_822 : i32
    %mul3A_824 = arith.constant 128 : i32
    %mul3A_825 = arith.muli %add3A_823, %mul3A_824 : i32
    %dma_wait3A_826 = arith.constant 0 : i32
    %dma_wait3A_827 = tpu.memref_slice %arg15[%mul3A_825, %dma_wait3A_826] : memref<110592x128xf32, #tpu.memory_space<hbm>> -> memref<128x128xf32, #tpu.memory_space<hbm>>
    %dma_wait3A_828 = arith.constant 0 : i32
    %dma_wait3A_829 = tpu.memref_slice %arg15[%mul3A_825, %dma_wait3A_828] : memref<110592x128xf32, #tpu.memory_space<hbm>> -> memref<128x128xf32, #tpu.memory_space<hbm>>
    tpu.wait_dma2 semaphore(%arg23 : memref<!tpu.dma_semaphore, #tpu.memory_space<semaphore_mem>>) src(%arg21 : memref<128x128xf32, #tpu.memory_space<vmem>>) dst(%dma_wait3A_829 : memref<128x128xf32, #tpu.memory_space<hbm>>)
    %mul3A_830 = arith.constant 27 : i32
    %mul3A_831 = arith.muli %add3A, %mul3A_830 : i32
    %add3A_832 = arith.constant 26 : i32
    %add3A_833 = arith.addi %mul3A_831, %add3A_832 : i32
    %mul3A_834 = arith.constant 128 : i32
    %mul3A_835 = arith.muli %add3A_833, %mul3A_834 : i32
    %dma_wait3A_836 = arith.constant 0 : i32
    %dma_wait3A_837 = tpu.memref_slice %arg14[%mul3A_835, %dma_wait3A_836] : memref<110592x128xf32, #tpu.memory_space<hbm>> -> memref<128x128xf32, #tpu.memory_space<hbm>>
    %dma_wait3A_838 = arith.constant 0 : i32
    %dma_wait3A_839 = tpu.memref_slice %arg14[%mul3A_835, %dma_wait3A_838] : memref<110592x128xf32, #tpu.memory_space<hbm>> -> memref<128x128xf32, #tpu.memory_space<hbm>>
    tpu.wait_dma2 semaphore(%arg23 : memref<!tpu.dma_semaphore, #tpu.memory_space<semaphore_mem>>) src(%arg18 : memref<128x128xf32, #tpu.memory_space<vmem>>) dst(%dma_wait3A_839 : memref<128x128xf32, #tpu.memory_space<hbm>>)
    %mul3A_840 = arith.constant 27 : i32
    %mul3A_841 = arith.muli %add3A, %mul3A_840 : i32
    %add3A_842 = arith.constant 26 : i32
    %add3A_843 = arith.addi %mul3A_841, %add3A_842 : i32
    %mul3A_844 = arith.constant 128 : i32
    %mul3A_845 = arith.muli %add3A_843, %mul3A_844 : i32
    %dma_wait3A_846 = arith.constant 0 : i32
    %dma_wait3A_847 = tpu.memref_slice %arg15[%mul3A_845, %dma_wait3A_846] : memref<110592x128xf32, #tpu.memory_space<hbm>> -> memref<128x128xf32, #tpu.memory_space<hbm>>
    %dma_wait3A_848 = arith.constant 0 : i32
    %dma_wait3A_849 = tpu.memref_slice %arg15[%mul3A_845, %dma_wait3A_848] : memref<110592x128xf32, #tpu.memory_space<hbm>> -> memref<128x128xf32, #tpu.memory_space<hbm>>
    tpu.wait_dma2 semaphore(%arg23 : memref<!tpu.dma_semaphore, #tpu.memory_space<semaphore_mem>>) src(%arg19 : memref<128x128xf32, #tpu.memory_space<vmem>>) dst(%dma_wait3A_849 : memref<128x128xf32, #tpu.memory_space<hbm>>)
    return
  }
}

module attributes {stable_mosaic.version = 14 : i64} {
  func.func @_head_body(%arg0: i32, %arg1: memref<1000x128xf32, #tpu.memory_space<vmem>>, %arg2: memref<1000x128xf32, #tpu.memory_space<vmem>>, %arg3: memref<1000x128xf32, #tpu.memory_space<vmem>>, %arg4: memref<1000x128xf32, #tpu.memory_space<vmem>>, %arg5: memref<1000x128xf32, #tpu.memory_space<vmem>>, %arg6: memref<128x256xf32, #tpu.memory_space<vmem>>, %arg7: memref<1x256xf32, #tpu.memory_space<vmem>>, %arg8: memref<256x128xf32, #tpu.memory_space<vmem>>, %arg9: memref<1x128xf32, #tpu.memory_space<vmem>>, %arg10: memref<128x64xf32, #tpu.memory_space<vmem>>, %arg11: memref<1x64xf32, #tpu.memory_space<vmem>>, %arg12: memref<64x128xf32, #tpu.memory_space<vmem>>, %arg13: memref<1x128xf32, #tpu.memory_space<vmem>>, %arg14: memref<1000x128xf32, #tpu.memory_space<vmem>>, %arg15: memref<1000x128xf32, #tpu.memory_space<vmem>>, %arg16: memref<1000x128xf32, #tpu.memory_space<vmem>>, %arg17: memref<1000x128xf32, #tpu.memory_space<vmem>>) attributes {dimension_semantics = [#tpu.dimension_semantics<arbitrary>], iteration_bounds = array<i64: 100>, scalar_prefetch = 0 : i64, scratch_operands = 0 : i64, tpu.core_type = #tpu.core_type<tc>, window_params = [{transform_indices = @transform_0, window_bounds = array<i64: 1000, 128>}, {transform_indices = @transform_1, window_bounds = array<i64: 1000, 128>}, {transform_indices = @transform_2, window_bounds = array<i64: 1000, 128>}, {transform_indices = @transform_3, window_bounds = array<i64: 1000, 128>}, {transform_indices = @transform_4, window_bounds = array<i64: 1000, 128>}, {pipeline_mode = #tpu.pipeline_mode<synchronous>, transform_indices = @transform_5, window_bounds = array<i64: 128, 256>}, {pipeline_mode = #tpu.pipeline_mode<synchronous>, transform_indices = @transform_6, window_bounds = array<i64: 1, 256>}, {pipeline_mode = #tpu.pipeline_mode<synchronous>, transform_indices = @transform_7, window_bounds = array<i64: 256, 128>}, {pipeline_mode = #tpu.pipeline_mode<synchronous>, transform_indices = @transform_8, window_bounds = array<i64: 1, 128>}, {pipeline_mode = #tpu.pipeline_mode<synchronous>, transform_indices = @transform_9, window_bounds = array<i64: 128, 64>}, {pipeline_mode = #tpu.pipeline_mode<synchronous>, transform_indices = @transform_10, window_bounds = array<i64: 1, 64>}, {pipeline_mode = #tpu.pipeline_mode<synchronous>, transform_indices = @transform_11, window_bounds = array<i64: 64, 128>}, {pipeline_mode = #tpu.pipeline_mode<synchronous>, transform_indices = @transform_12, window_bounds = array<i64: 1, 128>}, {transform_indices = @transform_13, window_bounds = array<i64: 1000, 128>}, {transform_indices = @transform_14, window_bounds = array<i64: 1000, 128>}, {transform_indices = @transform_15, window_bounds = array<i64: 1000, 128>}, {transform_indices = @transform_16, window_bounds = array<i64: 1000, 128>}]} {
    %get3A = arith.constant 0 : index
    %get3A_0 = arith.constant 0 : index
    %get3A_1 = vector.load %arg1[%get3A, %get3A_0] : memref<1000x128xf32, #tpu.memory_space<vmem>>, vector<1000x128xf32>
    %get3A_2 = arith.constant 0 : index
    %get3A_3 = arith.constant 0 : index
    %get3A_4 = vector.load %arg2[%get3A_2, %get3A_3] : memref<1000x128xf32, #tpu.memory_space<vmem>>, vector<1000x128xf32>
    %add3A = arith.addf %get3A_1, %get3A_4 : vector<1000x128xf32>
    %get3A_5 = arith.constant 0 : index
    %get3A_6 = arith.constant 0 : index
    %get3A_7 = vector.load %arg3[%get3A_5, %get3A_6] : memref<1000x128xf32, #tpu.memory_space<vmem>>, vector<1000x128xf32>
    %get3A_8 = arith.constant 0 : index
    %get3A_9 = arith.constant 0 : index
    %get3A_10 = vector.load %arg4[%get3A_8, %get3A_9] : memref<1000x128xf32, #tpu.memory_space<vmem>>, vector<1000x128xf32>
    %add3A_11 = arith.addf %get3A_7, %get3A_10 : vector<1000x128xf32>
    %swap3A = arith.constant 0 : index
    %swap3A_12 = arith.constant 0 : index
    %swap3A_13 = vector.load %arg16[%swap3A, %swap3A_12] : memref<1000x128xf32, #tpu.memory_space<vmem>>, vector<1000x128xf32>
    tpu.vector_store %arg16[%swap3A, %swap3A_12], %add3A {strides = array<i32>} : memref<1000x128xf32, #tpu.memory_space<vmem>>, vector<1000x128xf32>,
    %swap3A_14 = arith.constant 0 : index
    %swap3A_15 = arith.constant 0 : index
    %swap3A_16 = vector.load %arg17[%swap3A_14, %swap3A_15] : memref<1000x128xf32, #tpu.memory_space<vmem>>, vector<1000x128xf32>
    tpu.vector_store %arg17[%swap3A_14, %swap3A_15], %add3A_11 {strides = array<i32>} : memref<1000x128xf32, #tpu.memory_space<vmem>>, vector<1000x128xf32>,
    %get3A_17 = arith.constant 0 : index
    %get3A_18 = arith.constant 0 : index
    %get3A_19 = vector.load %arg5[%get3A_17, %get3A_18] : memref<1000x128xf32, #tpu.memory_space<vmem>>, vector<1000x128xf32>
    %exp3A = math.exp %add3A_11 : vector<1000x128xf32>
    %mul3A = arith.mulf %get3A_19, %exp3A : vector<1000x128xf32>
    %add3A_20 = arith.addf %mul3A, %add3A : vector<1000x128xf32>
    %get3A_21 = arith.constant 0 : index
    %get3A_22 = arith.constant 0 : index
    %get3A_23 = vector.load %arg6[%get3A_21, %get3A_22] : memref<128x256xf32, #tpu.memory_space<vmem>>, vector<128x256xf32>
    %dot_general3A = arith.constant dense<0.000000e+00> : vector<1000x256xf32>
    %dot_general3A_24 = tpu.matmul %add3A_20, %get3A_23, %dot_general3A {dimension_numbers = #tpu.dot_dimension_numbers<[1], [0], [0], [1], [0, 0, 1, 1], [], []>, transpose_lhs_hint = false} : vector<1000x128xf32>, vector<128x256xf32>, vector<1000x256xf32> -> vector<1000x256xf32>
    %get3A_25 = arith.constant 0 : index
    %get3A_26 = arith.constant 0 : index
    %get3A_27 = vector.load %arg7[%get3A_25, %get3A_26] : memref<1x256xf32, #tpu.memory_space<vmem>>, vector<1x256xf32>
    %add3A_28 = vector.broadcast %get3A_27 : vector<1x256xf32> to vector<1000x256xf32>
    %add3A_29 = arith.addf %dot_general3A_24, %add3A_28 : vector<1000x256xf32>
    %max3A = arith.constant 0.000000e+00 : f32
    %max3A_30 = vector.broadcast %max3A : f32 to vector<1000x256xf32>
    %max3A_31 = arith.maximumf %add3A_29, %max3A_30 : vector<1000x256xf32>
    %get3A_32 = arith.constant 0 : index
    %get3A_33 = arith.constant 0 : index
    %get3A_34 = vector.load %arg8[%get3A_32, %get3A_33] : memref<256x128xf32, #tpu.memory_space<vmem>>, vector<256x128xf32>
    %dot_general3A_35 = arith.constant dense<0.000000e+00> : vector<1000x128xf32>
    %dot_general3A_36 = tpu.matmul %max3A_31, %get3A_34, %dot_general3A_35 {dimension_numbers = #tpu.dot_dimension_numbers<[1], [0], [0], [1], [0, 0, 1, 1], [], []>, transpose_lhs_hint = false} : vector<1000x256xf32>, vector<256x128xf32>, vector<1000x128xf32> -> vector<1000x128xf32>
    %get3A_37 = arith.constant 0 : index
    %get3A_38 = arith.constant 0 : index
    %get3A_39 = vector.load %arg9[%get3A_37, %get3A_38] : memref<1x128xf32, #tpu.memory_space<vmem>>, vector<1x128xf32>
    %add3A_40 = vector.broadcast %get3A_39 : vector<1x128xf32> to vector<1000x128xf32>
    %add3A_41 = arith.addf %dot_general3A_36, %add3A_40 : vector<1000x128xf32>
    %max3A_42 = arith.constant 0.000000e+00 : f32
    %max3A_43 = vector.broadcast %max3A_42 : f32 to vector<1000x128xf32>
    %max3A_44 = arith.maximumf %add3A_41, %max3A_43 : vector<1000x128xf32>
    %swap3A_45 = arith.constant 0 : index
    %swap3A_46 = arith.constant 0 : index
    %swap3A_47 = vector.load %arg14[%swap3A_45, %swap3A_46] : memref<1000x128xf32, #tpu.memory_space<vmem>>, vector<1000x128xf32>
    tpu.vector_store %arg14[%swap3A_45, %swap3A_46], %max3A_44 {strides = array<i32>} : memref<1000x128xf32, #tpu.memory_space<vmem>>, vector<1000x128xf32>,
    %get3A_48 = arith.constant 0 : index
    %get3A_49 = arith.constant 0 : index
    %get3A_50 = vector.load %arg10[%get3A_48, %get3A_49] : memref<128x64xf32, #tpu.memory_space<vmem>>, vector<128x64xf32>
    %dot_general3A_51 = arith.constant dense<0.000000e+00> : vector<1000x64xf32>
    %dot_general3A_52 = tpu.matmul %add3A_20, %get3A_50, %dot_general3A_51 {dimension_numbers = #tpu.dot_dimension_numbers<[1], [0], [0], [1], [0, 0, 1, 1], [], []>, transpose_lhs_hint = false} : vector<1000x128xf32>, vector<128x64xf32>, vector<1000x64xf32> -> vector<1000x64xf32>
    %get3A_53 = arith.constant 0 : index
    %get3A_54 = arith.constant 0 : index
    %get3A_55 = vector.load %arg11[%get3A_53, %get3A_54] : memref<1x64xf32, #tpu.memory_space<vmem>>, vector<1x64xf32>
    %add3A_56 = vector.broadcast %get3A_55 : vector<1x64xf32> to vector<1000x64xf32>
    %add3A_57 = arith.addf %dot_general3A_52, %add3A_56 : vector<1000x64xf32>
    %max3A_58 = arith.constant 0.000000e+00 : f32
    %max3A_59 = vector.broadcast %max3A_58 : f32 to vector<1000x64xf32>
    %max3A_60 = arith.maximumf %add3A_57, %max3A_59 : vector<1000x64xf32>
    %get3A_61 = arith.constant 0 : index
    %get3A_62 = arith.constant 0 : index
    %get3A_63 = vector.load %arg12[%get3A_61, %get3A_62] : memref<64x128xf32, #tpu.memory_space<vmem>>, vector<64x128xf32>
    %dot_general3A_64 = arith.constant dense<0.000000e+00> : vector<1000x128xf32>
    %dot_general3A_65 = tpu.matmul %max3A_60, %get3A_63, %dot_general3A_64 {dimension_numbers = #tpu.dot_dimension_numbers<[1], [0], [0], [1], [0, 0, 1, 1], [], []>, transpose_lhs_hint = false} : vector<1000x64xf32>, vector<64x128xf32>, vector<1000x128xf32> -> vector<1000x128xf32>
    %get3A_66 = arith.constant 0 : index
    %get3A_67 = arith.constant 0 : index
    %get3A_68 = vector.load %arg13[%get3A_66, %get3A_67] : memref<1x128xf32, #tpu.memory_space<vmem>>, vector<1x128xf32>
    %add3A_69 = vector.broadcast %get3A_68 : vector<1x128xf32> to vector<1000x128xf32>
    %add3A_70 = arith.addf %dot_general3A_65, %add3A_69 : vector<1000x128xf32>
    %iota3A = tpu.iota {dimensions = array<i32: 1>} : vector<1000x128xi32>
    %lt3A = arith.constant 4 : i32
    %lt3A_71 = vector.broadcast %lt3A : i32 to vector<1000x128xi32>
    %lt3A_72 = arith.cmpi slt, %iota3A, %lt3A_71 : vector<1000x128xi32>
    %jit3A = arith.constant 0xFF800000 : f32
    %broadcast_in_dim3A = vector.broadcast %jit3A : f32 to vector<1000x128xf32>
    %select_n3A = arith.select %lt3A_72, %add3A_70, %broadcast_in_dim3A : vector<1000x128xi1>, vector<1000x128xf32>
    %reduce_max3A = arith.constant dense<0xFF800000> : vector<1000xf32>
    %reduce_max3A_73 = vector.multi_reduction <maximumf>, %select_n3A, %reduce_max3A [1] : vector<1000x128xf32> to vector<1000xf32>
    %broadcast_in_dim3A_74 = vector.shape_cast %reduce_max3A_73 : vector<1000xf32> to vector<1000x1xf32>
    %sub3A = vector.broadcast %broadcast_in_dim3A_74 : vector<1000x1xf32> to vector<1000x128xf32>
    %sub3A_75 = arith.subf %select_n3A, %sub3A : vector<1000x128xf32>
    %exp3A_76 = math.exp %sub3A_75 : vector<1000x128xf32>
    %jit3A_77 = arith.constant 0.000000e+00 : f32
    %broadcast_in_dim3A_78 = vector.broadcast %jit3A_77 : f32 to vector<1000x128xf32>
    %select_n3A_79 = arith.select %lt3A_72, %exp3A_76, %broadcast_in_dim3A_78 : vector<1000x128xi1>, vector<1000x128xf32>
    %reduce_sum3A = arith.constant dense<0.000000e+00> : vector<1000xf32>
    %reduce_sum3A_80 = vector.multi_reduction <add>, %select_n3A_79, %reduce_sum3A [1] : vector<1000x128xf32> to vector<1000xf32>
    %broadcast_in_dim3A_81 = vector.shape_cast %reduce_sum3A_80 : vector<1000xf32> to vector<1000x1xf32>
    %div3A = vector.broadcast %broadcast_in_dim3A_81 : vector<1000x1xf32> to vector<1000x128xf32>
    %div3A_82 = arith.divf %select_n3A_79, %div3A : vector<1000x128xf32>
    %swap3A_83 = arith.constant 0 : index
    %swap3A_84 = arith.constant 0 : index
    %swap3A_85 = vector.load %arg15[%swap3A_83, %swap3A_84] : memref<1000x128xf32, #tpu.memory_space<vmem>>, vector<1000x128xf32>
    tpu.vector_store %arg15[%swap3A_83, %swap3A_84], %div3A_82 {strides = array<i32>} : memref<1000x128xf32, #tpu.memory_space<vmem>>, vector<1000x128xf32>,
    return
  }
  func.func @transform_0(%arg0: i32) -> (i32, i32) {
    %c0_i32 = arith.constant 0 : i32
    %c0_i32_0 = arith.constant 0 : i32
    return %arg0, %c0_i32 : i32, i32
  }
  func.func @transform_1(%arg0: i32) -> (i32, i32) {
    %c0_i32 = arith.constant 0 : i32
    %c0_i32_0 = arith.constant 0 : i32
    return %arg0, %c0_i32 : i32, i32
  }
  func.func @transform_2(%arg0: i32) -> (i32, i32) {
    %c0_i32 = arith.constant 0 : i32
    %c0_i32_0 = arith.constant 0 : i32
    return %arg0, %c0_i32 : i32, i32
  }
  func.func @transform_3(%arg0: i32) -> (i32, i32) {
    %c0_i32 = arith.constant 0 : i32
    %c0_i32_0 = arith.constant 0 : i32
    return %arg0, %c0_i32 : i32, i32
  }
  func.func @transform_4(%arg0: i32) -> (i32, i32) {
    %c0_i32 = arith.constant 0 : i32
    %c0_i32_0 = arith.constant 0 : i32
    return %arg0, %c0_i32 : i32, i32
  }
  func.func @transform_5(%arg0: i32) -> (i32, i32) {
    %c0_i32 = arith.constant 0 : i32
    %c0_i32_0 = arith.constant 0 : i32
    %c0_i32_1 = arith.constant 0 : i32
    return %c0_i32, %c0_i32_0 : i32, i32
  }
  func.func @transform_6(%arg0: i32) -> (i32, i32) {
    %c0_i32 = arith.constant 0 : i32
    %c0_i32_0 = arith.constant 0 : i32
    %c0_i32_1 = arith.constant 0 : i32
    return %c0_i32, %c0_i32_0 : i32, i32
  }
  func.func @transform_7(%arg0: i32) -> (i32, i32) {
    %c0_i32 = arith.constant 0 : i32
    %c0_i32_0 = arith.constant 0 : i32
    %c0_i32_1 = arith.constant 0 : i32
    return %c0_i32, %c0_i32_0 : i32, i32
  }
  func.func @transform_8(%arg0: i32) -> (i32, i32) {
    %c0_i32 = arith.constant 0 : i32
    %c0_i32_0 = arith.constant 0 : i32
    %c0_i32_1 = arith.constant 0 : i32
    return %c0_i32, %c0_i32_0 : i32, i32
  }
  func.func @transform_9(%arg0: i32) -> (i32, i32) {
    %c0_i32 = arith.constant 0 : i32
    %c0_i32_0 = arith.constant 0 : i32
    %c0_i32_1 = arith.constant 0 : i32
    return %c0_i32, %c0_i32_0 : i32, i32
  }
  func.func @transform_10(%arg0: i32) -> (i32, i32) {
    %c0_i32 = arith.constant 0 : i32
    %c0_i32_0 = arith.constant 0 : i32
    %c0_i32_1 = arith.constant 0 : i32
    return %c0_i32, %c0_i32_0 : i32, i32
  }
  func.func @transform_11(%arg0: i32) -> (i32, i32) {
    %c0_i32 = arith.constant 0 : i32
    %c0_i32_0 = arith.constant 0 : i32
    %c0_i32_1 = arith.constant 0 : i32
    return %c0_i32, %c0_i32_0 : i32, i32
  }
  func.func @transform_12(%arg0: i32) -> (i32, i32) {
    %c0_i32 = arith.constant 0 : i32
    %c0_i32_0 = arith.constant 0 : i32
    %c0_i32_1 = arith.constant 0 : i32
    return %c0_i32, %c0_i32_0 : i32, i32
  }
  func.func @transform_13(%arg0: i32) -> (i32, i32) {
    %c0_i32 = arith.constant 0 : i32
    %c0_i32_0 = arith.constant 0 : i32
    return %arg0, %c0_i32 : i32, i32
  }
  func.func @transform_14(%arg0: i32) -> (i32, i32) {
    %c0_i32 = arith.constant 0 : i32
    %c0_i32_0 = arith.constant 0 : i32
    return %arg0, %c0_i32 : i32, i32
  }
  func.func @transform_15(%arg0: i32) -> (i32, i32) {
    %c0_i32 = arith.constant 0 : i32
    %c0_i32_0 = arith.constant 0 : i32
    return %arg0, %c0_i32 : i32, i32
  }
  func.func @transform_16(%arg0: i32) -> (i32, i32) {
    %c0_i32 = arith.constant 0 : i32
    %c0_i32_0 = arith.constant 0 : i32
    return %arg0, %c0_i32 : i32, i32
  }
}

</mosaic_0001>

<sc_bundles>
// kernel: kernel.12.cloned.1.call-start
scs
__scs_entry_jumppad:
0x0: {  	(pc) =	sbr.rel $0x88, $3  }
0x1: {  	(tag) =	ssettag $0x0;
	lr =	simm.s32 $0x1  }
0x2: {  	[smem:$0x3F8D] =	sst lr;
	_ =	strace $0xD0000000  }
0x3: {  	_ = 	snop  }
0x4: {  	_ = 	snop  }
0x5: {  	_ = 	snop  }
0x6: {  	_ = 	snop  }
0x7: {  	_ = 	snop  }
__scs_overlays_trampoline_lowered:
0x8: {  	[smem:$0x3F9C] =	sst s0  }
0x9: {  	[smem:$0x3F9D] =	sst s1  }
0xa: {  	[smem:$0x3F9E] =	sst s2  }
0xb: {  	[smem:$0x3F9F] =	sst s3  }
0xc: {  	[smem:$0x3FA0] =	sst s4  }
0xd: {  	[smem:$0x3FA1] =	sst s5  }
0xe: {  	[smem:$0x3FA2] =	sst s6  }
0xf: {  	[smem:$0x3FA3] =	sst s7  }
0x10: {  	[smem:$0x3FA4] =	sst s8  }
0x11: {  	[smem:$0x3FA5] =	sst s9;
	s0 =	simm.s32 @!p0 $0x0  }
0x12: {  	s1 =	sld [smem:$0x3F8B];
	s0 =	simm.s32 @p0 $0x1  }
0x13: {  	[smem:$0x3FA6] =	sst s0;
	s0 =	simm.s32 @!p1 $0x0  }
0x14: {  	s2 =	sld [smem:$0x3F8A];
	s0 =	simm.s32 @p1 $0x1  }
0x15: {  	[smem:$0x3FA7] =	sst s0;
	s0 =	simm.s32 @!p2 $0x0  }
0x16: {  	s3 =	sld [smem:$0x3FDB];
	s0 =	simm.s32 @p2 $0x1  }
0x17: {  	s4 =	simm.s32 $0x1BF5;
	[smem:$0x3FA9] =	sst s0  }
0x18: {  	s0 =	sld [smem:$0x3F8C];
	_ =	swait.ge [sflag:s4], $0x0  }
0x19: {  	s7 =	sld [smem:$0x3F8D]  }
0x1a: {  	s8 =	sadd.s32 $0xFFFFE003, lr  }
0x1b: {  	s9 =	sadd.s32 $0xFFFFFEF7, lr;
	s5 =	simm.s32 $0xFFFFFFFF;
	p2 =	slt.u32 s8, $0xFFFFF086  }
0x1c: {  	p1 =	slt.u32 s9, $0xF7A;
	s5 =	simm.s32 @!p2 $0x0  }
0x1d: {  	s5 =	simm.s32 @p1 $0x1;
	p0 =	seq.s32 s7, s2  }
0x1e: {  	s7 =	smul.u32 @!p0 $0xF7A, s2;
	p2 =	seq.s32 @!p0 s5, $0x0  }
0x1f: {  	s9 =	smul.u32 $0xF7A, s1;
	s8 =	simm.s32 @!p0 $0x1BF5;
	p2 =	por !p2, p0  }
0x20: {  	[sflag:s8] =	ssyncset.s32 @!p0 $0xFFFFF086;
	s6 =	sadd.s32 @!p0 s3, s7;
	s7 =	simm.s32 @!p0 $0x108  }
0x21: {  	s3 =	sadd.s32 s3, s9;
	s6 =	sadd.s32 @!p0 $0x88, s6;
	s7 =	simm.s32 @p2 $0x1082  }
0x22: {  	[simem:s7], [sflag:s8] =	dma.local @!p0 [hbm:s6], $0xF7A  }
0x23: {  	s9 =	sor.u32 $0xD0000000, s2;
	s6 =	simm.s32 $0x108;
	_ =	swait.ge @!p0 [sflag:s8], $0x0  }
0x24: {  	s3 =	sadd.s32 $0x88, s3;
	s6 =	simm.s32 @!p1 $0x1082;
	[sflag:s4] =	ssyncset.s32 $0xFFFFF086  }
0x25: {  	[simem:s6], [sflag:s4] =	dma.local [hbm:s3], $0xF7A  }
0x26: {  	[smem:$0x3F8D] =	sst s1;
	(tag) =	ssettag s2;
	_ =	strace s9  }
0x27: {  	s1 =	sld [smem:$0x3F9D]  }
0x28: {  	s2 =	sld [smem:$0x3F9E]  }
0x29: {  	s4 =	sld [smem:$0x3FA0]  }
0x2a: {  	p0 =	seq.s32 s5, $0x0;
	s5 =	sld [smem:$0x3FA1]  }
0x2b: {  	s6 =	sld [smem:$0x3FA2]  }
0x2c: {  	s7 =	sld [smem:$0x3FA3]  }
0x2d: {  	s3 =	simm.s32 $0x108;
	s8 =	sld [smem:$0x3FA4]  }
0x2e: {  	s3 =	simm.s32 @!p0 $0x1082;
	s9 =	sld [smem:$0x3FA5]  }
0x2f: {  	lr =	sadd.s32 s0, s3;
	s0 =	sld [smem:$0x3F9C]  }
0x30: {  	s3 =	sld [smem:$0x3F9F]  }
0x31: {  	[smem:$0x3FA8] =	sst s10  }
0x32: {  	s10 =	sld [smem:$0x3FA6];
	_ =	sdelay $0x3  }
0x33: {  	p0 =	seq.s32 s10, $0x1;
	s10 =	sld [smem:$0x3FA8];
	_ =	sdelay $0x3  }
0x34: {  	[smem:$0x3FA8] =	sst s10  }
0x35: {  	s10 =	sld [smem:$0x3FA7];
	_ =	sdelay $0x3  }
0x36: {  	p1 =	seq.s32 s10, $0x1;
	s10 =	sld [smem:$0x3FA8];
	_ =	sdelay $0x3  }
0x37: {  	[smem:$0x3FA8] =	sst s10  }
0x38: {  	s10 =	sld [smem:$0x3FA9]  }
0x39: {  	_ = 	snop;
	(pc) =	sbr.ind lr, $3  }
0x3a: {  	_ = 	snop  }
0x3b: {  	_ = 	snop  }
0x3c: {  	p2 =	seq.s32 s10, $0x1;
	s10 =	sld [smem:$0x3FA8]  }
0x3d: {  	_ =	shalt  }
0x3e: {  	_ =	shalt  }
0x3f: {  	_ =	shalt  }
0x40: {  	_ =	shalt  }
0x41: {  	_ =	shalt  }
0x42: {  	_ =	shalt  }
0x43: {  	_ =	shalt  }
0x44: {  	_ =	shalt  }
0x45: {  	_ =	shalt  }
0x46: {  	_ =	shalt  }
0x47: {  	_ =	shalt  }
0x48: {  	_ =	shalt  }
0x49: {  	_ =	shalt  }
0x4a: {  	_ =	shalt  }
0x4b: {  	_ =	shalt  }
0x4c: {  	_ =	shalt  }
0x4d: {  	_ =	shalt  }
0x4e: {  	_ =	shalt  }
0x4f: {  	_ =	shalt  }
0x50: {  	_ =	shalt  }
0x51: {  	_ =	shalt  }
0x52: {  	_ =	shalt  }
0x53: {  	_ =	shalt  }
0x54: {  	_ =	shalt  }
0x55: {  	_ =	shalt  }
0x56: {  	_ =	shalt  }
0x57: {  	_ =	shalt  }
0x58: {  	_ =	shalt  }
0x59: {  	_ =	shalt  }
0x5a: {  	_ =	shalt  }
0x5b: {  	_ =	shalt  }
0x5c: {  	_ =	shalt  }
0x5d: {  	_ =	shalt  }
0x5e: {  	_ =	shalt  }
0x5f: {  	_ =	shalt  }
0x60: {  	_ =	shalt  }
0x61: {  	_ =	shalt  }
0x62: {  	_ =	shalt  }
0x63: {  	_ =	shalt  }
0x64: {  	_ =	shalt  }
0x65: {  	_ =	shalt  }
0x66: {  	_ =	shalt  }
0x67: {  	_ =	shalt  }
0x68: {  	_ =	shalt  }
0x69: {  	_ =	shalt  }
0x6a: {  	_ =	shalt  }
0x6b: {  	_ =	shalt  }
0x6c: {  	_ =	shalt  }
0x6d: {  	_ =	shalt  }
0x6e: {  	_ =	shalt  }
0x6f: {  	_ =	shalt  }
0x70: {  	_ =	shalt  }
0x71: {  	_ =	shalt  }
0x72: {  	_ =	shalt  }
0x73: {  	_ =	shalt  }
0x74: {  	_ =	shalt  }
0x75: {  	_ =	shalt  }
0x76: {  	_ =	shalt  }
0x77: {  	_ =	shalt  }
0x78: {  	_ =	shalt  }
0x79: {  	_ =	shalt  }
0x7a: {  	_ =	shalt  }
0x7b: {  	_ =	shalt  }
0x7c: {  	_ =	shalt  }
0x7d: {  	_ =	shalt  }
0x7e: {  	_ =	shalt  }
0x7f: {  	_ =	shalt  }
0x80: {  	_ =	shalt  }
0x81: {  	_ =	shalt  }
0x82: {  	_ =	shalt  }
0x83: {  	_ =	shalt  }
0x84: {  	_ =	shalt  }
0x85: {  	_ =	shalt  }
0x86: {  	_ =	shalt  }
0x87: {  	_ =	shalt  }
.Lfunc_end0:
.L_simem_size_0:
called_computation.1_lowered:
.L_overlay_start_0:
0x88: {  	s2 =	sld [smem:$0x3FD9]  }
0x89: {  	s3 =	sld [smem:$0x3FFE];
	_ =	sdelay $0x1  }
0x8a: {  	s1 =	srdreg.scid  }
0x8b: {  	s0 =	sand.u32 $0x1, s1  }
0x8c: {  	s14 =	sshll.u32 s0, $0xA;
	s2 =	sadd.s32 s3, s2  }
0x8d: {  	s2 =	sadd.s32 s2, s14  }
0x8e: {  	[smem:$0x3FB4] =	sst s2  }
0x8f: {  	_ = 	snop  }
0x90: {  	s2 =	sld [smem:$0x3FD0];
	_ =	sdelay $0x2  }
0x91: {  	s15 =	simm.s32 $0xB;
	s4 =	simm.s32 $0x10  }
0x92: {  	[smem:s4], [sflag:s15] =	dma.local [hbm:s2], $0x1  }
0x93: {  	_ =	swait.eq [sflag:s15], $0x1  }
0x94: {  	s16 =	sld [smem:$0x10]  }
0x95: {  	s17 =	sld [smem:$0x11];
	[sflag:s15] =	ssyncset.done $0x0  }
0x96: {  	s5 =	sld [smem:$0x15];
	[sflag:s15] =	ssyncadd.s32 $0xFFFFFFFF  }
0x97: {  	s18 =	sld [smem:$0x17];
	(tm) =	ssettm $0x1  }
0x98: {  	s6 =	sld [smem:$0x3FFB];
	_ =	sdelay $0x3  }
0x99: {  	_ =	strace s6  }
0x9a: {  	s6 =	sld [smem:$0x3FFC];
	_ =	sdelay $0x3  }
0x9b: {  	_ =	strace s6  }
0x9c: {  	s6 =	sld [smem:$0x3FFD];
	_ =	sdelay $0x3  }
0x9d: {  	_ =	strace s6  }
0x9e: {  	_ =	strace $0x8FFFFFFF  }
0x9f: {  	s19 =	sld [smem:$0x3FDB];
	_ =	sdelay $0x1  }
0xa0: {  	s7 =	simm.s32 $_scs_section_size  }
0xa1: {  	s8 =	simm.s32 $_size__tile_overlayer_lowered;
	s9 =	simm.s32 $_tile_overlayer_lowered  }
0xa2: {  	s22 =	simm.s32 $0x1BFF;
	s21 =	sshll.u32 s9, $0x1;
	s6 =	sadd.s32 s7, s19  }
0xa3: {  	s10 =	simm.s32 $0x0;
	s20 =	sshll.u32 s8, $0x1;
	s8 =	sadd.s32 s21, s6  }
0xa4: {  	[timem:s10], [sflag:s22] =	dma.local [hbm:s8], s20  }
0xa5: {  	_ =	swait.ge [sflag:s22], s20  }
0xa6: {  	s7 =	ssub.s32 $0x0, s20;
	[sflag:s22] =	ssyncset.done $0x0  }
0xa7: {  	[sflag:s22] =	ssyncadd.s32 s7;
	_ =	sdelay $0x1  }
0xa8: {  	s23 =	simm.s32 $0x1B8B  }
0xa9: {  	_ =	swait.ge [sflag:s23], $0x1  }
0xaa: {  	[sflag:s23] =	ssyncset.done $0x0  }
0xab: {  	s25 =	simm.s32 $0x1B8E;
	s24 =	sld [smem:$0x3FFE];
	[sflag:s23] =	ssyncadd.s32 $0xFFFFFFFF  }
0xac: {  	s26 =	simm.s32 $execute0_lowered;
	[smem:$0x3FD2] =	sst s25  }
0xad: {  	s8 =	sshll.u32 s26, $0x1;
	_ =	strace $0x80000049;
	[dreg:$0x1] =	wrdreg $0xFFFFFFFF  }
0xae: {  	s28 =	simm.s32 $_size_execute0_lowered;
	s6 =	sadd.s32 s6, s8;
	[dreg:$0x0] =	wrdreg $0x0  }
0xaf: {  	s8 =	sshll.u32 s28, $0x1;
	[dreg:$0x2] =	wrdreg s6  }
0xb0: {  	[dreg:$0x3] =	wrdreg s8  }
0xb1: {  	[dreg:$0x4] =	wrdreg $0xC0  }
0xb2: {  	_ =	task [dreg:s10], $0x5FFFF  }
0xb3: {  	[dreg:$0x1] =	wrdreg $0xFFFFFFFF  }
0xb4: {  	[dreg:$0x0] =	wrdreg $0x60  }
0xb5: {  	[dreg:$0x2] =	wrdreg s17  }
0xb6: {  	[dreg:$0x3] =	wrdreg s16  }
0xb7: {  	[dreg:$0x4] =	wrdreg s5  }
0xb8: {  	[dreg:$0x5] =	wrdreg s24  }
0xb9: {  	[dreg:$0x6] =	wrdreg s18  }
0xba: {  	[dreg:$0x7] =	wrdreg $0x0  }
0xbb: {  	[dreg:$0x8] =	wrdreg $0x9  }
0xbc: {  	_ =	task.clear_ibuf [dreg:s10], $0x9FFFF;
	_ =	strace $0x90000049  }
0xbd: {  	s29 =	simm.s32 $0x9;
	_ =	strace $0x8000004B  }
0xbe: {  	_ =	swait.ge [sflag:s29], $0x1  }
0xbf: {  	[sflag:s29] =	ssyncadd.s32 $0xFFFFFFFF  }
0xc0: {  	_ =	strace $0x9000004B  }
0xc1: {  	_ =	sfence  }
0xc2: {  	s30 =	sld [smem:$0x0];
	_ =	sdelay $0x2  }
0xc3: {  	s31 =	sshll.u32 s1, $0xD;
	s1 =	sshrl.u32 s1, $0x2  }
0xc4: {  	s3 =	sand.u32 $0x4000, s31;
	s1 =	sadd.s32 s1, s30  }
0xc5: {  	s0 =	sor.u32 s3, s0;
	s1 =	sshll.u32 s1, $0x11  }
0xc6: {  	s0 =	sor.u32 s1, s0  }
0xc7: {  	s0 =	sadd.s32 $0x8F2B, s0  }
0xc8: {  	[sflag:s0] =	ssyncadd.remote.s32 $0x1  }
0xc9: {  	_ =	sfence.sel $0xFFFF  }
0xca: {  	[dreg:$0x0] =	wrdreg $0xFFFFFFFF;
	(pc) =	sbr.abs _section_cstart, $3  }
0xcb: {  	[dreg:$0x1] =	wrdreg $0xFFFFFFFF  }
0xcc: {  	_ =	task.clear_ibuf [dreg:s10], $0x2FFFF;
	_ =	strace $0x9FFFFFFF  }
0xcd: {  	(tm) =	ssettm $0x7FFFFFFF  }
tec
execute0_lowered:
.L_overlay_start_1:
0x0: {  	(tag) =	ssettag $0x1  }
0x1: {  	s7 =	rddreg [dreg:$0x0]  }
0x2: {  	s9 =	rddreg [dreg:$0x1]  }
0x3: {  	s1 =	rddreg [dreg:$0x2]  }
0x4: {  	s5 =	rddreg [dreg:$0x3]  }
0x5: {  	s10 =	rddreg [dreg:$0x4]  }
0x6: {  	s3 =	rddreg [dreg:$0x5];
	s4 =	srdreg.scid  }
0x7: {  	s0 =	rddreg [dreg:$0x6];
	s2 =	stileid.u32;
	s18 =	simm.s32 $0x1BC00  }
0x8: {  	s19 =	simm.s32 $0x1;
	s20 =	simm.s32 $0x0;
	s11 =	smul.u32 $0x2780, s2  }
0x9: {  	s6 =	sand.u32 $0x1, s4;
	s4 =	simm.s32 $0x0;
	s12 =	smul.u32 $0x4F000, s2  }
0xa: {  	s5 =	sadd.s32 $0x3200, s5;
	s30 =	sshll.u32 s2, $0x6;
	s8 =	sshll.u32 s6, $0x4  }
0xb: {  	[smem:$0x7FF] =	sst s4;
	s17 =	smul.u32 $0x27800, s6;
	s8 =	sor.u32 s2, s8  }
0xc: {  	s13 =	ssub.s32 $0x2, s6;
	s6 =	sor.u32 $0x1C02, s30;
	s14 =	smul.u32 $0x580, s8  }
0xd: {  	_ =	strace $0x8000004A;
	s15 =	sshrl.u32 s13, $0x1;
	s16 =	smul.u32 $0x500, s8  }
0xe: {  	s12 =	sshrl.u32 s12, $0x2;
	s13 =	ssub.s32 s13, s15;
	s8 =	smul.u32 $0x2800, s8  }
0xf: {  	s12 =	sadd.s32 s12, s3;
	s11 =	sadd.s32 s11, s17;
	s15 =	simm.s32 $0x80  }
0x10: {  	s17 =	simm.s32 $0x16800;
	s10 =	sadd.s32 s10, s11;
	s11 =	smax.u32 s13, $0x1  }
0x11: {  	s12 =	sshrl.u32 s12, $0x3;
	s13 =	simm.s32 $0x2;
	s31 =	sshrl.u32 s8, $0x3  }
0x12: {  	s7 =	sadd.s32 s7, s14;
	s8 =	sadd.s32 s9, s16;
	s9 =	sadd.s32 s9, s31  }
0x13: {  	s14 =	simm.s32 $0x13C00;
	s16 =	simm.s32 $0x17C00;
	s9 =	sadd.s32 $0x280, s9  }
.LBB2_1:
0x14: {  	[spmem:s12], [sflag:s6] =	dma.local [hbm:s5], $0x2780  }
0x15: {  	_ =	swait.ge [sflag:s13], $0x2780  }
0x16: {  	[sflag:s13] =	ssyncset.done $0x0  }
0x17: {  	[sflag:s13] =	ssyncadd.s32 $0xFFFFD880  }
0x18: {  	[tilespmem:s14], [sflag:$0x2] =	stream.linear.gather [hbm4b:s7+s4], $0x2C00, $0x38;
	[tilespmem:$0x1FC00] =	vst v63  }
0x19: {  	_ =	swait.ge [sflag:s13], $0x2C00  }
0x1a: {  	[sflag:s13] =	ssyncset.done $0x0  }
0x1b: {  	[sflag:s13] =	ssyncadd.s32 $0xFFFFD400  }
0x1c: {  	[bflag:$0x0] =	sbarrier.arrive $0xFFFF  }
0x1d: {  	[tilespmem:s16], [sflag:$0x1] =	stream.indirect.gather [hbm4b:s1+s15], $0x80, s14, s15, $0xb8;
	[tilespmem:$0x1FC00] =	vst v63  }
0x1e: {  	_ = 	snop  }
0x1f: {  	[tilespmem:s17], [sflag:$0x2] =	stream.linear.gather [hbm4b:s8+s4], $0x1400, $0x38;
	[tilespmem:$0x1FC00] =	vst v63  }
0x20: {  	_ =	swait.ge [sflag:s13], $0x1400  }
0x21: {  	[sflag:s13] =	ssyncset.done $0x0  }
0x22: {  	s21 =	simm.s32 $0x13C80;
	[sflag:s13] =	ssyncadd.s32 $0xFFFFEC00  }
0x23: {  	[tilespmem:s18], [sflag:$0x1] =	stream.indirect.gather [hbm4b:s1+s15], $0x80, s21, s15, $0xb8;
	[tilespmem:$0x1FC00] =	vst v63  }
0x24: {  	_ =	swait.ge [sflag:s19], $0x4000  }
0x25: {  	[sflag:s19] =	ssyncset.done $0x0  }
0x26: {  	s29 =	simm.s32 $0x16800;
	[sflag:s19] =	ssyncadd.s32 $0xFFFFC000  }
0x27: {  	[spmem:s3] =	stream.indirect.scatter.add.f32 [tilespmem:s16], [sflag:$0x2], $0x80, s29, s15, $0xb8;
	[tilespmem:$0x1FC00] =	vst v63  }
0x28: {  	_ =	swait.ge [sflag:s13], $0x4000  }
0x29: {  	[sflag:s13] =	ssyncset.done $0x0  }
0x2a: {  	s30 =	simm.s32 $0x13D00;
	[sflag:s13] =	ssyncadd.s32 $0xFFFFC000  }
0x2b: {  	[tilespmem:s16], [sflag:$0x1] =	stream.indirect.gather [hbm4b:s1+s15], $0x80, s30, s15, $0xb8;
	[tilespmem:$0x1FC00] =	vst v63  }
0x2c: {  	_ =	swait.ge [sflag:s19], $0x4000  }
0x2d: {  	[sflag:s19] =	ssyncset.done $0x0  }
0x2e: {  	s31 =	simm.s32 $0x16880;
	[sflag:s19] =	ssyncadd.s32 $0xFFFFC000  }
0x2f: {  	[spmem:s3] =	stream.indirect.scatter.add.f32 [tilespmem:s18], [sflag:$0x2], $0x80, s31, s15, $0xb8;
	[tilespmem:$0x1FC00] =	vst v63  }
0x30: {  	_ =	swait.ge [sflag:s13], $0x4000  }
0x31: {  	s22 =	simm.s32 $0x800;
	s21 =	simm.s32 $0x100;
	[sflag:s13] =	ssyncset.done $0x0  }
.LBB2_2:
0x32: {  	s23 =	sadd.s32 $0x13C80, s21  }
0x33: {  	[sflag:s13] =	ssyncadd.s32 $0xFFFFC000;
	s24 =	smov.u32 s22;
	s25 =	sadd.s32 $0x400, s22  }
0x34: {  	[tilespmem:s18], [sflag:$0x1] =	stream.indirect.gather [hbm4b:s1+s15], $0x80, s23, s15, $0xb8;
	[tilespmem:$0x1FC00] =	vst v63  }
0x35: {  	p0 =	sne.s32 s22, $0x4C00;
	_ =	swait.ge [sflag:s19], $0x4000  }
0x36: {  	[sflag:s19] =	ssyncset.done $0x0  }
0x37: {  	s22 =	sadd.s32 $0x16800, s21;
	[sflag:s19] =	ssyncadd.s32 $0xFFFFC000  }
0x38: {  	[spmem:s3] =	stream.indirect.scatter.add.f32 [tilespmem:s16], [sflag:$0x2], $0x80, s22, s15, $0xb8;
	[tilespmem:$0x1FC00] =	vst v63  }
0x39: {  	_ =	swait.ge [sflag:s13], $0x4000  }
0x3a: {  	[sflag:s13] =	ssyncset.done $0x0  }
0x3b: {  	s22 =	sadd.s32 $0x13D00, s21;
	[sflag:s13] =	ssyncadd.s32 $0xFFFFC000  }
0x3c: {  	[tilespmem:s16], [sflag:$0x1] =	stream.indirect.gather [hbm4b:s1+s15], $0x80, s22, s15, $0xb8;
	[tilespmem:$0x1FC00] =	vst v63  }
0x3d: {  	_ =	swait.ge [sflag:s19], $0x4000  }
.Ltmp0:
0x3e: {  	[sflag:s19] =	ssyncset.done $0x0;
	(pc) =	sbr.rel @p0 .LBB2_2-.Ltmp0, $4  }
0x3f: {  	s21 =	sadd.s32 $0x16880, s21;
	[sflag:s19] =	ssyncadd.s32 $0xFFFFC000  }
0x40: {  	[spmem:s3] =	stream.indirect.scatter.add.f32 [tilespmem:s18], [sflag:$0x2], $0x80, s21, s15, $0xb8;
	[tilespmem:$0x1FC00] =	vst v63  }
0x41: {  	_ =	swait.ge [sflag:s13], $0x4000  }
0x42: {  	s22 =	smov.u32 s25;
	s21 =	sshra.s32 s24, $0x2;
	[sflag:s13] =	ssyncset.done $0x0  }
0x43: {  	s22 =	sadd.s32 $0x13C80, s21;
	[sflag:s13] =	ssyncadd.s32 $0xFFFFC000  }
0x44: {  	[tilespmem:s18], [sflag:$0x1] =	stream.indirect.gather [hbm4b:s1+s15], $0x80, s22, s15, $0xb8;
	[tilespmem:$0x1FC00] =	vst v63  }
0x45: {  	_ =	swait.ge [sflag:s19], $0x4000  }
0x46: {  	[sflag:s19] =	ssyncset.done $0x0  }
0x47: {  	s23 =	sadd.s32 $0x16800, s21;
	[sflag:s19] =	ssyncadd.s32 $0xFFFFC000  }
0x48: {  	[spmem:s3] =	stream.indirect.scatter.add.f32 [tilespmem:s16], [sflag:$0x2], $0x80, s23, s15, $0xb8;
	[tilespmem:$0x1FC00] =	vst v63  }
0x49: {  	_ =	swait.ge [sflag:s13], $0x4000  }
0x4a: {  	[sflag:s13] =	ssyncset.done $0x0  }
0x4b: {  	s24 =	sadd.s32 $0x13D00, s21;
	[sflag:s13] =	ssyncadd.s32 $0xFFFFC000  }
0x4c: {  	[tilespmem:s16], [sflag:$0x1] =	stream.indirect.gather [hbm4b:s1+s15], $0x80, s24, s15, $0xb8;
	[tilespmem:$0x1FC00] =	vst v63  }
0x4d: {  	_ =	swait.ge [sflag:s19], $0x4000  }
0x4e: {  	[sflag:s19] =	ssyncset.done $0x0  }
0x4f: {  	s25 =	sadd.s32 $0x16880, s21;
	[sflag:s19] =	ssyncadd.s32 $0xFFFFC000  }
0x50: {  	[spmem:s3] =	stream.indirect.scatter.add.f32 [tilespmem:s18], [sflag:$0x2], $0x80, s25, s15, $0xb8;
	[tilespmem:$0x1FC00] =	vst v63  }
0x51: {  	_ =	swait.ge [sflag:s13], $0x4000  }
0x52: {  	[sflag:s13] =	ssyncset.done $0x0  }
0x53: {  	s26 =	simm.s32 $0x0;
	[sflag:s13] =	ssyncadd.s32 $0xFFFFC000  }
0x54: {  	[tilespmem:s17], [sflag:$0x2] =	stream.linear.gather [hbm4b:s9+s26], $0x1400, $0x38;
	[tilespmem:$0x1FC00] =	vst v63  }
0x55: {  	_ =	swait.ge [sflag:s13], $0x1400  }
0x56: {  	[sflag:s13] =	ssyncset.done $0x0  }
0x57: {  	s28 =	simm.s32 $0x15080;
	[sflag:s13] =	ssyncadd.s32 $0xFFFFEC00  }
0x58: {  	[tilespmem:s18], [sflag:$0x1] =	stream.indirect.gather [hbm4b:s1+s15], $0x80, s28, s15, $0xb8;
	[tilespmem:$0x1FC00] =	vst v63  }
0x59: {  	_ =	swait.ge [sflag:s19], $0x4000  }
0x5a: {  	[sflag:s19] =	ssyncset.done $0x0  }
0x5b: {  	s29 =	simm.s32 $0x16800;
	[sflag:s19] =	ssyncadd.s32 $0xFFFFC000  }
0x5c: {  	[spmem:s3] =	stream.indirect.scatter.add.f32 [tilespmem:s16], [sflag:$0x2], $0x80, s29, s15, $0xb8;
	[tilespmem:$0x1FC00] =	vst v63  }
0x5d: {  	_ =	swait.ge [sflag:s13], $0x4000  }
0x5e: {  	[sflag:s13] =	ssyncset.done $0x0  }
0x5f: {  	s30 =	simm.s32 $0x15100;
	[sflag:s13] =	ssyncadd.s32 $0xFFFFC000  }
0x60: {  	[tilespmem:s16], [sflag:$0x1] =	stream.indirect.gather [hbm4b:s1+s15], $0x80, s30, s15, $0xb8;
	[tilespmem:$0x1FC00] =	vst v63  }
0x61: {  	_ =	swait.ge [sflag:s19], $0x4000  }
0x62: {  	[sflag:s19] =	ssyncset.done $0x0  }
0x63: {  	s31 =	simm.s32 $0x16880;
	[sflag:s19] =	ssyncadd.s32 $0xFFFFC000  }
0x64: {  	[spmem:s3] =	stream.indirect.scatter.add.f32 [tilespmem:s18], [sflag:$0x2], $0x80, s31, s15, $0xb8;
	[tilespmem:$0x1FC00] =	vst v63  }
0x65: {  	_ =	swait.ge [sflag:s13], $0x4000  }
0x66: {  	s21 =	simm.s32 $0x100;
	s22 =	simm.s32 $0x800;
	[sflag:s13] =	ssyncset.done $0x0  }
.LBB2_4:
0x67: {  	s23 =	sadd.s32 $0x15080, s21  }
0x68: {  	[sflag:s13] =	ssyncadd.s32 $0xFFFFC000;
	s24 =	smov.u32 s22;
	s25 =	sadd.s32 $0x400, s22  }
0x69: {  	[tilespmem:s18], [sflag:$0x1] =	stream.indirect.gather [hbm4b:s1+s15], $0x80, s23, s15, $0xb8;
	[tilespmem:$0x1FC00] =	vst v63  }
0x6a: {  	p0 =	sne.s32 s22, $0x4C00;
	_ =	swait.ge [sflag:s19], $0x4000  }
0x6b: {  	[sflag:s19] =	ssyncset.done $0x0  }
0x6c: {  	s22 =	sadd.s32 $0x16800, s21;
	[sflag:s19] =	ssyncadd.s32 $0xFFFFC000  }
0x6d: {  	[spmem:s3] =	stream.indirect.scatter.add.f32 [tilespmem:s16], [sflag:$0x2], $0x80, s22, s15, $0xb8;
	[tilespmem:$0x1FC00] =	vst v63  }
0x6e: {  	_ =	swait.ge [sflag:s13], $0x4000  }
0x6f: {  	[sflag:s13] =	ssyncset.done $0x0  }
0x70: {  	s22 =	sadd.s32 $0x15100, s21;
	[sflag:s13] =	ssyncadd.s32 $0xFFFFC000  }
0x71: {  	[tilespmem:s16], [sflag:$0x1] =	stream.indirect.gather [hbm4b:s1+s15], $0x80, s22, s15, $0xb8;
	[tilespmem:$0x1FC00] =	vst v63  }
0x72: {  	_ =	swait.ge [sflag:s19], $0x4000  }
.Ltmp1:
0x73: {  	[sflag:s19] =	ssyncset.done $0x0;
	(pc) =	sbr.rel @p0 .LBB2_4-.Ltmp1, $4  }
0x74: {  	s21 =	sadd.s32 $0x16880, s21;
	[sflag:s19] =	ssyncadd.s32 $0xFFFFC000  }
0x75: {  	[spmem:s3] =	stream.indirect.scatter.add.f32 [tilespmem:s18], [sflag:$0x2], $0x80, s21, s15, $0xb8;
	[tilespmem:$0x1FC00] =	vst v63  }
0x76: {  	_ =	swait.ge [sflag:s13], $0x4000  }
0x77: {  	s22 =	smov.u32 s25;
	s21 =	sshra.s32 s24, $0x2;
	[sflag:s13] =	ssyncset.done $0x0  }
0x78: {  	s22 =	sadd.s32 $0x15080, s21;
	[sflag:s13] =	ssyncadd.s32 $0xFFFFC000  }
0x79: {  	[tilespmem:s18], [sflag:$0x1] =	stream.indirect.gather [hbm4b:s1+s15], $0x80, s22, s15, $0xb8;
	[tilespmem:$0x1FC00] =	vst v63  }
0x7a: {  	_ =	swait.ge [sflag:s19], $0x4000  }
0x7b: {  	[sflag:s19] =	ssyncset.done $0x0  }
0x7c: {  	s29 =	sadd.s32 $0x16800, s21;
	[sflag:s19] =	ssyncadd.s32 $0xFFFFC000  }
0x7d: {  	[spmem:s3] =	stream.indirect.scatter.add.f32 [tilespmem:s16], [sflag:$0x2], $0x80, s29, s15, $0xb8;
	[tilespmem:$0x1FC00] =	vst v63  }
0x7e: {  	_ =	swait.ge [sflag:s13], $0x4000  }
0x7f: {  	[sflag:s13] =	ssyncset.done $0x0  }
0x80: {  	s30 =	sadd.s32 $0x15100, s21;
	[sflag:s13] =	ssyncadd.s32 $0xFFFFC000  }
0x81: {  	[tilespmem:s16], [sflag:$0x1] =	stream.indirect.gather [hbm4b:s1+s15], $0x80, s30, s15, $0xb8;
	[tilespmem:$0x1FC00] =	vst v63  }
0x82: {  	_ =	swait.ge [sflag:s19], $0x4000  }
0x83: {  	[sflag:s19] =	ssyncset.done $0x0  }
0x84: {  	s31 =	sadd.s32 $0x16880, s21;
	[sflag:s19] =	ssyncadd.s32 $0xFFFFC000  }
0x85: {  	[spmem:s3] =	stream.indirect.scatter.add.f32 [tilespmem:s18], [sflag:$0x2], $0x80, s31, s15, $0xb8;
	[tilespmem:$0x1FC00] =	vst v63  }
0x86: {  	_ =	swait.ge [sflag:s13], $0x4000  }
0x87: {  	[sflag:s13] =	ssyncset.done $0x0  }
0x88: {  	[sflag:s13] =	ssyncadd.s32 $0xFFFFC000  }
0x89: {  	_ =	swait.ge [sflag:s19], $0x4000  }
0x8a: {  	s20 =	sadd.s32 $0x1, s20;
	[sflag:s19] =	ssyncset.done $0x0  }
0x8b: {  	p0 =	sne.s32 s20, s11;
	[sflag:s19] =	ssyncadd.s32 $0xFFFFC000  }
.Ltmp2:
0x8c: {  	[bflag:$0x0] =	sbarrier.arrive $0xFFFF;
	(pc) =	sbr.rel @p0 .LBB2_1-.Ltmp2, $4  }
0x8d: {  	[hbm:s10], [sflag:s6] =	dma.local [spmem:s12], $0x2780  }
0x8e: {  	_ =	swait.ge [sflag:s13], $0x2780  }
0x8f: {  	[sflag:s13] =	ssyncset.done $0x0  }
0x90: {  	[sflag:s13] =	ssyncadd.s32 $0xFFFFD880  }
0x91: {  	_ =	sfence.sel $0x180000  }
0x92: {  	[bflag:$0x0] =	sbarrier.arrive $0xFFFF  }
0x93: {  	p0 =	sne.s32 s2, $0x0;
	_ =	strace $0x9000004A  }
0x94: {  	s0 =	sadd.s32 @!p0 $0x100000, s0;
	[bflag:$0x2] =	sbarrier.arrive $0xFFFF  }
0x95: {  	[sflag:s0] =	ssyncadd.tile.s32 @!p0 $0x1;
	_ =	shalt  }
.Lfunc_end2:
_tile_overlayer_lowered:
.L_overlay_start_2:
0x96: {  	(tag) =	ssettag $0x2  }
0x97: {  	s0 =	rddreg [dreg:$0x0];
	s2 =	stileid.u32  }
0x98: {  	s1 =	rddreg [dreg:$0x1];
	p0 =	sne.s32 s2, $0x0  }
0x99: {  	s3 =	rddreg [dreg:$0x2];
	[bflag:$0x3] =	sbarrier.arrive $0xFFFF;
	s2 =	simm.s32 @!p0 $0x1C02  }
0x9a: {  	[timem:s3], [sflag:s2] =	dma.local @!p0 [hbm:s0], s1  }
0x9b: {  	s0 =	simm.s32 @!p0 $0x2  }
0x9c: {  	_ =	swait.ge @!p0 [sflag:s0], s1  }
0x9d: {  	s1 =	ssub.s32 @!p0 $0x0, s1;
	[sflag:s0] =	ssyncset.done @!p0 $0x0  }
0x9e: {  	[sflag:s0] =	ssyncadd.s32 @!p0 s1  }
0x9f: {  	[bflag:$0x3] =	sbarrier.arrive $0xFFFF  }
0xa0: {  	_ =	shalt  }

// kernel: kernel.15.cloned.1.call-start
scs
__scs_entry_jumppad:
0x0: {  	(pc) =	sbr.rel $0x88, $3  }
0x1: {  	(tag) =	ssettag $0x0;
	lr =	simm.s32 $0x1  }
0x2: {  	[smem:$0x3F8D] =	sst lr;
	_ =	strace $0xD0000000  }
0x3: {  	_ = 	snop  }
0x4: {  	_ = 	snop  }
0x5: {  	_ = 	snop  }
0x6: {  	_ = 	snop  }
0x7: {  	_ = 	snop  }
__scs_overlays_trampoline_lowered:
0x8: {  	[smem:$0x3F9C] =	sst s0  }
0x9: {  	[smem:$0x3F9D] =	sst s1  }
0xa: {  	[smem:$0x3F9E] =	sst s2  }
0xb: {  	[smem:$0x3F9F] =	sst s3  }
0xc: {  	[smem:$0x3FA0] =	sst s4  }
0xd: {  	[smem:$0x3FA1] =	sst s5  }
0xe: {  	[smem:$0x3FA2] =	sst s6  }
0xf: {  	[smem:$0x3FA3] =	sst s7  }
0x10: {  	[smem:$0x3FA4] =	sst s8  }
0x11: {  	[smem:$0x3FA5] =	sst s9;
	s0 =	simm.s32 @!p0 $0x0  }
0x12: {  	s1 =	sld [smem:$0x3F8B];
	s0 =	simm.s32 @p0 $0x1  }
0x13: {  	[smem:$0x3FA6] =	sst s0;
	s0 =	simm.s32 @!p1 $0x0  }
0x14: {  	s2 =	sld [smem:$0x3F8A];
	s0 =	simm.s32 @p1 $0x1  }
0x15: {  	[smem:$0x3FA7] =	sst s0;
	s0 =	simm.s32 @!p2 $0x0  }
0x16: {  	s3 =	sld [smem:$0x3FDB];
	s0 =	simm.s32 @p2 $0x1  }
0x17: {  	s4 =	simm.s32 $0x1BF5;
	[smem:$0x3FA9] =	sst s0  }
0x18: {  	s0 =	sld [smem:$0x3F8C];
	_ =	swait.ge [sflag:s4], $0x0  }
0x19: {  	s7 =	sld [smem:$0x3F8D]  }
0x1a: {  	s8 =	sadd.s32 $0xFFFFE003, lr  }
0x1b: {  	s9 =	sadd.s32 $0xFFFFFEF7, lr;
	s5 =	simm.s32 $0xFFFFFFFF;
	p2 =	slt.u32 s8, $0xFFFFF086  }
0x1c: {  	p1 =	slt.u32 s9, $0xF7A;
	s5 =	simm.s32 @!p2 $0x0  }
0x1d: {  	s5 =	simm.s32 @p1 $0x1;
	p0 =	seq.s32 s7, s2  }
0x1e: {  	s7 =	smul.u32 @!p0 $0xF7A, s2;
	p2 =	seq.s32 @!p0 s5, $0x0  }
0x1f: {  	s9 =	smul.u32 $0xF7A, s1;
	s8 =	simm.s32 @!p0 $0x1BF5;
	p2 =	por !p2, p0  }
0x20: {  	[sflag:s8] =	ssyncset.s32 @!p0 $0xFFFFF086;
	s6 =	sadd.s32 @!p0 s3, s7;
	s7 =	simm.s32 @!p0 $0x108  }
0x21: {  	s3 =	sadd.s32 s3, s9;
	s6 =	sadd.s32 @!p0 $0x88, s6;
	s7 =	simm.s32 @p2 $0x1082  }
0x22: {  	[simem:s7], [sflag:s8] =	dma.local @!p0 [hbm:s6], $0xF7A  }
0x23: {  	s9 =	sor.u32 $0xD0000000, s2;
	s6 =	simm.s32 $0x108;
	_ =	swait.ge @!p0 [sflag:s8], $0x0  }
0x24: {  	s3 =	sadd.s32 $0x88, s3;
	s6 =	simm.s32 @!p1 $0x1082;
	[sflag:s4] =	ssyncset.s32 $0xFFFFF086  }
0x25: {  	[simem:s6], [sflag:s4] =	dma.local [hbm:s3], $0xF7A  }
0x26: {  	[smem:$0x3F8D] =	sst s1;
	(tag) =	ssettag s2;
	_ =	strace s9  }
0x27: {  	s1 =	sld [smem:$0x3F9D]  }
0x28: {  	s2 =	sld [smem:$0x3F9E]  }
0x29: {  	s4 =	sld [smem:$0x3FA0]  }
0x2a: {  	p0 =	seq.s32 s5, $0x0;
	s5 =	sld [smem:$0x3FA1]  }
0x2b: {  	s6 =	sld [smem:$0x3FA2]  }
0x2c: {  	s7 =	sld [smem:$0x3FA3]  }
0x2d: {  	s3 =	simm.s32 $0x108;
	s8 =	sld [smem:$0x3FA4]  }
0x2e: {  	s3 =	simm.s32 @!p0 $0x1082;
	s9 =	sld [smem:$0x3FA5]  }
0x2f: {  	lr =	sadd.s32 s0, s3;
	s0 =	sld [smem:$0x3F9C]  }
0x30: {  	s3 =	sld [smem:$0x3F9F]  }
0x31: {  	[smem:$0x3FA8] =	sst s10  }
0x32: {  	s10 =	sld [smem:$0x3FA6];
	_ =	sdelay $0x3  }
0x33: {  	p0 =	seq.s32 s10, $0x1;
	s10 =	sld [smem:$0x3FA8];
	_ =	sdelay $0x3  }
0x34: {  	[smem:$0x3FA8] =	sst s10  }
0x35: {  	s10 =	sld [smem:$0x3FA7];
	_ =	sdelay $0x3  }
0x36: {  	p1 =	seq.s32 s10, $0x1;
	s10 =	sld [smem:$0x3FA8];
	_ =	sdelay $0x3  }
0x37: {  	[smem:$0x3FA8] =	sst s10  }
0x38: {  	s10 =	sld [smem:$0x3FA9]  }
0x39: {  	_ = 	snop;
	(pc) =	sbr.ind lr, $3  }
0x3a: {  	_ = 	snop  }
0x3b: {  	_ = 	snop  }
0x3c: {  	p2 =	seq.s32 s10, $0x1;
	s10 =	sld [smem:$0x3FA8]  }
0x3d: {  	_ =	shalt  }
0x3e: {  	_ =	shalt  }
0x3f: {  	_ =	shalt  }
0x40: {  	_ =	shalt  }
0x41: {  	_ =	shalt  }
0x42: {  	_ =	shalt  }
0x43: {  	_ =	shalt  }
0x44: {  	_ =	shalt  }
0x45: {  	_ =	shalt  }
0x46: {  	_ =	shalt  }
0x47: {  	_ =	shalt  }
0x48: {  	_ =	shalt  }
0x49: {  	_ =	shalt  }
0x4a: {  	_ =	shalt  }
0x4b: {  	_ =	shalt  }
0x4c: {  	_ =	shalt  }
0x4d: {  	_ =	shalt  }
0x4e: {  	_ =	shalt  }
0x4f: {  	_ =	shalt  }
0x50: {  	_ =	shalt  }
0x51: {  	_ =	shalt  }
0x52: {  	_ =	shalt  }
0x53: {  	_ =	shalt  }
0x54: {  	_ =	shalt  }
0x55: {  	_ =	shalt  }
0x56: {  	_ =	shalt  }
0x57: {  	_ =	shalt  }
0x58: {  	_ =	shalt  }
0x59: {  	_ =	shalt  }
0x5a: {  	_ =	shalt  }
0x5b: {  	_ =	shalt  }
0x5c: {  	_ =	shalt  }
0x5d: {  	_ =	shalt  }
0x5e: {  	_ =	shalt  }
0x5f: {  	_ =	shalt  }
0x60: {  	_ =	shalt  }
0x61: {  	_ =	shalt  }
0x62: {  	_ =	shalt  }
0x63: {  	_ =	shalt  }
0x64: {  	_ =	shalt  }
0x65: {  	_ =	shalt  }
0x66: {  	_ =	shalt  }
0x67: {  	_ =	shalt  }
0x68: {  	_ =	shalt  }
0x69: {  	_ =	shalt  }
0x6a: {  	_ =	shalt  }
0x6b: {  	_ =	shalt  }
0x6c: {  	_ =	shalt  }
0x6d: {  	_ =	shalt  }
0x6e: {  	_ =	shalt  }
0x6f: {  	_ =	shalt  }
0x70: {  	_ =	shalt  }
0x71: {  	_ =	shalt  }
0x72: {  	_ =	shalt  }
0x73: {  	_ =	shalt  }
0x74: {  	_ =	shalt  }
0x75: {  	_ =	shalt  }
0x76: {  	_ =	shalt  }
0x77: {  	_ =	shalt  }
0x78: {  	_ =	shalt  }
0x79: {  	_ =	shalt  }
0x7a: {  	_ =	shalt  }
0x7b: {  	_ =	shalt  }
0x7c: {  	_ =	shalt  }
0x7d: {  	_ =	shalt  }
0x7e: {  	_ =	shalt  }
0x7f: {  	_ =	shalt  }
0x80: {  	_ =	shalt  }
0x81: {  	_ =	shalt  }
0x82: {  	_ =	shalt  }
0x83: {  	_ =	shalt  }
0x84: {  	_ =	shalt  }
0x85: {  	_ =	shalt  }
0x86: {  	_ =	shalt  }
0x87: {  	_ =	shalt  }
.Lfunc_end0:
.L_simem_size_0:
called_computation.2_lowered:
.L_overlay_start_0:
0x88: {  	s2 =	sld [smem:$0x3FD9]  }
0x89: {  	s3 =	sld [smem:$0x3FFE];
	_ =	sdelay $0x1  }
0x8a: {  	s1 =	srdreg.scid  }
0x8b: {  	s0 =	sand.u32 $0x1, s1  }
0x8c: {  	s14 =	sshll.u32 s0, $0xA;
	s2 =	sadd.s32 s3, s2  }
0x8d: {  	s2 =	sadd.s32 s2, s14  }
0x8e: {  	[smem:$0x3FB4] =	sst s2  }
0x8f: {  	_ = 	snop  }
0x90: {  	s2 =	sld [smem:$0x3FD0];
	_ =	sdelay $0x2  }
0x91: {  	s15 =	simm.s32 $0xB;
	s4 =	simm.s32 $0x10  }
0x92: {  	[smem:s4], [sflag:s15] =	dma.local [hbm:s2], $0x1  }
0x93: {  	_ =	swait.eq [sflag:s15], $0x1  }
0x94: {  	s16 =	sld [smem:$0x10]  }
0x95: {  	s17 =	sld [smem:$0x11];
	[sflag:s15] =	ssyncset.done $0x0  }
0x96: {  	s5 =	sld [smem:$0x13];
	[sflag:s15] =	ssyncadd.s32 $0xFFFFFFFF  }
0x97: {  	s18 =	sld [smem:$0x15];
	(tm) =	ssettm $0x1  }
0x98: {  	s6 =	sld [smem:$0x3FFB];
	_ =	sdelay $0x3  }
0x99: {  	_ =	strace s6  }
0x9a: {  	s6 =	sld [smem:$0x3FFC];
	_ =	sdelay $0x3  }
0x9b: {  	_ =	strace s6  }
0x9c: {  	s6 =	sld [smem:$0x3FFD];
	_ =	sdelay $0x3  }
0x9d: {  	_ =	strace s6  }
0x9e: {  	_ =	strace $0x8FFFFFFF  }
0x9f: {  	s19 =	sld [smem:$0x3FDB];
	_ =	sdelay $0x1  }
0xa0: {  	s7 =	simm.s32 $_scs_section_size  }
0xa1: {  	s8 =	simm.s32 $_size__tile_overlayer_lowered;
	s9 =	simm.s32 $_tile_overlayer_lowered  }
0xa2: {  	s22 =	simm.s32 $0x1BFF;
	s21 =	sshll.u32 s9, $0x1;
	s6 =	sadd.s32 s7, s19  }
0xa3: {  	s10 =	simm.s32 $0x0;
	s20 =	sshll.u32 s8, $0x1;
	s8 =	sadd.s32 s21, s6  }
0xa4: {  	[timem:s10], [sflag:s22] =	dma.local [hbm:s8], s20  }
0xa5: {  	_ =	swait.ge [sflag:s22], s20  }
0xa6: {  	s7 =	ssub.s32 $0x0, s20;
	[sflag:s22] =	ssyncset.done $0x0  }
0xa7: {  	[sflag:s22] =	ssyncadd.s32 s7;
	_ =	sdelay $0x1  }
0xa8: {  	s23 =	simm.s32 $0x1B8B  }
0xa9: {  	_ =	swait.ge [sflag:s23], $0x1  }
0xaa: {  	[sflag:s23] =	ssyncset.done $0x0  }
0xab: {  	s25 =	simm.s32 $0x1B8E;
	s24 =	sld [smem:$0x3FFE];
	[sflag:s23] =	ssyncadd.s32 $0xFFFFFFFF  }
0xac: {  	s26 =	simm.s32 $execute0_lowered;
	[smem:$0x3FD2] =	sst s25  }
0xad: {  	s8 =	sshll.u32 s26, $0x1;
	_ =	strace $0x8000004C;
	[dreg:$0x1] =	wrdreg $0xFFFFFFFF  }
0xae: {  	s28 =	simm.s32 $_size_execute0_lowered;
	s6 =	sadd.s32 s6, s8;
	[dreg:$0x0] =	wrdreg $0x0  }
0xaf: {  	s8 =	sshll.u32 s28, $0x1;
	[dreg:$0x2] =	wrdreg s6  }
0xb0: {  	[dreg:$0x3] =	wrdreg s8  }
0xb1: {  	[dreg:$0x4] =	wrdreg $0xC0  }
0xb2: {  	_ =	task [dreg:s10], $0x5FFFF  }
0xb3: {  	[dreg:$0x1] =	wrdreg $0xFFFFFFFF  }
0xb4: {  	[dreg:$0x0] =	wrdreg $0x60  }
0xb5: {  	[dreg:$0x2] =	wrdreg s17  }
0xb6: {  	[dreg:$0x3] =	wrdreg s16  }
0xb7: {  	[dreg:$0x4] =	wrdreg s5  }
0xb8: {  	[dreg:$0x5] =	wrdreg s24  }
0xb9: {  	[dreg:$0x6] =	wrdreg s18  }
0xba: {  	[dreg:$0x7] =	wrdreg $0x0  }
0xbb: {  	[dreg:$0x8] =	wrdreg $0x9  }
0xbc: {  	_ =	task.clear_ibuf [dreg:s10], $0x9FFFF;
	_ =	strace $0x9000004C  }
0xbd: {  	s29 =	simm.s32 $0x9;
	_ =	strace $0x8000004E  }
0xbe: {  	_ =	swait.ge [sflag:s29], $0x1  }
0xbf: {  	[sflag:s29] =	ssyncadd.s32 $0xFFFFFFFF  }
0xc0: {  	_ =	strace $0x9000004E  }
0xc1: {  	_ =	sfence  }
0xc2: {  	s30 =	sld [smem:$0x0];
	_ =	sdelay $0x2  }
0xc3: {  	s31 =	sshll.u32 s1, $0xD;
	s1 =	sshrl.u32 s1, $0x2  }
0xc4: {  	s3 =	sand.u32 $0x4000, s31;
	s1 =	sadd.s32 s1, s30  }
0xc5: {  	s0 =	sor.u32 s3, s0;
	s1 =	sshll.u32 s1, $0x11  }
0xc6: {  	s0 =	sor.u32 s1, s0  }
0xc7: {  	s0 =	sadd.s32 $0x8F2B, s0  }
0xc8: {  	[sflag:s0] =	ssyncadd.remote.s32 $0x1  }
0xc9: {  	_ =	sfence.sel $0xFFFF  }
0xca: {  	[dreg:$0x0] =	wrdreg $0xFFFFFFFF;
	(pc) =	sbr.abs _section_cstart, $3  }
0xcb: {  	[dreg:$0x1] =	wrdreg $0xFFFFFFFF  }
0xcc: {  	_ =	task.clear_ibuf [dreg:s10], $0x2FFFF;
	_ =	strace $0x9FFFFFFF  }
0xcd: {  	(tm) =	ssettm $0x7FFFFFFF  }
tec
execute0_lowered:
.L_overlay_start_1:
0x0: {  	(tag) =	ssettag $0x1  }
0x1: {  	s7 =	rddreg [dreg:$0x0]  }
0x2: {  	s9 =	rddreg [dreg:$0x1]  }
0x3: {  	s1 =	rddreg [dreg:$0x2]  }
0x4: {  	s5 =	rddreg [dreg:$0x3]  }
0x5: {  	s10 =	rddreg [dreg:$0x4]  }
0x6: {  	s3 =	rddreg [dreg:$0x5];
	s4 =	srdreg.scid  }
0x7: {  	s0 =	rddreg [dreg:$0x6];
	s2 =	stileid.u32;
	s18 =	simm.s32 $0x1BC00  }
0x8: {  	s19 =	simm.s32 $0x1;
	s20 =	simm.s32 $0x0;
	s11 =	smul.u32 $0x2780, s2  }
0x9: {  	s6 =	sand.u32 $0x1, s4;
	s4 =	simm.s32 $0x0;
	s12 =	smul.u32 $0x4F000, s2  }
0xa: {  	s5 =	sadd.s32 $0x3200, s5;
	s30 =	sshll.u32 s2, $0x6;
	s8 =	sshll.u32 s6, $0x4  }
0xb: {  	[smem:$0x7FF] =	sst s4;
	s17 =	smul.u32 $0x27800, s6;
	s8 =	sor.u32 s2, s8  }
0xc: {  	s13 =	ssub.s32 $0x2, s6;
	s6 =	sor.u32 $0x1C02, s30;
	s14 =	smul.u32 $0x580, s8  }
0xd: {  	_ =	strace $0x8000004D;
	s15 =	sshrl.u32 s13, $0x1;
	s16 =	smul.u32 $0x500, s8  }
0xe: {  	s12 =	sshrl.u32 s12, $0x2;
	s13 =	ssub.s32 s13, s15;
	s8 =	smul.u32 $0x2800, s8  }
0xf: {  	s12 =	sadd.s32 s12, s3;
	s11 =	sadd.s32 s11, s17;
	s15 =	simm.s32 $0x80  }
0x10: {  	s17 =	simm.s32 $0x16800;
	s10 =	sadd.s32 s10, s11;
	s11 =	smax.u32 s13, $0x1  }
0x11: {  	s12 =	sshrl.u32 s12, $0x3;
	s13 =	simm.s32 $0x2;
	s31 =	sshrl.u32 s8, $0x3  }
0x12: {  	s7 =	sadd.s32 s7, s14;
	s8 =	sadd.s32 s9, s16;
	s9 =	sadd.s32 s9, s31  }
0x13: {  	s14 =	simm.s32 $0x13C00;
	s16 =	simm.s32 $0x17C00;
	s9 =	sadd.s32 $0x280, s9  }
.LBB2_1:
0x14: {  	[spmem:s12], [sflag:s6] =	dma.local [hbm:s5], $0x2780  }
0x15: {  	_ =	swait.ge [sflag:s13], $0x2780  }
0x16: {  	[sflag:s13] =	ssyncset.done $0x0  }
0x17: {  	[sflag:s13] =	ssyncadd.s32 $0xFFFFD880  }
0x18: {  	[tilespmem:s14], [sflag:$0x2] =	stream.linear.gather [hbm4b:s7+s4], $0x2C00, $0x38;
	[tilespmem:$0x1FC00] =	vst v63  }
0x19: {  	_ =	swait.ge [sflag:s13], $0x2C00  }
0x1a: {  	[sflag:s13] =	ssyncset.done $0x0  }
0x1b: {  	[sflag:s13] =	ssyncadd.s32 $0xFFFFD400  }
0x1c: {  	[bflag:$0x0] =	sbarrier.arrive $0xFFFF  }
0x1d: {  	[tilespmem:s16], [sflag:$0x1] =	stream.indirect.gather [hbm4b:s1+s15], $0x80, s14, s15, $0xb8;
	[tilespmem:$0x1FC00] =	vst v63  }
0x1e: {  	_ = 	snop  }
0x1f: {  	[tilespmem:s17], [sflag:$0x2] =	stream.linear.gather [hbm4b:s8+s4], $0x1400, $0x38;
	[tilespmem:$0x1FC00] =	vst v63  }
0x20: {  	_ =	swait.ge [sflag:s13], $0x1400  }
0x21: {  	[sflag:s13] =	ssyncset.done $0x0  }
0x22: {  	s21 =	simm.s32 $0x13C80;
	[sflag:s13] =	ssyncadd.s32 $0xFFFFEC00  }
0x23: {  	[tilespmem:s18], [sflag:$0x1] =	stream.indirect.gather [hbm4b:s1+s15], $0x80, s21, s15, $0xb8;
	[tilespmem:$0x1FC00] =	vst v63  }
0x24: {  	_ =	swait.ge [sflag:s19], $0x4000  }
0x25: {  	[sflag:s19] =	ssyncset.done $0x0  }
0x26: {  	s29 =	simm.s32 $0x16800;
	[sflag:s19] =	ssyncadd.s32 $0xFFFFC000  }
0x27: {  	[spmem:s3] =	stream.indirect.scatter.add.f32 [tilespmem:s16], [sflag:$0x2], $0x80, s29, s15, $0xb8;
	[tilespmem:$0x1FC00] =	vst v63  }
0x28: {  	_ =	swait.ge [sflag:s13], $0x4000  }
0x29: {  	[sflag:s13] =	ssyncset.done $0x0  }
0x2a: {  	s30 =	simm.s32 $0x13D00;
	[sflag:s13] =	ssyncadd.s32 $0xFFFFC000  }
0x2b: {  	[tilespmem:s16], [sflag:$0x1] =	stream.indirect.gather [hbm4b:s1+s15], $0x80, s30, s15, $0xb8;
	[tilespmem:$0x1FC00] =	vst v63  }
0x2c: {  	_ =	swait.ge [sflag:s19], $0x4000  }
0x2d: {  	[sflag:s19] =	ssyncset.done $0x0  }
0x2e: {  	s31 =	simm.s32 $0x16880;
	[sflag:s19] =	ssyncadd.s32 $0xFFFFC000  }
0x2f: {  	[spmem:s3] =	stream.indirect.scatter.add.f32 [tilespmem:s18], [sflag:$0x2], $0x80, s31, s15, $0xb8;
	[tilespmem:$0x1FC00] =	vst v63  }
0x30: {  	_ =	swait.ge [sflag:s13], $0x4000  }
0x31: {  	s22 =	simm.s32 $0x800;
	s21 =	simm.s32 $0x100;
	[sflag:s13] =	ssyncset.done $0x0  }
.LBB2_2:
0x32: {  	s23 =	sadd.s32 $0x13C80, s21  }
0x33: {  	[sflag:s13] =	ssyncadd.s32 $0xFFFFC000;
	s24 =	smov.u32 s22;
	s25 =	sadd.s32 $0x400, s22  }
0x34: {  	[tilespmem:s18], [sflag:$0x1] =	stream.indirect.gather [hbm4b:s1+s15], $0x80, s23, s15, $0xb8;
	[tilespmem:$0x1FC00] =	vst v63  }
0x35: {  	p0 =	sne.s32 s22, $0x4C00;
	_ =	swait.ge [sflag:s19], $0x4000  }
0x36: {  	[sflag:s19] =	ssyncset.done $0x0  }
0x37: {  	s22 =	sadd.s32 $0x16800, s21;
	[sflag:s19] =	ssyncadd.s32 $0xFFFFC000  }
0x38: {  	[spmem:s3] =	stream.indirect.scatter.add.f32 [tilespmem:s16], [sflag:$0x2], $0x80, s22, s15, $0xb8;
	[tilespmem:$0x1FC00] =	vst v63  }
0x39: {  	_ =	swait.ge [sflag:s13], $0x4000  }
0x3a: {  	[sflag:s13] =	ssyncset.done $0x0  }
0x3b: {  	s22 =	sadd.s32 $0x13D00, s21;
	[sflag:s13] =	ssyncadd.s32 $0xFFFFC000  }
0x3c: {  	[tilespmem:s16], [sflag:$0x1] =	stream.indirect.gather [hbm4b:s1+s15], $0x80, s22, s15, $0xb8;
	[tilespmem:$0x1FC00] =	vst v63  }
0x3d: {  	_ =	swait.ge [sflag:s19], $0x4000  }
.Ltmp0:
0x3e: {  	[sflag:s19] =	ssyncset.done $0x0;
	(pc) =	sbr.rel @p0 .LBB2_2-.Ltmp0, $4  }
0x3f: {  	s21 =	sadd.s32 $0x16880, s21;
	[sflag:s19] =	ssyncadd.s32 $0xFFFFC000  }
0x40: {  	[spmem:s3] =	stream.indirect.scatter.add.f32 [tilespmem:s18], [sflag:$0x2], $0x80, s21, s15, $0xb8;
	[tilespmem:$0x1FC00] =	vst v63  }
0x41: {  	_ =	swait.ge [sflag:s13], $0x4000  }
0x42: {  	s22 =	smov.u32 s25;
	s21 =	sshra.s32 s24, $0x2;
	[sflag:s13] =	ssyncset.done $0x0  }
0x43: {  	s22 =	sadd.s32 $0x13C80, s21;
	[sflag:s13] =	ssyncadd.s32 $0xFFFFC000  }
0x44: {  	[tilespmem:s18], [sflag:$0x1] =	stream.indirect.gather [hbm4b:s1+s15], $0x80, s22, s15, $0xb8;
	[tilespmem:$0x1FC00] =	vst v63  }
0x45: {  	_ =	swait.ge [sflag:s19], $0x4000  }
0x46: {  	[sflag:s19] =	ssyncset.done $0x0  }
0x47: {  	s23 =	sadd.s32 $0x16800, s21;
	[sflag:s19] =	ssyncadd.s32 $0xFFFFC000  }
0x48: {  	[spmem:s3] =	stream.indirect.scatter.add.f32 [tilespmem:s16], [sflag:$0x2], $0x80, s23, s15, $0xb8;
	[tilespmem:$0x1FC00] =	vst v63  }
0x49: {  	_ =	swait.ge [sflag:s13], $0x4000  }
0x4a: {  	[sflag:s13] =	ssyncset.done $0x0  }
0x4b: {  	s24 =	sadd.s32 $0x13D00, s21;
	[sflag:s13] =	ssyncadd.s32 $0xFFFFC000  }
0x4c: {  	[tilespmem:s16], [sflag:$0x1] =	stream.indirect.gather [hbm4b:s1+s15], $0x80, s24, s15, $0xb8;
	[tilespmem:$0x1FC00] =	vst v63  }
0x4d: {  	_ =	swait.ge [sflag:s19], $0x4000  }
0x4e: {  	[sflag:s19] =	ssyncset.done $0x0  }
0x4f: {  	s25 =	sadd.s32 $0x16880, s21;
	[sflag:s19] =	ssyncadd.s32 $0xFFFFC000  }
0x50: {  	[spmem:s3] =	stream.indirect.scatter.add.f32 [tilespmem:s18], [sflag:$0x2], $0x80, s25, s15, $0xb8;
	[tilespmem:$0x1FC00] =	vst v63  }
0x51: {  	_ =	swait.ge [sflag:s13], $0x4000  }
0x52: {  	[sflag:s13] =	ssyncset.done $0x0  }
0x53: {  	s26 =	simm.s32 $0x0;
	[sflag:s13] =	ssyncadd.s32 $0xFFFFC000  }
0x54: {  	[tilespmem:s17], [sflag:$0x2] =	stream.linear.gather [hbm4b:s9+s26], $0x1400, $0x38;
	[tilespmem:$0x1FC00] =	vst v63  }
0x55: {  	_ =	swait.ge [sflag:s13], $0x1400  }
0x56: {  	[sflag:s13] =	ssyncset.done $0x0  }
0x57: {  	s28 =	simm.s32 $0x15080;
	[sflag:s13] =	ssyncadd.s32 $0xFFFFEC00  }
0x58: {  	[tilespmem:s18], [sflag:$0x1] =	stream.indirect.gather [hbm4b:s1+s15], $0x80, s28, s15, $0xb8;
	[tilespmem:$0x1FC00] =	vst v63  }
0x59: {  	_ =	swait.ge [sflag:s19], $0x4000  }
0x5a: {  	[sflag:s19] =	ssyncset.done $0x0  }
0x5b: {  	s29 =	simm.s32 $0x16800;
	[sflag:s19] =	ssyncadd.s32 $0xFFFFC000  }
0x5c: {  	[spmem:s3] =	stream.indirect.scatter.add.f32 [tilespmem:s16], [sflag:$0x2], $0x80, s29, s15, $0xb8;
	[tilespmem:$0x1FC00] =	vst v63  }
0x5d: {  	_ =	swait.ge [sflag:s13], $0x4000  }
0x5e: {  	[sflag:s13] =	ssyncset.done $0x0  }
0x5f: {  	s30 =	simm.s32 $0x15100;
	[sflag:s13] =	ssyncadd.s32 $0xFFFFC000  }
0x60: {  	[tilespmem:s16], [sflag:$0x1] =	stream.indirect.gather [hbm4b:s1+s15], $0x80, s30, s15, $0xb8;
	[tilespmem:$0x1FC00] =	vst v63  }
0x61: {  	_ =	swait.ge [sflag:s19], $0x4000  }
0x62: {  	[sflag:s19] =	ssyncset.done $0x0  }
0x63: {  	s31 =	simm.s32 $0x16880;
	[sflag:s19] =	ssyncadd.s32 $0xFFFFC000  }
0x64: {  	[spmem:s3] =	stream.indirect.scatter.add.f32 [tilespmem:s18], [sflag:$0x2], $0x80, s31, s15, $0xb8;
	[tilespmem:$0x1FC00] =	vst v63  }
0x65: {  	_ =	swait.ge [sflag:s13], $0x4000  }
0x66: {  	s21 =	simm.s32 $0x100;
	s22 =	simm.s32 $0x800;
	[sflag:s13] =	ssyncset.done $0x0  }
.LBB2_4:
0x67: {  	s23 =	sadd.s32 $0x15080, s21  }
0x68: {  	[sflag:s13] =	ssyncadd.s32 $0xFFFFC000;
	s24 =	smov.u32 s22;
	s25 =	sadd.s32 $0x400, s22  }
0x69: {  	[tilespmem:s18], [sflag:$0x1] =	stream.indirect.gather [hbm4b:s1+s15], $0x80, s23, s15, $0xb8;
	[tilespmem:$0x1FC00] =	vst v63  }
0x6a: {  	p0 =	sne.s32 s22, $0x4C00;
	_ =	swait.ge [sflag:s19], $0x4000  }
0x6b: {  	[sflag:s19] =	ssyncset.done $0x0  }
0x6c: {  	s22 =	sadd.s32 $0x16800, s21;
	[sflag:s19] =	ssyncadd.s32 $0xFFFFC000  }
0x6d: {  	[spmem:s3] =	stream.indirect.scatter.add.f32 [tilespmem:s16], [sflag:$0x2], $0x80, s22, s15, $0xb8;
	[tilespmem:$0x1FC00] =	vst v63  }
0x6e: {  	_ =	swait.ge [sflag:s13], $0x4000  }
0x6f: {  	[sflag:s13] =	ssyncset.done $0x0  }
0x70: {  	s22 =	sadd.s32 $0x15100, s21;
	[sflag:s13] =	ssyncadd.s32 $0xFFFFC000  }
0x71: {  	[tilespmem:s16], [sflag:$0x1] =	stream.indirect.gather [hbm4b:s1+s15], $0x80, s22, s15, $0xb8;
	[tilespmem:$0x1FC00] =	vst v63  }
0x72: {  	_ =	swait.ge [sflag:s19], $0x4000  }
.Ltmp1:
0x73: {  	[sflag:s19] =	ssyncset.done $0x0;
	(pc) =	sbr.rel @p0 .LBB2_4-.Ltmp1, $4  }
0x74: {  	s21 =	sadd.s32 $0x16880, s21;
	[sflag:s19] =	ssyncadd.s32 $0xFFFFC000  }
0x75: {  	[spmem:s3] =	stream.indirect.scatter.add.f32 [tilespmem:s18], [sflag:$0x2], $0x80, s21, s15, $0xb8;
	[tilespmem:$0x1FC00] =	vst v63  }
0x76: {  	_ =	swait.ge [sflag:s13], $0x4000  }
0x77: {  	s22 =	smov.u32 s25;
	s21 =	sshra.s32 s24, $0x2;
	[sflag:s13] =	ssyncset.done $0x0  }
0x78: {  	s22 =	sadd.s32 $0x15080, s21;
	[sflag:s13] =	ssyncadd.s32 $0xFFFFC000  }
0x79: {  	[tilespmem:s18], [sflag:$0x1] =	stream.indirect.gather [hbm4b:s1+s15], $0x80, s22, s15, $0xb8;
	[tilespmem:$0x1FC00] =	vst v63  }
0x7a: {  	_ =	swait.ge [sflag:s19], $0x4000  }
0x7b: {  	[sflag:s19] =	ssyncset.done $0x0  }
0x7c: {  	s29 =	sadd.s32 $0x16800, s21;
	[sflag:s19] =	ssyncadd.s32 $0xFFFFC000  }
0x7d: {  	[spmem:s3] =	stream.indirect.scatter.add.f32 [tilespmem:s16], [sflag:$0x2], $0x80, s29, s15, $0xb8;
	[tilespmem:$0x1FC00] =	vst v63  }
0x7e: {  	_ =	swait.ge [sflag:s13], $0x4000  }
0x7f: {  	[sflag:s13] =	ssyncset.done $0x0  }
0x80: {  	s30 =	sadd.s32 $0x15100, s21;
	[sflag:s13] =	ssyncadd.s32 $0xFFFFC000  }
0x81: {  	[tilespmem:s16], [sflag:$0x1] =	stream.indirect.gather [hbm4b:s1+s15], $0x80, s30, s15, $0xb8;
	[tilespmem:$0x1FC00] =	vst v63  }
0x82: {  	_ =	swait.ge [sflag:s19], $0x4000  }
0x83: {  	[sflag:s19] =	ssyncset.done $0x0  }
0x84: {  	s31 =	sadd.s32 $0x16880, s21;
	[sflag:s19] =	ssyncadd.s32 $0xFFFFC000  }
0x85: {  	[spmem:s3] =	stream.indirect.scatter.add.f32 [tilespmem:s18], [sflag:$0x2], $0x80, s31, s15, $0xb8;
	[tilespmem:$0x1FC00] =	vst v63  }
0x86: {  	_ =	swait.ge [sflag:s13], $0x4000  }
0x87: {  	[sflag:s13] =	ssyncset.done $0x0  }
0x88: {  	[sflag:s13] =	ssyncadd.s32 $0xFFFFC000  }
0x89: {  	_ =	swait.ge [sflag:s19], $0x4000  }
0x8a: {  	s20 =	sadd.s32 $0x1, s20;
	[sflag:s19] =	ssyncset.done $0x0  }
0x8b: {  	p0 =	sne.s32 s20, s11;
	[sflag:s19] =	ssyncadd.s32 $0xFFFFC000  }
.Ltmp2:
0x8c: {  	[bflag:$0x0] =	sbarrier.arrive $0xFFFF;
	(pc) =	sbr.rel @p0 .LBB2_1-.Ltmp2, $4  }
0x8d: {  	[hbm:s10], [sflag:s6] =	dma.local [spmem:s12], $0x2780  }
0x8e: {  	_ =	swait.ge [sflag:s13], $0x2780  }
0x8f: {  	[sflag:s13] =	ssyncset.done $0x0  }
0x90: {  	[sflag:s13] =	ssyncadd.s32 $0xFFFFD880  }
0x91: {  	_ =	sfence.sel $0x180000  }
0x92: {  	[bflag:$0x0] =	sbarrier.arrive $0xFFFF  }
0x93: {  	p0 =	sne.s32 s2, $0x0;
	_ =	strace $0x9000004D  }
0x94: {  	s0 =	sadd.s32 @!p0 $0x100000, s0;
	[bflag:$0x2] =	sbarrier.arrive $0xFFFF  }
0x95: {  	[sflag:s0] =	ssyncadd.tile.s32 @!p0 $0x1;
	_ =	shalt  }
.Lfunc_end2:
_tile_overlayer_lowered:
.L_overlay_start_2:
0x96: {  	(tag) =	ssettag $0x2  }
0x97: {  	s0 =	rddreg [dreg:$0x0];
	s2 =	stileid.u32  }
0x98: {  	s1 =	rddreg [dreg:$0x1];
	p0 =	sne.s32 s2, $0x0  }
0x99: {  	s3 =	rddreg [dreg:$0x2];
	[bflag:$0x3] =	sbarrier.arrive $0xFFFF;
	s2 =	simm.s32 @!p0 $0x1C02  }
0x9a: {  	[timem:s3], [sflag:s2] =	dma.local @!p0 [hbm:s0], s1  }
0x9b: {  	s0 =	simm.s32 @!p0 $0x2  }
0x9c: {  	_ =	swait.ge @!p0 [sflag:s0], s1  }
0x9d: {  	s1 =	ssub.s32 @!p0 $0x0, s1;
	[sflag:s0] =	ssyncset.done @!p0 $0x0  }
0x9e: {  	[sflag:s0] =	ssyncadd.s32 @!p0 s1  }
0x9f: {  	[bflag:$0x3] =	sbarrier.arrive $0xFFFF  }
0xa0: {  	_ =	shalt  }

// kernel: kernel.18.cloned.1.call-start
scs
__scs_entry_jumppad:
0x0: {  	(pc) =	sbr.rel $0x88, $3  }
0x1: {  	(tag) =	ssettag $0x0;
	lr =	simm.s32 $0x1  }
0x2: {  	[smem:$0x3F8D] =	sst lr;
	_ =	strace $0xD0000000  }
0x3: {  	_ = 	snop  }
0x4: {  	_ = 	snop  }
0x5: {  	_ = 	snop  }
0x6: {  	_ = 	snop  }
0x7: {  	_ = 	snop  }
__scs_overlays_trampoline_lowered:
0x8: {  	[smem:$0x3F9C] =	sst s0  }
0x9: {  	[smem:$0x3F9D] =	sst s1  }
0xa: {  	[smem:$0x3F9E] =	sst s2  }
0xb: {  	[smem:$0x3F9F] =	sst s3  }
0xc: {  	[smem:$0x3FA0] =	sst s4  }
0xd: {  	[smem:$0x3FA1] =	sst s5  }
0xe: {  	[smem:$0x3FA2] =	sst s6  }
0xf: {  	[smem:$0x3FA3] =	sst s7  }
0x10: {  	[smem:$0x3FA4] =	sst s8  }
0x11: {  	[smem:$0x3FA5] =	sst s9;
	s0 =	simm.s32 @!p0 $0x0  }
0x12: {  	s1 =	sld [smem:$0x3F8B];
	s0 =	simm.s32 @p0 $0x1  }
0x13: {  	[smem:$0x3FA6] =	sst s0;
	s0 =	simm.s32 @!p1 $0x0  }
0x14: {  	s2 =	sld [smem:$0x3F8A];
	s0 =	simm.s32 @p1 $0x1  }
0x15: {  	[smem:$0x3FA7] =	sst s0;
	s0 =	simm.s32 @!p2 $0x0  }
0x16: {  	s3 =	sld [smem:$0x3FDB];
	s0 =	simm.s32 @p2 $0x1  }
0x17: {  	s4 =	simm.s32 $0x1BF5;
	[smem:$0x3FA9] =	sst s0  }
0x18: {  	s0 =	sld [smem:$0x3F8C];
	_ =	swait.ge [sflag:s4], $0x0  }
0x19: {  	s7 =	sld [smem:$0x3F8D]  }
0x1a: {  	s8 =	sadd.s32 $0xFFFFE003, lr  }
0x1b: {  	s9 =	sadd.s32 $0xFFFFFEF7, lr;
	s5 =	simm.s32 $0xFFFFFFFF;
	p2 =	slt.u32 s8, $0xFFFFF086  }
0x1c: {  	p1 =	slt.u32 s9, $0xF7A;
	s5 =	simm.s32 @!p2 $0x0  }
0x1d: {  	s5 =	simm.s32 @p1 $0x1;
	p0 =	seq.s32 s7, s2  }
0x1e: {  	s7 =	smul.u32 @!p0 $0xF7A, s2;
	p2 =	seq.s32 @!p0 s5, $0x0  }
0x1f: {  	s9 =	smul.u32 $0xF7A, s1;
	s8 =	simm.s32 @!p0 $0x1BF5;
	p2 =	por !p2, p0  }
0x20: {  	[sflag:s8] =	ssyncset.s32 @!p0 $0xFFFFF086;
	s6 =	sadd.s32 @!p0 s3, s7;
	s7 =	simm.s32 @!p0 $0x108  }
0x21: {  	s3 =	sadd.s32 s3, s9;
	s6 =	sadd.s32 @!p0 $0x88, s6;
	s7 =	simm.s32 @p2 $0x1082  }
0x22: {  	[simem:s7], [sflag:s8] =	dma.local @!p0 [hbm:s6], $0xF7A  }
0x23: {  	s9 =	sor.u32 $0xD0000000, s2;
	s6 =	simm.s32 $0x108;
	_ =	swait.ge @!p0 [sflag:s8], $0x0  }
0x24: {  	s3 =	sadd.s32 $0x88, s3;
	s6 =	simm.s32 @!p1 $0x1082;
	[sflag:s4] =	ssyncset.s32 $0xFFFFF086  }
0x25: {  	[simem:s6], [sflag:s4] =	dma.local [hbm:s3], $0xF7A  }
0x26: {  	[smem:$0x3F8D] =	sst s1;
	(tag) =	ssettag s2;
	_ =	strace s9  }
0x27: {  	s1 =	sld [smem:$0x3F9D]  }
0x28: {  	s2 =	sld [smem:$0x3F9E]  }
0x29: {  	s4 =	sld [smem:$0x3FA0]  }
0x2a: {  	p0 =	seq.s32 s5, $0x0;
	s5 =	sld [smem:$0x3FA1]  }
0x2b: {  	s6 =	sld [smem:$0x3FA2]  }
0x2c: {  	s7 =	sld [smem:$0x3FA3]  }
0x2d: {  	s3 =	simm.s32 $0x108;
	s8 =	sld [smem:$0x3FA4]  }
0x2e: {  	s3 =	simm.s32 @!p0 $0x1082;
	s9 =	sld [smem:$0x3FA5]  }
0x2f: {  	lr =	sadd.s32 s0, s3;
	s0 =	sld [smem:$0x3F9C]  }
0x30: {  	s3 =	sld [smem:$0x3F9F]  }
0x31: {  	[smem:$0x3FA8] =	sst s10  }
0x32: {  	s10 =	sld [smem:$0x3FA6];
	_ =	sdelay $0x3  }
0x33: {  	p0 =	seq.s32 s10, $0x1;
	s10 =	sld [smem:$0x3FA8];
	_ =	sdelay $0x3  }
0x34: {  	[smem:$0x3FA8] =	sst s10  }
0x35: {  	s10 =	sld [smem:$0x3FA7];
	_ =	sdelay $0x3  }
0x36: {  	p1 =	seq.s32 s10, $0x1;
	s10 =	sld [smem:$0x3FA8];
	_ =	sdelay $0x3  }
0x37: {  	[smem:$0x3FA8] =	sst s10  }
0x38: {  	s10 =	sld [smem:$0x3FA9]  }
0x39: {  	_ = 	snop;
	(pc) =	sbr.ind lr, $3  }
0x3a: {  	_ = 	snop  }
0x3b: {  	_ = 	snop  }
0x3c: {  	p2 =	seq.s32 s10, $0x1;
	s10 =	sld [smem:$0x3FA8]  }
0x3d: {  	_ =	shalt  }
0x3e: {  	_ =	shalt  }
0x3f: {  	_ =	shalt  }
0x40: {  	_ =	shalt  }
0x41: {  	_ =	shalt  }
0x42: {  	_ =	shalt  }
0x43: {  	_ =	shalt  }
0x44: {  	_ =	shalt  }
0x45: {  	_ =	shalt  }
0x46: {  	_ =	shalt  }
0x47: {  	_ =	shalt  }
0x48: {  	_ =	shalt  }
0x49: {  	_ =	shalt  }
0x4a: {  	_ =	shalt  }
0x4b: {  	_ =	shalt  }
0x4c: {  	_ =	shalt  }
0x4d: {  	_ =	shalt  }
0x4e: {  	_ =	shalt  }
0x4f: {  	_ =	shalt  }
0x50: {  	_ =	shalt  }
0x51: {  	_ =	shalt  }
0x52: {  	_ =	shalt  }
0x53: {  	_ =	shalt  }
0x54: {  	_ =	shalt  }
0x55: {  	_ =	shalt  }
0x56: {  	_ =	shalt  }
0x57: {  	_ =	shalt  }
0x58: {  	_ =	shalt  }
0x59: {  	_ =	shalt  }
0x5a: {  	_ =	shalt  }
0x5b: {  	_ =	shalt  }
0x5c: {  	_ =	shalt  }
0x5d: {  	_ =	shalt  }
0x5e: {  	_ =	shalt  }
0x5f: {  	_ =	shalt  }
0x60: {  	_ =	shalt  }
0x61: {  	_ =	shalt  }
0x62: {  	_ =	shalt  }
0x63: {  	_ =	shalt  }
0x64: {  	_ =	shalt  }
0x65: {  	_ =	shalt  }
0x66: {  	_ =	shalt  }
0x67: {  	_ =	shalt  }
0x68: {  	_ =	shalt  }
0x69: {  	_ =	shalt  }
0x6a: {  	_ =	shalt  }
0x6b: {  	_ =	shalt  }
0x6c: {  	_ =	shalt  }
0x6d: {  	_ =	shalt  }
0x6e: {  	_ =	shalt  }
0x6f: {  	_ =	shalt  }
0x70: {  	_ =	shalt  }
0x71: {  	_ =	shalt  }
0x72: {  	_ =	shalt  }
0x73: {  	_ =	shalt  }
0x74: {  	_ =	shalt  }
0x75: {  	_ =	shalt  }
0x76: {  	_ =	shalt  }
0x77: {  	_ =	shalt  }
0x78: {  	_ =	shalt  }
0x79: {  	_ =	shalt  }
0x7a: {  	_ =	shalt  }
0x7b: {  	_ =	shalt  }
0x7c: {  	_ =	shalt  }
0x7d: {  	_ =	shalt  }
0x7e: {  	_ =	shalt  }
0x7f: {  	_ =	shalt  }
0x80: {  	_ =	shalt  }
0x81: {  	_ =	shalt  }
0x82: {  	_ =	shalt  }
0x83: {  	_ =	shalt  }
0x84: {  	_ =	shalt  }
0x85: {  	_ =	shalt  }
0x86: {  	_ =	shalt  }
0x87: {  	_ =	shalt  }
.Lfunc_end0:
.L_simem_size_0:
called_computation.3_lowered:
.L_overlay_start_0:
0x88: {  	s2 =	sld [smem:$0x3FD9]  }
0x89: {  	s3 =	sld [smem:$0x3FFE];
	_ =	sdelay $0x1  }
0x8a: {  	s1 =	srdreg.scid  }
0x8b: {  	s0 =	sand.u32 $0x1, s1  }
0x8c: {  	s15 =	sshll.u32 s0, $0xA;
	s2 =	sadd.s32 s3, s2  }
0x8d: {  	s2 =	sadd.s32 s2, s15  }
0x8e: {  	[smem:$0x3FB4] =	sst s2  }
0x8f: {  	_ = 	snop  }
0x90: {  	s2 =	sld [smem:$0x3FD0];
	_ =	sdelay $0x2  }
0x91: {  	s5 =	simm.s32 $0xB;
	s16 =	simm.s32 $0x10  }
0x92: {  	[smem:s16], [sflag:s5] =	dma.local [hbm:s2], $0x1  }
0x93: {  	_ =	swait.eq [sflag:s5], $0x1  }
0x94: {  	s17 =	sld [smem:$0x10]  }
0x95: {  	s6 =	sld [smem:$0x11];
	[sflag:s5] =	ssyncset.done $0x0  }
0x96: {  	s4 =	sld [smem:$0x16];
	[sflag:s5] =	ssyncadd.s32 $0xFFFFFFFF  }
0x97: {  	s18 =	sld [smem:$0x17];
	(tm) =	ssettm $0x1  }
0x98: {  	s19 =	sld [smem:$0x3FFB];
	_ =	sdelay $0x3  }
0x99: {  	_ =	strace s19  }
0x9a: {  	s2 =	sld [smem:$0x3FFC];
	_ =	sdelay $0x3  }
0x9b: {  	_ =	strace s2  }
0x9c: {  	s2 =	sld [smem:$0x3FFD];
	_ =	sdelay $0x3  }
0x9d: {  	_ =	strace s2  }
0x9e: {  	_ =	strace $0x8FFFFFFF  }
0x9f: {  	s20 =	sld [smem:$0x3FDB];
	_ =	sdelay $0x1  }
0xa0: {  	s7 =	simm.s32 $_scs_section_size  }
0xa1: {  	s8 =	simm.s32 $_size__tile_overlayer_lowered;
	s9 =	simm.s32 $_tile_overlayer_lowered  }
0xa2: {  	s10 =	simm.s32 $0x1BFF;
	s21 =	sshll.u32 s9, $0x1;
	s7 =	sadd.s32 s7, s20  }
0xa3: {  	s22 =	simm.s32 $0x0;
	s8 =	sshll.u32 s8, $0x1;
	s9 =	sadd.s32 s21, s7  }
0xa4: {  	[timem:s22], [sflag:s10] =	dma.local [hbm:s9], s8  }
0xa5: {  	_ =	swait.ge [sflag:s10], s8  }
0xa6: {  	s8 =	ssub.s32 $0x0, s8;
	[sflag:s10] =	ssyncset.done $0x0  }
0xa7: {  	[sflag:s10] =	ssyncadd.s32 s8;
	_ =	sdelay $0x1  }
0xa8: {  	s23 =	simm.s32 $0x1B8B  }
0xa9: {  	_ =	swait.ge [sflag:s23], $0x1  }
0xaa: {  	[sflag:s23] =	ssyncset.done $0x0  }
0xab: {  	[sflag:s23] =	ssyncadd.s32 $0xFFFFFFFF  }
0xac: {  	s8 =	sld [smem:$0x0]  }
0xad: {  	s9 =	sand.u32 $0xFFFFFFFE, s1  }
0xae: {  	p0 =	sne.s32 s1, s9  }
0xaf: {  	s9 =	sshll.u32 @p0 s9, $0xE  }
0xb0: {  	s9 =	sadd.s32 @p0 $0x11B8D, s9;
	s10 =	sshll.u32 @p0 s8, $0x11  }
0xb1: {  	s9 =	sor.u32 @p0 s10, s9  }
0xb2: {  	[sflag:s9] =	ssyncadd.remote.s32 @p0 $0x1;
	_ =	sdelay $0x1  }
0xb3: {  	s9 =	simm.s32 @p0 $0x1B8D  }
0xb4: {  	_ =	swait.eq @p0 [sflag:s9], $0x1  }
0xb5: {  	[sflag:s9] =	ssyncadd.s32 @p0 $0xFFFFFFFF  }
0xb6: {  	s10 =	sshll.u32 @!p0 s1, $0xE  }
0xb7: {  	s10 =	sor.u32 @!p0 $0x4000, s10;
	s9 =	simm.s32 @!p0 $0x1B8D  }
0xb8: {  	s8 =	sshll.u32 @!p0 s8, $0x11;
	s10 =	sadd.s32 @!p0 $0x11B8D, s10;
	_ =	swait.eq @!p0 [sflag:s9], $0x1  }
0xb9: {  	s8 =	sor.u32 @!p0 s8, s10;
	[sflag:s9] =	ssyncadd.s32 @!p0 $0xFFFFFFFF  }
0xba: {  	s25 =	simm.s32 $0x1B8E;
	s24 =	sld [smem:$0x3FFE];
	[sflag:s8] =	ssyncadd.remote.s32 @!p0 $0x1  }
0xbb: {  	s26 =	simm.s32 $execute0_lowered;
	[smem:$0x3FD2] =	sst s25  }
0xbc: {  	s9 =	sshll.u32 s26, $0x1;
	_ =	strace $0x8000004F;
	[dreg:$0x1] =	wrdreg $0xFFFFFFFF  }
0xbd: {  	s28 =	simm.s32 $_size_execute0_lowered;
	s7 =	sadd.s32 s7, s9;
	[dreg:$0x0] =	wrdreg $0x0  }
0xbe: {  	s9 =	sshll.u32 s28, $0x1;
	[dreg:$0x2] =	wrdreg s7  }
0xbf: {  	[dreg:$0x3] =	wrdreg s9  }
0xc0: {  	[dreg:$0x4] =	wrdreg $0xC0  }
0xc1: {  	_ =	task [dreg:s22], $0x5FFFF  }
0xc2: {  	[dreg:$0x1] =	wrdreg $0xFFFFFFFF  }
0xc3: {  	[dreg:$0x0] =	wrdreg $0x60  }
0xc4: {  	[dreg:$0x2] =	wrdreg s6  }
0xc5: {  	[dreg:$0x3] =	wrdreg s17  }
0xc6: {  	[dreg:$0x4] =	wrdreg s4  }
0xc7: {  	[dreg:$0x5] =	wrdreg s24  }
0xc8: {  	[dreg:$0x6] =	wrdreg s18  }
0xc9: {  	[dreg:$0x7] =	wrdreg $0x0  }
0xca: {  	[dreg:$0x8] =	wrdreg $0xA  }
0xcb: {  	_ =	task.clear_ibuf [dreg:s22], $0x9FFFF;
	_ =	strace $0x9000004F  }
0xcc: {  	s29 =	simm.s32 $0xA;
	_ =	strace $0x80000051  }
0xcd: {  	_ =	swait.ge [sflag:s29], $0x1  }
0xce: {  	[sflag:s29] =	ssyncadd.s32 $0xFFFFFFFF  }
0xcf: {  	_ =	strace $0x90000051  }
0xd0: {  	_ =	sfence  }
0xd1: {  	s30 =	sld [smem:$0x0];
	_ =	sdelay $0x2  }
0xd2: {  	s31 =	sshll.u32 s1, $0xD;
	s1 =	sshrl.u32 s1, $0x2  }
0xd3: {  	s4 =	sand.u32 $0x4000, s31;
	s1 =	sadd.s32 s1, s30  }
0xd4: {  	s0 =	sor.u32 s4, s0;
	s1 =	sshll.u32 s1, $0x11  }
0xd5: {  	s0 =	sor.u32 s1, s0  }
0xd6: {  	s0 =	sadd.s32 $0x8F2B, s0  }
0xd7: {  	[sflag:s0] =	ssyncadd.remote.s32 $0x1  }
0xd8: {  	_ =	sfence.sel $0xFFFF  }
0xd9: {  	[dreg:$0x0] =	wrdreg $0xFFFFFFFF;
	(pc) =	sbr.abs _section_cstart, $3  }
0xda: {  	[dreg:$0x1] =	wrdreg $0xFFFFFFFF  }
0xdb: {  	_ =	task.clear_ibuf [dreg:s22], $0x2FFFF;
	_ =	strace $0x9FFFFFFF  }
0xdc: {  	(tm) =	ssettm $0x7FFFFFFF  }
0xdd: {  	_ =	shalt  }
tec
execute0_lowered:
.L_overlay_start_1:
0x0: {  	(tag) =	ssettag $0x1  }
0x1: {  	s7 =	rddreg [dreg:$0x0]  }
0x2: {  	s9 =	rddreg [dreg:$0x1]  }
0x3: {  	s1 =	rddreg [dreg:$0x2]  }
0x4: {  	s5 =	rddreg [dreg:$0x3]  }
0x5: {  	s10 =	rddreg [dreg:$0x4]  }
0x6: {  	s3 =	rddreg [dreg:$0x5];
	s4 =	srdreg.scid  }
0x7: {  	s0 =	rddreg [dreg:$0x6];
	s2 =	stileid.u32;
	s18 =	simm.s32 $0x1BC00  }
0x8: {  	s19 =	simm.s32 $0x1;
	s20 =	simm.s32 $0x0;
	s11 =	smul.u32 $0x2780, s2  }
0x9: {  	s6 =	sand.u32 $0x1, s4;
	s4 =	simm.s32 $0x0;
	s12 =	smul.u32 $0x4F000, s2  }
0xa: {  	s5 =	sadd.s32 $0x3200, s5;
	s30 =	sshll.u32 s2, $0x6;
	s8 =	sshll.u32 s6, $0x4  }
0xb: {  	[smem:$0x7FF] =	sst s4;
	s17 =	smul.u32 $0x27800, s6;
	s8 =	sor.u32 s2, s8  }
0xc: {  	s13 =	ssub.s32 $0x2, s6;
	s6 =	sor.u32 $0x1C02, s30;
	s14 =	smul.u32 $0x580, s8  }
0xd: {  	_ =	strace $0x80000050;
	s15 =	sshrl.u32 s13, $0x1;
	s16 =	smul.u32 $0x500, s8  }
0xe: {  	s12 =	sshrl.u32 s12, $0x2;
	s13 =	ssub.s32 s13, s15;
	s8 =	smul.u32 $0x2800, s8  }
0xf: {  	s12 =	sadd.s32 s12, s3;
	s11 =	sadd.s32 s11, s17;
	s15 =	simm.s32 $0x80  }
0x10: {  	s17 =	simm.s32 $0x16800;
	s10 =	sadd.s32 s10, s11;
	s11 =	smax.u32 s13, $0x1  }
0x11: {  	s12 =	sshrl.u32 s12, $0x3;
	s13 =	simm.s32 $0x2;
	s31 =	sshrl.u32 s8, $0x3  }
0x12: {  	s7 =	sadd.s32 s7, s14;
	s8 =	sadd.s32 s9, s16;
	s9 =	sadd.s32 s9, s31  }
0x13: {  	s14 =	simm.s32 $0x13C00;
	s16 =	simm.s32 $0x17C00;
	s9 =	sadd.s32 $0x280, s9  }
.LBB2_1:
0x14: {  	[spmem:s12], [sflag:s6] =	dma.local [hbm:s5], $0x2780  }
0x15: {  	_ =	swait.ge [sflag:s13], $0x2780  }
0x16: {  	[sflag:s13] =	ssyncset.done $0x0  }
0x17: {  	[sflag:s13] =	ssyncadd.s32 $0xFFFFD880  }
0x18: {  	[tilespmem:s14], [sflag:$0x2] =	stream.linear.gather [hbm4b:s7+s4], $0x2C00, $0x38;
	[tilespmem:$0x1FC00] =	vst v63  }
0x19: {  	_ =	swait.ge [sflag:s13], $0x2C00  }
0x1a: {  	[sflag:s13] =	ssyncset.done $0x0  }
0x1b: {  	[sflag:s13] =	ssyncadd.s32 $0xFFFFD400  }
0x1c: {  	[bflag:$0x0] =	sbarrier.arrive $0xFFFF  }
0x1d: {  	[tilespmem:s16], [sflag:$0x1] =	stream.indirect.gather [hbm4b:s1+s15], $0x80, s14, s15, $0xb8;
	[tilespmem:$0x1FC00] =	vst v63  }
0x1e: {  	_ = 	snop  }
0x1f: {  	[tilespmem:s17], [sflag:$0x2] =	stream.linear.gather [hbm4b:s8+s4], $0x1400, $0x38;
	[tilespmem:$0x1FC00] =	vst v63  }
0x20: {  	_ =	swait.ge [sflag:s13], $0x1400  }
0x21: {  	[sflag:s13] =	ssyncset.done $0x0  }
0x22: {  	s21 =	simm.s32 $0x13C80;
	[sflag:s13] =	ssyncadd.s32 $0xFFFFEC00  }
0x23: {  	[tilespmem:s18], [sflag:$0x1] =	stream.indirect.gather [hbm4b:s1+s15], $0x80, s21, s15, $0xb8;
	[tilespmem:$0x1FC00] =	vst v63  }
0x24: {  	_ =	swait.ge [sflag:s19], $0x4000  }
0x25: {  	[sflag:s19] =	ssyncset.done $0x0  }
0x26: {  	s29 =	simm.s32 $0x16800;
	[sflag:s19] =	ssyncadd.s32 $0xFFFFC000  }
0x27: {  	[spmem:s3] =	stream.indirect.scatter.add.f32 [tilespmem:s16], [sflag:$0x2], $0x80, s29, s15, $0xb8;
	[tilespmem:$0x1FC00] =	vst v63  }
0x28: {  	_ =	swait.ge [sflag:s13], $0x4000  }
0x29: {  	[sflag:s13] =	ssyncset.done $0x0  }
0x2a: {  	s30 =	simm.s32 $0x13D00;
	[sflag:s13] =	ssyncadd.s32 $0xFFFFC000  }
0x2b: {  	[tilespmem:s16], [sflag:$0x1] =	stream.indirect.gather [hbm4b:s1+s15], $0x80, s30, s15, $0xb8;
	[tilespmem:$0x1FC00] =	vst v63  }
0x2c: {  	_ =	swait.ge [sflag:s19], $0x4000  }
0x2d: {  	[sflag:s19] =	ssyncset.done $0x0  }
0x2e: {  	s31 =	simm.s32 $0x16880;
	[sflag:s19] =	ssyncadd.s32 $0xFFFFC000  }
0x2f: {  	[spmem:s3] =	stream.indirect.scatter.add.f32 [tilespmem:s18], [sflag:$0x2], $0x80, s31, s15, $0xb8;
	[tilespmem:$0x1FC00] =	vst v63  }
0x30: {  	_ =	swait.ge [sflag:s13], $0x4000  }
0x31: {  	s22 =	simm.s32 $0x800;
	s21 =	simm.s32 $0x100;
	[sflag:s13] =	ssyncset.done $0x0  }
.LBB2_2:
0x32: {  	s23 =	sadd.s32 $0x13C80, s21  }
0x33: {  	[sflag:s13] =	ssyncadd.s32 $0xFFFFC000;
	s24 =	smov.u32 s22;
	s25 =	sadd.s32 $0x400, s22  }
0x34: {  	[tilespmem:s18], [sflag:$0x1] =	stream.indirect.gather [hbm4b:s1+s15], $0x80, s23, s15, $0xb8;
	[tilespmem:$0x1FC00] =	vst v63  }
0x35: {  	p0 =	sne.s32 s22, $0x4C00;
	_ =	swait.ge [sflag:s19], $0x4000  }
0x36: {  	[sflag:s19] =	ssyncset.done $0x0  }
0x37: {  	s22 =	sadd.s32 $0x16800, s21;
	[sflag:s19] =	ssyncadd.s32 $0xFFFFC000  }
0x38: {  	[spmem:s3] =	stream.indirect.scatter.add.f32 [tilespmem:s16], [sflag:$0x2], $0x80, s22, s15, $0xb8;
	[tilespmem:$0x1FC00] =	vst v63  }
0x39: {  	_ =	swait.ge [sflag:s13], $0x4000  }
0x3a: {  	[sflag:s13] =	ssyncset.done $0x0  }
0x3b: {  	s22 =	sadd.s32 $0x13D00, s21;
	[sflag:s13] =	ssyncadd.s32 $0xFFFFC000  }
0x3c: {  	[tilespmem:s16], [sflag:$0x1] =	stream.indirect.gather [hbm4b:s1+s15], $0x80, s22, s15, $0xb8;
	[tilespmem:$0x1FC00] =	vst v63  }
0x3d: {  	_ =	swait.ge [sflag:s19], $0x4000  }
.Ltmp0:
0x3e: {  	[sflag:s19] =	ssyncset.done $0x0;
	(pc) =	sbr.rel @p0 .LBB2_2-.Ltmp0, $4  }
0x3f: {  	s21 =	sadd.s32 $0x16880, s21;
	[sflag:s19] =	ssyncadd.s32 $0xFFFFC000  }
0x40: {  	[spmem:s3] =	stream.indirect.scatter.add.f32 [tilespmem:s18], [sflag:$0x2], $0x80, s21, s15, $0xb8;
	[tilespmem:$0x1FC00] =	vst v63  }
0x41: {  	_ =	swait.ge [sflag:s13], $0x4000  }
0x42: {  	s22 =	smov.u32 s25;
	s21 =	sshra.s32 s24, $0x2;
	[sflag:s13] =	ssyncset.done $0x0  }
0x43: {  	s22 =	sadd.s32 $0x13C80, s21;
	[sflag:s13] =	ssyncadd.s32 $0xFFFFC000  }
0x44: {  	[tilespmem:s18], [sflag:$0x1] =	stream.indirect.gather [hbm4b:s1+s15], $0x80, s22, s15, $0xb8;
	[tilespmem:$0x1FC00] =	vst v63  }
0x45: {  	_ =	swait.ge [sflag:s19], $0x4000  }
0x46: {  	[sflag:s19] =	ssyncset.done $0x0  }
0x47: {  	s23 =	sadd.s32 $0x16800, s21;
	[sflag:s19] =	ssyncadd.s32 $0xFFFFC000  }
0x48: {  	[spmem:s3] =	stream.indirect.scatter.add.f32 [tilespmem:s16], [sflag:$0x2], $0x80, s23, s15, $0xb8;
	[tilespmem:$0x1FC00] =	vst v63  }
0x49: {  	_ =	swait.ge [sflag:s13], $0x4000  }
0x4a: {  	[sflag:s13] =	ssyncset.done $0x0  }
0x4b: {  	s24 =	sadd.s32 $0x13D00, s21;
	[sflag:s13] =	ssyncadd.s32 $0xFFFFC000  }
0x4c: {  	[tilespmem:s16], [sflag:$0x1] =	stream.indirect.gather [hbm4b:s1+s15], $0x80, s24, s15, $0xb8;
	[tilespmem:$0x1FC00] =	vst v63  }
0x4d: {  	_ =	swait.ge [sflag:s19], $0x4000  }
0x4e: {  	[sflag:s19] =	ssyncset.done $0x0  }
0x4f: {  	s25 =	sadd.s32 $0x16880, s21;
	[sflag:s19] =	ssyncadd.s32 $0xFFFFC000  }
0x50: {  	[spmem:s3] =	stream.indirect.scatter.add.f32 [tilespmem:s18], [sflag:$0x2], $0x80, s25, s15, $0xb8;
	[tilespmem:$0x1FC00] =	vst v63  }
0x51: {  	_ =	swait.ge [sflag:s13], $0x4000  }
0x52: {  	[sflag:s13] =	ssyncset.done $0x0  }
0x53: {  	s26 =	simm.s32 $0x0;
	[sflag:s13] =	ssyncadd.s32 $0xFFFFC000  }
0x54: {  	[tilespmem:s17], [sflag:$0x2] =	stream.linear.gather [hbm4b:s9+s26], $0x1400, $0x38;
	[tilespmem:$0x1FC00] =	vst v63  }
0x55: {  	_ =	swait.ge [sflag:s13], $0x1400  }
0x56: {  	[sflag:s13] =	ssyncset.done $0x0  }
0x57: {  	s28 =	simm.s32 $0x15080;
	[sflag:s13] =	ssyncadd.s32 $0xFFFFEC00  }
0x58: {  	[tilespmem:s18], [sflag:$0x1] =	stream.indirect.gather [hbm4b:s1+s15], $0x80, s28, s15, $0xb8;
	[tilespmem:$0x1FC00] =	vst v63  }
0x59: {  	_ =	swait.ge [sflag:s19], $0x4000  }
0x5a: {  	[sflag:s19] =	ssyncset.done $0x0  }
0x5b: {  	s29 =	simm.s32 $0x16800;
	[sflag:s19] =	ssyncadd.s32 $0xFFFFC000  }
0x5c: {  	[spmem:s3] =	stream.indirect.scatter.add.f32 [tilespmem:s16], [sflag:$0x2], $0x80, s29, s15, $0xb8;
	[tilespmem:$0x1FC00] =	vst v63  }
0x5d: {  	_ =	swait.ge [sflag:s13], $0x4000  }
0x5e: {  	[sflag:s13] =	ssyncset.done $0x0  }
0x5f: {  	s30 =	simm.s32 $0x15100;
	[sflag:s13] =	ssyncadd.s32 $0xFFFFC000  }
0x60: {  	[tilespmem:s16], [sflag:$0x1] =	stream.indirect.gather [hbm4b:s1+s15], $0x80, s30, s15, $0xb8;
	[tilespmem:$0x1FC00] =	vst v63  }
0x61: {  	_ =	swait.ge [sflag:s19], $0x4000  }
0x62: {  	[sflag:s19] =	ssyncset.done $0x0  }
0x63: {  	s31 =	simm.s32 $0x16880;
	[sflag:s19] =	ssyncadd.s32 $0xFFFFC000  }
0x64: {  	[spmem:s3] =	stream.indirect.scatter.add.f32 [tilespmem:s18], [sflag:$0x2], $0x80, s31, s15, $0xb8;
	[tilespmem:$0x1FC00] =	vst v63  }
0x65: {  	_ =	swait.ge [sflag:s13], $0x4000  }
0x66: {  	s21 =	simm.s32 $0x100;
	s22 =	simm.s32 $0x800;
	[sflag:s13] =	ssyncset.done $0x0  }
.LBB2_4:
0x67: {  	s23 =	sadd.s32 $0x15080, s21  }
0x68: {  	[sflag:s13] =	ssyncadd.s32 $0xFFFFC000;
	s24 =	smov.u32 s22;
	s25 =	sadd.s32 $0x400, s22  }
0x69: {  	[tilespmem:s18], [sflag:$0x1] =	stream.indirect.gather [hbm4b:s1+s15], $0x80, s23, s15, $0xb8;
	[tilespmem:$0x1FC00] =	vst v63  }
0x6a: {  	p0 =	sne.s32 s22, $0x4C00;
	_ =	swait.ge [sflag:s19], $0x4000  }
0x6b: {  	[sflag:s19] =	ssyncset.done $0x0  }
0x6c: {  	s22 =	sadd.s32 $0x16800, s21;
	[sflag:s19] =	ssyncadd.s32 $0xFFFFC000  }
0x6d: {  	[spmem:s3] =	stream.indirect.scatter.add.f32 [tilespmem:s16], [sflag:$0x2], $0x80, s22, s15, $0xb8;
	[tilespmem:$0x1FC00] =	vst v63  }
0x6e: {  	_ =	swait.ge [sflag:s13], $0x4000  }
0x6f: {  	[sflag:s13] =	ssyncset.done $0x0  }
0x70: {  	s22 =	sadd.s32 $0x15100, s21;
	[sflag:s13] =	ssyncadd.s32 $0xFFFFC000  }
0x71: {  	[tilespmem:s16], [sflag:$0x1] =	stream.indirect.gather [hbm4b:s1+s15], $0x80, s22, s15, $0xb8;
	[tilespmem:$0x1FC00] =	vst v63  }
0x72: {  	_ =	swait.ge [sflag:s19], $0x4000  }
.Ltmp1:
0x73: {  	[sflag:s19] =	ssyncset.done $0x0;
	(pc) =	sbr.rel @p0 .LBB2_4-.Ltmp1, $4  }
0x74: {  	s21 =	sadd.s32 $0x16880, s21;
	[sflag:s19] =	ssyncadd.s32 $0xFFFFC000  }
0x75: {  	[spmem:s3] =	stream.indirect.scatter.add.f32 [tilespmem:s18], [sflag:$0x2], $0x80, s21, s15, $0xb8;
	[tilespmem:$0x1FC00] =	vst v63  }
0x76: {  	_ =	swait.ge [sflag:s13], $0x4000  }
0x77: {  	s22 =	smov.u32 s25;
	s21 =	sshra.s32 s24, $0x2;
	[sflag:s13] =	ssyncset.done $0x0  }
0x78: {  	s22 =	sadd.s32 $0x15080, s21;
	[sflag:s13] =	ssyncadd.s32 $0xFFFFC000  }
0x79: {  	[tilespmem:s18], [sflag:$0x1] =	stream.indirect.gather [hbm4b:s1+s15], $0x80, s22, s15, $0xb8;
	[tilespmem:$0x1FC00] =	vst v63  }
0x7a: {  	_ =	swait.ge [sflag:s19], $0x4000  }
0x7b: {  	[sflag:s19] =	ssyncset.done $0x0  }
0x7c: {  	s29 =	sadd.s32 $0x16800, s21;
	[sflag:s19] =	ssyncadd.s32 $0xFFFFC000  }
0x7d: {  	[spmem:s3] =	stream.indirect.scatter.add.f32 [tilespmem:s16], [sflag:$0x2], $0x80, s29, s15, $0xb8;
	[tilespmem:$0x1FC00] =	vst v63  }
0x7e: {  	_ =	swait.ge [sflag:s13], $0x4000  }
0x7f: {  	[sflag:s13] =	ssyncset.done $0x0  }
0x80: {  	s30 =	sadd.s32 $0x15100, s21;
	[sflag:s13] =	ssyncadd.s32 $0xFFFFC000  }
0x81: {  	[tilespmem:s16], [sflag:$0x1] =	stream.indirect.gather [hbm4b:s1+s15], $0x80, s30, s15, $0xb8;
	[tilespmem:$0x1FC00] =	vst v63  }
0x82: {  	_ =	swait.ge [sflag:s19], $0x4000  }
0x83: {  	[sflag:s19] =	ssyncset.done $0x0  }
0x84: {  	s31 =	sadd.s32 $0x16880, s21;
	[sflag:s19] =	ssyncadd.s32 $0xFFFFC000  }
0x85: {  	[spmem:s3] =	stream.indirect.scatter.add.f32 [tilespmem:s18], [sflag:$0x2], $0x80, s31, s15, $0xb8;
	[tilespmem:$0x1FC00] =	vst v63  }
0x86: {  	_ =	swait.ge [sflag:s13], $0x4000  }
0x87: {  	[sflag:s13] =	ssyncset.done $0x0  }
0x88: {  	[sflag:s13] =	ssyncadd.s32 $0xFFFFC000  }
0x89: {  	_ =	swait.ge [sflag:s19], $0x4000  }
0x8a: {  	s20 =	sadd.s32 $0x1, s20;
	[sflag:s19] =	ssyncset.done $0x0  }
0x8b: {  	p0 =	sne.s32 s20, s11;
	[sflag:s19] =	ssyncadd.s32 $0xFFFFC000  }
.Ltmp2:
0x8c: {  	[bflag:$0x0] =	sbarrier.arrive $0xFFFF;
	(pc) =	sbr.rel @p0 .LBB2_1-.Ltmp2, $4  }
0x8d: {  	[hbm:s10], [sflag:s6] =	dma.local [spmem:s12], $0x2780  }
0x8e: {  	_ =	swait.ge [sflag:s13], $0x2780  }
0x8f: {  	[sflag:s13] =	ssyncset.done $0x0  }
0x90: {  	[sflag:s13] =	ssyncadd.s32 $0xFFFFD880  }
0x91: {  	_ =	sfence.sel $0x180000  }
0x92: {  	[bflag:$0x0] =	sbarrier.arrive $0xFFFF  }
0x93: {  	p0 =	sne.s32 s2, $0x0;
	_ =	strace $0x90000050  }
0x94: {  	s0 =	sadd.s32 @!p0 $0x100000, s0;
	[bflag:$0x2] =	sbarrier.arrive $0xFFFF  }
0x95: {  	[sflag:s0] =	ssyncadd.tile.s32 @!p0 $0x1;
	_ =	shalt  }
.Lfunc_end2:
_tile_overlayer_lowered:
.L_overlay_start_2:
0x96: {  	(tag) =	ssettag $0x2  }
0x97: {  	s0 =	rddreg [dreg:$0x0];
	s2 =	stileid.u32  }
0x98: {  	s1 =	rddreg [dreg:$0x1];
	p0 =	sne.s32 s2, $0x0  }
0x99: {  	s3 =	rddreg [dreg:$0x2];
	[bflag:$0x3] =	sbarrier.arrive $0xFFFF;
	s2 =	simm.s32 @!p0 $0x1C02  }
0x9a: {  	[timem:s3], [sflag:s2] =	dma.local @!p0 [hbm:s0], s1  }
0x9b: {  	s0 =	simm.s32 @!p0 $0x2  }
0x9c: {  	_ =	swait.ge @!p0 [sflag:s0], s1  }
0x9d: {  	s1 =	ssub.s32 @!p0 $0x0, s1;
	[sflag:s0] =	ssyncset.done @!p0 $0x0  }
0x9e: {  	[sflag:s0] =	ssyncadd.s32 @!p0 s1  }
0x9f: {  	[bflag:$0x3] =	sbarrier.arrive $0xFFFF  }
0xa0: {  	_ =	shalt  }

// kernel: kernel.21.cloned.1.call-start
scs
__scs_entry_jumppad:
0x0: {  	(pc) =	sbr.rel $0x88, $3  }
0x1: {  	(tag) =	ssettag $0x0;
	lr =	simm.s32 $0x1  }
0x2: {  	[smem:$0x3F8D] =	sst lr;
	_ =	strace $0xD0000000  }
0x3: {  	_ = 	snop  }
0x4: {  	_ = 	snop  }
0x5: {  	_ = 	snop  }
0x6: {  	_ = 	snop  }
0x7: {  	_ = 	snop  }
__scs_overlays_trampoline_lowered:
0x8: {  	[smem:$0x3F9C] =	sst s0  }
0x9: {  	[smem:$0x3F9D] =	sst s1  }
0xa: {  	[smem:$0x3F9E] =	sst s2  }
0xb: {  	[smem:$0x3F9F] =	sst s3  }
0xc: {  	[smem:$0x3FA0] =	sst s4  }
0xd: {  	[smem:$0x3FA1] =	sst s5  }
0xe: {  	[smem:$0x3FA2] =	sst s6  }
0xf: {  	[smem:$0x3FA3] =	sst s7  }
0x10: {  	[smem:$0x3FA4] =	sst s8  }
0x11: {  	[smem:$0x3FA5] =	sst s9;
	s0 =	simm.s32 @!p0 $0x0  }
0x12: {  	s1 =	sld [smem:$0x3F8B];
	s0 =	simm.s32 @p0 $0x1  }
0x13: {  	[smem:$0x3FA6] =	sst s0;
	s0 =	simm.s32 @!p1 $0x0  }
0x14: {  	s2 =	sld [smem:$0x3F8A];
	s0 =	simm.s32 @p1 $0x1  }
0x15: {  	[smem:$0x3FA7] =	sst s0;
	s0 =	simm.s32 @!p2 $0x0  }
0x16: {  	s3 =	sld [smem:$0x3FDB];
	s0 =	simm.s32 @p2 $0x1  }
0x17: {  	s4 =	simm.s32 $0x1BF5;
	[smem:$0x3FA9] =	sst s0  }
0x18: {  	s0 =	sld [smem:$0x3F8C];
	_ =	swait.ge [sflag:s4], $0x0  }
0x19: {  	s7 =	sld [smem:$0x3F8D]  }
0x1a: {  	s8 =	sadd.s32 $0xFFFFE003, lr  }
0x1b: {  	s9 =	sadd.s32 $0xFFFFFEF7, lr;
	s5 =	simm.s32 $0xFFFFFFFF;
	p2 =	slt.u32 s8, $0xFFFFF086  }
0x1c: {  	p1 =	slt.u32 s9, $0xF7A;
	s5 =	simm.s32 @!p2 $0x0  }
0x1d: {  	s5 =	simm.s32 @p1 $0x1;
	p0 =	seq.s32 s7, s2  }
0x1e: {  	s7 =	smul.u32 @!p0 $0xF7A, s2;
	p2 =	seq.s32 @!p0 s5, $0x0  }
0x1f: {  	s9 =	smul.u32 $0xF7A, s1;
	s8 =	simm.s32 @!p0 $0x1BF5;
	p2 =	por !p2, p0  }
0x20: {  	[sflag:s8] =	ssyncset.s32 @!p0 $0xFFFFF086;
	s6 =	sadd.s32 @!p0 s3, s7;
	s7 =	simm.s32 @!p0 $0x108  }
0x21: {  	s3 =	sadd.s32 s3, s9;
	s6 =	sadd.s32 @!p0 $0x88, s6;
	s7 =	simm.s32 @p2 $0x1082  }
0x22: {  	[simem:s7], [sflag:s8] =	dma.local @!p0 [hbm:s6], $0xF7A  }
0x23: {  	s9 =	sor.u32 $0xD0000000, s2;
	s6 =	simm.s32 $0x108;
	_ =	swait.ge @!p0 [sflag:s8], $0x0  }
0x24: {  	s3 =	sadd.s32 $0x88, s3;
	s6 =	simm.s32 @!p1 $0x1082;
	[sflag:s4] =	ssyncset.s32 $0xFFFFF086  }
0x25: {  	[simem:s6], [sflag:s4] =	dma.local [hbm:s3], $0xF7A  }
0x26: {  	[smem:$0x3F8D] =	sst s1;
	(tag) =	ssettag s2;
	_ =	strace s9  }
0x27: {  	s1 =	sld [smem:$0x3F9D]  }
0x28: {  	s2 =	sld [smem:$0x3F9E]  }
0x29: {  	s4 =	sld [smem:$0x3FA0]  }
0x2a: {  	p0 =	seq.s32 s5, $0x0;
	s5 =	sld [smem:$0x3FA1]  }
0x2b: {  	s6 =	sld [smem:$0x3FA2]  }
0x2c: {  	s7 =	sld [smem:$0x3FA3]  }
0x2d: {  	s3 =	simm.s32 $0x108;
	s8 =	sld [smem:$0x3FA4]  }
0x2e: {  	s3 =	simm.s32 @!p0 $0x1082;
	s9 =	sld [smem:$0x3FA5]  }
0x2f: {  	lr =	sadd.s32 s0, s3;
	s0 =	sld [smem:$0x3F9C]  }
0x30: {  	s3 =	sld [smem:$0x3F9F]  }
0x31: {  	[smem:$0x3FA8] =	sst s10  }
0x32: {  	s10 =	sld [smem:$0x3FA6];
	_ =	sdelay $0x3  }
0x33: {  	p0 =	seq.s32 s10, $0x1;
	s10 =	sld [smem:$0x3FA8];
	_ =	sdelay $0x3  }
0x34: {  	[smem:$0x3FA8] =	sst s10  }
0x35: {  	s10 =	sld [smem:$0x3FA7];
	_ =	sdelay $0x3  }
0x36: {  	p1 =	seq.s32 s10, $0x1;
	s10 =	sld [smem:$0x3FA8];
	_ =	sdelay $0x3  }
0x37: {  	[smem:$0x3FA8] =	sst s10  }
0x38: {  	s10 =	sld [smem:$0x3FA9]  }
0x39: {  	_ = 	snop;
	(pc) =	sbr.ind lr, $3  }
0x3a: {  	_ = 	snop  }
0x3b: {  	_ = 	snop  }
0x3c: {  	p2 =	seq.s32 s10, $0x1;
	s10 =	sld [smem:$0x3FA8]  }
0x3d: {  	_ =	shalt  }
0x3e: {  	_ =	shalt  }
0x3f: {  	_ =	shalt  }
0x40: {  	_ =	shalt  }
0x41: {  	_ =	shalt  }
0x42: {  	_ =	shalt  }
0x43: {  	_ =	shalt  }
0x44: {  	_ =	shalt  }
0x45: {  	_ =	shalt  }
0x46: {  	_ =	shalt  }
0x47: {  	_ =	shalt  }
0x48: {  	_ =	shalt  }
0x49: {  	_ =	shalt  }
0x4a: {  	_ =	shalt  }
0x4b: {  	_ =	shalt  }
0x4c: {  	_ =	shalt  }
0x4d: {  	_ =	shalt  }
0x4e: {  	_ =	shalt  }
0x4f: {  	_ =	shalt  }
0x50: {  	_ =	shalt  }
0x51: {  	_ =	shalt  }
0x52: {  	_ =	shalt  }
0x53: {  	_ =	shalt  }
0x54: {  	_ =	shalt  }
0x55: {  	_ =	shalt  }
0x56: {  	_ =	shalt  }
0x57: {  	_ =	shalt  }
0x58: {  	_ =	shalt  }
0x59: {  	_ =	shalt  }
0x5a: {  	_ =	shalt  }
0x5b: {  	_ =	shalt  }
0x5c: {  	_ =	shalt  }
0x5d: {  	_ =	shalt  }
0x5e: {  	_ =	shalt  }
0x5f: {  	_ =	shalt  }
0x60: {  	_ =	shalt  }
0x61: {  	_ =	shalt  }
0x62: {  	_ =	shalt  }
0x63: {  	_ =	shalt  }
0x64: {  	_ =	shalt  }
0x65: {  	_ =	shalt  }
0x66: {  	_ =	shalt  }
0x67: {  	_ =	shalt  }
0x68: {  	_ =	shalt  }
0x69: {  	_ =	shalt  }
0x6a: {  	_ =	shalt  }
0x6b: {  	_ =	shalt  }
0x6c: {  	_ =	shalt  }
0x6d: {  	_ =	shalt  }
0x6e: {  	_ =	shalt  }
0x6f: {  	_ =	shalt  }
0x70: {  	_ =	shalt  }
0x71: {  	_ =	shalt  }
0x72: {  	_ =	shalt  }
0x73: {  	_ =	shalt  }
0x74: {  	_ =	shalt  }
0x75: {  	_ =	shalt  }
0x76: {  	_ =	shalt  }
0x77: {  	_ =	shalt  }
0x78: {  	_ =	shalt  }
0x79: {  	_ =	shalt  }
0x7a: {  	_ =	shalt  }
0x7b: {  	_ =	shalt  }
0x7c: {  	_ =	shalt  }
0x7d: {  	_ =	shalt  }
0x7e: {  	_ =	shalt  }
0x7f: {  	_ =	shalt  }
0x80: {  	_ =	shalt  }
0x81: {  	_ =	shalt  }
0x82: {  	_ =	shalt  }
0x83: {  	_ =	shalt  }
0x84: {  	_ =	shalt  }
0x85: {  	_ =	shalt  }
0x86: {  	_ =	shalt  }
0x87: {  	_ =	shalt  }
.Lfunc_end0:
.L_simem_size_0:
called_computation.4_lowered:
.L_overlay_start_0:
0x88: {  	s2 =	sld [smem:$0x3FD9]  }
0x89: {  	s3 =	sld [smem:$0x3FFE];
	_ =	sdelay $0x1  }
0x8a: {  	s1 =	srdreg.scid  }
0x8b: {  	s0 =	sand.u32 $0x1, s1  }
0x8c: {  	s14 =	sshll.u32 s0, $0xA;
	s2 =	sadd.s32 s3, s2  }
0x8d: {  	s2 =	sadd.s32 s2, s14  }
0x8e: {  	[smem:$0x3FB4] =	sst s2  }
0x8f: {  	_ = 	snop  }
0x90: {  	s2 =	sld [smem:$0x3FD0];
	_ =	sdelay $0x2  }
0x91: {  	s15 =	simm.s32 $0xB;
	s4 =	simm.s32 $0x10  }
0x92: {  	[smem:s4], [sflag:s15] =	dma.local [hbm:s2], $0x1  }
0x93: {  	_ =	swait.eq [sflag:s15], $0x1  }
0x94: {  	s16 =	sld [smem:$0x12]  }
0x95: {  	s17 =	sld [smem:$0x14];
	[sflag:s15] =	ssyncset.done $0x0  }
0x96: {  	s5 =	sld [smem:$0x15];
	[sflag:s15] =	ssyncadd.s32 $0xFFFFFFFF  }
0x97: {  	s18 =	sld [smem:$0x17];
	(tm) =	ssettm $0x1  }
0x98: {  	s6 =	sld [smem:$0x3FFB];
	_ =	sdelay $0x3  }
0x99: {  	_ =	strace s6  }
0x9a: {  	s6 =	sld [smem:$0x3FFC];
	_ =	sdelay $0x3  }
0x9b: {  	_ =	strace s6  }
0x9c: {  	s6 =	sld [smem:$0x3FFD];
	_ =	sdelay $0x3  }
0x9d: {  	_ =	strace s6  }
0x9e: {  	_ =	strace $0x8FFFFFFF  }
0x9f: {  	s19 =	sld [smem:$0x3FDB];
	_ =	sdelay $0x1  }
0xa0: {  	s7 =	simm.s32 $_scs_section_size  }
0xa1: {  	s8 =	simm.s32 $_size__tile_overlayer_lowered;
	s9 =	simm.s32 $_tile_overlayer_lowered  }
0xa2: {  	s22 =	simm.s32 $0x1BFF;
	s21 =	sshll.u32 s9, $0x1;
	s6 =	sadd.s32 s7, s19  }
0xa3: {  	s10 =	simm.s32 $0x0;
	s20 =	sshll.u32 s8, $0x1;
	s8 =	sadd.s32 s21, s6  }
0xa4: {  	[timem:s10], [sflag:s22] =	dma.local [hbm:s8], s20  }
0xa5: {  	_ =	swait.ge [sflag:s22], s20  }
0xa6: {  	s7 =	ssub.s32 $0x0, s20;
	[sflag:s22] =	ssyncset.done $0x0  }
0xa7: {  	[sflag:s22] =	ssyncadd.s32 s7;
	_ =	sdelay $0x1  }
0xa8: {  	s23 =	simm.s32 $0x1B8B  }
0xa9: {  	_ =	swait.ge [sflag:s23], $0x1  }
0xaa: {  	[sflag:s23] =	ssyncset.done $0x0  }
0xab: {  	s25 =	simm.s32 $0x1B8E;
	s24 =	sld [smem:$0x3FFE];
	[sflag:s23] =	ssyncadd.s32 $0xFFFFFFFF  }
0xac: {  	s26 =	simm.s32 $execute0_lowered;
	[smem:$0x3FD2] =	sst s25  }
0xad: {  	s8 =	sshll.u32 s26, $0x1;
	_ =	strace $0x80000052;
	[dreg:$0x1] =	wrdreg $0xFFFFFFFF  }
0xae: {  	s28 =	simm.s32 $_size_execute0_lowered;
	s6 =	sadd.s32 s6, s8;
	[dreg:$0x0] =	wrdreg $0x0  }
0xaf: {  	s8 =	sshll.u32 s28, $0x1;
	[dreg:$0x2] =	wrdreg s6  }
0xb0: {  	[dreg:$0x3] =	wrdreg s8  }
0xb1: {  	[dreg:$0x4] =	wrdreg $0xC0  }
0xb2: {  	_ =	task [dreg:s10], $0x5FFFF  }
0xb3: {  	[dreg:$0x1] =	wrdreg $0xFFFFFFFF  }
0xb4: {  	[dreg:$0x0] =	wrdreg $0x60  }
0xb5: {  	[dreg:$0x2] =	wrdreg s18  }
0xb6: {  	[dreg:$0x3] =	wrdreg s5  }
0xb7: {  	[dreg:$0x4] =	wrdreg s17  }
0xb8: {  	[dreg:$0x5] =	wrdreg s16  }
0xb9: {  	[dreg:$0x6] =	wrdreg s24  }
0xba: {  	[dreg:$0x7] =	wrdreg $0x9  }
0xbb: {  	_ =	task.clear_ibuf [dreg:s10], $0x8FFFF;
	_ =	strace $0x90000052  }
0xbc: {  	s29 =	simm.s32 $0x9;
	_ =	strace $0x80000054  }
0xbd: {  	_ =	swait.ge [sflag:s29], $0x1  }
0xbe: {  	[sflag:s29] =	ssyncadd.s32 $0xFFFFFFFF  }
0xbf: {  	_ =	strace $0x90000054  }
0xc0: {  	_ =	sfence  }
0xc1: {  	s30 =	sld [smem:$0x0];
	_ =	sdelay $0x2  }
0xc2: {  	s31 =	sshll.u32 s1, $0xD;
	s1 =	sshrl.u32 s1, $0x2  }
0xc3: {  	s3 =	sand.u32 $0x4000, s31;
	s1 =	sadd.s32 s1, s30  }
0xc4: {  	s0 =	sor.u32 s3, s0;
	s1 =	sshll.u32 s1, $0x11  }
0xc5: {  	s0 =	sor.u32 s1, s0  }
0xc6: {  	s0 =	sadd.s32 $0x8F2B, s0  }
0xc7: {  	[sflag:s0] =	ssyncadd.remote.s32 $0x1  }
0xc8: {  	_ =	sfence.sel $0xFFFF  }
0xc9: {  	[dreg:$0x0] =	wrdreg $0xFFFFFFFF;
	(pc) =	sbr.abs _section_cstart, $3  }
0xca: {  	[dreg:$0x1] =	wrdreg $0xFFFFFFFF  }
0xcb: {  	_ =	task.clear_ibuf [dreg:s10], $0x2FFFF;
	_ =	strace $0x9FFFFFFF  }
0xcc: {  	(tm) =	ssettm $0x7FFFFFFF  }
0xcd: {  	_ =	shalt  }
tec
execute0_lowered:
.L_overlay_start_1:
0x0: {  	(tag) =	ssettag $0x1  }
0x1: {  	s1 =	rddreg [dreg:$0x0]  }
0x2: {  	s2 =	rddreg [dreg:$0x1]  }
0x3: {  	s0 =	rddreg [dreg:$0x2]  }
0x4: {  	s3 =	rddreg [dreg:$0x3]  }
0x5: {  	s12 =	rddreg [dreg:$0x4];
	s4 =	srdreg.scid  }
0x6: {  	s20 =	stileid.u32;
	s13 =	sand.u32 $0x1, s4;
	s6 =	sadd.s32 $0x87DA00, s12  }
0x7: {  	s4 =	simm.s32 $0x0;
	s7 =	sadd.s32 $0xA2DA00, s12;
	s8 =	sadd.s32 $0xBDDA00, s12  }
0x8: {  	s9 =	sadd.s32 $0xDA00, s12;
	s5 =	sshll.u32 s13, $0x4;
	[smem:$0x7FF] =	sst s4  }
0x9: {  	s10 =	sadd.s32 $0x1BDA00, s12;
	s14 =	sor.u32 s20, s5;
	_ =	strace $0x80000053  }
0xa: {  	s17 =	ssub.s32 $0x2, s13;
	s5 =	sadd.s32 $0x6CDA00, s12;
	s15 =	sshll.u32 s14, $0x9  }
0xb: {  	s18 =	sshrl.u32 s17, $0x1;
	s19 =	smul.u32 $0xD800, s14;
	s0 =	sadd.s32 s0, s15  }
0xc: {  	s17 =	ssub.s32 s17, s18;
	s18 =	sadd.s32 s3, s15;
	[dreg:$0x6] =	wrdreg s0  }
0xd: {  	s11 =	sadd.s32 $0x36DA00, s12;
	[dreg:$0x7] =	wrdreg s18;
	s22 =	sadd.s32 s5, s19  }
0xe: {  	s24 =	smul.u32 $0x1B, s20;
	s25 =	sadd.s32 s6, s19;
	[dreg:$0x8] =	wrdreg s22  }
0xf: {  	s21 =	smul.u32 $0x1B0, s13;
	s26 =	sadd.s32 s7, s19;
	[dreg:$0x9] =	wrdreg s25  }
0x10: {  	s16 =	sadd.s32 s15, s12;
	s31 =	sadd.s32 s8, s19;
	[dreg:$0xa] =	wrdreg s26  }
0x11: {  	s14 =	smul.u32 $0x6C000, s14;
	s15 =	sadd.s32 $0x9A00, s16;
	[dreg:$0xb] =	wrdreg s31  }
0x12: {  	s12 =	sadd.s32 $0x51DA00, s12;
	s18 =	sadd.s32 $0x5A00, s16;
	[dreg:$0xc] =	wrdreg s15  }
0x13: {  	s23 =	sshrl.u32 s14, $0x3;
	s20 =	sadd.s32 s9, s19;
	[dreg:$0xd] =	wrdreg s18  }
0x14: {  	s0 =	sadd.s32 s24, s21;
	s21 =	sadd.s32 s10, s19;
	[dreg:$0xe] =	wrdreg s20  }
0x15: {  	s14 =	sadd.s32 $0x800, s23;
	[dreg:$0xf] =	wrdreg s21;
	s22 =	sadd.s32 s11, s19  }
0x16: {  	s3 =	sadd.s32 $0xD000, s23;
	s23 =	sadd.s32 s12, s19;
	[dreg:$0x10] =	wrdreg s22  }
0x17: {  	[dreg:$0x11] =	wrdreg s23;
	s24 =	sadd.s32 s5, s14  }
0x18: {  	s25 =	sadd.s32 s6, s14;
	[dreg:$0x12] =	wrdreg s24  }
0x19: {  	s26 =	sadd.s32 s7, s14;
	[dreg:$0x13] =	wrdreg s25  }
0x1a: {  	s31 =	sadd.s32 s8, s14;
	[dreg:$0x14] =	wrdreg s26  }
0x1b: {  	s15 =	sadd.s32 s9, s14;
	[dreg:$0x15] =	wrdreg s31  }
0x1c: {  	s16 =	sadd.s32 s10, s14;
	[dreg:$0x16] =	wrdreg s15  }
0x1d: {  	s18 =	sadd.s32 s11, s14;
	[dreg:$0x17] =	wrdreg s16  }
0x1e: {  	s28 =	simm.s32 $0x2000;
	s19 =	sadd.s32 s12, s14;
	[dreg:$0x18] =	wrdreg s18  }
0x1f: {  	s29 =	simm.s32 $0x6000;
	s20 =	sadd.s32 s5, s3;
	[dreg:$0x19] =	wrdreg s19  }
0x20: {  	s30 =	simm.s32 $0xA000;
	s21 =	sadd.s32 s6, s3;
	[dreg:$0x1a] =	wrdreg s20  }
0x21: {  	s13 =	simm.s32 $0x2;
	s22 =	sadd.s32 s7, s3;
	[dreg:$0x1b] =	wrdreg s21  }
0x22: {  	s0 =	sshll.u32 s0, $0xB;
	s23 =	sadd.s32 s8, s3;
	[dreg:$0x1c] =	wrdreg s22  }
0x23: {  	s14 =	simm.s32 $0xD00;
	[dreg:$0x1d] =	wrdreg s23;
	s24 =	sadd.s32 s9, s3  }
0x24: {  	s25 =	sadd.s32 s10, s3;
	s26 =	sadd.s32 s11, s3;
	[dreg:$0x1e] =	wrdreg s24  }
0x25: {  	s3 =	sadd.s32 s12, s3;
	s31 =	smax.u32 s17, $0x1;
	[dreg:$0x1f] =	wrdreg s25  }
0x26: {  	s22 =	sadd.s32 $0x1000, s0;
	s23 =	sadd.s32 $0x1800, s0;
	[smem:$0x7FB] =	sst s26  }
0x27: {  	s0 =	simm.s32 $0xE000;
	s15 =	simm.s32 $0x1D00;
	[smem:$0x7FC] =	sst s3  }
0x28: {  	s16 =	simm.s32 $0x0;
	[smem:$0x7FD] =	sst s31;
	s24 =	simm.s32 $0x3  }
0x29: {  	s25 =	simm.s32 $0x1000;
	s26 =	simm.s32 $0x80;
	s3 =	simm.s32 $0x1  }
.LBB2_1:
0x2a: {  	s17 =	rddreg [dreg:$0x6]  }
0x2b: {  	[tilespmem:s4], [sflag:$0x3] =	stream.linear.gather [hbm4b:s17+s4], $0x1000, $0x38;
	[tilespmem:$0x12000] =	vst v63  }
0x2c: {  	_ =	swait.ge [sflag:s24], $0x1000  }
0x2d: {  	[sflag:s24] =	ssyncset.done $0x0  }
0x2e: {  	s20 =	rddreg [dreg:$0x7];
	[sflag:s24] =	ssyncadd.s32 $0xFFFFF000  }
0x2f: {  	[tilespmem:s25], [sflag:$0x3] =	stream.linear.gather [hbm4b:s20+s4], $0x1000, $0x38;
	[tilespmem:$0x12000] =	vst v63  }
0x30: {  	_ =	swait.ge [sflag:s24], $0x1000  }
0x31: {  	[sflag:s24] =	ssyncset.done $0x0  }
0x32: {  	[sflag:s24] =	ssyncadd.s32 $0xFFFFF000  }
0x33: {  	[tilespmem:s28], [sflag:$0x1] =	stream.indirect.gather [hbm4b:s1+s26], $0x80, s4, s26, $0xb8;
	[tilespmem:$0x12000] =	vst v63  }
0x34: {  	_ = 	snop  }
0x35: {  	[tilespmem:s29], [sflag:$0x1] =	stream.indirect.gather [hbm4b:s1+s26], $0x80, s25, s26, $0xb8;
	[tilespmem:$0x12000] =	vst v63  }
0x36: {  	_ = 	snop  }
0x37: {  	[tilespmem:s30], [sflag:$0x1] =	stream.indirect.gather [hbm4b:s1+s26], $0x80, s26, s26, $0xb8;
	[tilespmem:$0x12000] =	vst v63  }
0x38: {  	s21 =	simm.s32 $0x1080  }
0x39: {  	[tilespmem:s0], [sflag:$0x1] =	stream.indirect.gather [hbm4b:s1+s26], $0x80, s21, s26, $0xb8;
	[tilespmem:$0x12000] =	vst v63  }
0x3a: {  	_ =	swait.ge [sflag:s3], $0x4000  }
0x3b: {  	[sflag:s3] =	ssyncset.done $0x0  }
0x3c: {  	s31 =	rddreg [dreg:$0x8];
	[sflag:s3] =	ssyncadd.s32 $0xFFFFC000  }
0x3d: {  	[hbm4b:s31+s4] =	stream.linear.scatter [tilespmem:s28], [sflag:$0x2], $0x4000, $0x38;
	[tilespmem:$0x12000] =	vst v63  }
0x3e: {  	_ =	swait.ge [sflag:s3], $0x4000  }
0x3f: {  	[sflag:s3] =	ssyncset.done $0x0  }
0x40: {  	s18 =	rddreg [dreg:$0x9];
	[sflag:s3] =	ssyncadd.s32 $0xFFFFC000  }
0x41: {  	[hbm4b:s18+s4] =	stream.linear.scatter [tilespmem:s29], [sflag:$0x2], $0x4000, $0x38;
	[tilespmem:$0x12000] =	vst v63  }
0x42: {  	_ =	swait.ge [sflag:s3], $0x4000  }
0x43: {  	[sflag:s3] =	ssyncset.done $0x0  }
0x44: {  	s19 =	rddreg [dreg:$0x12];
	[sflag:s3] =	ssyncadd.s32 $0xFFFFC000  }
0x45: {  	[hbm4b:s19+s4] =	stream.linear.scatter [tilespmem:s30], [sflag:$0x2], $0x4000, $0x38;
	[tilespmem:$0x12000] =	vst v63  }
0x46: {  	_ =	swait.ge [sflag:s3], $0x4000  }
0x47: {  	[sflag:s3] =	ssyncset.done $0x0  }
0x48: {  	s20 =	rddreg [dreg:$0x13];
	[sflag:s3] =	ssyncadd.s32 $0xFFFFC000  }
0x49: {  	[hbm4b:s20+s4] =	stream.linear.scatter [tilespmem:s0], [sflag:$0x2], $0x4000, $0x38;
	[tilespmem:$0x12000] =	vst v63  }
0x4a: {  	_ =	swait.ge [sflag:s13], $0x4000  }
0x4b: {  	[sflag:s13] =	ssyncset.done $0x0  }
0x4c: {  	[sflag:s13] =	ssyncadd.s32 $0xFFFFC000  }
0x4d: {  	_ =	swait.ge [sflag:s13], $0x4000  }
0x4e: {  	[sflag:s13] =	ssyncset.done $0x0  }
0x4f: {  	s21 =	simm.s32 $0x100;
	[sflag:s13] =	ssyncadd.s32 $0xFFFFC000  }
0x50: {  	[tilespmem:s28], [sflag:$0x1] =	stream.indirect.gather [hbm4b:s1+s26], $0x80, s21, s26, $0xb8;
	[tilespmem:$0x12000] =	vst v63  }
0x51: {  	s31 =	simm.s32 $0x1100  }
0x52: {  	[tilespmem:s29], [sflag:$0x1] =	stream.indirect.gather [hbm4b:s1+s26], $0x80, s31, s26, $0xb8;
	[tilespmem:$0x12000] =	vst v63  }
0x53: {  	_ =	swait.ge [sflag:s13], $0x4000  }
0x54: {  	[sflag:s13] =	ssyncset.done $0x0  }
0x55: {  	[sflag:s13] =	ssyncadd.s32 $0xFFFFC000  }
0x56: {  	_ =	swait.ge [sflag:s13], $0x4000  }
0x57: {  	[sflag:s13] =	ssyncset.done $0x0  }
0x58: {  	s18 =	simm.s32 $0x180;
	[sflag:s13] =	ssyncadd.s32 $0xFFFFC000  }
0x59: {  	[tilespmem:s30], [sflag:$0x1] =	stream.indirect.gather [hbm4b:s1+s26], $0x80, s18, s26, $0xb8;
	[tilespmem:$0x12000] =	vst v63  }
0x5a: {  	s19 =	simm.s32 $0x1180  }
0x5b: {  	[tilespmem:s0], [sflag:$0x1] =	stream.indirect.gather [hbm4b:s1+s26], $0x80, s19, s26, $0xb8;
	[tilespmem:$0x12000] =	vst v63  }
0x5c: {  	_ =	swait.ge [sflag:s3], $0x4000  }
0x5d: {  	[sflag:s3] =	ssyncset.done $0x0  }
0x5e: {  	s20 =	sadd.s32 s22, s5;
	[sflag:s3] =	ssyncadd.s32 $0xFFFFC000  }
0x5f: {  	[hbm4b:s20+s4] =	stream.linear.scatter [tilespmem:s28], [sflag:$0x2], $0x4000, $0x38;
	[tilespmem:$0x12000] =	vst v63  }
0x60: {  	_ =	swait.ge [sflag:s3], $0x4000  }
0x61: {  	[sflag:s3] =	ssyncset.done $0x0  }
0x62: {  	s21 =	sadd.s32 s22, s6;
	[sflag:s3] =	ssyncadd.s32 $0xFFFFC000  }
0x63: {  	[hbm4b:s21+s4] =	stream.linear.scatter [tilespmem:s29], [sflag:$0x2], $0x4000, $0x38;
	[tilespmem:$0x12000] =	vst v63  }
0x64: {  	_ =	swait.ge [sflag:s3], $0x4000  }
0x65: {  	[sflag:s3] =	ssyncset.done $0x0  }
0x66: {  	s31 =	sadd.s32 s23, s5;
	[sflag:s3] =	ssyncadd.s32 $0xFFFFC000  }
0x67: {  	[hbm4b:s31+s4] =	stream.linear.scatter [tilespmem:s30], [sflag:$0x2], $0x4000, $0x38;
	[tilespmem:$0x12000] =	vst v63  }
0x68: {  	_ =	swait.ge [sflag:s3], $0x4000  }
0x69: {  	s17 =	simm.s32 $0x400;
	s18 =	sadd.s32 $0x1000, s23;
	[sflag:s3] =	ssyncset.done $0x0  }
0x6a: {  	s19 =	sadd.s32 $0x1000, s22;
	s20 =	sadd.s32 s23, s6;
	[sflag:s3] =	ssyncadd.s32 $0xFFFFC000  }
.LBB2_2:
0x6b: {  	[hbm4b:s20+s4] =	stream.linear.scatter [tilespmem:s0], [sflag:$0x2], $0x4000, $0x38;
	[tilespmem:$0x12000] =	vst v63  }
0x6c: {  	s21 =	smov.u32 s17;
	s20 =	smov.u32 s18  }
0x6d: {  	p0 =	sne.s32 s17, $0x2C00;
	s17 =	sadd.s32 $0x400, s17;
	_ =	swait.ge [sflag:s13], $0x4000  }
0x6e: {  	[sflag:s13] =	ssyncset.done $0x0  }
0x6f: {  	[sflag:s13] =	ssyncadd.s32 $0xFFFFC000  }
0x70: {  	_ =	swait.ge [sflag:s13], $0x4000  }
0x71: {  	s21 =	sshra.s32 s21, $0x2;
	[sflag:s13] =	ssyncset.done $0x0  }
0x72: {  	s31 =	sadd.s32 $0x100, s21;
	[sflag:s13] =	ssyncadd.s32 $0xFFFFC000  }
0x73: {  	[tilespmem:s28], [sflag:$0x1] =	stream.indirect.gather [hbm4b:s1+s26], $0x80, s31, s26, $0xb8;
	[tilespmem:$0x12000] =	vst v63  }
0x74: {  	s31 =	sadd.s32 $0x1100, s21  }
0x75: {  	[tilespmem:s29], [sflag:$0x1] =	stream.indirect.gather [hbm4b:s1+s26], $0x80, s31, s26, $0xb8;
	[tilespmem:$0x12000] =	vst v63  }
0x76: {  	_ =	swait.ge [sflag:s13], $0x4000  }
0x77: {  	[sflag:s13] =	ssyncset.done $0x0  }
0x78: {  	[sflag:s13] =	ssyncadd.s32 $0xFFFFC000  }
0x79: {  	_ =	swait.ge [sflag:s13], $0x4000  }
0x7a: {  	[sflag:s13] =	ssyncset.done $0x0  }
0x7b: {  	s31 =	sadd.s32 $0x180, s21;
	[sflag:s13] =	ssyncadd.s32 $0xFFFFC000  }
0x7c: {  	[tilespmem:s30], [sflag:$0x1] =	stream.indirect.gather [hbm4b:s1+s26], $0x80, s31, s26, $0xb8;
	[tilespmem:$0x12000] =	vst v63  }
0x7d: {  	s21 =	sadd.s32 $0x1180, s21  }
0x7e: {  	[tilespmem:s0], [sflag:$0x1] =	stream.indirect.gather [hbm4b:s1+s26], $0x80, s21, s26, $0xb8;
	[tilespmem:$0x12000] =	vst v63  }
0x7f: {  	_ =	swait.ge [sflag:s3], $0x4000  }
0x80: {  	[sflag:s3] =	ssyncset.done $0x0  }
0x81: {  	s21 =	sadd.s32 s19, s5;
	[sflag:s3] =	ssyncadd.s32 $0xFFFFC000  }
0x82: {  	[hbm4b:s21+s4] =	stream.linear.scatter [tilespmem:s28], [sflag:$0x2], $0x4000, $0x38;
	[tilespmem:$0x12000] =	vst v63  }
0x83: {  	_ =	swait.ge [sflag:s3], $0x4000  }
0x84: {  	[sflag:s3] =	ssyncset.done $0x0  }
0x85: {  	s21 =	sadd.s32 s19, s6;
	[sflag:s3] =	ssyncadd.s32 $0xFFFFC000  }
0x86: {  	[hbm4b:s21+s4] =	stream.linear.scatter [tilespmem:s29], [sflag:$0x2], $0x4000, $0x38;
	[tilespmem:$0x12000] =	vst v63  }
0x87: {  	_ =	swait.ge [sflag:s3], $0x4000  }
0x88: {  	[sflag:s3] =	ssyncset.done $0x0  }
.Ltmp0:
0x89: {  	s21 =	sadd.s32 s18, s5;
	[sflag:s3] =	ssyncadd.s32 $0xFFFFC000;
	(pc) =	sbr.rel @p0 .LBB2_2-.Ltmp0, $4  }
0x8a: {  	[hbm4b:s21+s4] =	stream.linear.scatter [tilespmem:s30], [sflag:$0x2], $0x4000, $0x38;
	[tilespmem:$0x12000] =	vst v63  }
0x8b: {  	_ =	swait.ge [sflag:s3], $0x4000  }
0x8c: {  	s18 =	sadd.s32 $0x1000, s18;
	[sflag:s3] =	ssyncset.done $0x0  }
0x8d: {  	s20 =	sadd.s32 s20, s6;
	s19 =	sadd.s32 $0x1000, s19;
	[sflag:s3] =	ssyncadd.s32 $0xFFFFC000  }
0x8e: {  	[hbm4b:s20+s4] =	stream.linear.scatter [tilespmem:s0], [sflag:$0x2], $0x4000, $0x38;
	[tilespmem:$0x12000] =	vst v63  }
0x8f: {  	_ =	swait.ge [sflag:s13], $0x4000  }
0x90: {  	[sflag:s13] =	ssyncset.done $0x0  }
0x91: {  	[sflag:s13] =	ssyncadd.s32 $0xFFFFC000  }
0x92: {  	_ =	swait.ge [sflag:s13], $0x4000  }
0x93: {  	[sflag:s13] =	ssyncset.done $0x0  }
0x94: {  	[sflag:s13] =	ssyncadd.s32 $0xFFFFC000  }
0x95: {  	[tilespmem:s28], [sflag:$0x1] =	stream.indirect.gather [hbm4b:s1+s26], $0x80, s14, s26, $0xb8;
	[tilespmem:$0x12000] =	vst v63  }
0x96: {  	_ = 	snop  }
0x97: {  	[tilespmem:s29], [sflag:$0x1] =	stream.indirect.gather [hbm4b:s1+s26], $0x80, s15, s26, $0xb8;
	[tilespmem:$0x12000] =	vst v63  }
0x98: {  	_ =	swait.ge [sflag:s3], $0x4000  }
0x99: {  	[sflag:s3] =	ssyncset.done $0x0  }
0x9a: {  	s17 =	simm.s32 $0x0;
	s18 =	rddreg [dreg:$0x1a];
	[sflag:s3] =	ssyncadd.s32 $0xFFFFC000  }
0x9b: {  	[hbm4b:s18+s17] =	stream.linear.scatter [tilespmem:s28], [sflag:$0x2], $0x4000, $0x38;
	[tilespmem:$0x12000] =	vst v63  }
0x9c: {  	_ =	swait.ge [sflag:s3], $0x4000  }
0x9d: {  	[sflag:s3] =	ssyncset.done $0x0  }
0x9e: {  	s19 =	rddreg [dreg:$0x1b];
	[sflag:s3] =	ssyncadd.s32 $0xFFFFC000  }
0x9f: {  	[hbm4b:s19+s17] =	stream.linear.scatter [tilespmem:s29], [sflag:$0x2], $0x4000, $0x38;
	[tilespmem:$0x12000] =	vst v63  }
0xa0: {  	_ =	swait.ge [sflag:s13], $0x4000  }
0xa1: {  	[sflag:s13] =	ssyncset.done $0x0  }
0xa2: {  	[sflag:s13] =	ssyncadd.s32 $0xFFFFC000  }
0xa3: {  	_ =	swait.ge [sflag:s13], $0x4000  }
0xa4: {  	[sflag:s13] =	ssyncset.done $0x0  }
0xa5: {  	[sflag:s13] =	ssyncadd.s32 $0xFFFFC000  }
0xa6: {  	_ =	swait.ge [sflag:s13], $0x4000  }
0xa7: {  	[sflag:s13] =	ssyncset.done $0x0  }
0xa8: {  	[sflag:s13] =	ssyncadd.s32 $0xFFFFC000  }
0xa9: {  	_ =	swait.ge [sflag:s13], $0x4000  }
0xaa: {  	[sflag:s13] =	ssyncset.done $0x0  }
0xab: {  	[sflag:s13] =	ssyncadd.s32 $0xFFFFC000  }
0xac: {  	[tilespmem:s28], [sflag:$0x1] =	stream.indirect.gather [hbm4b:s2+s26], $0x80, s17, s26, $0xb8;
	[tilespmem:$0x12000] =	vst v63  }
0xad: {  	_ = 	snop  }
0xae: {  	[tilespmem:s29], [sflag:$0x1] =	stream.indirect.gather [hbm4b:s2+s26], $0x80, s25, s26, $0xb8;
	[tilespmem:$0x12000] =	vst v63  }
0xaf: {  	_ = 	snop  }
0xb0: {  	[tilespmem:s30], [sflag:$0x1] =	stream.indirect.gather [hbm4b:s2+s26], $0x80, s26, s26, $0xb8;
	[tilespmem:$0x12000] =	vst v63  }
0xb1: {  	s20 =	simm.s32 $0x1080  }
0xb2: {  	[tilespmem:s0], [sflag:$0x1] =	stream.indirect.gather [hbm4b:s2+s26], $0x80, s20, s26, $0xb8;
	[tilespmem:$0x12000] =	vst v63  }
0xb3: {  	_ =	swait.ge [sflag:s3], $0x4000  }
0xb4: {  	[sflag:s3] =	ssyncset.done $0x0  }
0xb5: {  	s21 =	rddreg [dreg:$0xa];
	[sflag:s3] =	ssyncadd.s32 $0xFFFFC000  }
0xb6: {  	[hbm4b:s21+s17] =	stream.linear.scatter [tilespmem:s28], [sflag:$0x2], $0x4000, $0x38;
	[tilespmem:$0x12000] =	vst v63  }
0xb7: {  	_ =	swait.ge [sflag:s3], $0x4000  }
0xb8: {  	[sflag:s3] =	ssyncset.done $0x0  }
0xb9: {  	s31 =	rddreg [dreg:$0xb];
	[sflag:s3] =	ssyncadd.s32 $0xFFFFC000  }
0xba: {  	[hbm4b:s31+s17] =	stream.linear.scatter [tilespmem:s29], [sflag:$0x2], $0x4000, $0x38;
	[tilespmem:$0x12000] =	vst v63  }
0xbb: {  	_ =	swait.ge [sflag:s3], $0x4000  }
0xbc: {  	[sflag:s3] =	ssyncset.done $0x0  }
0xbd: {  	s19 =	rddreg [dreg:$0x14];
	[sflag:s3] =	ssyncadd.s32 $0xFFFFC000  }
0xbe: {  	[hbm4b:s19+s17] =	stream.linear.scatter [tilespmem:s30], [sflag:$0x2], $0x4000, $0x38;
	[tilespmem:$0x12000] =	vst v63  }
0xbf: {  	_ =	swait.ge [sflag:s3], $0x4000  }
0xc0: {  	[sflag:s3] =	ssyncset.done $0x0  }
0xc1: {  	s20 =	rddreg [dreg:$0x15];
	[sflag:s3] =	ssyncadd.s32 $0xFFFFC000  }
0xc2: {  	[hbm4b:s20+s17] =	stream.linear.scatter [tilespmem:s0], [sflag:$0x2], $0x4000, $0x38;
	[tilespmem:$0x12000] =	vst v63  }
0xc3: {  	_ =	swait.ge [sflag:s13], $0x4000  }
0xc4: {  	[sflag:s13] =	ssyncset.done $0x0  }
0xc5: {  	[sflag:s13] =	ssyncadd.s32 $0xFFFFC000  }
0xc6: {  	_ =	swait.ge [sflag:s13], $0x4000  }
0xc7: {  	[sflag:s13] =	ssyncset.done $0x0  }
0xc8: {  	s21 =	simm.s32 $0x100;
	[sflag:s13] =	ssyncadd.s32 $0xFFFFC000  }
0xc9: {  	[tilespmem:s28], [sflag:$0x1] =	stream.indirect.gather [hbm4b:s2+s26], $0x80, s21, s26, $0xb8;
	[tilespmem:$0x12000] =	vst v63  }
0xca: {  	s31 =	simm.s32 $0x1100  }
0xcb: {  	[tilespmem:s29], [sflag:$0x1] =	stream.indirect.gather [hbm4b:s2+s26], $0x80, s31, s26, $0xb8;
	[tilespmem:$0x12000] =	vst v63  }
0xcc: {  	_ =	swait.ge [sflag:s13], $0x4000  }
0xcd: {  	[sflag:s13] =	ssyncset.done $0x0  }
0xce: {  	[sflag:s13] =	ssyncadd.s32 $0xFFFFC000  }
0xcf: {  	_ =	swait.ge [sflag:s13], $0x4000  }
0xd0: {  	[sflag:s13] =	ssyncset.done $0x0  }
0xd1: {  	s18 =	simm.s32 $0x180;
	[sflag:s13] =	ssyncadd.s32 $0xFFFFC000  }
0xd2: {  	[tilespmem:s30], [sflag:$0x1] =	stream.indirect.gather [hbm4b:s2+s26], $0x80, s18, s26, $0xb8;
	[tilespmem:$0x12000] =	vst v63  }
0xd3: {  	s19 =	simm.s32 $0x1180  }
0xd4: {  	[tilespmem:s0], [sflag:$0x1] =	stream.indirect.gather [hbm4b:s2+s26], $0x80, s19, s26, $0xb8;
	[tilespmem:$0x12000] =	vst v63  }
0xd5: {  	_ =	swait.ge [sflag:s3], $0x4000  }
0xd6: {  	[sflag:s3] =	ssyncset.done $0x0  }
0xd7: {  	s20 =	sadd.s32 s22, s7;
	[sflag:s3] =	ssyncadd.s32 $0xFFFFC000  }
0xd8: {  	[hbm4b:s20+s4] =	stream.linear.scatter [tilespmem:s28], [sflag:$0x2], $0x4000, $0x38;
	[tilespmem:$0x12000] =	vst v63  }
0xd9: {  	_ =	swait.ge [sflag:s3], $0x4000  }
0xda: {  	[sflag:s3] =	ssyncset.done $0x0  }
0xdb: {  	s21 =	sadd.s32 s22, s8;
	[sflag:s3] =	ssyncadd.s32 $0xFFFFC000  }
0xdc: {  	[hbm4b:s21+s4] =	stream.linear.scatter [tilespmem:s29], [sflag:$0x2], $0x4000, $0x38;
	[tilespmem:$0x12000] =	vst v63  }
0xdd: {  	_ =	swait.ge [sflag:s3], $0x4000  }
0xde: {  	[sflag:s3] =	ssyncset.done $0x0  }
0xdf: {  	s31 =	sadd.s32 s23, s7;
	[sflag:s3] =	ssyncadd.s32 $0xFFFFC000  }
0xe0: {  	[hbm4b:s31+s4] =	stream.linear.scatter [tilespmem:s30], [sflag:$0x2], $0x4000, $0x38;
	[tilespmem:$0x12000] =	vst v63  }
0xe1: {  	_ =	swait.ge [sflag:s3], $0x4000  }
0xe2: {  	s17 =	simm.s32 $0x400;
	s18 =	sadd.s32 $0x1000, s23;
	[sflag:s3] =	ssyncset.done $0x0  }
0xe3: {  	s19 =	sadd.s32 $0x1000, s22;
	s20 =	sadd.s32 s23, s8;
	[sflag:s3] =	ssyncadd.s32 $0xFFFFC000  }
.LBB2_4:
0xe4: {  	[hbm4b:s20+s4] =	stream.linear.scatter [tilespmem:s0], [sflag:$0x2], $0x4000, $0x38;
	[tilespmem:$0x12000] =	vst v63  }
0xe5: {  	s21 =	smov.u32 s17;
	s20 =	smov.u32 s18  }
0xe6: {  	p0 =	sne.s32 s17, $0x2C00;
	s17 =	sadd.s32 $0x400, s17;
	_ =	swait.ge [sflag:s13], $0x4000  }
0xe7: {  	[sflag:s13] =	ssyncset.done $0x0  }
0xe8: {  	[sflag:s13] =	ssyncadd.s32 $0xFFFFC000  }
0xe9: {  	_ =	swait.ge [sflag:s13], $0x4000  }
0xea: {  	s21 =	sshra.s32 s21, $0x2;
	[sflag:s13] =	ssyncset.done $0x0  }
0xeb: {  	s31 =	sadd.s32 $0x100, s21;
	[sflag:s13] =	ssyncadd.s32 $0xFFFFC000  }
0xec: {  	[tilespmem:s28], [sflag:$0x1] =	stream.indirect.gather [hbm4b:s2+s26], $0x80, s31, s26, $0xb8;
	[tilespmem:$0x12000] =	vst v63  }
0xed: {  	s31 =	sadd.s32 $0x1100, s21  }
0xee: {  	[tilespmem:s29], [sflag:$0x1] =	stream.indirect.gather [hbm4b:s2+s26], $0x80, s31, s26, $0xb8;
	[tilespmem:$0x12000] =	vst v63  }
0xef: {  	_ =	swait.ge [sflag:s13], $0x4000  }
0xf0: {  	[sflag:s13] =	ssyncset.done $0x0  }
0xf1: {  	[sflag:s13] =	ssyncadd.s32 $0xFFFFC000  }
0xf2: {  	_ =	swait.ge [sflag:s13], $0x4000  }
0xf3: {  	[sflag:s13] =	ssyncset.done $0x0  }
0xf4: {  	s31 =	sadd.s32 $0x180, s21;
	[sflag:s13] =	ssyncadd.s32 $0xFFFFC000  }
0xf5: {  	[tilespmem:s30], [sflag:$0x1] =	stream.indirect.gather [hbm4b:s2+s26], $0x80, s31, s26, $0xb8;
	[tilespmem:$0x12000] =	vst v63  }
0xf6: {  	s21 =	sadd.s32 $0x1180, s21  }
0xf7: {  	[tilespmem:s0], [sflag:$0x1] =	stream.indirect.gather [hbm4b:s2+s26], $0x80, s21, s26, $0xb8;
	[tilespmem:$0x12000] =	vst v63  }
0xf8: {  	_ =	swait.ge [sflag:s3], $0x4000  }
0xf9: {  	[sflag:s3] =	ssyncset.done $0x0  }
0xfa: {  	s21 =	sadd.s32 s19, s7;
	[sflag:s3] =	ssyncadd.s32 $0xFFFFC000  }
0xfb: {  	[hbm4b:s21+s4] =	stream.linear.scatter [tilespmem:s28], [sflag:$0x2], $0x4000, $0x38;
	[tilespmem:$0x12000] =	vst v63  }
0xfc: {  	_ =	swait.ge [sflag:s3], $0x4000  }
0xfd: {  	[sflag:s3] =	ssyncset.done $0x0  }
0xfe: {  	s21 =	sadd.s32 s19, s8;
	[sflag:s3] =	ssyncadd.s32 $0xFFFFC000  }
0xff: {  	[hbm4b:s21+s4] =	stream.linear.scatter [tilespmem:s29], [sflag:$0x2], $0x4000, $0x38;
	[tilespmem:$0x12000] =	vst v63  }
0x100: {  	_ =	swait.ge [sflag:s3], $0x4000  }
0x101: {  	[sflag:s3] =	ssyncset.done $0x0  }
.Ltmp1:
0x102: {  	s21 =	sadd.s32 s18, s7;
	[sflag:s3] =	ssyncadd.s32 $0xFFFFC000;
	(pc) =	sbr.rel @p0 .LBB2_4-.Ltmp1, $4  }
0x103: {  	[hbm4b:s21+s4] =	stream.linear.scatter [tilespmem:s30], [sflag:$0x2], $0x4000, $0x38;
	[tilespmem:$0x12000] =	vst v63  }
0x104: {  	_ =	swait.ge [sflag:s3], $0x4000  }
0x105: {  	s18 =	sadd.s32 $0x1000, s18;
	[sflag:s3] =	ssyncset.done $0x0  }
0x106: {  	s20 =	sadd.s32 s20, s8;
	s19 =	sadd.s32 $0x1000, s19;
	[sflag:s3] =	ssyncadd.s32 $0xFFFFC000  }
0x107: {  	[hbm4b:s20+s4] =	stream.linear.scatter [tilespmem:s0], [sflag:$0x2], $0x4000, $0x38;
	[tilespmem:$0x12000] =	vst v63  }
0x108: {  	_ =	swait.ge [sflag:s13], $0x4000  }
0x109: {  	[sflag:s13] =	ssyncset.done $0x0  }
0x10a: {  	[sflag:s13] =	ssyncadd.s32 $0xFFFFC000  }
0x10b: {  	_ =	swait.ge [sflag:s13], $0x4000  }
0x10c: {  	[sflag:s13] =	ssyncset.done $0x0  }
0x10d: {  	[sflag:s13] =	ssyncadd.s32 $0xFFFFC000  }
0x10e: {  	[tilespmem:s28], [sflag:$0x1] =	stream.indirect.gather [hbm4b:s2+s26], $0x80, s14, s26, $0xb8;
	[tilespmem:$0x12000] =	vst v63  }
0x10f: {  	_ = 	snop  }
0x110: {  	[tilespmem:s29], [sflag:$0x1] =	stream.indirect.gather [hbm4b:s2+s26], $0x80, s15, s26, $0xb8;
	[tilespmem:$0x12000] =	vst v63  }
0x111: {  	_ =	swait.ge [sflag:s3], $0x4000  }
0x112: {  	[sflag:s3] =	ssyncset.done $0x0  }
0x113: {  	s17 =	simm.s32 $0x0;
	s18 =	rddreg [dreg:$0x1c];
	[sflag:s3] =	ssyncadd.s32 $0xFFFFC000  }
0x114: {  	[hbm4b:s18+s17] =	stream.linear.scatter [tilespmem:s28], [sflag:$0x2], $0x4000, $0x38;
	[tilespmem:$0x12000] =	vst v63  }
0x115: {  	_ =	swait.ge [sflag:s3], $0x4000  }
0x116: {  	[sflag:s3] =	ssyncset.done $0x0  }
0x117: {  	s21 =	rddreg [dreg:$0x1d];
	[sflag:s3] =	ssyncadd.s32 $0xFFFFC000  }
0x118: {  	[hbm4b:s21+s17] =	stream.linear.scatter [tilespmem:s29], [sflag:$0x2], $0x4000, $0x38;
	[tilespmem:$0x12000] =	vst v63  }
0x119: {  	_ =	swait.ge [sflag:s13], $0x4000  }
0x11a: {  	[sflag:s13] =	ssyncset.done $0x0  }
0x11b: {  	[sflag:s13] =	ssyncadd.s32 $0xFFFFC000  }
0x11c: {  	_ =	swait.ge [sflag:s13], $0x4000  }
0x11d: {  	[sflag:s13] =	ssyncset.done $0x0  }
0x11e: {  	[sflag:s13] =	ssyncadd.s32 $0xFFFFC000  }
0x11f: {  	_ =	swait.ge [sflag:s13], $0x4000  }
0x120: {  	[sflag:s13] =	ssyncset.done $0x0  }
0x121: {  	[sflag:s13] =	ssyncadd.s32 $0xFFFFC000  }
0x122: {  	_ =	swait.ge [sflag:s13], $0x4000  }
0x123: {  	[sflag:s13] =	ssyncset.done $0x0  }
0x124: {  	s31 =	rddreg [dreg:$0xc];
	[sflag:s13] =	ssyncadd.s32 $0xFFFFC000  }
0x125: {  	[tilespmem:s17], [sflag:$0x3] =	stream.linear.gather [hbm4b:s31+s17], $0x1000, $0x38;
	[tilespmem:$0x12000] =	vst v63  }
0x126: {  	_ =	swait.ge [sflag:s24], $0x1000  }
0x127: {  	[sflag:s24] =	ssyncset.done $0x0  }
0x128: {  	s19 =	rddreg [dreg:$0xd];
	[sflag:s24] =	ssyncadd.s32 $0xFFFFF000  }
0x129: {  	[tilespmem:s25], [sflag:$0x3] =	stream.linear.gather [hbm4b:s19+s17], $0x1000, $0x38;
	[tilespmem:$0x12000] =	vst v63  }
0x12a: {  	_ =	swait.ge [sflag:s24], $0x1000  }
0x12b: {  	[sflag:s24] =	ssyncset.done $0x0  }
0x12c: {  	[sflag:s24] =	ssyncadd.s32 $0xFFFFF000  }
0x12d: {  	[tilespmem:s28], [sflag:$0x1] =	stream.indirect.gather [hbm4b:s1+s26], $0x80, s17, s26, $0xb8;
	[tilespmem:$0x12000] =	vst v63  }
0x12e: {  	_ = 	snop  }
0x12f: {  	[tilespmem:s29], [sflag:$0x1] =	stream.indirect.gather [hbm4b:s1+s26], $0x80, s25, s26, $0xb8;
	[tilespmem:$0x12000] =	vst v63  }
0x130: {  	_ = 	snop  }
0x131: {  	[tilespmem:s30], [sflag:$0x1] =	stream.indirect.gather [hbm4b:s1+s26], $0x80, s26, s26, $0xb8;
	[tilespmem:$0x12000] =	vst v63  }
0x132: {  	s20 =	simm.s32 $0x1080  }
0x133: {  	[tilespmem:s0], [sflag:$0x1] =	stream.indirect.gather [hbm4b:s1+s26], $0x80, s20, s26, $0xb8;
	[tilespmem:$0x12000] =	vst v63  }
0x134: {  	_ =	swait.ge [sflag:s3], $0x4000  }
0x135: {  	[sflag:s3] =	ssyncset.done $0x0  }
0x136: {  	s21 =	rddreg [dreg:$0xe];
	[sflag:s3] =	ssyncadd.s32 $0xFFFFC000  }
0x137: {  	[hbm4b:s21+s17] =	stream.linear.scatter [tilespmem:s28], [sflag:$0x2], $0x4000, $0x38;
	[tilespmem:$0x12000] =	vst v63  }
0x138: {  	_ =	swait.ge [sflag:s3], $0x4000  }
0x139: {  	[sflag:s3] =	ssyncset.done $0x0  }
0x13a: {  	s31 =	rddreg [dreg:$0xf];
	[sflag:s3] =	ssyncadd.s32 $0xFFFFC000  }
0x13b: {  	[hbm4b:s31+s17] =	stream.linear.scatter [tilespmem:s29], [sflag:$0x2], $0x4000, $0x38;
	[tilespmem:$0x12000] =	vst v63  }
0x13c: {  	_ =	swait.ge [sflag:s3], $0x4000  }
0x13d: {  	[sflag:s3] =	ssyncset.done $0x0  }
0x13e: {  	s19 =	rddreg [dreg:$0x16];
	[sflag:s3] =	ssyncadd.s32 $0xFFFFC000  }
0x13f: {  	[hbm4b:s19+s17] =	stream.linear.scatter [tilespmem:s30], [sflag:$0x2], $0x4000, $0x38;
	[tilespmem:$0x12000] =	vst v63  }
0x140: {  	_ =	swait.ge [sflag:s3], $0x4000  }
0x141: {  	[sflag:s3] =	ssyncset.done $0x0  }
0x142: {  	s20 =	rddreg [dreg:$0x17];
	[sflag:s3] =	ssyncadd.s32 $0xFFFFC000  }
0x143: {  	[hbm4b:s20+s17] =	stream.linear.scatter [tilespmem:s0], [sflag:$0x2], $0x4000, $0x38;
	[tilespmem:$0x12000] =	vst v63  }
0x144: {  	_ =	swait.ge [sflag:s13], $0x4000  }
0x145: {  	[sflag:s13] =	ssyncset.done $0x0  }
0x146: {  	[sflag:s13] =	ssyncadd.s32 $0xFFFFC000  }
0x147: {  	_ =	swait.ge [sflag:s13], $0x4000  }
0x148: {  	[sflag:s13] =	ssyncset.done $0x0  }
0x149: {  	s21 =	simm.s32 $0x100;
	[sflag:s13] =	ssyncadd.s32 $0xFFFFC000  }
0x14a: {  	[tilespmem:s28], [sflag:$0x1] =	stream.indirect.gather [hbm4b:s1+s26], $0x80, s21, s26, $0xb8;
	[tilespmem:$0x12000] =	vst v63  }
0x14b: {  	s31 =	simm.s32 $0x1100  }
0x14c: {  	[tilespmem:s29], [sflag:$0x1] =	stream.indirect.gather [hbm4b:s1+s26], $0x80, s31, s26, $0xb8;
	[tilespmem:$0x12000] =	vst v63  }
0x14d: {  	_ =	swait.ge [sflag:s13], $0x4000  }
0x14e: {  	[sflag:s13] =	ssyncset.done $0x0  }
0x14f: {  	[sflag:s13] =	ssyncadd.s32 $0xFFFFC000  }
0x150: {  	_ =	swait.ge [sflag:s13], $0x4000  }
0x151: {  	[sflag:s13] =	ssyncset.done $0x0  }
0x152: {  	s18 =	simm.s32 $0x180;
	[sflag:s13] =	ssyncadd.s32 $0xFFFFC000  }
0x153: {  	[tilespmem:s30], [sflag:$0x1] =	stream.indirect.gather [hbm4b:s1+s26], $0x80, s18, s26, $0xb8;
	[tilespmem:$0x12000] =	vst v63  }
0x154: {  	s19 =	simm.s32 $0x1180  }
0x155: {  	[tilespmem:s0], [sflag:$0x1] =	stream.indirect.gather [hbm4b:s1+s26], $0x80, s19, s26, $0xb8;
	[tilespmem:$0x12000] =	vst v63  }
0x156: {  	_ =	swait.ge [sflag:s3], $0x4000  }
0x157: {  	[sflag:s3] =	ssyncset.done $0x0  }
0x158: {  	s20 =	sadd.s32 s22, s9;
	[sflag:s3] =	ssyncadd.s32 $0xFFFFC000  }
0x159: {  	[hbm4b:s20+s4] =	stream.linear.scatter [tilespmem:s28], [sflag:$0x2], $0x4000, $0x38;
	[tilespmem:$0x12000] =	vst v63  }
0x15a: {  	_ =	swait.ge [sflag:s3], $0x4000  }
0x15b: {  	[sflag:s3] =	ssyncset.done $0x0  }
0x15c: {  	s21 =	sadd.s32 s22, s10;
	[sflag:s3] =	ssyncadd.s32 $0xFFFFC000  }
0x15d: {  	[hbm4b:s21+s4] =	stream.linear.scatter [tilespmem:s29], [sflag:$0x2], $0x4000, $0x38;
	[tilespmem:$0x12000] =	vst v63  }
0x15e: {  	_ =	swait.ge [sflag:s3], $0x4000  }
0x15f: {  	[sflag:s3] =	ssyncset.done $0x0  }
0x160: {  	s31 =	sadd.s32 s23, s9;
	[sflag:s3] =	ssyncadd.s32 $0xFFFFC000  }
0x161: {  	[hbm4b:s31+s4] =	stream.linear.scatter [tilespmem:s30], [sflag:$0x2], $0x4000, $0x38;
	[tilespmem:$0x12000] =	vst v63  }
0x162: {  	_ =	swait.ge [sflag:s3], $0x4000  }
0x163: {  	s17 =	simm.s32 $0x400;
	s18 =	sadd.s32 $0x1000, s23;
	[sflag:s3] =	ssyncset.done $0x0  }
0x164: {  	s19 =	sadd.s32 $0x1000, s22;
	s20 =	sadd.s32 s23, s10;
	[sflag:s3] =	ssyncadd.s32 $0xFFFFC000  }
.LBB2_6:
0x165: {  	[hbm4b:s20+s4] =	stream.linear.scatter [tilespmem:s0], [sflag:$0x2], $0x4000, $0x38;
	[tilespmem:$0x12000] =	vst v63  }
0x166: {  	s21 =	smov.u32 s17;
	s20 =	smov.u32 s18  }
0x167: {  	p0 =	sne.s32 s17, $0x2C00;
	s17 =	sadd.s32 $0x400, s17;
	_ =	swait.ge [sflag:s13], $0x4000  }
0x168: {  	[sflag:s13] =	ssyncset.done $0x0  }
0x169: {  	[sflag:s13] =	ssyncadd.s32 $0xFFFFC000  }
0x16a: {  	_ =	swait.ge [sflag:s13], $0x4000  }
0x16b: {  	s21 =	sshra.s32 s21, $0x2;
	[sflag:s13] =	ssyncset.done $0x0  }
0x16c: {  	s31 =	sadd.s32 $0x100, s21;
	[sflag:s13] =	ssyncadd.s32 $0xFFFFC000  }
0x16d: {  	[tilespmem:s28], [sflag:$0x1] =	stream.indirect.gather [hbm4b:s1+s26], $0x80, s31, s26, $0xb8;
	[tilespmem:$0x12000] =	vst v63  }
0x16e: {  	s31 =	sadd.s32 $0x1100, s21  }
0x16f: {  	[tilespmem:s29], [sflag:$0x1] =	stream.indirect.gather [hbm4b:s1+s26], $0x80, s31, s26, $0xb8;
	[tilespmem:$0x12000] =	vst v63  }
0x170: {  	_ =	swait.ge [sflag:s13], $0x4000  }
0x171: {  	[sflag:s13] =	ssyncset.done $0x0  }
0x172: {  	[sflag:s13] =	ssyncadd.s32 $0xFFFFC000  }
0x173: {  	_ =	swait.ge [sflag:s13], $0x4000  }
0x174: {  	[sflag:s13] =	ssyncset.done $0x0  }
0x175: {  	s31 =	sadd.s32 $0x180, s21;
	[sflag:s13] =	ssyncadd.s32 $0xFFFFC000  }
0x176: {  	[tilespmem:s30], [sflag:$0x1] =	stream.indirect.gather [hbm4b:s1+s26], $0x80, s31, s26, $0xb8;
	[tilespmem:$0x12000] =	vst v63  }
0x177: {  	s21 =	sadd.s32 $0x1180, s21  }
0x178: {  	[tilespmem:s0], [sflag:$0x1] =	stream.indirect.gather [hbm4b:s1+s26], $0x80, s21, s26, $0xb8;
	[tilespmem:$0x12000] =	vst v63  }
0x179: {  	_ =	swait.ge [sflag:s3], $0x4000  }
0x17a: {  	[sflag:s3] =	ssyncset.done $0x0  }
0x17b: {  	s21 =	sadd.s32 s19, s9;
	[sflag:s3] =	ssyncadd.s32 $0xFFFFC000  }
0x17c: {  	[hbm4b:s21+s4] =	stream.linear.scatter [tilespmem:s28], [sflag:$0x2], $0x4000, $0x38;
	[tilespmem:$0x12000] =	vst v63  }
0x17d: {  	_ =	swait.ge [sflag:s3], $0x4000  }
0x17e: {  	[sflag:s3] =	ssyncset.done $0x0  }
0x17f: {  	s21 =	sadd.s32 s19, s10;
	[sflag:s3] =	ssyncadd.s32 $0xFFFFC000  }
0x180: {  	[hbm4b:s21+s4] =	stream.linear.scatter [tilespmem:s29], [sflag:$0x2], $0x4000, $0x38;
	[tilespmem:$0x12000] =	vst v63  }
0x181: {  	_ =	swait.ge [sflag:s3], $0x4000  }
0x182: {  	[sflag:s3] =	ssyncset.done $0x0  }
.Ltmp2:
0x183: {  	s21 =	sadd.s32 s18, s9;
	[sflag:s3] =	ssyncadd.s32 $0xFFFFC000;
	(pc) =	sbr.rel @p0 .LBB2_6-.Ltmp2, $4  }
0x184: {  	[hbm4b:s21+s4] =	stream.linear.scatter [tilespmem:s30], [sflag:$0x2], $0x4000, $0x38;
	[tilespmem:$0x12000] =	vst v63  }
0x185: {  	_ =	swait.ge [sflag:s3], $0x4000  }
0x186: {  	s18 =	sadd.s32 $0x1000, s18;
	[sflag:s3] =	ssyncset.done $0x0  }
0x187: {  	s20 =	sadd.s32 s20, s10;
	s19 =	sadd.s32 $0x1000, s19;
	[sflag:s3] =	ssyncadd.s32 $0xFFFFC000  }
0x188: {  	[hbm4b:s20+s4] =	stream.linear.scatter [tilespmem:s0], [sflag:$0x2], $0x4000, $0x38;
	[tilespmem:$0x12000] =	vst v63  }
0x189: {  	_ =	swait.ge [sflag:s13], $0x4000  }
0x18a: {  	[sflag:s13] =	ssyncset.done $0x0  }
0x18b: {  	[sflag:s13] =	ssyncadd.s32 $0xFFFFC000  }
0x18c: {  	_ =	swait.ge [sflag:s13], $0x4000  }
0x18d: {  	[sflag:s13] =	ssyncset.done $0x0  }
0x18e: {  	[sflag:s13] =	ssyncadd.s32 $0xFFFFC000  }
0x18f: {  	[tilespmem:s28], [sflag:$0x1] =	stream.indirect.gather [hbm4b:s1+s26], $0x80, s14, s26, $0xb8;
	[tilespmem:$0x12000] =	vst v63  }
0x190: {  	_ = 	snop  }
0x191: {  	[tilespmem:s29], [sflag:$0x1] =	stream.indirect.gather [hbm4b:s1+s26], $0x80, s15, s26, $0xb8;
	[tilespmem:$0x12000] =	vst v63  }
0x192: {  	_ =	swait.ge [sflag:s3], $0x4000  }
0x193: {  	[sflag:s3] =	ssyncset.done $0x0  }
0x194: {  	s17 =	simm.s32 $0x0;
	s18 =	rddreg [dreg:$0x1e];
	[sflag:s3] =	ssyncadd.s32 $0xFFFFC000  }
0x195: {  	[hbm4b:s18+s17] =	stream.linear.scatter [tilespmem:s28], [sflag:$0x2], $0x4000, $0x38;
	[tilespmem:$0x12000] =	vst v63  }
0x196: {  	_ =	swait.ge [sflag:s3], $0x4000  }
0x197: {  	[sflag:s3] =	ssyncset.done $0x0  }
0x198: {  	s19 =	rddreg [dreg:$0x1f];
	[sflag:s3] =	ssyncadd.s32 $0xFFFFC000  }
0x199: {  	[hbm4b:s19+s17] =	stream.linear.scatter [tilespmem:s29], [sflag:$0x2], $0x4000, $0x38;
	[tilespmem:$0x12000] =	vst v63  }
0x19a: {  	_ =	swait.ge [sflag:s13], $0x4000  }
0x19b: {  	[sflag:s13] =	ssyncset.done $0x0  }
0x19c: {  	[sflag:s13] =	ssyncadd.s32 $0xFFFFC000  }
0x19d: {  	_ =	swait.ge [sflag:s13], $0x4000  }
0x19e: {  	[sflag:s13] =	ssyncset.done $0x0  }
0x19f: {  	[sflag:s13] =	ssyncadd.s32 $0xFFFFC000  }
0x1a0: {  	_ =	swait.ge [sflag:s13], $0x4000  }
0x1a1: {  	[sflag:s13] =	ssyncset.done $0x0  }
0x1a2: {  	[sflag:s13] =	ssyncadd.s32 $0xFFFFC000  }
0x1a3: {  	_ =	swait.ge [sflag:s13], $0x4000  }
0x1a4: {  	[sflag:s13] =	ssyncset.done $0x0  }
0x1a5: {  	[sflag:s13] =	ssyncadd.s32 $0xFFFFC000  }
0x1a6: {  	[tilespmem:s28], [sflag:$0x1] =	stream.indirect.gather [hbm4b:s2+s26], $0x80, s17, s26, $0xb8;
	[tilespmem:$0x12000] =	vst v63  }
0x1a7: {  	_ = 	snop  }
0x1a8: {  	[tilespmem:s29], [sflag:$0x1] =	stream.indirect.gather [hbm4b:s2+s26], $0x80, s25, s26, $0xb8;
	[tilespmem:$0x12000] =	vst v63  }
0x1a9: {  	_ = 	snop  }
0x1aa: {  	[tilespmem:s30], [sflag:$0x1] =	stream.indirect.gather [hbm4b:s2+s26], $0x80, s26, s26, $0xb8;
	[tilespmem:$0x12000] =	vst v63  }
0x1ab: {  	s20 =	simm.s32 $0x1080  }
0x1ac: {  	[tilespmem:s0], [sflag:$0x1] =	stream.indirect.gather [hbm4b:s2+s26], $0x80, s20, s26, $0xb8;
	[tilespmem:$0x12000] =	vst v63  }
0x1ad: {  	_ =	swait.ge [sflag:s3], $0x4000  }
0x1ae: {  	[sflag:s3] =	ssyncset.done $0x0  }
0x1af: {  	s21 =	rddreg [dreg:$0x10];
	[sflag:s3] =	ssyncadd.s32 $0xFFFFC000  }
0x1b0: {  	[hbm4b:s21+s17] =	stream.linear.scatter [tilespmem:s28], [sflag:$0x2], $0x4000, $0x38;
	[tilespmem:$0x12000] =	vst v63  }
0x1b1: {  	_ =	swait.ge [sflag:s3], $0x4000  }
0x1b2: {  	[sflag:s3] =	ssyncset.done $0x0  }
0x1b3: {  	s31 =	rddreg [dreg:$0x11];
	[sflag:s3] =	ssyncadd.s32 $0xFFFFC000  }
0x1b4: {  	[hbm4b:s31+s17] =	stream.linear.scatter [tilespmem:s29], [sflag:$0x2], $0x4000, $0x38;
	[tilespmem:$0x12000] =	vst v63  }
0x1b5: {  	_ =	swait.ge [sflag:s3], $0x4000  }
0x1b6: {  	[sflag:s3] =	ssyncset.done $0x0  }
0x1b7: {  	s19 =	rddreg [dreg:$0x18];
	[sflag:s3] =	ssyncadd.s32 $0xFFFFC000  }
0x1b8: {  	[hbm4b:s19+s17] =	stream.linear.scatter [tilespmem:s30], [sflag:$0x2], $0x4000, $0x38;
	[tilespmem:$0x12000] =	vst v63  }
0x1b9: {  	_ =	swait.ge [sflag:s3], $0x4000  }
0x1ba: {  	[sflag:s3] =	ssyncset.done $0x0  }
0x1bb: {  	s20 =	rddreg [dreg:$0x19];
	[sflag:s3] =	ssyncadd.s32 $0xFFFFC000  }
0x1bc: {  	[hbm4b:s20+s17] =	stream.linear.scatter [tilespmem:s0], [sflag:$0x2], $0x4000, $0x38;
	[tilespmem:$0x12000] =	vst v63  }
0x1bd: {  	_ =	swait.ge [sflag:s13], $0x4000  }
0x1be: {  	[sflag:s13] =	ssyncset.done $0x0  }
0x1bf: {  	[sflag:s13] =	ssyncadd.s32 $0xFFFFC000  }
0x1c0: {  	_ =	swait.ge [sflag:s13], $0x4000  }
0x1c1: {  	[sflag:s13] =	ssyncset.done $0x0  }
0x1c2: {  	s21 =	simm.s32 $0x100;
	[sflag:s13] =	ssyncadd.s32 $0xFFFFC000  }
0x1c3: {  	[tilespmem:s28], [sflag:$0x1] =	stream.indirect.gather [hbm4b:s2+s26], $0x80, s21, s26, $0xb8;
	[tilespmem:$0x12000] =	vst v63  }
0x1c4: {  	s31 =	simm.s32 $0x1100  }
0x1c5: {  	[tilespmem:s29], [sflag:$0x1] =	stream.indirect.gather [hbm4b:s2+s26], $0x80, s31, s26, $0xb8;
	[tilespmem:$0x12000] =	vst v63  }
0x1c6: {  	_ =	swait.ge [sflag:s13], $0x4000  }
0x1c7: {  	[sflag:s13] =	ssyncset.done $0x0  }
0x1c8: {  	[sflag:s13] =	ssyncadd.s32 $0xFFFFC000  }
0x1c9: {  	_ =	swait.ge [sflag:s13], $0x4000  }
0x1ca: {  	[sflag:s13] =	ssyncset.done $0x0  }
0x1cb: {  	s18 =	simm.s32 $0x180;
	[sflag:s13] =	ssyncadd.s32 $0xFFFFC000  }
0x1cc: {  	[tilespmem:s30], [sflag:$0x1] =	stream.indirect.gather [hbm4b:s2+s26], $0x80, s18, s26, $0xb8;
	[tilespmem:$0x12000] =	vst v63  }
0x1cd: {  	s19 =	simm.s32 $0x1180  }
0x1ce: {  	[tilespmem:s0], [sflag:$0x1] =	stream.indirect.gather [hbm4b:s2+s26], $0x80, s19, s26, $0xb8;
	[tilespmem:$0x12000] =	vst v63  }
0x1cf: {  	_ =	swait.ge [sflag:s3], $0x4000  }
0x1d0: {  	[sflag:s3] =	ssyncset.done $0x0  }
0x1d1: {  	s20 =	sadd.s32 s22, s11;
	[sflag:s3] =	ssyncadd.s32 $0xFFFFC000  }
0x1d2: {  	[hbm4b:s20+s4] =	stream.linear.scatter [tilespmem:s28], [sflag:$0x2], $0x4000, $0x38;
	[tilespmem:$0x12000] =	vst v63  }
0x1d3: {  	_ =	swait.ge [sflag:s3], $0x4000  }
0x1d4: {  	[sflag:s3] =	ssyncset.done $0x0  }
0x1d5: {  	s21 =	sadd.s32 s22, s12;
	[sflag:s3] =	ssyncadd.s32 $0xFFFFC000  }
0x1d6: {  	[hbm4b:s21+s4] =	stream.linear.scatter [tilespmem:s29], [sflag:$0x2], $0x4000, $0x38;
	[tilespmem:$0x12000] =	vst v63  }
0x1d7: {  	_ =	swait.ge [sflag:s3], $0x4000  }
0x1d8: {  	[sflag:s3] =	ssyncset.done $0x0  }
0x1d9: {  	s31 =	sadd.s32 s23, s11;
	[sflag:s3] =	ssyncadd.s32 $0xFFFFC000  }
0x1da: {  	[hbm4b:s31+s4] =	stream.linear.scatter [tilespmem:s30], [sflag:$0x2], $0x4000, $0x38;
	[tilespmem:$0x12000] =	vst v63  }
0x1db: {  	_ =	swait.ge [sflag:s3], $0x4000  }
0x1dc: {  	s17 =	simm.s32 $0x400;
	s18 =	sadd.s32 $0x1000, s23;
	[sflag:s3] =	ssyncset.done $0x0  }
0x1dd: {  	s19 =	sadd.s32 $0x1000, s22;
	s20 =	sadd.s32 s23, s12;
	[sflag:s3] =	ssyncadd.s32 $0xFFFFC000  }
.LBB2_8:
0x1de: {  	[hbm4b:s20+s4] =	stream.linear.scatter [tilespmem:s0], [sflag:$0x2], $0x4000, $0x38;
	[tilespmem:$0x12000] =	vst v63  }
0x1df: {  	s21 =	smov.u32 s17;
	s20 =	smov.u32 s18  }
0x1e0: {  	p0 =	sne.s32 s17, $0x2C00;
	s17 =	sadd.s32 $0x400, s17;
	_ =	swait.ge [sflag:s13], $0x4000  }
0x1e1: {  	[sflag:s13] =	ssyncset.done $0x0  }
0x1e2: {  	[sflag:s13] =	ssyncadd.s32 $0xFFFFC000  }
0x1e3: {  	_ =	swait.ge [sflag:s13], $0x4000  }
0x1e4: {  	s21 =	sshra.s32 s21, $0x2;
	[sflag:s13] =	ssyncset.done $0x0  }
0x1e5: {  	s31 =	sadd.s32 $0x100, s21;
	[sflag:s13] =	ssyncadd.s32 $0xFFFFC000  }
0x1e6: {  	[tilespmem:s28], [sflag:$0x1] =	stream.indirect.gather [hbm4b:s2+s26], $0x80, s31, s26, $0xb8;
	[tilespmem:$0x12000] =	vst v63  }
0x1e7: {  	s31 =	sadd.s32 $0x1100, s21  }
0x1e8: {  	[tilespmem:s29], [sflag:$0x1] =	stream.indirect.gather [hbm4b:s2+s26], $0x80, s31, s26, $0xb8;
	[tilespmem:$0x12000] =	vst v63  }
0x1e9: {  	_ =	swait.ge [sflag:s13], $0x4000  }
0x1ea: {  	[sflag:s13] =	ssyncset.done $0x0  }
0x1eb: {  	[sflag:s13] =	ssyncadd.s32 $0xFFFFC000  }
0x1ec: {  	_ =	swait.ge [sflag:s13], $0x4000  }
0x1ed: {  	[sflag:s13] =	ssyncset.done $0x0  }
0x1ee: {  	s31 =	sadd.s32 $0x180, s21;
	[sflag:s13] =	ssyncadd.s32 $0xFFFFC000  }
0x1ef: {  	[tilespmem:s30], [sflag:$0x1] =	stream.indirect.gather [hbm4b:s2+s26], $0x80, s31, s26, $0xb8;
	[tilespmem:$0x12000] =	vst v63  }
0x1f0: {  	s21 =	sadd.s32 $0x1180, s21  }
0x1f1: {  	[tilespmem:s0], [sflag:$0x1] =	stream.indirect.gather [hbm4b:s2+s26], $0x80, s21, s26, $0xb8;
	[tilespmem:$0x12000] =	vst v63  }
0x1f2: {  	_ =	swait.ge [sflag:s3], $0x4000  }
0x1f3: {  	[sflag:s3] =	ssyncset.done $0x0  }
0x1f4: {  	s21 =	sadd.s32 s19, s11;
	[sflag:s3] =	ssyncadd.s32 $0xFFFFC000  }
0x1f5: {  	[hbm4b:s21+s4] =	stream.linear.scatter [tilespmem:s28], [sflag:$0x2], $0x4000, $0x38;
	[tilespmem:$0x12000] =	vst v63  }
0x1f6: {  	_ =	swait.ge [sflag:s3], $0x4000  }
0x1f7: {  	[sflag:s3] =	ssyncset.done $0x0  }
0x1f8: {  	s21 =	sadd.s32 s19, s12;
	[sflag:s3] =	ssyncadd.s32 $0xFFFFC000  }
0x1f9: {  	[hbm4b:s21+s4] =	stream.linear.scatter [tilespmem:s29], [sflag:$0x2], $0x4000, $0x38;
	[tilespmem:$0x12000] =	vst v63  }
0x1fa: {  	_ =	swait.ge [sflag:s3], $0x4000  }
0x1fb: {  	[sflag:s3] =	ssyncset.done $0x0  }
.Ltmp3:
0x1fc: {  	s21 =	sadd.s32 s18, s11;
	[sflag:s3] =	ssyncadd.s32 $0xFFFFC000;
	(pc) =	sbr.rel @p0 .LBB2_8-.Ltmp3, $4  }
0x1fd: {  	[hbm4b:s21+s4] =	stream.linear.scatter [tilespmem:s30], [sflag:$0x2], $0x4000, $0x38;
	[tilespmem:$0x12000] =	vst v63  }
0x1fe: {  	_ =	swait.ge [sflag:s3], $0x4000  }
0x1ff: {  	s18 =	sadd.s32 $0x1000, s18;
	[sflag:s3] =	ssyncset.done $0x0  }
0x200: {  	s20 =	sadd.s32 s20, s12;
	s19 =	sadd.s32 $0x1000, s19;
	[sflag:s3] =	ssyncadd.s32 $0xFFFFC000  }
0x201: {  	[hbm4b:s20+s4] =	stream.linear.scatter [tilespmem:s0], [sflag:$0x2], $0x4000, $0x38;
	[tilespmem:$0x12000] =	vst v63  }
0x202: {  	_ =	swait.ge [sflag:s13], $0x4000  }
0x203: {  	[sflag:s13] =	ssyncset.done $0x0  }
0x204: {  	[sflag:s13] =	ssyncadd.s32 $0xFFFFC000  }
0x205: {  	_ =	swait.ge [sflag:s13], $0x4000  }
0x206: {  	[sflag:s13] =	ssyncset.done $0x0  }
0x207: {  	[sflag:s13] =	ssyncadd.s32 $0xFFFFC000  }
0x208: {  	[tilespmem:s28], [sflag:$0x1] =	stream.indirect.gather [hbm4b:s2+s26], $0x80, s14, s26, $0xb8;
	[tilespmem:$0x12000] =	vst v63  }
0x209: {  	_ = 	snop  }
0x20a: {  	[tilespmem:s29], [sflag:$0x1] =	stream.indirect.gather [hbm4b:s2+s26], $0x80, s15, s26, $0xb8;
	[tilespmem:$0x12000] =	vst v63  }
0x20b: {  	_ =	swait.ge [sflag:s3], $0x4000  }
0x20c: {  	s17 =	sld [smem:$0x7FB]  }
0x20d: {  	[sflag:s3] =	ssyncset.done $0x0  }
0x20e: {  	[sflag:s3] =	ssyncadd.s32 $0xFFFFC000  }
0x20f: {  	[hbm4b:s17+s4] =	stream.linear.scatter [tilespmem:s28], [sflag:$0x2], $0x4000, $0x38;
	[tilespmem:$0x12000] =	vst v63  }
0x210: {  	_ =	swait.ge [sflag:s3], $0x4000  }
0x211: {  	s21 =	sld [smem:$0x7FC]  }
0x212: {  	[sflag:s3] =	ssyncset.done $0x0  }
0x213: {  	[sflag:s3] =	ssyncadd.s32 $0xFFFFC000  }
0x214: {  	[hbm4b:s21+s4] =	stream.linear.scatter [tilespmem:s29], [sflag:$0x2], $0x4000, $0x38;
	[tilespmem:$0x12000] =	vst v63  }
0x215: {  	_ =	swait.ge [sflag:s13], $0x4000  }
0x216: {  	[sflag:s13] =	ssyncset.done $0x0  }
0x217: {  	[sflag:s13] =	ssyncadd.s32 $0xFFFFC000  }
0x218: {  	_ =	swait.ge [sflag:s13], $0x4000  }
0x219: {  	[sflag:s13] =	ssyncset.done $0x0  }
0x21a: {  	[sflag:s13] =	ssyncadd.s32 $0xFFFFC000  }
0x21b: {  	_ =	swait.ge [sflag:s13], $0x4000  }
0x21c: {  	[sflag:s13] =	ssyncset.done $0x0  }
0x21d: {  	[sflag:s13] =	ssyncadd.s32 $0xFFFFC000  }
0x21e: {  	_ =	swait.ge [sflag:s13], $0x4000  }
0x21f: {  	s31 =	sld [smem:$0x7FD];
	_ =	sdelay $0x1  }
0x220: {  	s16 =	sadd.s32 $0x1, s16  }
0x221: {  	p0 =	sne.s32 s16, s31  }
.Ltmp4:
0x222: {  	_ = 	snop;
	(pc) =	sbr.rel @p0 .LBB2_1-.Ltmp4, $3  }
0x223: {  	_ =	sdelay $0x1  }
0x224: {  	[sflag:s13] =	ssyncset.done $0x0  }
0x225: {  	[sflag:s13] =	ssyncadd.s32 $0xFFFFC000  }
0x226: {  	_ =	sfence.sel $0x180000  }
0x227: {  	[bflag:$0x0] =	sbarrier.arrive $0xFFFF  }
0x228: {  	_ =	strace $0x90000053  }
0x229: {  	s0 =	stileid.u32;
	[bflag:$0x2] =	sbarrier.arrive $0xFFFF  }
0x22a: {  	p0 =	sne.s32 s0, $0x0;
	s0 =	rddreg [dreg:$0x5]  }
0x22b: {  	s0 =	sadd.s32 @!p0 $0x100000, s0  }
0x22c: {  	[sflag:s0] =	ssyncadd.tile.s32 @!p0 $0x1;
	_ =	shalt  }
.Lfunc_end2:
_tile_overlayer_lowered:
.L_overlay_start_2:
0x22d: {  	(tag) =	ssettag $0x2  }
0x22e: {  	s0 =	rddreg [dreg:$0x0];
	s2 =	stileid.u32  }
0x22f: {  	s1 =	rddreg [dreg:$0x1];
	p0 =	sne.s32 s2, $0x0  }
0x230: {  	s3 =	rddreg [dreg:$0x2];
	[bflag:$0x3] =	sbarrier.arrive $0xFFFF;
	s2 =	simm.s32 @!p0 $0x1C03  }
0x231: {  	[timem:s3], [sflag:s2] =	dma.local @!p0 [hbm:s0], s1  }
0x232: {  	s0 =	simm.s32 @!p0 $0x3  }
0x233: {  	_ =	swait.ge @!p0 [sflag:s0], s1  }
0x234: {  	s1 =	ssub.s32 @!p0 $0x0, s1;
	[sflag:s0] =	ssyncset.done @!p0 $0x0  }
0x235: {  	[sflag:s0] =	ssyncadd.s32 @!p0 s1  }
0x236: {  	[bflag:$0x3] =	sbarrier.arrive $0xFFFF  }
0x237: {  	_ =	shalt  }

// kernel: kernel.9.cloned.1.call-start
scs
__scs_entry_jumppad:
0x0: {  	(pc) =	sbr.rel $0x88, $3  }
0x1: {  	(tag) =	ssettag $0x0;
	lr =	simm.s32 $0x1  }
0x2: {  	[smem:$0x3F8D] =	sst lr;
	_ =	strace $0xD0000000  }
0x3: {  	_ = 	snop  }
0x4: {  	_ = 	snop  }
0x5: {  	_ = 	snop  }
0x6: {  	_ = 	snop  }
0x7: {  	_ = 	snop  }
__scs_overlays_trampoline_lowered:
0x8: {  	[smem:$0x3F9C] =	sst s0  }
0x9: {  	[smem:$0x3F9D] =	sst s1  }
0xa: {  	[smem:$0x3F9E] =	sst s2  }
0xb: {  	[smem:$0x3F9F] =	sst s3  }
0xc: {  	[smem:$0x3FA0] =	sst s4  }
0xd: {  	[smem:$0x3FA1] =	sst s5  }
0xe: {  	[smem:$0x3FA2] =	sst s6  }
0xf: {  	[smem:$0x3FA3] =	sst s7  }
0x10: {  	[smem:$0x3FA4] =	sst s8  }
0x11: {  	[smem:$0x3FA5] =	sst s9;
	s0 =	simm.s32 @!p0 $0x0  }
0x12: {  	s1 =	sld [smem:$0x3F8B];
	s0 =	simm.s32 @p0 $0x1  }
0x13: {  	[smem:$0x3FA6] =	sst s0;
	s0 =	simm.s32 @!p1 $0x0  }
0x14: {  	s2 =	sld [smem:$0x3F8A];
	s0 =	simm.s32 @p1 $0x1  }
0x15: {  	[smem:$0x3FA7] =	sst s0;
	s0 =	simm.s32 @!p2 $0x0  }
0x16: {  	s3 =	sld [smem:$0x3FDB];
	s0 =	simm.s32 @p2 $0x1  }
0x17: {  	s4 =	simm.s32 $0x1BF5;
	[smem:$0x3FA9] =	sst s0  }
0x18: {  	s0 =	sld [smem:$0x3F8C];
	_ =	swait.ge [sflag:s4], $0x0  }
0x19: {  	s7 =	sld [smem:$0x3F8D]  }
0x1a: {  	s8 =	sadd.s32 $0xFFFFE003, lr  }
0x1b: {  	s9 =	sadd.s32 $0xFFFFFEF7, lr;
	s5 =	simm.s32 $0xFFFFFFFF;
	p2 =	slt.u32 s8, $0xFFFFF086  }
0x1c: {  	p1 =	slt.u32 s9, $0xF7A;
	s5 =	simm.s32 @!p2 $0x0  }
0x1d: {  	s5 =	simm.s32 @p1 $0x1;
	p0 =	seq.s32 s7, s2  }
0x1e: {  	s7 =	smul.u32 @!p0 $0xF7A, s2;
	p2 =	seq.s32 @!p0 s5, $0x0  }
0x1f: {  	s9 =	smul.u32 $0xF7A, s1;
	s8 =	simm.s32 @!p0 $0x1BF5;
	p2 =	por !p2, p0  }
0x20: {  	[sflag:s8] =	ssyncset.s32 @!p0 $0xFFFFF086;
	s6 =	sadd.s32 @!p0 s3, s7;
	s7 =	simm.s32 @!p0 $0x108  }
0x21: {  	s3 =	sadd.s32 s3, s9;
	s6 =	sadd.s32 @!p0 $0x88, s6;
	s7 =	simm.s32 @p2 $0x1082  }
0x22: {  	[simem:s7], [sflag:s8] =	dma.local @!p0 [hbm:s6], $0xF7A  }
0x23: {  	s9 =	sor.u32 $0xD0000000, s2;
	s6 =	simm.s32 $0x108;
	_ =	swait.ge @!p0 [sflag:s8], $0x0  }
0x24: {  	s3 =	sadd.s32 $0x88, s3;
	s6 =	simm.s32 @!p1 $0x1082;
	[sflag:s4] =	ssyncset.s32 $0xFFFFF086  }
0x25: {  	[simem:s6], [sflag:s4] =	dma.local [hbm:s3], $0xF7A  }
0x26: {  	[smem:$0x3F8D] =	sst s1;
	(tag) =	ssettag s2;
	_ =	strace s9  }
0x27: {  	s1 =	sld [smem:$0x3F9D]  }
0x28: {  	s2 =	sld [smem:$0x3F9E]  }
0x29: {  	s4 =	sld [smem:$0x3FA0]  }
0x2a: {  	p0 =	seq.s32 s5, $0x0;
	s5 =	sld [smem:$0x3FA1]  }
0x2b: {  	s6 =	sld [smem:$0x3FA2]  }
0x2c: {  	s7 =	sld [smem:$0x3FA3]  }
0x2d: {  	s3 =	simm.s32 $0x108;
	s8 =	sld [smem:$0x3FA4]  }
0x2e: {  	s3 =	simm.s32 @!p0 $0x1082;
	s9 =	sld [smem:$0x3FA5]  }
0x2f: {  	lr =	sadd.s32 s0, s3;
	s0 =	sld [smem:$0x3F9C]  }
0x30: {  	s3 =	sld [smem:$0x3F9F]  }
0x31: {  	[smem:$0x3FA8] =	sst s10  }
0x32: {  	s10 =	sld [smem:$0x3FA6];
	_ =	sdelay $0x3  }
0x33: {  	p0 =	seq.s32 s10, $0x1;
	s10 =	sld [smem:$0x3FA8];
	_ =	sdelay $0x3  }
0x34: {  	[smem:$0x3FA8] =	sst s10  }
0x35: {  	s10 =	sld [smem:$0x3FA7];
	_ =	sdelay $0x3  }
0x36: {  	p1 =	seq.s32 s10, $0x1;
	s10 =	sld [smem:$0x3FA8];
	_ =	sdelay $0x3  }
0x37: {  	[smem:$0x3FA8] =	sst s10  }
0x38: {  	s10 =	sld [smem:$0x3FA9]  }
0x39: {  	_ = 	snop;
	(pc) =	sbr.ind lr, $3  }
0x3a: {  	_ = 	snop  }
0x3b: {  	_ = 	snop  }
0x3c: {  	p2 =	seq.s32 s10, $0x1;
	s10 =	sld [smem:$0x3FA8]  }
0x3d: {  	_ =	shalt  }
0x3e: {  	_ =	shalt  }
0x3f: {  	_ =	shalt  }
0x40: {  	_ =	shalt  }
0x41: {  	_ =	shalt  }
0x42: {  	_ =	shalt  }
0x43: {  	_ =	shalt  }
0x44: {  	_ =	shalt  }
0x45: {  	_ =	shalt  }
0x46: {  	_ =	shalt  }
0x47: {  	_ =	shalt  }
0x48: {  	_ =	shalt  }
0x49: {  	_ =	shalt  }
0x4a: {  	_ =	shalt  }
0x4b: {  	_ =	shalt  }
0x4c: {  	_ =	shalt  }
0x4d: {  	_ =	shalt  }
0x4e: {  	_ =	shalt  }
0x4f: {  	_ =	shalt  }
0x50: {  	_ =	shalt  }
0x51: {  	_ =	shalt  }
0x52: {  	_ =	shalt  }
0x53: {  	_ =	shalt  }
0x54: {  	_ =	shalt  }
0x55: {  	_ =	shalt  }
0x56: {  	_ =	shalt  }
0x57: {  	_ =	shalt  }
0x58: {  	_ =	shalt  }
0x59: {  	_ =	shalt  }
0x5a: {  	_ =	shalt  }
0x5b: {  	_ =	shalt  }
0x5c: {  	_ =	shalt  }
0x5d: {  	_ =	shalt  }
0x5e: {  	_ =	shalt  }
0x5f: {  	_ =	shalt  }
0x60: {  	_ =	shalt  }
0x61: {  	_ =	shalt  }
0x62: {  	_ =	shalt  }
0x63: {  	_ =	shalt  }
0x64: {  	_ =	shalt  }
0x65: {  	_ =	shalt  }
0x66: {  	_ =	shalt  }
0x67: {  	_ =	shalt  }
0x68: {  	_ =	shalt  }
0x69: {  	_ =	shalt  }
0x6a: {  	_ =	shalt  }
0x6b: {  	_ =	shalt  }
0x6c: {  	_ =	shalt  }
0x6d: {  	_ =	shalt  }
0x6e: {  	_ =	shalt  }
0x6f: {  	_ =	shalt  }
0x70: {  	_ =	shalt  }
0x71: {  	_ =	shalt  }
0x72: {  	_ =	shalt  }
0x73: {  	_ =	shalt  }
0x74: {  	_ =	shalt  }
0x75: {  	_ =	shalt  }
0x76: {  	_ =	shalt  }
0x77: {  	_ =	shalt  }
0x78: {  	_ =	shalt  }
0x79: {  	_ =	shalt  }
0x7a: {  	_ =	shalt  }
0x7b: {  	_ =	shalt  }
0x7c: {  	_ =	shalt  }
0x7d: {  	_ =	shalt  }
0x7e: {  	_ =	shalt  }
0x7f: {  	_ =	shalt  }
0x80: {  	_ =	shalt  }
0x81: {  	_ =	shalt  }
0x82: {  	_ =	shalt  }
0x83: {  	_ =	shalt  }
0x84: {  	_ =	shalt  }
0x85: {  	_ =	shalt  }
0x86: {  	_ =	shalt  }
0x87: {  	_ =	shalt  }
.Lfunc_end0:
.L_simem_size_0:
called_computation_lowered:
.L_overlay_start_0:
0x88: {  	s2 =	sld [smem:$0x3FD9]  }
0x89: {  	s3 =	sld [smem:$0x3FFE];
	_ =	sdelay $0x1  }
0x8a: {  	s1 =	srdreg.scid  }
0x8b: {  	s0 =	sand.u32 $0x1, s1  }
0x8c: {  	s14 =	sshll.u32 s0, $0xA;
	s2 =	sadd.s32 s3, s2  }
0x8d: {  	s2 =	sadd.s32 s2, s14  }
0x8e: {  	[smem:$0x3FB4] =	sst s2  }
0x8f: {  	_ = 	snop  }
0x90: {  	s2 =	sld [smem:$0x3FD0];
	_ =	sdelay $0x2  }
0x91: {  	s15 =	simm.s32 $0xB;
	s4 =	simm.s32 $0x10  }
0x92: {  	[smem:s4], [sflag:s15] =	dma.local [hbm:s2], $0x1  }
0x93: {  	_ =	swait.eq [sflag:s15], $0x1  }
0x94: {  	s16 =	sld [smem:$0x13];
	[sflag:s15] =	ssyncset.done $0x0  }
0x95: {  	s17 =	sld [smem:$0x15];
	[sflag:s15] =	ssyncadd.s32 $0xFFFFFFFF  }
0x96: {  	s18 =	sld [smem:$0x17];
	(tm) =	ssettm $0x1  }
0x97: {  	s5 =	sld [smem:$0x3FFB];
	_ =	sdelay $0x3  }
0x98: {  	_ =	strace s5  }
0x99: {  	s5 =	sld [smem:$0x3FFC];
	_ =	sdelay $0x3  }
0x9a: {  	_ =	strace s5  }
0x9b: {  	s5 =	sld [smem:$0x3FFD];
	_ =	sdelay $0x3  }
0x9c: {  	_ =	strace s5  }
0x9d: {  	_ =	strace $0x8FFFFFFF  }
0x9e: {  	s19 =	sld [smem:$0x3FDB];
	_ =	sdelay $0x1  }
0x9f: {  	s6 =	simm.s32 $_scs_section_size  }
0xa0: {  	s7 =	simm.s32 $_size__tile_overlayer_lowered;
	s8 =	simm.s32 $_tile_overlayer_lowered  }
0xa1: {  	s22 =	simm.s32 $0x1BFF;
	s21 =	sshll.u32 s8, $0x1;
	s5 =	sadd.s32 s6, s19  }
0xa2: {  	s9 =	simm.s32 $0x0;
	s20 =	sshll.u32 s7, $0x1;
	s7 =	sadd.s32 s21, s5  }
0xa3: {  	[timem:s9], [sflag:s22] =	dma.local [hbm:s7], s20  }
0xa4: {  	_ =	swait.ge [sflag:s22], s20  }
0xa5: {  	s6 =	ssub.s32 $0x0, s20;
	[sflag:s22] =	ssyncset.done $0x0  }
0xa6: {  	[sflag:s22] =	ssyncadd.s32 s6;
	_ =	sdelay $0x1  }
0xa7: {  	s23 =	simm.s32 $0x1B8B  }
0xa8: {  	_ =	swait.ge [sflag:s23], $0x1  }
0xa9: {  	[sflag:s23] =	ssyncset.done $0x0  }
0xaa: {  	s25 =	simm.s32 $0x1B8E;
	s24 =	sld [smem:$0x3FFE];
	[sflag:s23] =	ssyncadd.s32 $0xFFFFFFFF  }
0xab: {  	s26 =	simm.s32 $execute0_lowered;
	[smem:$0x3FD2] =	sst s25  }
0xac: {  	s7 =	sshll.u32 s26, $0x1;
	_ =	strace $0x80000046;
	[dreg:$0x1] =	wrdreg $0xFFFFFFFF  }
0xad: {  	s28 =	simm.s32 $_size_execute0_lowered;
	s5 =	sadd.s32 s5, s7;
	[dreg:$0x0] =	wrdreg $0x0  }
0xae: {  	s7 =	sshll.u32 s28, $0x1;
	[dreg:$0x2] =	wrdreg s5  }
0xaf: {  	[dreg:$0x3] =	wrdreg s7  }
0xb0: {  	[dreg:$0x4] =	wrdreg $0xC0  }
0xb1: {  	_ =	task [dreg:s9], $0x5FFFF  }
0xb2: {  	[dreg:$0x1] =	wrdreg $0xFFFFFFFF  }
0xb3: {  	[dreg:$0x0] =	wrdreg $0x60  }
0xb4: {  	[dreg:$0x2] =	wrdreg s17  }
0xb5: {  	[dreg:$0x3] =	wrdreg s24  }
0xb6: {  	[dreg:$0x4] =	wrdreg s16  }
0xb7: {  	[dreg:$0x5] =	wrdreg s18  }
0xb8: {  	[dreg:$0x6] =	wrdreg $0x0  }
0xb9: {  	[dreg:$0x7] =	wrdreg $0x9  }
0xba: {  	_ =	task.clear_ibuf [dreg:s9], $0x8FFFF;
	_ =	strace $0x90000046  }
0xbb: {  	s29 =	simm.s32 $0x9;
	_ =	strace $0x80000048  }
0xbc: {  	_ =	swait.ge [sflag:s29], $0x1  }
0xbd: {  	[sflag:s29] =	ssyncadd.s32 $0xFFFFFFFF  }
0xbe: {  	_ =	strace $0x90000048  }
0xbf: {  	_ =	sfence  }
0xc0: {  	s30 =	sld [smem:$0x0];
	_ =	sdelay $0x2  }
0xc1: {  	s31 =	sshll.u32 s1, $0xD;
	s1 =	sshrl.u32 s1, $0x2  }
0xc2: {  	s3 =	sand.u32 $0x4000, s31;
	s1 =	sadd.s32 s1, s30  }
0xc3: {  	s0 =	sor.u32 s3, s0;
	s1 =	sshll.u32 s1, $0x11  }
0xc4: {  	s0 =	sor.u32 s1, s0  }
0xc5: {  	s0 =	sadd.s32 $0x8F2B, s0  }
0xc6: {  	[sflag:s0] =	ssyncadd.remote.s32 $0x1  }
0xc7: {  	_ =	sfence.sel $0xFFFF  }
0xc8: {  	[dreg:$0x0] =	wrdreg $0xFFFFFFFF;
	(pc) =	sbr.abs _section_cstart, $3  }
0xc9: {  	[dreg:$0x1] =	wrdreg $0xFFFFFFFF  }
0xca: {  	_ =	task.clear_ibuf [dreg:s9], $0x2FFFF;
	_ =	strace $0x9FFFFFFF  }
0xcb: {  	(tm) =	ssettm $0x7FFFFFFF  }
tec
execute0_lowered:
.L_overlay_start_1:
0x0: {  	(tag) =	ssettag $0x1  }
0x1: {  	s6 =	rddreg [dreg:$0x0]  }
0x2: {  	s5 =	rddreg [dreg:$0x1]  }
0x3: {  	s1 =	rddreg [dreg:$0x2]  }
0x4: {  	s7 =	rddreg [dreg:$0x3]  }
0x5: {  	s0 =	stileid.u32;
	s2 =	srdreg.scid  }
0x6: {  	s3 =	rddreg [dreg:$0x4];
	s4 =	simm.s32 $0x0;
	s8 =	smul.u32 $0x2780, s0  }
0x7: {  	s9 =	sand.u32 $0x1, s2;
	s10 =	smul.u32 $0x4F000, s0;
	s2 =	rddreg [dreg:$0x5]  }
0x8: {  	s15 =	simm.s32 $0x0;
	s13 =	smul.u32 $0xA00, s0;
	[smem:$0x7FF] =	sst s4  }
0x9: {  	s5 =	sadd.s32 $0x3200, s5;
	s11 =	smul.u32 $0xA000, s9;
	s12 =	ssub.s32 $0x2, s9  }
0xa: {  	s31 =	sshll.u32 s0, $0x6;
	s9 =	smul.u32 $0x27800, s9;
	s14 =	sshrl.u32 s12, $0x1  }
0xb: {  	_ =	strace $0x80000047;
	s10 =	sshrl.u32 s10, $0x2;
	s12 =	ssub.s32 s12, s14  }
0xc: {  	s11 =	sadd.s32 s13, s11;
	s8 =	sadd.s32 s8, s9;
	s30 =	sadd.s32 s10, s3  }
0xd: {  	s9 =	simm.s32 $0x18C00;
	s10 =	simm.s32 $0x1;
	s13 =	simm.s32 $0x13C00  }
0xe: {  	s14 =	simm.s32 $0x80;
	s6 =	sadd.s32 s6, s11;
	s7 =	sadd.s32 s7, s8  }
0xf: {  	s8 =	smax.u32 s12, $0x1;
	s11 =	sor.u32 $0x1C01, s31;
	s12 =	sshrl.u32 s30, $0x3  }
.LBB2_1:
0x10: {  	[tilespmem:s9], [sflag:$0x1] =	stream.linear.gather [hbm4b:s1+s4], $0x4000, $0x38;
	[tilespmem:$0x1CC00] =	vst v63  }
0x11: {  	_ =	swait.ge [sflag:s10], $0x4000  }
0x12: {  	[sflag:s10] =	ssyncset.done $0x0  }
0x13: {  	[sflag:s10] =	ssyncadd.s32 $0xFFFFC000  }
0x14: {  	[spmem:s12], [sflag:s11] =	dma.local [hbm:s5], $0x2780  }
0x15: {  	_ =	swait.ge [sflag:s10], $0x2780  }
0x16: {  	[sflag:s10] =	ssyncset.done $0x0  }
0x17: {  	[sflag:s10] =	ssyncadd.s32 $0xFFFFD880  }
0x18: {  	[bflag:$0x0] =	sbarrier.arrive $0xFFFF  }
0x19: {  	[tilespmem:s13], [sflag:$0x1] =	stream.linear.gather [hbm4b:s6+s4], $0x5000, $0x38;
	[tilespmem:$0x1CC00] =	vst v63  }
0x1a: {  	_ =	swait.ge [sflag:s10], $0x5000  }
0x1b: {  	[sflag:s10] =	ssyncset.done $0x0  }
0x1c: {  	s16 =	simm.s32 $0x13C00;
	[sflag:s10] =	ssyncadd.s32 $0xFFFFB000  }
0x1d: {  	[spmem:s3] =	stream.indirect.scatter.add.f32 [tilespmem:s9], [sflag:$0x1], $0x80, s16, s14, $0xb8;
	[tilespmem:$0x1CC00] =	vst v63  }
0x1e: {  	s16 =	simm.s32 $0x200;
	_ =	swait.ge [sflag:s10], $0x4000  }
.LBB2_2:
0x1f: {  	s17 =	sshra.s32 s16, $0x2;
	[sflag:s10] =	ssyncset.done $0x0;
	p0 =	sne.s32 s16, $0x13E00  }
.Ltmp0:
0x20: {  	s17 =	sadd.s32 $0x13C00, s17;
	[sflag:s10] =	ssyncadd.s32 $0xFFFFC000;
	(pc) =	sbr.rel @p0 .LBB2_2-.Ltmp0, $3  }
0x21: {  	[spmem:s3] =	stream.indirect.scatter.add.f32 [tilespmem:s9], [sflag:$0x1], $0x80, s17, s14, $0xb8;
	[tilespmem:$0x1CC00] =	vst v63  }
0x22: {  	s16 =	sadd.s32 $0x200, s16;
	_ =	sdelay $0x1  }
0x23: {  	_ =	swait.ge [sflag:s10], $0x4000  }
0x24: {  	[sflag:s10] =	ssyncset.done $0x0;
	s15 =	sadd.s32 $0x1, s15  }
0x25: {  	[sflag:s10] =	ssyncadd.s32 $0xFFFFC000;
	p0 =	sne.s32 s15, s8  }
.Ltmp1:
0x26: {  	[bflag:$0x0] =	sbarrier.arrive $0xFFFF;
	(pc) =	sbr.rel @p0 .LBB2_1-.Ltmp1, $4  }
0x27: {  	[hbm:s7], [sflag:s11] =	dma.local [spmem:s12], $0x2780  }
0x28: {  	_ =	swait.ge [sflag:s10], $0x2780  }
0x29: {  	[sflag:s10] =	ssyncset.done $0x0  }
0x2a: {  	[sflag:s10] =	ssyncadd.s32 $0xFFFFD880  }
0x2b: {  	_ =	sfence.sel $0x180000  }
0x2c: {  	[bflag:$0x0] =	sbarrier.arrive $0xFFFF  }
0x2d: {  	p0 =	sne.s32 s0, $0x0;
	_ =	strace $0x90000047  }
0x2e: {  	s0 =	sadd.s32 @!p0 $0x100000, s2;
	[bflag:$0x2] =	sbarrier.arrive $0xFFFF  }
0x2f: {  	[sflag:s0] =	ssyncadd.tile.s32 @!p0 $0x1;
	_ =	shalt  }
.Lfunc_end2:
_tile_overlayer_lowered:
.L_overlay_start_2:
0x30: {  	(tag) =	ssettag $0x2  }
0x31: {  	s0 =	rddreg [dreg:$0x0];
	s2 =	stileid.u32  }
0x32: {  	s1 =	rddreg [dreg:$0x1];
	p0 =	sne.s32 s2, $0x0  }
0x33: {  	s3 =	rddreg [dreg:$0x2];
	[bflag:$0x3] =	sbarrier.arrive $0xFFFF;
	s2 =	simm.s32 @!p0 $0x1C01  }
0x34: {  	[timem:s3], [sflag:s2] =	dma.local @!p0 [hbm:s0], s1  }
0x35: {  	s0 =	simm.s32 @!p0 $0x1  }
0x36: {  	_ =	swait.ge @!p0 [sflag:s0], s1  }
0x37: {  	s1 =	ssub.s32 @!p0 $0x0, s1;
	[sflag:s0] =	ssyncset.done @!p0 $0x0  }
0x38: {  	[sflag:s0] =	ssyncadd.s32 @!p0 s1  }
0x39: {  	[bflag:$0x3] =	sbarrier.arrive $0xFFFF  }
0x3a: {  	_ =	shalt  }

</sc_bundles>
